<compile_context>
chip_gen: v7x
topology: tpu7x:2x2x1
jax: 0.10.2.dev20260603
libtpu: 0.0.44.dev20260713+nightly
codegen_flags: <defaults>
</compile_context>

<pallas_src>
import functools

import jax
import jax.numpy as jnp
from jax import lax
from jax.experimental import pallas as pl
from jax.experimental.pallas import tpu as pltpu
from jax.experimental.pallas import tpu_sc as plsc

_NC = 2
_NS = 16
_CH = 80
_RD = 4


@functools.lru_cache(maxsize=None)
def _make_sc_agg(N, NF, EW, D, with_deg):
  ch, rd = 80, 4
  ri = 2 * rd
  NCH = EW // ch
  tail = EW - NCH * ch
  rt = N // _NS
  assert N % (_NS * 8) == 0 and EW % 8 == 0 and tail % 8 == 0

  mesh = plsc.VectorSubcoreMesh(
      core_axis_name="c", subcore_axis_name="s",
      num_cores=_NC, num_subcores=_NS)

  out_type = [jax.ShapeDtypeStruct((_NC * N, D), jnp.float32)]
  scratch = [
      [pltpu.VMEM((ch,), jnp.int32) for _ in range(ri)],
      [pltpu.VMEM((ch,), jnp.int32) for _ in range(ri)],
      [pltpu.VMEM((ch, D), jnp.float32) for _ in range(rd)],
      [pltpu.SemaphoreType.DMA for _ in range(ri)],
      [pltpu.SemaphoreType.DMA for _ in range(rd)],
      [pltpu.SemaphoreType.DMA for _ in range(rd)],
      pltpu.VMEM_SHARED((N, D), jnp.float32),
      pltpu.VMEM((ch,), jnp.float32),
      [pltpu.VMEM((max(tail, 8),), jnp.int32) for _ in range(2)],
  ]
  if with_deg:
    out_type.append(jax.ShapeDtypeStruct((_NC * N,), jnp.float32))
    scratch.append(pltpu.VMEM_SHARED((N,), jnp.float32))
    scratch.append(pltpu.VMEM((ch,), jnp.float32))

  @functools.partial(
      pl.kernel,
      mesh=mesh,
      compiler_params=pltpu.CompilerParams(use_tc_tiling_on_sc=False),
      out_type=out_type,
      scratch_types=scratch,
  )
  def sc_agg(feat_hbm, src_hbm, dst_hbm, *refs):
    if with_deg:
      (out_hbm, deg_hbm, sbuf, dbuf, rows, isems, gsems, ssems, acc, zero_v,
       tbuf, dacc, ones_v) = refs
    else:
      out_hbm, sbuf, dbuf, rows, isems, gsems, ssems, acc, zero_v, tbuf = refs

    c = lax.axis_index("c")
    s = lax.axis_index("s")
    r0 = s * rt
    def zloop(j, carry):
      rows[0][j // (D // 16), pl.ds((j % (D // 16)) * 16, 16)] = (
          jnp.zeros((16,), jnp.float32))
      return carry
    lax.fori_loop(0, ch * D // 16, zloop, 0)
    for i in range(ch // 16):
      zero_v[pl.ds(i * 16, 16)] = jnp.zeros((16,), jnp.float32)
      if with_deg:
        ones_v[pl.ds(i * 16, 16)] = jnp.ones((16,), jnp.float32)
    nz = rt // ch
    for j in range(nz):
      pltpu.sync_copy(rows[0].at[pl.ds(0, ch)],
                      acc.at[pl.ds(r0 + j * ch, ch)])
      if with_deg:
        pltpu.sync_copy(zero_v, dacc.at[pl.ds(r0 + j * ch, ch)])
    rem = rt - nz * ch
    if rem:
      pltpu.sync_copy(rows[0].at[pl.ds(0, rem)],
                      acc.at[pl.ds(r0 + nz * ch, rem)])
      if with_deg:
        pltpu.sync_copy(zero_v.at[pl.ds(0, rem)],
                        dacc.at[pl.ds(r0 + nz * ch, rem)])
    plsc.subcore_barrier()

    wid = c * _NS + s

    def idx_copies(k, bi):
      return (pltpu.make_async_copy(src_hbm.at[wid, pl.ds(k * ch, ch)],
                                    sbuf[bi], isems[bi]),
              pltpu.make_async_copy(dst_hbm.at[wid, pl.ds(k * ch, ch)],
                                    dbuf[bi], isems[bi]))

    def gather_copy(br, bi):
      return pltpu.make_async_copy(feat_hbm.at[sbuf[bi]], rows[br], gsems[br])

    def scatter_start(br, bi):
      if with_deg:
        pltpu.async_copy(ones_v, dacc.at[dbuf[bi]], ssems[br], add=True)
      pltpu.async_copy(rows[br], acc.at[dbuf[bi]], ssems[br], add=True)

    def scatter_wait(br, bi):
      if with_deg:
        pltpu.make_async_copy(ones_v, dacc.at[dbuf[bi]], ssems[br]).wait()
      pltpu.make_async_copy(rows[br], acc.at[dbuf[bi]], ssems[br]).wait()

    for j in range(ri - 2):
      for cp in idx_copies(j, j):
        cp.start()
    for j in range(2):
      for cp in idx_copies(j, j):
        cp.wait()
      gather_copy(j, j).start()

    def turn(k, j):
      k = jnp.int32(k)
      @pl.when(k >= 2)
      def _():
        scatter_wait((j - 2) % rd, (j - 2) % ri)

      @pl.when(k + ri - 2 < NCH)
      def _():
        for cp in idx_copies(k + ri - 2, (j + ri - 2) % ri):
          cp.start()

      @pl.when(k + 2 < NCH)
      def _():
        for cp in idx_copies(k + 2, (j + 2) % ri):
          cp.wait()
        gather_copy((j + 2) % rd, (j + 2) % ri).start()

      gather_copy(j % rd, j % ri).wait()
      scatter_start(j % rd, j % ri)

    def body(o, carry):
      for j in range(ri):
        turn(ri * o + j, j)
      return carry

    lax.fori_loop(0, NCH // ri, body, 0)
    for k in range(NCH - NCH % ri, NCH):
      turn(k, k % ri)
    for k in (NCH - 2, NCH - 1):
      scatter_wait(k % rd, k % ri)
    if tail:
      pltpu.sync_copy(src_hbm.at[wid, pl.ds(NCH * ch, tail)], tbuf[0])
      pltpu.sync_copy(dst_hbm.at[wid, pl.ds(NCH * ch, tail)], tbuf[1])
      pltpu.async_copy(feat_hbm.at[tbuf[0]], rows[0].at[pl.ds(0, tail)],
                       gsems[0]).wait()
      if with_deg:
        pltpu.sync_copy(ones_v.at[pl.ds(0, tail)], dacc.at[tbuf[1]], add=True)
      pltpu.sync_copy(rows[0].at[pl.ds(0, tail)], acc.at[tbuf[1]], add=True)
    plsc.subcore_barrier()
    pltpu.sync_copy(acc.at[pl.ds(r0, rt)],
                    out_hbm.at[pl.ds(c * N + r0, rt)])
    if with_deg:
      pltpu.sync_copy(dacc.at[pl.ds(r0, rt)],
                      deg_hbm.at[pl.ds(c * N + r0, rt)])

  return sc_agg


def _tc_layer1(x, p3, deg3, w_self, w_neigh, b):
  n, d = x.shape
  bn = 1000
  assert n % bn == 0

  def body(x_ref, p0_ref, p1_ref, d0_ref, d1_ref, ws_ref, wn_ref, b_ref,
           h_ref):
    dg = d0_ref[0] + d1_ref[0]
    dinv = 1.0 / jnp.maximum(dg, 1.0)
    agg = (p0_ref[0] + p1_ref[0]) * dinv
    h = (jnp.dot(x_ref[...], ws_ref[...], preferred_element_type=jnp.float32)
         + jnp.dot(agg, wn_ref[...], preferred_element_type=jnp.float32)
         + b_ref[...])
    h_ref[...] = jnp.maximum(h, 0.0)

  return pl.pallas_call(
      body,
      grid=(n // bn,),
      in_specs=[
          pl.BlockSpec((bn, d), lambda i: (i, 0)),
          pl.BlockSpec((1, bn, d), lambda i: (0, i, 0)),
          pl.BlockSpec((1, bn, d), lambda i: (1, i, 0)),
          pl.BlockSpec((1, bn, 1), lambda i: (0, i, 0)),
          pl.BlockSpec((1, bn, 1), lambda i: (1, i, 0)),
          pl.BlockSpec((d, d), lambda i: (0, 0)),
          pl.BlockSpec((d, d), lambda i: (0, 0)),
          pl.BlockSpec((1, d), lambda i: (0, 0)),
      ],
      out_specs=pl.BlockSpec((bn, d), lambda i: (i, 0)),
      out_shape=jax.ShapeDtypeStruct((n, d), jnp.float32),
  )(x, p3, p3, deg3, deg3, w_self, w_neigh, b.reshape(1, d))


def _tc_layer2(h, q3, deg3, w_self, w_neigh, b, w_fc, b_fc):
  n, d = h.shape
  co = w_fc.shape[1]
  bn = 1000
  assert n % bn == 0

  def body(h_ref, q0_ref, q1_ref, d0_ref, d1_ref, ws_ref, wn_ref, b_ref,
           wfc_ref, bfc_ref, logits_ref, h2_ref):
    dg = d0_ref[0] + d1_ref[0]
    dinv = 1.0 / jnp.maximum(dg, 1.0)
    agg = (q0_ref[0] + q1_ref[0]) * dinv
    h2 = (jnp.dot(h_ref[...], ws_ref[...], preferred_element_type=jnp.float32)
          + jnp.dot(agg, wn_ref[...], preferred_element_type=jnp.float32)
          + b_ref[...])
    h2_ref[...] = h2
    logits_ref[...] = (
        jnp.dot(h2, wfc_ref[...], preferred_element_type=jnp.float32)
        + bfc_ref[...])

  return pl.pallas_call(
      body,
      grid=(n // bn,),
      in_specs=[
          pl.BlockSpec((bn, d), lambda i: (i, 0)),
          pl.BlockSpec((1, bn, d), lambda i: (0, i, 0)),
          pl.BlockSpec((1, bn, d), lambda i: (1, i, 0)),
          pl.BlockSpec((1, bn, 1), lambda i: (0, i, 0)),
          pl.BlockSpec((1, bn, 1), lambda i: (1, i, 0)),
          pl.BlockSpec((d, d), lambda i: (0, 0)),
          pl.BlockSpec((d, d), lambda i: (0, 0)),
          pl.BlockSpec((1, d), lambda i: (0, 0)),
          pl.BlockSpec((d, co), lambda i: (0, 0)),
          pl.BlockSpec((1, co), lambda i: (0, 0)),
      ],
      out_specs=[pl.BlockSpec((bn, co), lambda i: (i, 0)),
                 pl.BlockSpec((bn, d), lambda i: (i, 0))],
      out_shape=[jax.ShapeDtypeStruct((n, co), jnp.float32),
                 jax.ShapeDtypeStruct((n, d), jnp.float32)],
  )(h, q3, q3, deg3, deg3, w_self, w_neigh, b.reshape(1, d), w_fc,
    b_fc.reshape(1, co))


def kernel(x, edge_index, W_self1, W_neigh1, b1, W_self2, W_neigh2, b2,
           W_fc, b_fc):
  n, d = x.shape
  e = edge_index.shape[1]
  nwk = _NC * _NS
  n2 = ((n + _NS * 8 - 1) // (_NS * 8)) * (_NS * 8)

  assert e % (nwk * 8) == 0
  ew = e // nwk
  src = edge_index[0].astype(jnp.int32).reshape(nwk, ew)
  dst = edge_index[1].astype(jnp.int32).reshape(nwk, ew)

  p, deg = _make_sc_agg(n2, n, ew, d, True)(x, src, dst)
  p3 = p.reshape(_NC, n2, d)
  deg3 = deg.reshape(_NC, n2, 1)
  h = _tc_layer1(x, p3, deg3, W_self1, W_neigh1, b1)
  (q,) = _make_sc_agg(n2, n, ew, d, False)(h, src, dst)
  q3 = q.reshape(_NC, n2, d)
  logits, h2 = _tc_layer2(h, q3, deg3, W_self2, W_neigh2, b2, W_fc, b_fc)
  return (logits, h2)

# --- scband reference (transcript-rebuilt; emitter-appended) ---
"""Pipeline reference for scband-graph-sage-10161892622801 (READ-ONLY COPY).

The authoritative reference and input builder live on the scoring server;
editing this copy changes nothing except your own understanding.
"""

import jax, jax.numpy as jnp
import numpy as np

N = 10000
E = 320000
D = 128
C = 64


def setup_inputs(seed: int = 0) -> dict:
    key = jax.random.key(seed)
    ks = jax.random.split(key, 12)
    s = 1.0 / np.sqrt(D)
    x = jax.random.normal(ks[0], (N, D), dtype=jnp.float32)
    edge_index = jax.random.randint(ks[1], (2, E), 0, N)
    W_self1 = jax.random.normal(ks[2], (D, D), dtype=jnp.float32) * s
    W_neigh1 = jax.random.normal(ks[3], (D, D), dtype=jnp.float32) * s
    b1 = jnp.zeros((D,), dtype=jnp.float32)
    W_self2 = jax.random.normal(ks[4], (D, D), dtype=jnp.float32) * s
    W_neigh2 = jax.random.normal(ks[5], (D, D), dtype=jnp.float32) * s
    b2 = jnp.zeros((D,), dtype=jnp.float32)
    W_fc = jax.random.normal(ks[6], (D, C), dtype=jnp.float32) * s
    b_fc = jnp.zeros((C,), dtype=jnp.float32)
    return {"x": x, "edge_index": edge_index,
            "W_self1": W_self1, "W_neigh1": W_neigh1, "b1": b1,
            "W_self2": W_self2, "W_neigh2": W_neigh2, "b2": b2,
            "W_fc": W_fc, "b_fc": b_fc}


def _sage_conv(x, edge_index, W_self, W_neigh, b):
    # DGL SAGEConv with aggregator_type='mean':
    # h_neigh_i = mean_{j in N(i)} x_j ; rst = x @ W_self + h_neigh @ W_neigh + b
    src = edge_index[0]
    dst = edge_index[1]
    msg = jnp.take(x, src, axis=0)
    agg = jax.ops.segment_sum(msg, dst, num_segments=N)
    deg = jax.ops.segment_sum(jnp.ones((edge_index.shape[1],), x.dtype), dst, num_segments=N)
    agg = agg / jnp.maximum(deg, 1.0)[:, None]
    return x @ W_self + agg @ W_neigh + b


def reference(x, edge_index, W_self1, W_neigh1, b1, W_self2, W_neigh2, b2, W_fc, b_fc):
    # GraphSAGE with configuration=(128,): input SAGEConv -> relu -> output SAGEConv
    # (no hidden layers, dropout=0.0 is identity in eval), then fc head.
    h = jax.nn.relu(_sage_conv(x, edge_index, W_self1, W_neigh1, b1))
    h = _sage_conv(h, edge_index, W_self2, W_neigh2, b2)
    logits = h @ W_fc + b_fc
    return (logits, h)

if __name__ == "__main__":
    import jax
    _d = setup_inputs()
    print(jax.jit(kernel)(*tuple(_d.values())))

</pallas_src>

<mosaic_0001>
#map = affine_map<(d0, d1) -> (0, 0)>
#map1 = affine_map<(d0, d1) -> (0)>
module attributes {stable_mosaic.version = 14 : i64} {
  func.func @sc_agg(%arg0: i32, %arg1: i32, %arg2: memref<10000x128xf32, #tpu.memory_space<hbm>>, %arg3: memref<32x10000xi32, #tpu.memory_space<hbm>>, %arg4: memref<32x10000xi32, #tpu.memory_space<hbm>>, %arg5: memref<20224x128xf32, #tpu.memory_space<hbm>>, %arg6: memref<20224xf32, #tpu.memory_space<hbm>>, %arg7: memref<80xi32, #tpu.memory_space<vmem>>, %arg8: memref<80xi32, #tpu.memory_space<vmem>>, %arg9: memref<80xi32, #tpu.memory_space<vmem>>, %arg10: memref<80xi32, #tpu.memory_space<vmem>>, %arg11: memref<80xi32, #tpu.memory_space<vmem>>, %arg12: memref<80xi32, #tpu.memory_space<vmem>>, %arg13: memref<80xi32, #tpu.memory_space<vmem>>, %arg14: memref<80xi32, #tpu.memory_space<vmem>>, %arg15: memref<80xi32, #tpu.memory_space<vmem>>, %arg16: memref<80xi32, #tpu.memory_space<vmem>>, %arg17: memref<80xi32, #tpu.memory_space<vmem>>, %arg18: memref<80xi32, #tpu.memory_space<vmem>>, %arg19: memref<80xi32, #tpu.memory_space<vmem>>, %arg20: memref<80xi32, #tpu.memory_space<vmem>>, %arg21: memref<80xi32, #tpu.memory_space<vmem>>, %arg22: memref<80xi32, #tpu.memory_space<vmem>>, %arg23: memref<80x128xf32, #tpu.memory_space<vmem>>, %arg24: memref<80x128xf32, #tpu.memory_space<vmem>>, %arg25: memref<80x128xf32, #tpu.memory_space<vmem>>, %arg26: memref<80x128xf32, #tpu.memory_space<vmem>>, %arg27: memref<!tpu.dma_semaphore, #tpu.memory_space<semaphore_mem>>, %arg28: memref<!tpu.dma_semaphore, #tpu.memory_space<semaphore_mem>>, %arg29: memref<!tpu.dma_semaphore, #tpu.memory_space<semaphore_mem>>, %arg30: memref<!tpu.dma_semaphore, #tpu.memory_space<semaphore_mem>>, %arg31: memref<!tpu.dma_semaphore, #tpu.memory_space<semaphore_mem>>, %arg32: memref<!tpu.dma_semaphore, #tpu.memory_space<semaphore_mem>>, %arg33: memref<!tpu.dma_semaphore, #tpu.memory_space<semaphore_mem>>, %arg34: memref<!tpu.dma_semaphore, #tpu.memory_space<semaphore_mem>>, %arg35: memref<!tpu.dma_semaphore, #tpu.memory_space<semaphore_mem>>, %arg36: memref<!tpu.dma_semaphore, #tpu.memory_space<semaphore_mem>>, %arg37: memref<!tpu.dma_semaphore, #tpu.memory_space<semaphore_mem>>, %arg38: memref<!tpu.dma_semaphore, #tpu.memory_space<semaphore_mem>>, %arg39: memref<!tpu.dma_semaphore, #tpu.memory_space<semaphore_mem>>, %arg40: memref<!tpu.dma_semaphore, #tpu.memory_space<semaphore_mem>>, %arg41: memref<!tpu.dma_semaphore, #tpu.memory_space<semaphore_mem>>, %arg42: memref<!tpu.dma_semaphore, #tpu.memory_space<semaphore_mem>>, %arg43: memref<10112x128xf32, #tpu.memory_space<vmem_shared>>, %arg44: memref<80xf32, #tpu.memory_space<vmem>>, %arg45: memref<8xi32, #tpu.memory_space<vmem>>, %arg46: memref<8xi32, #tpu.memory_space<vmem>>, %arg47: memref<10112xf32, #tpu.memory_space<vmem_shared>>, %arg48: memref<80xf32, #tpu.memory_space<vmem>>) attributes {dimension_semantics = [#tpu.dimension_semantics<core_parallel>, #tpu.dimension_semantics<subcore_parallel>], iteration_bounds = array<i64: 2, 16>, scalar_prefetch = 0 : i64, scratch_operands = 42 : i64, tpu.core_type = #tpu.core_type<sc_vector_subcore>, window_params = [{transform_indices = #map}, {transform_indices = #map}, {transform_indices = #map}, {transform_indices = #map}, {transform_indices = #map1}]} {
    %mul3A = arith.constant 632 : i32
    %mul3A_0 = arith.muli %arg1, %mul3A : i32
    %scan3A = arith.constant 0 : i32
    %scan3A_1 = arith.constant 0 : i32
    %scan3A_2 = arith.constant 640 : i32
    %scan3A_3 = arith.addi %scan3A_1, %scan3A_2 : i32
    %scan3A_4 = arith.constant 1 : i32
    scf.for %scan3A_386 = %scan3A_1 to %scan3A_3 step %scan3A_4  : i32 {
      %broadcast_in_dim3A_387 = arith.constant 0.000000e+00 : f32
      %broadcast_in_dim3A_388 = vector.broadcast %broadcast_in_dim3A_387 : f32 to vector<16xf32>
      %jit3A = arith.constant 8 : i32
      %div3A = arith.divsi %scan3A_386, %jit3A : i32
      %sign3A = arith.constant 0 : i32
      %sign3A_389 = arith.cmpi sgt, %scan3A_386, %sign3A : i32
      %sign3A_390 = arith.extui %sign3A_389 : i1 to i32
      %sign3A_391 = arith.constant 0 : i32
      %sign3A_392 = arith.cmpi slt, %scan3A_386, %sign3A_391 : i32
      %sign3A_393 = arith.extui %sign3A_392 : i1 to i32
      %sign3A_394 = arith.subi %sign3A_390, %sign3A_393 : i32
      %sign3A_395 = arith.constant 0 : i32
      %sign3A_396 = arith.cmpi sgt, %jit3A, %sign3A_395 : i32
      %sign3A_397 = arith.extui %sign3A_396 : i1 to i32
      %sign3A_398 = arith.constant 0 : i32
      %sign3A_399 = arith.cmpi slt, %jit3A, %sign3A_398 : i32
      %sign3A_400 = arith.extui %sign3A_399 : i1 to i32
      %sign3A_401 = arith.subi %sign3A_397, %sign3A_400 : i32
      %ne3A = arith.cmpi ne, %sign3A_394, %sign3A_401 : i32
      %rem3A = arith.remsi %scan3A_386, %jit3A : i32
      %ne3A_402 = arith.constant 0 : i32
      %ne3A_403 = arith.cmpi ne, %rem3A, %ne3A_402 : i32
      %and3A = arith.andi %ne3A, %ne3A_403 : i1
      %sub3A_404 = arith.constant 1 : i32
      %sub3A_405 = arith.subi %div3A, %sub3A_404 : i32
      %select_n3A = arith.select %and3A, %sub3A_405, %div3A : i32
      %jit3A_406 = arith.constant 8 : i32
      %eq3A = arith.constant 0 : i32
      %eq3A_407 = arith.cmpi eq, %jit3A_406, %eq3A : i32
      %jit3A_408 = arith.constant 1 : i32
      %select_n3A_409 = arith.select %eq3A_407, %jit3A_408, %jit3A_406 : i32
      %rem3A_410 = arith.remsi %scan3A_386, %select_n3A_409 : i32
      %ne3A_411 = arith.constant 0 : i32
      %ne3A_412 = arith.cmpi ne, %rem3A_410, %ne3A_411 : i32
      %lt3A_413 = arith.constant 0 : i32
      %lt3A_414 = arith.cmpi slt, %rem3A_410, %lt3A_413 : i32
      %lt3A_415 = arith.constant 0 : i32
      %lt3A_416 = arith.cmpi slt, %select_n3A_409, %lt3A_415 : i32
      %ne3A_417 = arith.xori %lt3A_414, %lt3A_416 : i1
      %and3A_418 = arith.andi %ne3A_417, %ne3A_412 : i1
      %add3A_419 = arith.addi %rem3A_410, %select_n3A_409 : i32
      %select_n3A_420 = arith.select %and3A_418, %add3A_419, %rem3A_410 : i32
      %mul3A_421 = arith.constant 16 : i32
      %mul3A_422 = arith.muli %select_n3A_420, %mul3A_421 : i32
      %swap3A_423 = arith.index_cast %select_n3A : i32 to index
      %swap3A_424 = arith.index_cast %mul3A_422 : i32 to index
      %swap3A_425 = tpu.vector_load %arg23[%swap3A_423, %swap3A_424] {strides = array<i32>} : memref<80x128xf32, #tpu.memory_space<vmem>>, vector<1x16xf32>,
      %swap3A_426 = vector.shape_cast %swap3A_425 : vector<1x16xf32> to vector<16xf32>
      %swap3A_427 = vector.shape_cast %broadcast_in_dim3A_388 : vector<16xf32> to vector<1x16xf32>
      tpu.vector_store %arg23[%swap3A_423, %swap3A_424], %swap3A_427 {strides = array<i32>} : memref<80x128xf32, #tpu.memory_space<vmem>>, vector<1x16xf32>,
    }
    %scan3A_5 = arith.constant 640 : i32
    %broadcast_in_dim3A = arith.constant 0.000000e+00 : f32
    %broadcast_in_dim3A_6 = vector.broadcast %broadcast_in_dim3A : f32 to vector<16xf32>
    %swap3A = arith.constant 0 : index
    %swap3A_7 = tpu.vector_load %arg44[%swap3A] {strides = array<i32>} : memref<80xf32, #tpu.memory_space<vmem>>, vector<16xf32>,
    %swap3A_8 = vector.shape_cast %swap3A_7 : vector<16xf32> to vector<16xf32>
    %swap3A_9 = vector.shape_cast %broadcast_in_dim3A_6 : vector<16xf32> to vector<16xf32>
    tpu.vector_store %arg44[%swap3A], %swap3A_9 {strides = array<i32>} : memref<80xf32, #tpu.memory_space<vmem>>, vector<16xf32>,
    %broadcast_in_dim3A_10 = arith.constant 1.000000e+00 : f32
    %broadcast_in_dim3A_11 = vector.broadcast %broadcast_in_dim3A_10 : f32 to vector<16xf32>
    %swap3A_12 = arith.constant 0 : index
    %swap3A_13 = tpu.vector_load %arg48[%swap3A_12] {strides = array<i32>} : memref<80xf32, #tpu.memory_space<vmem>>, vector<16xf32>,
    %swap3A_14 = vector.shape_cast %swap3A_13 : vector<16xf32> to vector<16xf32>
    %swap3A_15 = vector.shape_cast %broadcast_in_dim3A_11 : vector<16xf32> to vector<16xf32>
    tpu.vector_store %arg48[%swap3A_12], %swap3A_15 {strides = array<i32>} : memref<80xf32, #tpu.memory_space<vmem>>, vector<16xf32>,
    %broadcast_in_dim3A_16 = arith.constant 0.000000e+00 : f32
    %broadcast_in_dim3A_17 = vector.broadcast %broadcast_in_dim3A_16 : f32 to vector<16xf32>
    %swap3A_18 = arith.constant 16 : index
    %swap3A_19 = tpu.vector_load %arg44[%swap3A_18] {strides = array<i32>} : memref<80xf32, #tpu.memory_space<vmem>>, vector<16xf32>,
    %swap3A_20 = vector.shape_cast %swap3A_19 : vector<16xf32> to vector<16xf32>
    %swap3A_21 = vector.shape_cast %broadcast_in_dim3A_17 : vector<16xf32> to vector<16xf32>
    tpu.vector_store %arg44[%swap3A_18], %swap3A_21 {strides = array<i32>} : memref<80xf32, #tpu.memory_space<vmem>>, vector<16xf32>,
    %broadcast_in_dim3A_22 = arith.constant 1.000000e+00 : f32
    %broadcast_in_dim3A_23 = vector.broadcast %broadcast_in_dim3A_22 : f32 to vector<16xf32>
    %swap3A_24 = arith.constant 16 : index
    %swap3A_25 = tpu.vector_load %arg48[%swap3A_24] {strides = array<i32>} : memref<80xf32, #tpu.memory_space<vmem>>, vector<16xf32>,
    %swap3A_26 = vector.shape_cast %swap3A_25 : vector<16xf32> to vector<16xf32>
    %swap3A_27 = vector.shape_cast %broadcast_in_dim3A_23 : vector<16xf32> to vector<16xf32>
    tpu.vector_store %arg48[%swap3A_24], %swap3A_27 {strides = array<i32>} : memref<80xf32, #tpu.memory_space<vmem>>, vector<16xf32>,
    %broadcast_in_dim3A_28 = arith.constant 0.000000e+00 : f32
    %broadcast_in_dim3A_29 = vector.broadcast %broadcast_in_dim3A_28 : f32 to vector<16xf32>
    %swap3A_30 = arith.constant 32 : index
    %swap3A_31 = tpu.vector_load %arg44[%swap3A_30] {strides = array<i32>} : memref<80xf32, #tpu.memory_space<vmem>>, vector<16xf32>,
    %swap3A_32 = vector.shape_cast %swap3A_31 : vector<16xf32> to vector<16xf32>
    %swap3A_33 = vector.shape_cast %broadcast_in_dim3A_29 : vector<16xf32> to vector<16xf32>
    tpu.vector_store %arg44[%swap3A_30], %swap3A_33 {strides = array<i32>} : memref<80xf32, #tpu.memory_space<vmem>>, vector<16xf32>,
    %broadcast_in_dim3A_34 = arith.constant 1.000000e+00 : f32
    %broadcast_in_dim3A_35 = vector.broadcast %broadcast_in_dim3A_34 : f32 to vector<16xf32>
    %swap3A_36 = arith.constant 32 : index
    %swap3A_37 = tpu.vector_load %arg48[%swap3A_36] {strides = array<i32>} : memref<80xf32, #tpu.memory_space<vmem>>, vector<16xf32>,
    %swap3A_38 = vector.shape_cast %swap3A_37 : vector<16xf32> to vector<16xf32>
    %swap3A_39 = vector.shape_cast %broadcast_in_dim3A_35 : vector<16xf32> to vector<16xf32>
    tpu.vector_store %arg48[%swap3A_36], %swap3A_39 {strides = array<i32>} : memref<80xf32, #tpu.memory_space<vmem>>, vector<16xf32>,
    %broadcast_in_dim3A_40 = arith.constant 0.000000e+00 : f32
    %broadcast_in_dim3A_41 = vector.broadcast %broadcast_in_dim3A_40 : f32 to vector<16xf32>
    %swap3A_42 = arith.constant 48 : index
    %swap3A_43 = tpu.vector_load %arg44[%swap3A_42] {strides = array<i32>} : memref<80xf32, #tpu.memory_space<vmem>>, vector<16xf32>,
    %swap3A_44 = vector.shape_cast %swap3A_43 : vector<16xf32> to vector<16xf32>
    %swap3A_45 = vector.shape_cast %broadcast_in_dim3A_41 : vector<16xf32> to vector<16xf32>
    tpu.vector_store %arg44[%swap3A_42], %swap3A_45 {strides = array<i32>} : memref<80xf32, #tpu.memory_space<vmem>>, vector<16xf32>,
    %broadcast_in_dim3A_46 = arith.constant 1.000000e+00 : f32
    %broadcast_in_dim3A_47 = vector.broadcast %broadcast_in_dim3A_46 : f32 to vector<16xf32>
    %swap3A_48 = arith.constant 48 : index
    %swap3A_49 = tpu.vector_load %arg48[%swap3A_48] {strides = array<i32>} : memref<80xf32, #tpu.memory_space<vmem>>, vector<16xf32>,
    %swap3A_50 = vector.shape_cast %swap3A_49 : vector<16xf32> to vector<16xf32>
    %swap3A_51 = vector.shape_cast %broadcast_in_dim3A_47 : vector<16xf32> to vector<16xf32>
    tpu.vector_store %arg48[%swap3A_48], %swap3A_51 {strides = array<i32>} : memref<80xf32, #tpu.memory_space<vmem>>, vector<16xf32>,
    %broadcast_in_dim3A_52 = arith.constant 0.000000e+00 : f32
    %broadcast_in_dim3A_53 = vector.broadcast %broadcast_in_dim3A_52 : f32 to vector<16xf32>
    %swap3A_54 = arith.constant 64 : index
    %swap3A_55 = tpu.vector_load %arg44[%swap3A_54] {strides = array<i32>} : memref<80xf32, #tpu.memory_space<vmem>>, vector<16xf32>,
    %swap3A_56 = vector.shape_cast %swap3A_55 : vector<16xf32> to vector<16xf32>
    %swap3A_57 = vector.shape_cast %broadcast_in_dim3A_53 : vector<16xf32> to vector<16xf32>
    tpu.vector_store %arg44[%swap3A_54], %swap3A_57 {strides = array<i32>} : memref<80xf32, #tpu.memory_space<vmem>>, vector<16xf32>,
    %broadcast_in_dim3A_58 = arith.constant 1.000000e+00 : f32
    %broadcast_in_dim3A_59 = vector.broadcast %broadcast_in_dim3A_58 : f32 to vector<16xf32>
    %swap3A_60 = arith.constant 64 : index
    %swap3A_61 = tpu.vector_load %arg48[%swap3A_60] {strides = array<i32>} : memref<80xf32, #tpu.memory_space<vmem>>, vector<16xf32>,
    %swap3A_62 = vector.shape_cast %swap3A_61 : vector<16xf32> to vector<16xf32>
    %swap3A_63 = vector.shape_cast %broadcast_in_dim3A_59 : vector<16xf32> to vector<16xf32>
    tpu.vector_store %arg48[%swap3A_60], %swap3A_63 {strides = array<i32>} : memref<80xf32, #tpu.memory_space<vmem>>, vector<16xf32>,
    %add3A = arith.constant 0 : i32
    %add3A_64 = arith.addi %mul3A_0, %add3A : i32
    "tpu.region"() ({
      %run_scoped3A = tpu.sem_alloc : memref<!tpu.dma_semaphore, #tpu.memory_space<semaphore_mem>>
      %dma_start3A_386 = arith.constant 0 : i32
      %dma_start3A_387 = arith.constant 0 : i32
      %dma_start3A_388 = tpu.memref_slice %arg23[%dma_start3A_386, %dma_start3A_387] : memref<80x128xf32, #tpu.memory_space<vmem>> -> memref<80x128xf32, #tpu.memory_space<vmem>>
      %dma_start3A_389 = arith.constant 0 : i32
      %dma_start3A_390 = tpu.memref_slice %arg43[%add3A_64, %dma_start3A_389] : memref<10112x128xf32, #tpu.memory_space<vmem_shared>> -> memref<80x128xf32, #tpu.memory_space<vmem_shared>>
      %dma_start3A_391 = arith.constant 0 : i32
      %dma_start3A_392 = tpu.memref_slice %arg43[%add3A_64, %dma_start3A_391] : memref<10112x128xf32, #tpu.memory_space<vmem_shared>> -> memref<80x128xf32, #tpu.memory_space<vmem_shared>>
      %dma_start3A_393 = arith.constant 0 : i32
      %dma_start3A_394 = arith.constant 0 : i32
      %dma_start3A_395 = tpu.memref_slice %arg23[%dma_start3A_393, %dma_start3A_394] : memref<80x128xf32, #tpu.memory_space<vmem>> -> memref<80x128xf32, #tpu.memory_space<vmem>>
      tpu.enqueue_dma source(%dma_start3A_395 : memref<80x128xf32, #tpu.memory_space<vmem>>) target(%dma_start3A_392 : memref<80x128xf32, #tpu.memory_space<vmem_shared>>) target_semaphore(%run_scoped3A : memref<!tpu.dma_semaphore, #tpu.memory_space<semaphore_mem>>)
      %dma_wait3A_396 = arith.constant 0 : i32
      %dma_wait3A_397 = arith.constant 0 : i32
      %dma_wait3A_398 = tpu.memref_slice %arg23[%dma_wait3A_396, %dma_wait3A_397] : memref<80x128xf32, #tpu.memory_space<vmem>> -> memref<80x128xf32, #tpu.memory_space<vmem>>
      %dma_wait3A_399 = arith.constant 0 : i32
      %dma_wait3A_400 = tpu.memref_slice %arg43[%add3A_64, %dma_wait3A_399] : memref<10112x128xf32, #tpu.memory_space<vmem_shared>> -> memref<80x128xf32, #tpu.memory_space<vmem_shared>>
      %dma_wait3A_401 = arith.constant 0 : i32
      %dma_wait3A_402 = tpu.memref_slice %arg43[%add3A_64, %dma_wait3A_401] : memref<10112x128xf32, #tpu.memory_space<vmem_shared>> -> memref<80x128xf32, #tpu.memory_space<vmem_shared>>
      %dma_wait3A_403 = arith.constant 0 : i32
      %dma_wait3A_404 = arith.constant 0 : i32
      %dma_wait3A_405 = tpu.memref_slice %arg23[%dma_wait3A_403, %dma_wait3A_404] : memref<80x128xf32, #tpu.memory_space<vmem>> -> memref<80x128xf32, #tpu.memory_space<vmem>>
      tpu.wait_dma2 semaphore(%run_scoped3A : memref<!tpu.dma_semaphore, #tpu.memory_space<semaphore_mem>>) src(%dma_wait3A_405 : memref<80x128xf32, #tpu.memory_space<vmem>>) dst(%dma_wait3A_402 : memref<80x128xf32, #tpu.memory_space<vmem_shared>>)
      tpu.yield
    }) : () -> ()
    %add3A_65 = arith.constant 0 : i32
    %add3A_66 = arith.addi %mul3A_0, %add3A_65 : i32
    "tpu.region"() ({
      %run_scoped3A = tpu.sem_alloc : memref<!tpu.dma_semaphore, #tpu.memory_space<semaphore_mem>>
      %dma_start3A_386 = tpu.memref_slice %arg47[%add3A_66] : memref<10112xf32, #tpu.memory_space<vmem_shared>> -> memref<80xf32, #tpu.memory_space<vmem_shared>>
      %dma_start3A_387 = tpu.memref_slice %arg47[%add3A_66] : memref<10112xf32, #tpu.memory_space<vmem_shared>> -> memref<80xf32, #tpu.memory_space<vmem_shared>>
      tpu.enqueue_dma source(%arg44 : memref<80xf32, #tpu.memory_space<vmem>>) target(%dma_start3A_387 : memref<80xf32, #tpu.memory_space<vmem_shared>>) target_semaphore(%run_scoped3A : memref<!tpu.dma_semaphore, #tpu.memory_space<semaphore_mem>>)
      %dma_wait3A_388 = tpu.memref_slice %arg47[%add3A_66] : memref<10112xf32, #tpu.memory_space<vmem_shared>> -> memref<80xf32, #tpu.memory_space<vmem_shared>>
      %dma_wait3A_389 = tpu.memref_slice %arg47[%add3A_66] : memref<10112xf32, #tpu.memory_space<vmem_shared>> -> memref<80xf32, #tpu.memory_space<vmem_shared>>
      tpu.wait_dma2 semaphore(%run_scoped3A : memref<!tpu.dma_semaphore, #tpu.memory_space<semaphore_mem>>) src(%arg44 : memref<80xf32, #tpu.memory_space<vmem>>) dst(%dma_wait3A_389 : memref<80xf32, #tpu.memory_space<vmem_shared>>)
      tpu.yield
    }) : () -> ()
    %add3A_67 = arith.constant 80 : i32
    %add3A_68 = arith.addi %mul3A_0, %add3A_67 : i32
    "tpu.region"() ({
      %run_scoped3A = tpu.sem_alloc : memref<!tpu.dma_semaphore, #tpu.memory_space<semaphore_mem>>
      %dma_start3A_386 = arith.constant 0 : i32
      %dma_start3A_387 = arith.constant 0 : i32
      %dma_start3A_388 = tpu.memref_slice %arg23[%dma_start3A_386, %dma_start3A_387] : memref<80x128xf32, #tpu.memory_space<vmem>> -> memref<80x128xf32, #tpu.memory_space<vmem>>
      %dma_start3A_389 = arith.constant 0 : i32
      %dma_start3A_390 = tpu.memref_slice %arg43[%add3A_68, %dma_start3A_389] : memref<10112x128xf32, #tpu.memory_space<vmem_shared>> -> memref<80x128xf32, #tpu.memory_space<vmem_shared>>
      %dma_start3A_391 = arith.constant 0 : i32
      %dma_start3A_392 = tpu.memref_slice %arg43[%add3A_68, %dma_start3A_391] : memref<10112x128xf32, #tpu.memory_space<vmem_shared>> -> memref<80x128xf32, #tpu.memory_space<vmem_shared>>
      %dma_start3A_393 = arith.constant 0 : i32
      %dma_start3A_394 = arith.constant 0 : i32
      %dma_start3A_395 = tpu.memref_slice %arg23[%dma_start3A_393, %dma_start3A_394] : memref<80x128xf32, #tpu.memory_space<vmem>> -> memref<80x128xf32, #tpu.memory_space<vmem>>
      tpu.enqueue_dma source(%dma_start3A_395 : memref<80x128xf32, #tpu.memory_space<vmem>>) target(%dma_start3A_392 : memref<80x128xf32, #tpu.memory_space<vmem_shared>>) target_semaphore(%run_scoped3A : memref<!tpu.dma_semaphore, #tpu.memory_space<semaphore_mem>>)
      %dma_wait3A_396 = arith.constant 0 : i32
      %dma_wait3A_397 = arith.constant 0 : i32
      %dma_wait3A_398 = tpu.memref_slice %arg23[%dma_wait3A_396, %dma_wait3A_397] : memref<80x128xf32, #tpu.memory_space<vmem>> -> memref<80x128xf32, #tpu.memory_space<vmem>>
      %dma_wait3A_399 = arith.constant 0 : i32
      %dma_wait3A_400 = tpu.memref_slice %arg43[%add3A_68, %dma_wait3A_399] : memref<10112x128xf32, #tpu.memory_space<vmem_shared>> -> memref<80x128xf32, #tpu.memory_space<vmem_shared>>
      %dma_wait3A_401 = arith.constant 0 : i32
      %dma_wait3A_402 = tpu.memref_slice %arg43[%add3A_68, %dma_wait3A_401] : memref<10112x128xf32, #tpu.memory_space<vmem_shared>> -> memref<80x128xf32, #tpu.memory_space<vmem_shared>>
      %dma_wait3A_403 = arith.constant 0 : i32
      %dma_wait3A_404 = arith.constant 0 : i32
      %dma_wait3A_405 = tpu.memref_slice %arg23[%dma_wait3A_403, %dma_wait3A_404] : memref<80x128xf32, #tpu.memory_space<vmem>> -> memref<80x128xf32, #tpu.memory_space<vmem>>
      tpu.wait_dma2 semaphore(%run_scoped3A : memref<!tpu.dma_semaphore, #tpu.memory_space<semaphore_mem>>) src(%dma_wait3A_405 : memref<80x128xf32, #tpu.memory_space<vmem>>) dst(%dma_wait3A_402 : memref<80x128xf32, #tpu.memory_space<vmem_shared>>)
      tpu.yield
    }) : () -> ()
    %add3A_69 = arith.constant 80 : i32
    %add3A_70 = arith.addi %mul3A_0, %add3A_69 : i32
    "tpu.region"() ({
      %run_scoped3A = tpu.sem_alloc : memref<!tpu.dma_semaphore, #tpu.memory_space<semaphore_mem>>
      %dma_start3A_386 = tpu.memref_slice %arg47[%add3A_70] : memref<10112xf32, #tpu.memory_space<vmem_shared>> -> memref<80xf32, #tpu.memory_space<vmem_shared>>
      %dma_start3A_387 = tpu.memref_slice %arg47[%add3A_70] : memref<10112xf32, #tpu.memory_space<vmem_shared>> -> memref<80xf32, #tpu.memory_space<vmem_shared>>
      tpu.enqueue_dma source(%arg44 : memref<80xf32, #tpu.memory_space<vmem>>) target(%dma_start3A_387 : memref<80xf32, #tpu.memory_space<vmem_shared>>) target_semaphore(%run_scoped3A : memref<!tpu.dma_semaphore, #tpu.memory_space<semaphore_mem>>)
      %dma_wait3A_388 = tpu.memref_slice %arg47[%add3A_70] : memref<10112xf32, #tpu.memory_space<vmem_shared>> -> memref<80xf32, #tpu.memory_space<vmem_shared>>
      %dma_wait3A_389 = tpu.memref_slice %arg47[%add3A_70] : memref<10112xf32, #tpu.memory_space<vmem_shared>> -> memref<80xf32, #tpu.memory_space<vmem_shared>>
      tpu.wait_dma2 semaphore(%run_scoped3A : memref<!tpu.dma_semaphore, #tpu.memory_space<semaphore_mem>>) src(%arg44 : memref<80xf32, #tpu.memory_space<vmem>>) dst(%dma_wait3A_389 : memref<80xf32, #tpu.memory_space<vmem_shared>>)
      tpu.yield
    }) : () -> ()
    %add3A_71 = arith.constant 160 : i32
    %add3A_72 = arith.addi %mul3A_0, %add3A_71 : i32
    "tpu.region"() ({
      %run_scoped3A = tpu.sem_alloc : memref<!tpu.dma_semaphore, #tpu.memory_space<semaphore_mem>>
      %dma_start3A_386 = arith.constant 0 : i32
      %dma_start3A_387 = arith.constant 0 : i32
      %dma_start3A_388 = tpu.memref_slice %arg23[%dma_start3A_386, %dma_start3A_387] : memref<80x128xf32, #tpu.memory_space<vmem>> -> memref<80x128xf32, #tpu.memory_space<vmem>>
      %dma_start3A_389 = arith.constant 0 : i32
      %dma_start3A_390 = tpu.memref_slice %arg43[%add3A_72, %dma_start3A_389] : memref<10112x128xf32, #tpu.memory_space<vmem_shared>> -> memref<80x128xf32, #tpu.memory_space<vmem_shared>>
      %dma_start3A_391 = arith.constant 0 : i32
      %dma_start3A_392 = tpu.memref_slice %arg43[%add3A_72, %dma_start3A_391] : memref<10112x128xf32, #tpu.memory_space<vmem_shared>> -> memref<80x128xf32, #tpu.memory_space<vmem_shared>>
      %dma_start3A_393 = arith.constant 0 : i32
      %dma_start3A_394 = arith.constant 0 : i32
      %dma_start3A_395 = tpu.memref_slice %arg23[%dma_start3A_393, %dma_start3A_394] : memref<80x128xf32, #tpu.memory_space<vmem>> -> memref<80x128xf32, #tpu.memory_space<vmem>>
      tpu.enqueue_dma source(%dma_start3A_395 : memref<80x128xf32, #tpu.memory_space<vmem>>) target(%dma_start3A_392 : memref<80x128xf32, #tpu.memory_space<vmem_shared>>) target_semaphore(%run_scoped3A : memref<!tpu.dma_semaphore, #tpu.memory_space<semaphore_mem>>)
      %dma_wait3A_396 = arith.constant 0 : i32
      %dma_wait3A_397 = arith.constant 0 : i32
      %dma_wait3A_398 = tpu.memref_slice %arg23[%dma_wait3A_396, %dma_wait3A_397] : memref<80x128xf32, #tpu.memory_space<vmem>> -> memref<80x128xf32, #tpu.memory_space<vmem>>
      %dma_wait3A_399 = arith.constant 0 : i32
      %dma_wait3A_400 = tpu.memref_slice %arg43[%add3A_72, %dma_wait3A_399] : memref<10112x128xf32, #tpu.memory_space<vmem_shared>> -> memref<80x128xf32, #tpu.memory_space<vmem_shared>>
      %dma_wait3A_401 = arith.constant 0 : i32
      %dma_wait3A_402 = tpu.memref_slice %arg43[%add3A_72, %dma_wait3A_401] : memref<10112x128xf32, #tpu.memory_space<vmem_shared>> -> memref<80x128xf32, #tpu.memory_space<vmem_shared>>
      %dma_wait3A_403 = arith.constant 0 : i32
      %dma_wait3A_404 = arith.constant 0 : i32
      %dma_wait3A_405 = tpu.memref_slice %arg23[%dma_wait3A_403, %dma_wait3A_404] : memref<80x128xf32, #tpu.memory_space<vmem>> -> memref<80x128xf32, #tpu.memory_space<vmem>>
      tpu.wait_dma2 semaphore(%run_scoped3A : memref<!tpu.dma_semaphore, #tpu.memory_space<semaphore_mem>>) src(%dma_wait3A_405 : memref<80x128xf32, #tpu.memory_space<vmem>>) dst(%dma_wait3A_402 : memref<80x128xf32, #tpu.memory_space<vmem_shared>>)
      tpu.yield
    }) : () -> ()
    %add3A_73 = arith.constant 160 : i32
    %add3A_74 = arith.addi %mul3A_0, %add3A_73 : i32
    "tpu.region"() ({
      %run_scoped3A = tpu.sem_alloc : memref<!tpu.dma_semaphore, #tpu.memory_space<semaphore_mem>>
      %dma_start3A_386 = tpu.memref_slice %arg47[%add3A_74] : memref<10112xf32, #tpu.memory_space<vmem_shared>> -> memref<80xf32, #tpu.memory_space<vmem_shared>>
      %dma_start3A_387 = tpu.memref_slice %arg47[%add3A_74] : memref<10112xf32, #tpu.memory_space<vmem_shared>> -> memref<80xf32, #tpu.memory_space<vmem_shared>>
      tpu.enqueue_dma source(%arg44 : memref<80xf32, #tpu.memory_space<vmem>>) target(%dma_start3A_387 : memref<80xf32, #tpu.memory_space<vmem_shared>>) target_semaphore(%run_scoped3A : memref<!tpu.dma_semaphore, #tpu.memory_space<semaphore_mem>>)
      %dma_wait3A_388 = tpu.memref_slice %arg47[%add3A_74] : memref<10112xf32, #tpu.memory_space<vmem_shared>> -> memref<80xf32, #tpu.memory_space<vmem_shared>>
      %dma_wait3A_389 = tpu.memref_slice %arg47[%add3A_74] : memref<10112xf32, #tpu.memory_space<vmem_shared>> -> memref<80xf32, #tpu.memory_space<vmem_shared>>
      tpu.wait_dma2 semaphore(%run_scoped3A : memref<!tpu.dma_semaphore, #tpu.memory_space<semaphore_mem>>) src(%arg44 : memref<80xf32, #tpu.memory_space<vmem>>) dst(%dma_wait3A_389 : memref<80xf32, #tpu.memory_space<vmem_shared>>)
      tpu.yield
    }) : () -> ()
    %add3A_75 = arith.constant 240 : i32
    %add3A_76 = arith.addi %mul3A_0, %add3A_75 : i32
    "tpu.region"() ({
      %run_scoped3A = tpu.sem_alloc : memref<!tpu.dma_semaphore, #tpu.memory_space<semaphore_mem>>
      %dma_start3A_386 = arith.constant 0 : i32
      %dma_start3A_387 = arith.constant 0 : i32
      %dma_start3A_388 = tpu.memref_slice %arg23[%dma_start3A_386, %dma_start3A_387] : memref<80x128xf32, #tpu.memory_space<vmem>> -> memref<80x128xf32, #tpu.memory_space<vmem>>
      %dma_start3A_389 = arith.constant 0 : i32
      %dma_start3A_390 = tpu.memref_slice %arg43[%add3A_76, %dma_start3A_389] : memref<10112x128xf32, #tpu.memory_space<vmem_shared>> -> memref<80x128xf32, #tpu.memory_space<vmem_shared>>
      %dma_start3A_391 = arith.constant 0 : i32
      %dma_start3A_392 = tpu.memref_slice %arg43[%add3A_76, %dma_start3A_391] : memref<10112x128xf32, #tpu.memory_space<vmem_shared>> -> memref<80x128xf32, #tpu.memory_space<vmem_shared>>
      %dma_start3A_393 = arith.constant 0 : i32
      %dma_start3A_394 = arith.constant 0 : i32
      %dma_start3A_395 = tpu.memref_slice %arg23[%dma_start3A_393, %dma_start3A_394] : memref<80x128xf32, #tpu.memory_space<vmem>> -> memref<80x128xf32, #tpu.memory_space<vmem>>
      tpu.enqueue_dma source(%dma_start3A_395 : memref<80x128xf32, #tpu.memory_space<vmem>>) target(%dma_start3A_392 : memref<80x128xf32, #tpu.memory_space<vmem_shared>>) target_semaphore(%run_scoped3A : memref<!tpu.dma_semaphore, #tpu.memory_space<semaphore_mem>>)
      %dma_wait3A_396 = arith.constant 0 : i32
      %dma_wait3A_397 = arith.constant 0 : i32
      %dma_wait3A_398 = tpu.memref_slice %arg23[%dma_wait3A_396, %dma_wait3A_397] : memref<80x128xf32, #tpu.memory_space<vmem>> -> memref<80x128xf32, #tpu.memory_space<vmem>>
      %dma_wait3A_399 = arith.constant 0 : i32
      %dma_wait3A_400 = tpu.memref_slice %arg43[%add3A_76, %dma_wait3A_399] : memref<10112x128xf32, #tpu.memory_space<vmem_shared>> -> memref<80x128xf32, #tpu.memory_space<vmem_shared>>
      %dma_wait3A_401 = arith.constant 0 : i32
      %dma_wait3A_402 = tpu.memref_slice %arg43[%add3A_76, %dma_wait3A_401] : memref<10112x128xf32, #tpu.memory_space<vmem_shared>> -> memref<80x128xf32, #tpu.memory_space<vmem_shared>>
      %dma_wait3A_403 = arith.constant 0 : i32
      %dma_wait3A_404 = arith.constant 0 : i32
      %dma_wait3A_405 = tpu.memref_slice %arg23[%dma_wait3A_403, %dma_wait3A_404] : memref<80x128xf32, #tpu.memory_space<vmem>> -> memref<80x128xf32, #tpu.memory_space<vmem>>
      tpu.wait_dma2 semaphore(%run_scoped3A : memref<!tpu.dma_semaphore, #tpu.memory_space<semaphore_mem>>) src(%dma_wait3A_405 : memref<80x128xf32, #tpu.memory_space<vmem>>) dst(%dma_wait3A_402 : memref<80x128xf32, #tpu.memory_space<vmem_shared>>)
      tpu.yield
    }) : () -> ()
    %add3A_77 = arith.constant 240 : i32
    %add3A_78 = arith.addi %mul3A_0, %add3A_77 : i32
    "tpu.region"() ({
      %run_scoped3A = tpu.sem_alloc : memref<!tpu.dma_semaphore, #tpu.memory_space<semaphore_mem>>
      %dma_start3A_386 = tpu.memref_slice %arg47[%add3A_78] : memref<10112xf32, #tpu.memory_space<vmem_shared>> -> memref<80xf32, #tpu.memory_space<vmem_shared>>
      %dma_start3A_387 = tpu.memref_slice %arg47[%add3A_78] : memref<10112xf32, #tpu.memory_space<vmem_shared>> -> memref<80xf32, #tpu.memory_space<vmem_shared>>
      tpu.enqueue_dma source(%arg44 : memref<80xf32, #tpu.memory_space<vmem>>) target(%dma_start3A_387 : memref<80xf32, #tpu.memory_space<vmem_shared>>) target_semaphore(%run_scoped3A : memref<!tpu.dma_semaphore, #tpu.memory_space<semaphore_mem>>)
      %dma_wait3A_388 = tpu.memref_slice %arg47[%add3A_78] : memref<10112xf32, #tpu.memory_space<vmem_shared>> -> memref<80xf32, #tpu.memory_space<vmem_shared>>
      %dma_wait3A_389 = tpu.memref_slice %arg47[%add3A_78] : memref<10112xf32, #tpu.memory_space<vmem_shared>> -> memref<80xf32, #tpu.memory_space<vmem_shared>>
      tpu.wait_dma2 semaphore(%run_scoped3A : memref<!tpu.dma_semaphore, #tpu.memory_space<semaphore_mem>>) src(%arg44 : memref<80xf32, #tpu.memory_space<vmem>>) dst(%dma_wait3A_389 : memref<80xf32, #tpu.memory_space<vmem_shared>>)
      tpu.yield
    }) : () -> ()
    %add3A_79 = arith.constant 320 : i32
    %add3A_80 = arith.addi %mul3A_0, %add3A_79 : i32
    "tpu.region"() ({
      %run_scoped3A = tpu.sem_alloc : memref<!tpu.dma_semaphore, #tpu.memory_space<semaphore_mem>>
      %dma_start3A_386 = arith.constant 0 : i32
      %dma_start3A_387 = arith.constant 0 : i32
      %dma_start3A_388 = tpu.memref_slice %arg23[%dma_start3A_386, %dma_start3A_387] : memref<80x128xf32, #tpu.memory_space<vmem>> -> memref<80x128xf32, #tpu.memory_space<vmem>>
      %dma_start3A_389 = arith.constant 0 : i32
      %dma_start3A_390 = tpu.memref_slice %arg43[%add3A_80, %dma_start3A_389] : memref<10112x128xf32, #tpu.memory_space<vmem_shared>> -> memref<80x128xf32, #tpu.memory_space<vmem_shared>>
      %dma_start3A_391 = arith.constant 0 : i32
      %dma_start3A_392 = tpu.memref_slice %arg43[%add3A_80, %dma_start3A_391] : memref<10112x128xf32, #tpu.memory_space<vmem_shared>> -> memref<80x128xf32, #tpu.memory_space<vmem_shared>>
      %dma_start3A_393 = arith.constant 0 : i32
      %dma_start3A_394 = arith.constant 0 : i32
      %dma_start3A_395 = tpu.memref_slice %arg23[%dma_start3A_393, %dma_start3A_394] : memref<80x128xf32, #tpu.memory_space<vmem>> -> memref<80x128xf32, #tpu.memory_space<vmem>>
      tpu.enqueue_dma source(%dma_start3A_395 : memref<80x128xf32, #tpu.memory_space<vmem>>) target(%dma_start3A_392 : memref<80x128xf32, #tpu.memory_space<vmem_shared>>) target_semaphore(%run_scoped3A : memref<!tpu.dma_semaphore, #tpu.memory_space<semaphore_mem>>)
      %dma_wait3A_396 = arith.constant 0 : i32
      %dma_wait3A_397 = arith.constant 0 : i32
      %dma_wait3A_398 = tpu.memref_slice %arg23[%dma_wait3A_396, %dma_wait3A_397] : memref<80x128xf32, #tpu.memory_space<vmem>> -> memref<80x128xf32, #tpu.memory_space<vmem>>
      %dma_wait3A_399 = arith.constant 0 : i32
      %dma_wait3A_400 = tpu.memref_slice %arg43[%add3A_80, %dma_wait3A_399] : memref<10112x128xf32, #tpu.memory_space<vmem_shared>> -> memref<80x128xf32, #tpu.memory_space<vmem_shared>>
      %dma_wait3A_401 = arith.constant 0 : i32
      %dma_wait3A_402 = tpu.memref_slice %arg43[%add3A_80, %dma_wait3A_401] : memref<10112x128xf32, #tpu.memory_space<vmem_shared>> -> memref<80x128xf32, #tpu.memory_space<vmem_shared>>
      %dma_wait3A_403 = arith.constant 0 : i32
      %dma_wait3A_404 = arith.constant 0 : i32
      %dma_wait3A_405 = tpu.memref_slice %arg23[%dma_wait3A_403, %dma_wait3A_404] : memref<80x128xf32, #tpu.memory_space<vmem>> -> memref<80x128xf32, #tpu.memory_space<vmem>>
      tpu.wait_dma2 semaphore(%run_scoped3A : memref<!tpu.dma_semaphore, #tpu.memory_space<semaphore_mem>>) src(%dma_wait3A_405 : memref<80x128xf32, #tpu.memory_space<vmem>>) dst(%dma_wait3A_402 : memref<80x128xf32, #tpu.memory_space<vmem_shared>>)
      tpu.yield
    }) : () -> ()
    %add3A_81 = arith.constant 320 : i32
    %add3A_82 = arith.addi %mul3A_0, %add3A_81 : i32
    "tpu.region"() ({
      %run_scoped3A = tpu.sem_alloc : memref<!tpu.dma_semaphore, #tpu.memory_space<semaphore_mem>>
      %dma_start3A_386 = tpu.memref_slice %arg47[%add3A_82] : memref<10112xf32, #tpu.memory_space<vmem_shared>> -> memref<80xf32, #tpu.memory_space<vmem_shared>>
      %dma_start3A_387 = tpu.memref_slice %arg47[%add3A_82] : memref<10112xf32, #tpu.memory_space<vmem_shared>> -> memref<80xf32, #tpu.memory_space<vmem_shared>>
      tpu.enqueue_dma source(%arg44 : memref<80xf32, #tpu.memory_space<vmem>>) target(%dma_start3A_387 : memref<80xf32, #tpu.memory_space<vmem_shared>>) target_semaphore(%run_scoped3A : memref<!tpu.dma_semaphore, #tpu.memory_space<semaphore_mem>>)
      %dma_wait3A_388 = tpu.memref_slice %arg47[%add3A_82] : memref<10112xf32, #tpu.memory_space<vmem_shared>> -> memref<80xf32, #tpu.memory_space<vmem_shared>>
      %dma_wait3A_389 = tpu.memref_slice %arg47[%add3A_82] : memref<10112xf32, #tpu.memory_space<vmem_shared>> -> memref<80xf32, #tpu.memory_space<vmem_shared>>
      tpu.wait_dma2 semaphore(%run_scoped3A : memref<!tpu.dma_semaphore, #tpu.memory_space<semaphore_mem>>) src(%arg44 : memref<80xf32, #tpu.memory_space<vmem>>) dst(%dma_wait3A_389 : memref<80xf32, #tpu.memory_space<vmem_shared>>)
      tpu.yield
    }) : () -> ()
    %add3A_83 = arith.constant 400 : i32
    %add3A_84 = arith.addi %mul3A_0, %add3A_83 : i32
    "tpu.region"() ({
      %run_scoped3A = tpu.sem_alloc : memref<!tpu.dma_semaphore, #tpu.memory_space<semaphore_mem>>
      %dma_start3A_386 = arith.constant 0 : i32
      %dma_start3A_387 = arith.constant 0 : i32
      %dma_start3A_388 = tpu.memref_slice %arg23[%dma_start3A_386, %dma_start3A_387] : memref<80x128xf32, #tpu.memory_space<vmem>> -> memref<80x128xf32, #tpu.memory_space<vmem>>
      %dma_start3A_389 = arith.constant 0 : i32
      %dma_start3A_390 = tpu.memref_slice %arg43[%add3A_84, %dma_start3A_389] : memref<10112x128xf32, #tpu.memory_space<vmem_shared>> -> memref<80x128xf32, #tpu.memory_space<vmem_shared>>
      %dma_start3A_391 = arith.constant 0 : i32
      %dma_start3A_392 = tpu.memref_slice %arg43[%add3A_84, %dma_start3A_391] : memref<10112x128xf32, #tpu.memory_space<vmem_shared>> -> memref<80x128xf32, #tpu.memory_space<vmem_shared>>
      %dma_start3A_393 = arith.constant 0 : i32
      %dma_start3A_394 = arith.constant 0 : i32
      %dma_start3A_395 = tpu.memref_slice %arg23[%dma_start3A_393, %dma_start3A_394] : memref<80x128xf32, #tpu.memory_space<vmem>> -> memref<80x128xf32, #tpu.memory_space<vmem>>
      tpu.enqueue_dma source(%dma_start3A_395 : memref<80x128xf32, #tpu.memory_space<vmem>>) target(%dma_start3A_392 : memref<80x128xf32, #tpu.memory_space<vmem_shared>>) target_semaphore(%run_scoped3A : memref<!tpu.dma_semaphore, #tpu.memory_space<semaphore_mem>>)
      %dma_wait3A_396 = arith.constant 0 : i32
      %dma_wait3A_397 = arith.constant 0 : i32
      %dma_wait3A_398 = tpu.memref_slice %arg23[%dma_wait3A_396, %dma_wait3A_397] : memref<80x128xf32, #tpu.memory_space<vmem>> -> memref<80x128xf32, #tpu.memory_space<vmem>>
      %dma_wait3A_399 = arith.constant 0 : i32
      %dma_wait3A_400 = tpu.memref_slice %arg43[%add3A_84, %dma_wait3A_399] : memref<10112x128xf32, #tpu.memory_space<vmem_shared>> -> memref<80x128xf32, #tpu.memory_space<vmem_shared>>
      %dma_wait3A_401 = arith.constant 0 : i32
      %dma_wait3A_402 = tpu.memref_slice %arg43[%add3A_84, %dma_wait3A_401] : memref<10112x128xf32, #tpu.memory_space<vmem_shared>> -> memref<80x128xf32, #tpu.memory_space<vmem_shared>>
      %dma_wait3A_403 = arith.constant 0 : i32
      %dma_wait3A_404 = arith.constant 0 : i32
      %dma_wait3A_405 = tpu.memref_slice %arg23[%dma_wait3A_403, %dma_wait3A_404] : memref<80x128xf32, #tpu.memory_space<vmem>> -> memref<80x128xf32, #tpu.memory_space<vmem>>
      tpu.wait_dma2 semaphore(%run_scoped3A : memref<!tpu.dma_semaphore, #tpu.memory_space<semaphore_mem>>) src(%dma_wait3A_405 : memref<80x128xf32, #tpu.memory_space<vmem>>) dst(%dma_wait3A_402 : memref<80x128xf32, #tpu.memory_space<vmem_shared>>)
      tpu.yield
    }) : () -> ()
    %add3A_85 = arith.constant 400 : i32
    %add3A_86 = arith.addi %mul3A_0, %add3A_85 : i32
    "tpu.region"() ({
      %run_scoped3A = tpu.sem_alloc : memref<!tpu.dma_semaphore, #tpu.memory_space<semaphore_mem>>
      %dma_start3A_386 = tpu.memref_slice %arg47[%add3A_86] : memref<10112xf32, #tpu.memory_space<vmem_shared>> -> memref<80xf32, #tpu.memory_space<vmem_shared>>
      %dma_start3A_387 = tpu.memref_slice %arg47[%add3A_86] : memref<10112xf32, #tpu.memory_space<vmem_shared>> -> memref<80xf32, #tpu.memory_space<vmem_shared>>
      tpu.enqueue_dma source(%arg44 : memref<80xf32, #tpu.memory_space<vmem>>) target(%dma_start3A_387 : memref<80xf32, #tpu.memory_space<vmem_shared>>) target_semaphore(%run_scoped3A : memref<!tpu.dma_semaphore, #tpu.memory_space<semaphore_mem>>)
      %dma_wait3A_388 = tpu.memref_slice %arg47[%add3A_86] : memref<10112xf32, #tpu.memory_space<vmem_shared>> -> memref<80xf32, #tpu.memory_space<vmem_shared>>
      %dma_wait3A_389 = tpu.memref_slice %arg47[%add3A_86] : memref<10112xf32, #tpu.memory_space<vmem_shared>> -> memref<80xf32, #tpu.memory_space<vmem_shared>>
      tpu.wait_dma2 semaphore(%run_scoped3A : memref<!tpu.dma_semaphore, #tpu.memory_space<semaphore_mem>>) src(%arg44 : memref<80xf32, #tpu.memory_space<vmem>>) dst(%dma_wait3A_389 : memref<80xf32, #tpu.memory_space<vmem_shared>>)
      tpu.yield
    }) : () -> ()
    %add3A_87 = arith.constant 480 : i32
    %add3A_88 = arith.addi %mul3A_0, %add3A_87 : i32
    "tpu.region"() ({
      %run_scoped3A = tpu.sem_alloc : memref<!tpu.dma_semaphore, #tpu.memory_space<semaphore_mem>>
      %dma_start3A_386 = arith.constant 0 : i32
      %dma_start3A_387 = arith.constant 0 : i32
      %dma_start3A_388 = tpu.memref_slice %arg23[%dma_start3A_386, %dma_start3A_387] : memref<80x128xf32, #tpu.memory_space<vmem>> -> memref<80x128xf32, #tpu.memory_space<vmem>>
      %dma_start3A_389 = arith.constant 0 : i32
      %dma_start3A_390 = tpu.memref_slice %arg43[%add3A_88, %dma_start3A_389] : memref<10112x128xf32, #tpu.memory_space<vmem_shared>> -> memref<80x128xf32, #tpu.memory_space<vmem_shared>>
      %dma_start3A_391 = arith.constant 0 : i32
      %dma_start3A_392 = tpu.memref_slice %arg43[%add3A_88, %dma_start3A_391] : memref<10112x128xf32, #tpu.memory_space<vmem_shared>> -> memref<80x128xf32, #tpu.memory_space<vmem_shared>>
      %dma_start3A_393 = arith.constant 0 : i32
      %dma_start3A_394 = arith.constant 0 : i32
      %dma_start3A_395 = tpu.memref_slice %arg23[%dma_start3A_393, %dma_start3A_394] : memref<80x128xf32, #tpu.memory_space<vmem>> -> memref<80x128xf32, #tpu.memory_space<vmem>>
      tpu.enqueue_dma source(%dma_start3A_395 : memref<80x128xf32, #tpu.memory_space<vmem>>) target(%dma_start3A_392 : memref<80x128xf32, #tpu.memory_space<vmem_shared>>) target_semaphore(%run_scoped3A : memref<!tpu.dma_semaphore, #tpu.memory_space<semaphore_mem>>)
      %dma_wait3A_396 = arith.constant 0 : i32
      %dma_wait3A_397 = arith.constant 0 : i32
      %dma_wait3A_398 = tpu.memref_slice %arg23[%dma_wait3A_396, %dma_wait3A_397] : memref<80x128xf32, #tpu.memory_space<vmem>> -> memref<80x128xf32, #tpu.memory_space<vmem>>
      %dma_wait3A_399 = arith.constant 0 : i32
      %dma_wait3A_400 = tpu.memref_slice %arg43[%add3A_88, %dma_wait3A_399] : memref<10112x128xf32, #tpu.memory_space<vmem_shared>> -> memref<80x128xf32, #tpu.memory_space<vmem_shared>>
      %dma_wait3A_401 = arith.constant 0 : i32
      %dma_wait3A_402 = tpu.memref_slice %arg43[%add3A_88, %dma_wait3A_401] : memref<10112x128xf32, #tpu.memory_space<vmem_shared>> -> memref<80x128xf32, #tpu.memory_space<vmem_shared>>
      %dma_wait3A_403 = arith.constant 0 : i32
      %dma_wait3A_404 = arith.constant 0 : i32
      %dma_wait3A_405 = tpu.memref_slice %arg23[%dma_wait3A_403, %dma_wait3A_404] : memref<80x128xf32, #tpu.memory_space<vmem>> -> memref<80x128xf32, #tpu.memory_space<vmem>>
      tpu.wait_dma2 semaphore(%run_scoped3A : memref<!tpu.dma_semaphore, #tpu.memory_space<semaphore_mem>>) src(%dma_wait3A_405 : memref<80x128xf32, #tpu.memory_space<vmem>>) dst(%dma_wait3A_402 : memref<80x128xf32, #tpu.memory_space<vmem_shared>>)
      tpu.yield
    }) : () -> ()
    %add3A_89 = arith.constant 480 : i32
    %add3A_90 = arith.addi %mul3A_0, %add3A_89 : i32
    "tpu.region"() ({
      %run_scoped3A = tpu.sem_alloc : memref<!tpu.dma_semaphore, #tpu.memory_space<semaphore_mem>>
      %dma_start3A_386 = tpu.memref_slice %arg47[%add3A_90] : memref<10112xf32, #tpu.memory_space<vmem_shared>> -> memref<80xf32, #tpu.memory_space<vmem_shared>>
      %dma_start3A_387 = tpu.memref_slice %arg47[%add3A_90] : memref<10112xf32, #tpu.memory_space<vmem_shared>> -> memref<80xf32, #tpu.memory_space<vmem_shared>>
      tpu.enqueue_dma source(%arg44 : memref<80xf32, #tpu.memory_space<vmem>>) target(%dma_start3A_387 : memref<80xf32, #tpu.memory_space<vmem_shared>>) target_semaphore(%run_scoped3A : memref<!tpu.dma_semaphore, #tpu.memory_space<semaphore_mem>>)
      %dma_wait3A_388 = tpu.memref_slice %arg47[%add3A_90] : memref<10112xf32, #tpu.memory_space<vmem_shared>> -> memref<80xf32, #tpu.memory_space<vmem_shared>>
      %dma_wait3A_389 = tpu.memref_slice %arg47[%add3A_90] : memref<10112xf32, #tpu.memory_space<vmem_shared>> -> memref<80xf32, #tpu.memory_space<vmem_shared>>
      tpu.wait_dma2 semaphore(%run_scoped3A : memref<!tpu.dma_semaphore, #tpu.memory_space<semaphore_mem>>) src(%arg44 : memref<80xf32, #tpu.memory_space<vmem>>) dst(%dma_wait3A_389 : memref<80xf32, #tpu.memory_space<vmem_shared>>)
      tpu.yield
    }) : () -> ()
    %add3A_91 = arith.constant 560 : i32
    %add3A_92 = arith.addi %mul3A_0, %add3A_91 : i32
    "tpu.region"() ({
      %run_scoped3A = tpu.sem_alloc : memref<!tpu.dma_semaphore, #tpu.memory_space<semaphore_mem>>
      %dma_start3A_386 = arith.constant 0 : i32
      %dma_start3A_387 = arith.constant 0 : i32
      %dma_start3A_388 = tpu.memref_slice %arg23[%dma_start3A_386, %dma_start3A_387] : memref<80x128xf32, #tpu.memory_space<vmem>> -> memref<72x128xf32, #tpu.memory_space<vmem>>
      %dma_start3A_389 = arith.constant 0 : i32
      %dma_start3A_390 = tpu.memref_slice %arg43[%add3A_92, %dma_start3A_389] : memref<10112x128xf32, #tpu.memory_space<vmem_shared>> -> memref<72x128xf32, #tpu.memory_space<vmem_shared>>
      %dma_start3A_391 = arith.constant 0 : i32
      %dma_start3A_392 = tpu.memref_slice %arg43[%add3A_92, %dma_start3A_391] : memref<10112x128xf32, #tpu.memory_space<vmem_shared>> -> memref<72x128xf32, #tpu.memory_space<vmem_shared>>
      %dma_start3A_393 = arith.constant 0 : i32
      %dma_start3A_394 = arith.constant 0 : i32
      %dma_start3A_395 = tpu.memref_slice %arg23[%dma_start3A_393, %dma_start3A_394] : memref<80x128xf32, #tpu.memory_space<vmem>> -> memref<72x128xf32, #tpu.memory_space<vmem>>
      tpu.enqueue_dma source(%dma_start3A_395 : memref<72x128xf32, #tpu.memory_space<vmem>>) target(%dma_start3A_392 : memref<72x128xf32, #tpu.memory_space<vmem_shared>>) target_semaphore(%run_scoped3A : memref<!tpu.dma_semaphore, #tpu.memory_space<semaphore_mem>>)
      %dma_wait3A_396 = arith.constant 0 : i32
      %dma_wait3A_397 = arith.constant 0 : i32
      %dma_wait3A_398 = tpu.memref_slice %arg23[%dma_wait3A_396, %dma_wait3A_397] : memref<80x128xf32, #tpu.memory_space<vmem>> -> memref<72x128xf32, #tpu.memory_space<vmem>>
      %dma_wait3A_399 = arith.constant 0 : i32
      %dma_wait3A_400 = tpu.memref_slice %arg43[%add3A_92, %dma_wait3A_399] : memref<10112x128xf32, #tpu.memory_space<vmem_shared>> -> memref<72x128xf32, #tpu.memory_space<vmem_shared>>
      %dma_wait3A_401 = arith.constant 0 : i32
      %dma_wait3A_402 = tpu.memref_slice %arg43[%add3A_92, %dma_wait3A_401] : memref<10112x128xf32, #tpu.memory_space<vmem_shared>> -> memref<72x128xf32, #tpu.memory_space<vmem_shared>>
      %dma_wait3A_403 = arith.constant 0 : i32
      %dma_wait3A_404 = arith.constant 0 : i32
      %dma_wait3A_405 = tpu.memref_slice %arg23[%dma_wait3A_403, %dma_wait3A_404] : memref<80x128xf32, #tpu.memory_space<vmem>> -> memref<72x128xf32, #tpu.memory_space<vmem>>
      tpu.wait_dma2 semaphore(%run_scoped3A : memref<!tpu.dma_semaphore, #tpu.memory_space<semaphore_mem>>) src(%dma_wait3A_405 : memref<72x128xf32, #tpu.memory_space<vmem>>) dst(%dma_wait3A_402 : memref<72x128xf32, #tpu.memory_space<vmem_shared>>)
      tpu.yield
    }) : () -> ()
    %add3A_93 = arith.constant 560 : i32
    %add3A_94 = arith.addi %mul3A_0, %add3A_93 : i32
    "tpu.region"() ({
      %run_scoped3A = tpu.sem_alloc : memref<!tpu.dma_semaphore, #tpu.memory_space<semaphore_mem>>
      %dma_start3A_386 = arith.constant 0 : i32
      %dma_start3A_387 = tpu.memref_slice %arg44[%dma_start3A_386] : memref<80xf32, #tpu.memory_space<vmem>> -> memref<72xf32, #tpu.memory_space<vmem>>
      %dma_start3A_388 = tpu.memref_slice %arg47[%add3A_94] : memref<10112xf32, #tpu.memory_space<vmem_shared>> -> memref<72xf32, #tpu.memory_space<vmem_shared>>
      %dma_start3A_389 = tpu.memref_slice %arg47[%add3A_94] : memref<10112xf32, #tpu.memory_space<vmem_shared>> -> memref<72xf32, #tpu.memory_space<vmem_shared>>
      %dma_start3A_390 = arith.constant 0 : i32
      %dma_start3A_391 = tpu.memref_slice %arg44[%dma_start3A_390] : memref<80xf32, #tpu.memory_space<vmem>> -> memref<72xf32, #tpu.memory_space<vmem>>
      tpu.enqueue_dma source(%dma_start3A_391 : memref<72xf32, #tpu.memory_space<vmem>>) target(%dma_start3A_389 : memref<72xf32, #tpu.memory_space<vmem_shared>>) target_semaphore(%run_scoped3A : memref<!tpu.dma_semaphore, #tpu.memory_space<semaphore_mem>>)
      %dma_wait3A_392 = arith.constant 0 : i32
      %dma_wait3A_393 = tpu.memref_slice %arg44[%dma_wait3A_392] : memref<80xf32, #tpu.memory_space<vmem>> -> memref<72xf32, #tpu.memory_space<vmem>>
      %dma_wait3A_394 = tpu.memref_slice %arg47[%add3A_94] : memref<10112xf32, #tpu.memory_space<vmem_shared>> -> memref<72xf32, #tpu.memory_space<vmem_shared>>
      %dma_wait3A_395 = tpu.memref_slice %arg47[%add3A_94] : memref<10112xf32, #tpu.memory_space<vmem_shared>> -> memref<72xf32, #tpu.memory_space<vmem_shared>>
      %dma_wait3A_396 = arith.constant 0 : i32
      %dma_wait3A_397 = tpu.memref_slice %arg44[%dma_wait3A_396] : memref<80xf32, #tpu.memory_space<vmem>> -> memref<72xf32, #tpu.memory_space<vmem>>
      tpu.wait_dma2 semaphore(%run_scoped3A : memref<!tpu.dma_semaphore, #tpu.memory_space<semaphore_mem>>) src(%dma_wait3A_397 : memref<72xf32, #tpu.memory_space<vmem>>) dst(%dma_wait3A_395 : memref<72xf32, #tpu.memory_space<vmem_shared>>)
      tpu.yield
    }) : () -> ()
    %barrier3A = arith.constant 0 : index
    tpu.barrier barrier_id(%barrier3A)
    %mul3A_95 = arith.constant 16 : i32
    %mul3A_96 = arith.muli %arg0, %mul3A_95 : i32
    %add3A_97 = arith.addi %mul3A_96, %arg1 : i32
    %dma_start3A = arith.constant 0 : i32
    %dma_start3A_98 = tpu.memref_slice %arg3[%add3A_97, %dma_start3A] : memref<32x10000xi32, #tpu.memory_space<hbm>> -> memref<1x80xi32, #tpu.memory_space<hbm>>
    %dma_start3A_99 = tpu.memref_squeeze %dma_start3A_98 : memref<1x80xi32, #tpu.memory_space<hbm>> -> memref<80xi32, #tpu.memory_space<hbm>>
    %dma_start3A_100 = arith.constant 0 : i32
    %dma_start3A_101 = tpu.memref_slice %arg3[%add3A_97, %dma_start3A_100] : memref<32x10000xi32, #tpu.memory_space<hbm>> -> memref<1x80xi32, #tpu.memory_space<hbm>>
    %dma_start3A_102 = tpu.memref_squeeze %dma_start3A_101 : memref<1x80xi32, #tpu.memory_space<hbm>> -> memref<80xi32, #tpu.memory_space<hbm>>
    tpu.enqueue_dma source(%dma_start3A_102 : memref<80xi32, #tpu.memory_space<hbm>>) target(%arg7 : memref<80xi32, #tpu.memory_space<vmem>>) target_semaphore(%arg27 : memref<!tpu.dma_semaphore, #tpu.memory_space<semaphore_mem>>)
    %dma_start3A_103 = arith.constant 0 : i32
    %dma_start3A_104 = tpu.memref_slice %arg4[%add3A_97, %dma_start3A_103] : memref<32x10000xi32, #tpu.memory_space<hbm>> -> memref<1x80xi32, #tpu.memory_space<hbm>>
    %dma_start3A_105 = tpu.memref_squeeze %dma_start3A_104 : memref<1x80xi32, #tpu.memory_space<hbm>> -> memref<80xi32, #tpu.memory_space<hbm>>
    %dma_start3A_106 = arith.constant 0 : i32
    %dma_start3A_107 = tpu.memref_slice %arg4[%add3A_97, %dma_start3A_106] : memref<32x10000xi32, #tpu.memory_space<hbm>> -> memref<1x80xi32, #tpu.memory_space<hbm>>
    %dma_start3A_108 = tpu.memref_squeeze %dma_start3A_107 : memref<1x80xi32, #tpu.memory_space<hbm>> -> memref<80xi32, #tpu.memory_space<hbm>>
    tpu.enqueue_dma source(%dma_start3A_108 : memref<80xi32, #tpu.memory_space<hbm>>) target(%arg15 : memref<80xi32, #tpu.memory_space<vmem>>) target_semaphore(%arg27 : memref<!tpu.dma_semaphore, #tpu.memory_space<semaphore_mem>>)
    %dma_start3A_109 = arith.constant 80 : i32
    %dma_start3A_110 = tpu.memref_slice %arg3[%add3A_97, %dma_start3A_109] : memref<32x10000xi32, #tpu.memory_space<hbm>> -> memref<1x80xi32, #tpu.memory_space<hbm>>
    %dma_start3A_111 = tpu.memref_squeeze %dma_start3A_110 : memref<1x80xi32, #tpu.memory_space<hbm>> -> memref<80xi32, #tpu.memory_space<hbm>>
    %dma_start3A_112 = arith.constant 80 : i32
    %dma_start3A_113 = tpu.memref_slice %arg3[%add3A_97, %dma_start3A_112] : memref<32x10000xi32, #tpu.memory_space<hbm>> -> memref<1x80xi32, #tpu.memory_space<hbm>>
    %dma_start3A_114 = tpu.memref_squeeze %dma_start3A_113 : memref<1x80xi32, #tpu.memory_space<hbm>> -> memref<80xi32, #tpu.memory_space<hbm>>
    tpu.enqueue_dma source(%dma_start3A_114 : memref<80xi32, #tpu.memory_space<hbm>>) target(%arg8 : memref<80xi32, #tpu.memory_space<vmem>>) target_semaphore(%arg28 : memref<!tpu.dma_semaphore, #tpu.memory_space<semaphore_mem>>)
    %dma_start3A_115 = arith.constant 80 : i32
    %dma_start3A_116 = tpu.memref_slice %arg4[%add3A_97, %dma_start3A_115] : memref<32x10000xi32, #tpu.memory_space<hbm>> -> memref<1x80xi32, #tpu.memory_space<hbm>>
    %dma_start3A_117 = tpu.memref_squeeze %dma_start3A_116 : memref<1x80xi32, #tpu.memory_space<hbm>> -> memref<80xi32, #tpu.memory_space<hbm>>
    %dma_start3A_118 = arith.constant 80 : i32
    %dma_start3A_119 = tpu.memref_slice %arg4[%add3A_97, %dma_start3A_118] : memref<32x10000xi32, #tpu.memory_space<hbm>> -> memref<1x80xi32, #tpu.memory_space<hbm>>
    %dma_start3A_120 = tpu.memref_squeeze %dma_start3A_119 : memref<1x80xi32, #tpu.memory_space<hbm>> -> memref<80xi32, #tpu.memory_space<hbm>>
    tpu.enqueue_dma source(%dma_start3A_120 : memref<80xi32, #tpu.memory_space<hbm>>) target(%arg16 : memref<80xi32, #tpu.memory_space<vmem>>) target_semaphore(%arg28 : memref<!tpu.dma_semaphore, #tpu.memory_space<semaphore_mem>>)
    %dma_start3A_121 = arith.constant 160 : i32
    %dma_start3A_122 = tpu.memref_slice %arg3[%add3A_97, %dma_start3A_121] : memref<32x10000xi32, #tpu.memory_space<hbm>> -> memref<1x80xi32, #tpu.memory_space<hbm>>
    %dma_start3A_123 = tpu.memref_squeeze %dma_start3A_122 : memref<1x80xi32, #tpu.memory_space<hbm>> -> memref<80xi32, #tpu.memory_space<hbm>>
    %dma_start3A_124 = arith.constant 160 : i32
    %dma_start3A_125 = tpu.memref_slice %arg3[%add3A_97, %dma_start3A_124] : memref<32x10000xi32, #tpu.memory_space<hbm>> -> memref<1x80xi32, #tpu.memory_space<hbm>>
    %dma_start3A_126 = tpu.memref_squeeze %dma_start3A_125 : memref<1x80xi32, #tpu.memory_space<hbm>> -> memref<80xi32, #tpu.memory_space<hbm>>
    tpu.enqueue_dma source(%dma_start3A_126 : memref<80xi32, #tpu.memory_space<hbm>>) target(%arg9 : memref<80xi32, #tpu.memory_space<vmem>>) target_semaphore(%arg29 : memref<!tpu.dma_semaphore, #tpu.memory_space<semaphore_mem>>)
    %dma_start3A_127 = arith.constant 160 : i32
    %dma_start3A_128 = tpu.memref_slice %arg4[%add3A_97, %dma_start3A_127] : memref<32x10000xi32, #tpu.memory_space<hbm>> -> memref<1x80xi32, #tpu.memory_space<hbm>>
    %dma_start3A_129 = tpu.memref_squeeze %dma_start3A_128 : memref<1x80xi32, #tpu.memory_space<hbm>> -> memref<80xi32, #tpu.memory_space<hbm>>
    %dma_start3A_130 = arith.constant 160 : i32
    %dma_start3A_131 = tpu.memref_slice %arg4[%add3A_97, %dma_start3A_130] : memref<32x10000xi32, #tpu.memory_space<hbm>> -> memref<1x80xi32, #tpu.memory_space<hbm>>
    %dma_start3A_132 = tpu.memref_squeeze %dma_start3A_131 : memref<1x80xi32, #tpu.memory_space<hbm>> -> memref<80xi32, #tpu.memory_space<hbm>>
    tpu.enqueue_dma source(%dma_start3A_132 : memref<80xi32, #tpu.memory_space<hbm>>) target(%arg17 : memref<80xi32, #tpu.memory_space<vmem>>) target_semaphore(%arg29 : memref<!tpu.dma_semaphore, #tpu.memory_space<semaphore_mem>>)
    %dma_start3A_133 = arith.constant 240 : i32
    %dma_start3A_134 = tpu.memref_slice %arg3[%add3A_97, %dma_start3A_133] : memref<32x10000xi32, #tpu.memory_space<hbm>> -> memref<1x80xi32, #tpu.memory_space<hbm>>
    %dma_start3A_135 = tpu.memref_squeeze %dma_start3A_134 : memref<1x80xi32, #tpu.memory_space<hbm>> -> memref<80xi32, #tpu.memory_space<hbm>>
    %dma_start3A_136 = arith.constant 240 : i32
    %dma_start3A_137 = tpu.memref_slice %arg3[%add3A_97, %dma_start3A_136] : memref<32x10000xi32, #tpu.memory_space<hbm>> -> memref<1x80xi32, #tpu.memory_space<hbm>>
    %dma_start3A_138 = tpu.memref_squeeze %dma_start3A_137 : memref<1x80xi32, #tpu.memory_space<hbm>> -> memref<80xi32, #tpu.memory_space<hbm>>
    tpu.enqueue_dma source(%dma_start3A_138 : memref<80xi32, #tpu.memory_space<hbm>>) target(%arg10 : memref<80xi32, #tpu.memory_space<vmem>>) target_semaphore(%arg30 : memref<!tpu.dma_semaphore, #tpu.memory_space<semaphore_mem>>)
    %dma_start3A_139 = arith.constant 240 : i32
    %dma_start3A_140 = tpu.memref_slice %arg4[%add3A_97, %dma_start3A_139] : memref<32x10000xi32, #tpu.memory_space<hbm>> -> memref<1x80xi32, #tpu.memory_space<hbm>>
    %dma_start3A_141 = tpu.memref_squeeze %dma_start3A_140 : memref<1x80xi32, #tpu.memory_space<hbm>> -> memref<80xi32, #tpu.memory_space<hbm>>
    %dma_start3A_142 = arith.constant 240 : i32
    %dma_start3A_143 = tpu.memref_slice %arg4[%add3A_97, %dma_start3A_142] : memref<32x10000xi32, #tpu.memory_space<hbm>> -> memref<1x80xi32, #tpu.memory_space<hbm>>
    %dma_start3A_144 = tpu.memref_squeeze %dma_start3A_143 : memref<1x80xi32, #tpu.memory_space<hbm>> -> memref<80xi32, #tpu.memory_space<hbm>>
    tpu.enqueue_dma source(%dma_start3A_144 : memref<80xi32, #tpu.memory_space<hbm>>) target(%arg18 : memref<80xi32, #tpu.memory_space<vmem>>) target_semaphore(%arg30 : memref<!tpu.dma_semaphore, #tpu.memory_space<semaphore_mem>>)
    %dma_start3A_145 = arith.constant 320 : i32
    %dma_start3A_146 = tpu.memref_slice %arg3[%add3A_97, %dma_start3A_145] : memref<32x10000xi32, #tpu.memory_space<hbm>> -> memref<1x80xi32, #tpu.memory_space<hbm>>
    %dma_start3A_147 = tpu.memref_squeeze %dma_start3A_146 : memref<1x80xi32, #tpu.memory_space<hbm>> -> memref<80xi32, #tpu.memory_space<hbm>>
    %dma_start3A_148 = arith.constant 320 : i32
    %dma_start3A_149 = tpu.memref_slice %arg3[%add3A_97, %dma_start3A_148] : memref<32x10000xi32, #tpu.memory_space<hbm>> -> memref<1x80xi32, #tpu.memory_space<hbm>>
    %dma_start3A_150 = tpu.memref_squeeze %dma_start3A_149 : memref<1x80xi32, #tpu.memory_space<hbm>> -> memref<80xi32, #tpu.memory_space<hbm>>
    tpu.enqueue_dma source(%dma_start3A_150 : memref<80xi32, #tpu.memory_space<hbm>>) target(%arg11 : memref<80xi32, #tpu.memory_space<vmem>>) target_semaphore(%arg31 : memref<!tpu.dma_semaphore, #tpu.memory_space<semaphore_mem>>)
    %dma_start3A_151 = arith.constant 320 : i32
    %dma_start3A_152 = tpu.memref_slice %arg4[%add3A_97, %dma_start3A_151] : memref<32x10000xi32, #tpu.memory_space<hbm>> -> memref<1x80xi32, #tpu.memory_space<hbm>>
    %dma_start3A_153 = tpu.memref_squeeze %dma_start3A_152 : memref<1x80xi32, #tpu.memory_space<hbm>> -> memref<80xi32, #tpu.memory_space<hbm>>
    %dma_start3A_154 = arith.constant 320 : i32
    %dma_start3A_155 = tpu.memref_slice %arg4[%add3A_97, %dma_start3A_154] : memref<32x10000xi32, #tpu.memory_space<hbm>> -> memref<1x80xi32, #tpu.memory_space<hbm>>
    %dma_start3A_156 = tpu.memref_squeeze %dma_start3A_155 : memref<1x80xi32, #tpu.memory_space<hbm>> -> memref<80xi32, #tpu.memory_space<hbm>>
    tpu.enqueue_dma source(%dma_start3A_156 : memref<80xi32, #tpu.memory_space<hbm>>) target(%arg19 : memref<80xi32, #tpu.memory_space<vmem>>) target_semaphore(%arg31 : memref<!tpu.dma_semaphore, #tpu.memory_space<semaphore_mem>>)
    %dma_start3A_157 = arith.constant 400 : i32
    %dma_start3A_158 = tpu.memref_slice %arg3[%add3A_97, %dma_start3A_157] : memref<32x10000xi32, #tpu.memory_space<hbm>> -> memref<1x80xi32, #tpu.memory_space<hbm>>
    %dma_start3A_159 = tpu.memref_squeeze %dma_start3A_158 : memref<1x80xi32, #tpu.memory_space<hbm>> -> memref<80xi32, #tpu.memory_space<hbm>>
    %dma_start3A_160 = arith.constant 400 : i32
    %dma_start3A_161 = tpu.memref_slice %arg3[%add3A_97, %dma_start3A_160] : memref<32x10000xi32, #tpu.memory_space<hbm>> -> memref<1x80xi32, #tpu.memory_space<hbm>>
    %dma_start3A_162 = tpu.memref_squeeze %dma_start3A_161 : memref<1x80xi32, #tpu.memory_space<hbm>> -> memref<80xi32, #tpu.memory_space<hbm>>
    tpu.enqueue_dma source(%dma_start3A_162 : memref<80xi32, #tpu.memory_space<hbm>>) target(%arg12 : memref<80xi32, #tpu.memory_space<vmem>>) target_semaphore(%arg32 : memref<!tpu.dma_semaphore, #tpu.memory_space<semaphore_mem>>)
    %dma_start3A_163 = arith.constant 400 : i32
    %dma_start3A_164 = tpu.memref_slice %arg4[%add3A_97, %dma_start3A_163] : memref<32x10000xi32, #tpu.memory_space<hbm>> -> memref<1x80xi32, #tpu.memory_space<hbm>>
    %dma_start3A_165 = tpu.memref_squeeze %dma_start3A_164 : memref<1x80xi32, #tpu.memory_space<hbm>> -> memref<80xi32, #tpu.memory_space<hbm>>
    %dma_start3A_166 = arith.constant 400 : i32
    %dma_start3A_167 = tpu.memref_slice %arg4[%add3A_97, %dma_start3A_166] : memref<32x10000xi32, #tpu.memory_space<hbm>> -> memref<1x80xi32, #tpu.memory_space<hbm>>
    %dma_start3A_168 = tpu.memref_squeeze %dma_start3A_167 : memref<1x80xi32, #tpu.memory_space<hbm>> -> memref<80xi32, #tpu.memory_space<hbm>>
    tpu.enqueue_dma source(%dma_start3A_168 : memref<80xi32, #tpu.memory_space<hbm>>) target(%arg20 : memref<80xi32, #tpu.memory_space<vmem>>) target_semaphore(%arg32 : memref<!tpu.dma_semaphore, #tpu.memory_space<semaphore_mem>>)
    %dma_wait3A = arith.constant 0 : i32
    %dma_wait3A_169 = tpu.memref_slice %arg3[%add3A_97, %dma_wait3A] : memref<32x10000xi32, #tpu.memory_space<hbm>> -> memref<1x80xi32, #tpu.memory_space<hbm>>
    %dma_wait3A_170 = tpu.memref_squeeze %dma_wait3A_169 : memref<1x80xi32, #tpu.memory_space<hbm>> -> memref<80xi32, #tpu.memory_space<hbm>>
    %dma_wait3A_171 = arith.constant 0 : i32
    %dma_wait3A_172 = tpu.memref_slice %arg3[%add3A_97, %dma_wait3A_171] : memref<32x10000xi32, #tpu.memory_space<hbm>> -> memref<1x80xi32, #tpu.memory_space<hbm>>
    %dma_wait3A_173 = tpu.memref_squeeze %dma_wait3A_172 : memref<1x80xi32, #tpu.memory_space<hbm>> -> memref<80xi32, #tpu.memory_space<hbm>>
    tpu.wait_dma2 semaphore(%arg27 : memref<!tpu.dma_semaphore, #tpu.memory_space<semaphore_mem>>) src(%dma_wait3A_173 : memref<80xi32, #tpu.memory_space<hbm>>) dst(%arg7 : memref<80xi32, #tpu.memory_space<vmem>>)
    %dma_wait3A_174 = arith.constant 0 : i32
    %dma_wait3A_175 = tpu.memref_slice %arg4[%add3A_97, %dma_wait3A_174] : memref<32x10000xi32, #tpu.memory_space<hbm>> -> memref<1x80xi32, #tpu.memory_space<hbm>>
    %dma_wait3A_176 = tpu.memref_squeeze %dma_wait3A_175 : memref<1x80xi32, #tpu.memory_space<hbm>> -> memref<80xi32, #tpu.memory_space<hbm>>
    %dma_wait3A_177 = arith.constant 0 : i32
    %dma_wait3A_178 = tpu.memref_slice %arg4[%add3A_97, %dma_wait3A_177] : memref<32x10000xi32, #tpu.memory_space<hbm>> -> memref<1x80xi32, #tpu.memory_space<hbm>>
    %dma_wait3A_179 = tpu.memref_squeeze %dma_wait3A_178 : memref<1x80xi32, #tpu.memory_space<hbm>> -> memref<80xi32, #tpu.memory_space<hbm>>
    tpu.wait_dma2 semaphore(%arg27 : memref<!tpu.dma_semaphore, #tpu.memory_space<semaphore_mem>>) src(%dma_wait3A_179 : memref<80xi32, #tpu.memory_space<hbm>>) dst(%arg15 : memref<80xi32, #tpu.memory_space<vmem>>)
    %dma_start3A_180 = arith.constant 0 : i32
    %dma_start3A_181 = arith.constant 0 : i32
    %dma_start3A_182 = tpu.memref_slice %arg2[%dma_start3A_180, %dma_start3A_181] : memref<10000x128xf32, #tpu.memory_space<hbm>> -> memref<10000x128xf32, #tpu.memory_space<hbm>>
    tpu.enqueue_indirect_dma source(%dma_start3A_182 : memref<10000x128xf32, #tpu.memory_space<hbm>>) target(%arg23 : memref<80x128xf32, #tpu.memory_space<vmem>>) offsets(%arg7 : memref<80xi32, #tpu.memory_space<vmem>>) semaphore(%arg35 : memref<!tpu.dma_semaphore, #tpu.memory_space<semaphore_mem>>)
    %dma_wait3A_183 = arith.constant 80 : i32
    %dma_wait3A_184 = tpu.memref_slice %arg3[%add3A_97, %dma_wait3A_183] : memref<32x10000xi32, #tpu.memory_space<hbm>> -> memref<1x80xi32, #tpu.memory_space<hbm>>
    %dma_wait3A_185 = tpu.memref_squeeze %dma_wait3A_184 : memref<1x80xi32, #tpu.memory_space<hbm>> -> memref<80xi32, #tpu.memory_space<hbm>>
    %dma_wait3A_186 = arith.constant 80 : i32
    %dma_wait3A_187 = tpu.memref_slice %arg3[%add3A_97, %dma_wait3A_186] : memref<32x10000xi32, #tpu.memory_space<hbm>> -> memref<1x80xi32, #tpu.memory_space<hbm>>
    %dma_wait3A_188 = tpu.memref_squeeze %dma_wait3A_187 : memref<1x80xi32, #tpu.memory_space<hbm>> -> memref<80xi32, #tpu.memory_space<hbm>>
    tpu.wait_dma2 semaphore(%arg28 : memref<!tpu.dma_semaphore, #tpu.memory_space<semaphore_mem>>) src(%dma_wait3A_188 : memref<80xi32, #tpu.memory_space<hbm>>) dst(%arg8 : memref<80xi32, #tpu.memory_space<vmem>>)
    %dma_wait3A_189 = arith.constant 80 : i32
    %dma_wait3A_190 = tpu.memref_slice %arg4[%add3A_97, %dma_wait3A_189] : memref<32x10000xi32, #tpu.memory_space<hbm>> -> memref<1x80xi32, #tpu.memory_space<hbm>>
    %dma_wait3A_191 = tpu.memref_squeeze %dma_wait3A_190 : memref<1x80xi32, #tpu.memory_space<hbm>> -> memref<80xi32, #tpu.memory_space<hbm>>
    %dma_wait3A_192 = arith.constant 80 : i32
    %dma_wait3A_193 = tpu.memref_slice %arg4[%add3A_97, %dma_wait3A_192] : memref<32x10000xi32, #tpu.memory_space<hbm>> -> memref<1x80xi32, #tpu.memory_space<hbm>>
    %dma_wait3A_194 = tpu.memref_squeeze %dma_wait3A_193 : memref<1x80xi32, #tpu.memory_space<hbm>> -> memref<80xi32, #tpu.memory_space<hbm>>
    tpu.wait_dma2 semaphore(%arg28 : memref<!tpu.dma_semaphore, #tpu.memory_space<semaphore_mem>>) src(%dma_wait3A_194 : memref<80xi32, #tpu.memory_space<hbm>>) dst(%arg16 : memref<80xi32, #tpu.memory_space<vmem>>)
    %dma_start3A_195 = arith.constant 0 : i32
    %dma_start3A_196 = arith.constant 0 : i32
    %dma_start3A_197 = tpu.memref_slice %arg2[%dma_start3A_195, %dma_start3A_196] : memref<10000x128xf32, #tpu.memory_space<hbm>> -> memref<10000x128xf32, #tpu.memory_space<hbm>>
    tpu.enqueue_indirect_dma source(%dma_start3A_197 : memref<10000x128xf32, #tpu.memory_space<hbm>>) target(%arg24 : memref<80x128xf32, #tpu.memory_space<vmem>>) offsets(%arg8 : memref<80xi32, #tpu.memory_space<vmem>>) semaphore(%arg36 : memref<!tpu.dma_semaphore, #tpu.memory_space<semaphore_mem>>)
    %scan3A_198 = arith.constant 0 : i32
    %scan3A_199 = arith.constant 0 : i32
    %scan3A_200 = arith.constant 15 : i32
    %scan3A_201 = arith.addi %scan3A_199, %scan3A_200 : i32
    %scan3A_202 = arith.constant 1 : i32
    scf.for %scan3A_386 = %scan3A_199 to %scan3A_201 step %scan3A_202  : i32 {
      %mul3A_387 = arith.constant 8 : i32
      %mul3A_388 = arith.muli %mul3A_387, %scan3A_386 : i32
      %add3A_389 = arith.constant 0 : i32
      %add3A_390 = arith.addi %mul3A_388, %add3A_389 : i32
      %ge3A_391 = arith.constant 2 : i32
      %ge3A_392 = arith.cmpi sge, %add3A_390, %ge3A_391 : i32
      %convert_element_type3A_393 = arith.extui %ge3A_392 : i1 to i32
      %cond3A_394 = arith.constant 0 : i32
      %cond3A_395 = arith.cmpi ne, %convert_element_type3A_393, %cond3A_394 : i32
      scf.if %cond3A_395 {
        %dma_wait3A_651 = arith.constant 0 : i32
        %dma_wait3A_652 = tpu.memref_slice %arg47[%dma_wait3A_651] : memref<10112xf32, #tpu.memory_space<vmem_shared>> -> memref<10112xf32, #tpu.memory_space<vmem_shared>>
        tpu.wait_indirect_dma semaphore(%arg41 : memref<!tpu.dma_semaphore, #tpu.memory_space<semaphore_mem>>) src(%arg48 : memref<80xf32, #tpu.memory_space<vmem>>) dst(%dma_wait3A_652 : memref<10112xf32, #tpu.memory_space<vmem_shared>>)
        %dma_wait3A_653 = arith.constant 0 : i32
        %dma_wait3A_654 = arith.constant 0 : i32
        %dma_wait3A_655 = tpu.memref_slice %arg43[%dma_wait3A_653, %dma_wait3A_654] : memref<10112x128xf32, #tpu.memory_space<vmem_shared>> -> memref<10112x128xf32, #tpu.memory_space<vmem_shared>>
        tpu.wait_indirect_dma semaphore(%arg41 : memref<!tpu.dma_semaphore, #tpu.memory_space<semaphore_mem>>) src(%arg25 : memref<80x128xf32, #tpu.memory_space<vmem>>) dst(%dma_wait3A_655 : memref<10112x128xf32, #tpu.memory_space<vmem_shared>>)
      } else {
      }
      %add3A_396 = arith.constant 8 : i32
      %add3A_397 = arith.addi %add3A_390, %add3A_396 : i32
      %sub3A_398 = arith.constant 2 : i32
      %sub3A_399 = arith.subi %add3A_397, %sub3A_398 : i32
      %lt3A_400 = arith.constant 125 : i32
      %lt3A_401 = arith.cmpi slt, %sub3A_399, %lt3A_400 : i32
      %convert_element_type3A_402 = arith.extui %lt3A_401 : i1 to i32
      %cond3A_403 = arith.constant 0 : i32
      %cond3A_404 = arith.cmpi ne, %convert_element_type3A_402, %cond3A_403 : i32
      scf.if %cond3A_404 {
        %add3A_651 = arith.constant 8 : i32
        %add3A_652 = arith.addi %add3A_390, %add3A_651 : i32
        %sub3A_653 = arith.constant 2 : i32
        %sub3A_654 = arith.subi %add3A_652, %sub3A_653 : i32
        %mul3A_655 = arith.constant 80 : i32
        %mul3A_656 = arith.muli %sub3A_654, %mul3A_655 : i32
        %mul3A_657 = arith.constant 80 : i32
        %mul3A_658 = arith.muli %sub3A_654, %mul3A_657 : i32
        %dma_start3A_659 = tpu.memref_slice %arg3[%add3A_97, %mul3A_656] : memref<32x10000xi32, #tpu.memory_space<hbm>> -> memref<1x80xi32, #tpu.memory_space<hbm>>
        %dma_start3A_660 = tpu.memref_squeeze %dma_start3A_659 : memref<1x80xi32, #tpu.memory_space<hbm>> -> memref<80xi32, #tpu.memory_space<hbm>>
        %dma_start3A_661 = tpu.memref_slice %arg3[%add3A_97, %mul3A_656] : memref<32x10000xi32, #tpu.memory_space<hbm>> -> memref<1x80xi32, #tpu.memory_space<hbm>>
        %dma_start3A_662 = tpu.memref_squeeze %dma_start3A_661 : memref<1x80xi32, #tpu.memory_space<hbm>> -> memref<80xi32, #tpu.memory_space<hbm>>
        tpu.enqueue_dma source(%dma_start3A_662 : memref<80xi32, #tpu.memory_space<hbm>>) target(%arg13 : memref<80xi32, #tpu.memory_space<vmem>>) target_semaphore(%arg33 : memref<!tpu.dma_semaphore, #tpu.memory_space<semaphore_mem>>)
        %dma_start3A_663 = tpu.memref_slice %arg4[%add3A_97, %mul3A_658] : memref<32x10000xi32, #tpu.memory_space<hbm>> -> memref<1x80xi32, #tpu.memory_space<hbm>>
        %dma_start3A_664 = tpu.memref_squeeze %dma_start3A_663 : memref<1x80xi32, #tpu.memory_space<hbm>> -> memref<80xi32, #tpu.memory_space<hbm>>
        %dma_start3A_665 = tpu.memref_slice %arg4[%add3A_97, %mul3A_658] : memref<32x10000xi32, #tpu.memory_space<hbm>> -> memref<1x80xi32, #tpu.memory_space<hbm>>
        %dma_start3A_666 = tpu.memref_squeeze %dma_start3A_665 : memref<1x80xi32, #tpu.memory_space<hbm>> -> memref<80xi32, #tpu.memory_space<hbm>>
        tpu.enqueue_dma source(%dma_start3A_666 : memref<80xi32, #tpu.memory_space<hbm>>) target(%arg21 : memref<80xi32, #tpu.memory_space<vmem>>) target_semaphore(%arg33 : memref<!tpu.dma_semaphore, #tpu.memory_space<semaphore_mem>>)
      } else {
      }
      %add3A_405 = arith.constant 2 : i32
      %add3A_406 = arith.addi %add3A_390, %add3A_405 : i32
      %lt3A_407 = arith.constant 125 : i32
      %lt3A_408 = arith.cmpi slt, %add3A_406, %lt3A_407 : i32
      %convert_element_type3A_409 = arith.extui %lt3A_408 : i1 to i32
      %cond3A_410 = arith.constant 0 : i32
      %cond3A_411 = arith.cmpi ne, %convert_element_type3A_409, %cond3A_410 : i32
      scf.if %cond3A_411 {
        %add3A_651 = arith.constant 2 : i32
        %add3A_652 = arith.addi %add3A_390, %add3A_651 : i32
        %mul3A_653 = arith.constant 80 : i32
        %mul3A_654 = arith.muli %add3A_652, %mul3A_653 : i32
        %mul3A_655 = arith.constant 80 : i32
        %mul3A_656 = arith.muli %add3A_652, %mul3A_655 : i32
        %dma_wait3A_657 = tpu.memref_slice %arg3[%add3A_97, %mul3A_654] : memref<32x10000xi32, #tpu.memory_space<hbm>> -> memref<1x80xi32, #tpu.memory_space<hbm>>
        %dma_wait3A_658 = tpu.memref_squeeze %dma_wait3A_657 : memref<1x80xi32, #tpu.memory_space<hbm>> -> memref<80xi32, #tpu.memory_space<hbm>>
        %dma_wait3A_659 = tpu.memref_slice %arg3[%add3A_97, %mul3A_654] : memref<32x10000xi32, #tpu.memory_space<hbm>> -> memref<1x80xi32, #tpu.memory_space<hbm>>
        %dma_wait3A_660 = tpu.memref_squeeze %dma_wait3A_659 : memref<1x80xi32, #tpu.memory_space<hbm>> -> memref<80xi32, #tpu.memory_space<hbm>>
        tpu.wait_dma2 semaphore(%arg29 : memref<!tpu.dma_semaphore, #tpu.memory_space<semaphore_mem>>) src(%dma_wait3A_660 : memref<80xi32, #tpu.memory_space<hbm>>) dst(%arg9 : memref<80xi32, #tpu.memory_space<vmem>>)
        %dma_wait3A_661 = tpu.memref_slice %arg4[%add3A_97, %mul3A_656] : memref<32x10000xi32, #tpu.memory_space<hbm>> -> memref<1x80xi32, #tpu.memory_space<hbm>>
        %dma_wait3A_662 = tpu.memref_squeeze %dma_wait3A_661 : memref<1x80xi32, #tpu.memory_space<hbm>> -> memref<80xi32, #tpu.memory_space<hbm>>
        %dma_wait3A_663 = tpu.memref_slice %arg4[%add3A_97, %mul3A_656] : memref<32x10000xi32, #tpu.memory_space<hbm>> -> memref<1x80xi32, #tpu.memory_space<hbm>>
        %dma_wait3A_664 = tpu.memref_squeeze %dma_wait3A_663 : memref<1x80xi32, #tpu.memory_space<hbm>> -> memref<80xi32, #tpu.memory_space<hbm>>
        tpu.wait_dma2 semaphore(%arg29 : memref<!tpu.dma_semaphore, #tpu.memory_space<semaphore_mem>>) src(%dma_wait3A_664 : memref<80xi32, #tpu.memory_space<hbm>>) dst(%arg17 : memref<80xi32, #tpu.memory_space<vmem>>)
        %dma_start3A_665 = arith.constant 0 : i32
        %dma_start3A_666 = arith.constant 0 : i32
        %dma_start3A_667 = tpu.memref_slice %arg2[%dma_start3A_665, %dma_start3A_666] : memref<10000x128xf32, #tpu.memory_space<hbm>> -> memref<10000x128xf32, #tpu.memory_space<hbm>>
        tpu.enqueue_indirect_dma source(%dma_start3A_667 : memref<10000x128xf32, #tpu.memory_space<hbm>>) target(%arg25 : memref<80x128xf32, #tpu.memory_space<vmem>>) offsets(%arg9 : memref<80xi32, #tpu.memory_space<vmem>>) semaphore(%arg37 : memref<!tpu.dma_semaphore, #tpu.memory_space<semaphore_mem>>)
      } else {
      }
      %dma_wait3A_412 = arith.constant 0 : i32
      %dma_wait3A_413 = arith.constant 0 : i32
      %dma_wait3A_414 = tpu.memref_slice %arg2[%dma_wait3A_412, %dma_wait3A_413] : memref<10000x128xf32, #tpu.memory_space<hbm>> -> memref<10000x128xf32, #tpu.memory_space<hbm>>
      tpu.wait_indirect_dma semaphore(%arg35 : memref<!tpu.dma_semaphore, #tpu.memory_space<semaphore_mem>>) src(%dma_wait3A_414 : memref<10000x128xf32, #tpu.memory_space<hbm>>) dst(%arg23 : memref<80x128xf32, #tpu.memory_space<vmem>>)
      %dma_start3A_415 = arith.constant 0 : i32
      %dma_start3A_416 = tpu.memref_slice %arg47[%dma_start3A_415] : memref<10112xf32, #tpu.memory_space<vmem_shared>> -> memref<10112xf32, #tpu.memory_space<vmem_shared>>
      tpu.enqueue_indirect_dma source(%arg48 : memref<80xf32, #tpu.memory_space<vmem>>) target(%dma_start3A_416 : memref<10112xf32, #tpu.memory_space<vmem_shared>>) offsets(%arg15 : memref<80xi32, #tpu.memory_space<vmem>>) semaphore(%arg39 : memref<!tpu.dma_semaphore, #tpu.memory_space<semaphore_mem>>) {add = true}
      %dma_start3A_417 = arith.constant 0 : i32
      %dma_start3A_418 = arith.constant 0 : i32
      %dma_start3A_419 = tpu.memref_slice %arg43[%dma_start3A_417, %dma_start3A_418] : memref<10112x128xf32, #tpu.memory_space<vmem_shared>> -> memref<10112x128xf32, #tpu.memory_space<vmem_shared>>
      tpu.enqueue_indirect_dma source(%arg23 : memref<80x128xf32, #tpu.memory_space<vmem>>) target(%dma_start3A_419 : memref<10112x128xf32, #tpu.memory_space<vmem_shared>>) offsets(%arg15 : memref<80xi32, #tpu.memory_space<vmem>>) semaphore(%arg39 : memref<!tpu.dma_semaphore, #tpu.memory_space<semaphore_mem>>) {add = true}
      %mul3A_420 = arith.constant 8 : i32
      %mul3A_421 = arith.muli %mul3A_420, %scan3A_386 : i32
      %add3A_422 = arith.constant 1 : i32
      %add3A_423 = arith.addi %mul3A_421, %add3A_422 : i32
      %ge3A_424 = arith.constant 2 : i32
      %ge3A_425 = arith.cmpi sge, %add3A_423, %ge3A_424 : i32
      %convert_element_type3A_426 = arith.extui %ge3A_425 : i1 to i32
      %cond3A_427 = arith.constant 0 : i32
      %cond3A_428 = arith.cmpi ne, %convert_element_type3A_426, %cond3A_427 : i32
      scf.if %cond3A_428 {
        %dma_wait3A_651 = arith.constant 0 : i32
        %dma_wait3A_652 = tpu.memref_slice %arg47[%dma_wait3A_651] : memref<10112xf32, #tpu.memory_space<vmem_shared>> -> memref<10112xf32, #tpu.memory_space<vmem_shared>>
        tpu.wait_indirect_dma semaphore(%arg42 : memref<!tpu.dma_semaphore, #tpu.memory_space<semaphore_mem>>) src(%arg48 : memref<80xf32, #tpu.memory_space<vmem>>) dst(%dma_wait3A_652 : memref<10112xf32, #tpu.memory_space<vmem_shared>>)
        %dma_wait3A_653 = arith.constant 0 : i32
        %dma_wait3A_654 = arith.constant 0 : i32
        %dma_wait3A_655 = tpu.memref_slice %arg43[%dma_wait3A_653, %dma_wait3A_654] : memref<10112x128xf32, #tpu.memory_space<vmem_shared>> -> memref<10112x128xf32, #tpu.memory_space<vmem_shared>>
        tpu.wait_indirect_dma semaphore(%arg42 : memref<!tpu.dma_semaphore, #tpu.memory_space<semaphore_mem>>) src(%arg26 : memref<80x128xf32, #tpu.memory_space<vmem>>) dst(%dma_wait3A_655 : memref<10112x128xf32, #tpu.memory_space<vmem_shared>>)
      } else {
      }
      %add3A_429 = arith.constant 8 : i32
      %add3A_430 = arith.addi %add3A_423, %add3A_429 : i32
      %sub3A_431 = arith.constant 2 : i32
      %sub3A_432 = arith.subi %add3A_430, %sub3A_431 : i32
      %lt3A_433 = arith.constant 125 : i32
      %lt3A_434 = arith.cmpi slt, %sub3A_432, %lt3A_433 : i32
      %convert_element_type3A_435 = arith.extui %lt3A_434 : i1 to i32
      %cond3A_436 = arith.constant 0 : i32
      %cond3A_437 = arith.cmpi ne, %convert_element_type3A_435, %cond3A_436 : i32
      scf.if %cond3A_437 {
        %add3A_651 = arith.constant 8 : i32
        %add3A_652 = arith.addi %add3A_423, %add3A_651 : i32
        %sub3A_653 = arith.constant 2 : i32
        %sub3A_654 = arith.subi %add3A_652, %sub3A_653 : i32
        %mul3A_655 = arith.constant 80 : i32
        %mul3A_656 = arith.muli %sub3A_654, %mul3A_655 : i32
        %mul3A_657 = arith.constant 80 : i32
        %mul3A_658 = arith.muli %sub3A_654, %mul3A_657 : i32
        %dma_start3A_659 = tpu.memref_slice %arg3[%add3A_97, %mul3A_656] : memref<32x10000xi32, #tpu.memory_space<hbm>> -> memref<1x80xi32, #tpu.memory_space<hbm>>
        %dma_start3A_660 = tpu.memref_squeeze %dma_start3A_659 : memref<1x80xi32, #tpu.memory_space<hbm>> -> memref<80xi32, #tpu.memory_space<hbm>>
        %dma_start3A_661 = tpu.memref_slice %arg3[%add3A_97, %mul3A_656] : memref<32x10000xi32, #tpu.memory_space<hbm>> -> memref<1x80xi32, #tpu.memory_space<hbm>>
        %dma_start3A_662 = tpu.memref_squeeze %dma_start3A_661 : memref<1x80xi32, #tpu.memory_space<hbm>> -> memref<80xi32, #tpu.memory_space<hbm>>
        tpu.enqueue_dma source(%dma_start3A_662 : memref<80xi32, #tpu.memory_space<hbm>>) target(%arg14 : memref<80xi32, #tpu.memory_space<vmem>>) target_semaphore(%arg34 : memref<!tpu.dma_semaphore, #tpu.memory_space<semaphore_mem>>)
        %dma_start3A_663 = tpu.memref_slice %arg4[%add3A_97, %mul3A_658] : memref<32x10000xi32, #tpu.memory_space<hbm>> -> memref<1x80xi32, #tpu.memory_space<hbm>>
        %dma_start3A_664 = tpu.memref_squeeze %dma_start3A_663 : memref<1x80xi32, #tpu.memory_space<hbm>> -> memref<80xi32, #tpu.memory_space<hbm>>
        %dma_start3A_665 = tpu.memref_slice %arg4[%add3A_97, %mul3A_658] : memref<32x10000xi32, #tpu.memory_space<hbm>> -> memref<1x80xi32, #tpu.memory_space<hbm>>
        %dma_start3A_666 = tpu.memref_squeeze %dma_start3A_665 : memref<1x80xi32, #tpu.memory_space<hbm>> -> memref<80xi32, #tpu.memory_space<hbm>>
        tpu.enqueue_dma source(%dma_start3A_666 : memref<80xi32, #tpu.memory_space<hbm>>) target(%arg22 : memref<80xi32, #tpu.memory_space<vmem>>) target_semaphore(%arg34 : memref<!tpu.dma_semaphore, #tpu.memory_space<semaphore_mem>>)
      } else {
      }
      %add3A_438 = arith.constant 2 : i32
      %add3A_439 = arith.addi %add3A_423, %add3A_438 : i32
      %lt3A_440 = arith.constant 125 : i32
      %lt3A_441 = arith.cmpi slt, %add3A_439, %lt3A_440 : i32
      %convert_element_type3A_442 = arith.extui %lt3A_441 : i1 to i32
      %cond3A_443 = arith.constant 0 : i32
      %cond3A_444 = arith.cmpi ne, %convert_element_type3A_442, %cond3A_443 : i32
      scf.if %cond3A_444 {
        %add3A_651 = arith.constant 2 : i32
        %add3A_652 = arith.addi %add3A_423, %add3A_651 : i32
        %mul3A_653 = arith.constant 80 : i32
        %mul3A_654 = arith.muli %add3A_652, %mul3A_653 : i32
        %mul3A_655 = arith.constant 80 : i32
        %mul3A_656 = arith.muli %add3A_652, %mul3A_655 : i32
        %dma_wait3A_657 = tpu.memref_slice %arg3[%add3A_97, %mul3A_654] : memref<32x10000xi32, #tpu.memory_space<hbm>> -> memref<1x80xi32, #tpu.memory_space<hbm>>
        %dma_wait3A_658 = tpu.memref_squeeze %dma_wait3A_657 : memref<1x80xi32, #tpu.memory_space<hbm>> -> memref<80xi32, #tpu.memory_space<hbm>>
        %dma_wait3A_659 = tpu.memref_slice %arg3[%add3A_97, %mul3A_654] : memref<32x10000xi32, #tpu.memory_space<hbm>> -> memref<1x80xi32, #tpu.memory_space<hbm>>
        %dma_wait3A_660 = tpu.memref_squeeze %dma_wait3A_659 : memref<1x80xi32, #tpu.memory_space<hbm>> -> memref<80xi32, #tpu.memory_space<hbm>>
        tpu.wait_dma2 semaphore(%arg30 : memref<!tpu.dma_semaphore, #tpu.memory_space<semaphore_mem>>) src(%dma_wait3A_660 : memref<80xi32, #tpu.memory_space<hbm>>) dst(%arg10 : memref<80xi32, #tpu.memory_space<vmem>>)
        %dma_wait3A_661 = tpu.memref_slice %arg4[%add3A_97, %mul3A_656] : memref<32x10000xi32, #tpu.memory_space<hbm>> -> memref<1x80xi32, #tpu.memory_space<hbm>>
        %dma_wait3A_662 = tpu.memref_squeeze %dma_wait3A_661 : memref<1x80xi32, #tpu.memory_space<hbm>> -> memref<80xi32, #tpu.memory_space<hbm>>
        %dma_wait3A_663 = tpu.memref_slice %arg4[%add3A_97, %mul3A_656] : memref<32x10000xi32, #tpu.memory_space<hbm>> -> memref<1x80xi32, #tpu.memory_space<hbm>>
        %dma_wait3A_664 = tpu.memref_squeeze %dma_wait3A_663 : memref<1x80xi32, #tpu.memory_space<hbm>> -> memref<80xi32, #tpu.memory_space<hbm>>
        tpu.wait_dma2 semaphore(%arg30 : memref<!tpu.dma_semaphore, #tpu.memory_space<semaphore_mem>>) src(%dma_wait3A_664 : memref<80xi32, #tpu.memory_space<hbm>>) dst(%arg18 : memref<80xi32, #tpu.memory_space<vmem>>)
        %dma_start3A_665 = arith.constant 0 : i32
        %dma_start3A_666 = arith.constant 0 : i32
        %dma_start3A_667 = tpu.memref_slice %arg2[%dma_start3A_665, %dma_start3A_666] : memref<10000x128xf32, #tpu.memory_space<hbm>> -> memref<10000x128xf32, #tpu.memory_space<hbm>>
        tpu.enqueue_indirect_dma source(%dma_start3A_667 : memref<10000x128xf32, #tpu.memory_space<hbm>>) target(%arg26 : memref<80x128xf32, #tpu.memory_space<vmem>>) offsets(%arg10 : memref<80xi32, #tpu.memory_space<vmem>>) semaphore(%arg38 : memref<!tpu.dma_semaphore, #tpu.memory_space<semaphore_mem>>)
      } else {
      }
      %dma_wait3A_445 = arith.constant 0 : i32
      %dma_wait3A_446 = arith.constant 0 : i32
      %dma_wait3A_447 = tpu.memref_slice %arg2[%dma_wait3A_445, %dma_wait3A_446] : memref<10000x128xf32, #tpu.memory_space<hbm>> -> memref<10000x128xf32, #tpu.memory_space<hbm>>
      tpu.wait_indirect_dma semaphore(%arg36 : memref<!tpu.dma_semaphore, #tpu.memory_space<semaphore_mem>>) src(%dma_wait3A_447 : memref<10000x128xf32, #tpu.memory_space<hbm>>) dst(%arg24 : memref<80x128xf32, #tpu.memory_space<vmem>>)
      %dma_start3A_448 = arith.constant 0 : i32
      %dma_start3A_449 = tpu.memref_slice %arg47[%dma_start3A_448] : memref<10112xf32, #tpu.memory_space<vmem_shared>> -> memref<10112xf32, #tpu.memory_space<vmem_shared>>
      tpu.enqueue_indirect_dma source(%arg48 : memref<80xf32, #tpu.memory_space<vmem>>) target(%dma_start3A_449 : memref<10112xf32, #tpu.memory_space<vmem_shared>>) offsets(%arg16 : memref<80xi32, #tpu.memory_space<vmem>>) semaphore(%arg40 : memref<!tpu.dma_semaphore, #tpu.memory_space<semaphore_mem>>) {add = true}
      %dma_start3A_450 = arith.constant 0 : i32
      %dma_start3A_451 = arith.constant 0 : i32
      %dma_start3A_452 = tpu.memref_slice %arg43[%dma_start3A_450, %dma_start3A_451] : memref<10112x128xf32, #tpu.memory_space<vmem_shared>> -> memref<10112x128xf32, #tpu.memory_space<vmem_shared>>
      tpu.enqueue_indirect_dma source(%arg24 : memref<80x128xf32, #tpu.memory_space<vmem>>) target(%dma_start3A_452 : memref<10112x128xf32, #tpu.memory_space<vmem_shared>>) offsets(%arg16 : memref<80xi32, #tpu.memory_space<vmem>>) semaphore(%arg40 : memref<!tpu.dma_semaphore, #tpu.memory_space<semaphore_mem>>) {add = true}
      %mul3A_453 = arith.constant 8 : i32
      %mul3A_454 = arith.muli %mul3A_453, %scan3A_386 : i32
      %add3A_455 = arith.constant 2 : i32
      %add3A_456 = arith.addi %mul3A_454, %add3A_455 : i32
      %ge3A_457 = arith.constant 2 : i32
      %ge3A_458 = arith.cmpi sge, %add3A_456, %ge3A_457 : i32
      %convert_element_type3A_459 = arith.extui %ge3A_458 : i1 to i32
      %cond3A_460 = arith.constant 0 : i32
      %cond3A_461 = arith.cmpi ne, %convert_element_type3A_459, %cond3A_460 : i32
      scf.if %cond3A_461 {
        %dma_wait3A_651 = arith.constant 0 : i32
        %dma_wait3A_652 = tpu.memref_slice %arg47[%dma_wait3A_651] : memref<10112xf32, #tpu.memory_space<vmem_shared>> -> memref<10112xf32, #tpu.memory_space<vmem_shared>>
        tpu.wait_indirect_dma semaphore(%arg39 : memref<!tpu.dma_semaphore, #tpu.memory_space<semaphore_mem>>) src(%arg48 : memref<80xf32, #tpu.memory_space<vmem>>) dst(%dma_wait3A_652 : memref<10112xf32, #tpu.memory_space<vmem_shared>>)
        %dma_wait3A_653 = arith.constant 0 : i32
        %dma_wait3A_654 = arith.constant 0 : i32
        %dma_wait3A_655 = tpu.memref_slice %arg43[%dma_wait3A_653, %dma_wait3A_654] : memref<10112x128xf32, #tpu.memory_space<vmem_shared>> -> memref<10112x128xf32, #tpu.memory_space<vmem_shared>>
        tpu.wait_indirect_dma semaphore(%arg39 : memref<!tpu.dma_semaphore, #tpu.memory_space<semaphore_mem>>) src(%arg23 : memref<80x128xf32, #tpu.memory_space<vmem>>) dst(%dma_wait3A_655 : memref<10112x128xf32, #tpu.memory_space<vmem_shared>>)
      } else {
      }
      %add3A_462 = arith.constant 8 : i32
      %add3A_463 = arith.addi %add3A_456, %add3A_462 : i32
      %sub3A_464 = arith.constant 2 : i32
      %sub3A_465 = arith.subi %add3A_463, %sub3A_464 : i32
      %lt3A_466 = arith.constant 125 : i32
      %lt3A_467 = arith.cmpi slt, %sub3A_465, %lt3A_466 : i32
      %convert_element_type3A_468 = arith.extui %lt3A_467 : i1 to i32
      %cond3A_469 = arith.constant 0 : i32
      %cond3A_470 = arith.cmpi ne, %convert_element_type3A_468, %cond3A_469 : i32
      scf.if %cond3A_470 {
        %add3A_651 = arith.constant 8 : i32
        %add3A_652 = arith.addi %add3A_456, %add3A_651 : i32
        %sub3A_653 = arith.constant 2 : i32
        %sub3A_654 = arith.subi %add3A_652, %sub3A_653 : i32
        %mul3A_655 = arith.constant 80 : i32
        %mul3A_656 = arith.muli %sub3A_654, %mul3A_655 : i32
        %mul3A_657 = arith.constant 80 : i32
        %mul3A_658 = arith.muli %sub3A_654, %mul3A_657 : i32
        %dma_start3A_659 = tpu.memref_slice %arg3[%add3A_97, %mul3A_656] : memref<32x10000xi32, #tpu.memory_space<hbm>> -> memref<1x80xi32, #tpu.memory_space<hbm>>
        %dma_start3A_660 = tpu.memref_squeeze %dma_start3A_659 : memref<1x80xi32, #tpu.memory_space<hbm>> -> memref<80xi32, #tpu.memory_space<hbm>>
        %dma_start3A_661 = tpu.memref_slice %arg3[%add3A_97, %mul3A_656] : memref<32x10000xi32, #tpu.memory_space<hbm>> -> memref<1x80xi32, #tpu.memory_space<hbm>>
        %dma_start3A_662 = tpu.memref_squeeze %dma_start3A_661 : memref<1x80xi32, #tpu.memory_space<hbm>> -> memref<80xi32, #tpu.memory_space<hbm>>
        tpu.enqueue_dma source(%dma_start3A_662 : memref<80xi32, #tpu.memory_space<hbm>>) target(%arg7 : memref<80xi32, #tpu.memory_space<vmem>>) target_semaphore(%arg27 : memref<!tpu.dma_semaphore, #tpu.memory_space<semaphore_mem>>)
        %dma_start3A_663 = tpu.memref_slice %arg4[%add3A_97, %mul3A_658] : memref<32x10000xi32, #tpu.memory_space<hbm>> -> memref<1x80xi32, #tpu.memory_space<hbm>>
        %dma_start3A_664 = tpu.memref_squeeze %dma_start3A_663 : memref<1x80xi32, #tpu.memory_space<hbm>> -> memref<80xi32, #tpu.memory_space<hbm>>
        %dma_start3A_665 = tpu.memref_slice %arg4[%add3A_97, %mul3A_658] : memref<32x10000xi32, #tpu.memory_space<hbm>> -> memref<1x80xi32, #tpu.memory_space<hbm>>
        %dma_start3A_666 = tpu.memref_squeeze %dma_start3A_665 : memref<1x80xi32, #tpu.memory_space<hbm>> -> memref<80xi32, #tpu.memory_space<hbm>>
        tpu.enqueue_dma source(%dma_start3A_666 : memref<80xi32, #tpu.memory_space<hbm>>) target(%arg15 : memref<80xi32, #tpu.memory_space<vmem>>) target_semaphore(%arg27 : memref<!tpu.dma_semaphore, #tpu.memory_space<semaphore_mem>>)
      } else {
      }
      %add3A_471 = arith.constant 2 : i32
      %add3A_472 = arith.addi %add3A_456, %add3A_471 : i32
      %lt3A_473 = arith.constant 125 : i32
      %lt3A_474 = arith.cmpi slt, %add3A_472, %lt3A_473 : i32
      %convert_element_type3A_475 = arith.extui %lt3A_474 : i1 to i32
      %cond3A_476 = arith.constant 0 : i32
      %cond3A_477 = arith.cmpi ne, %convert_element_type3A_475, %cond3A_476 : i32
      scf.if %cond3A_477 {
        %add3A_651 = arith.constant 2 : i32
        %add3A_652 = arith.addi %add3A_456, %add3A_651 : i32
        %mul3A_653 = arith.constant 80 : i32
        %mul3A_654 = arith.muli %add3A_652, %mul3A_653 : i32
        %mul3A_655 = arith.constant 80 : i32
        %mul3A_656 = arith.muli %add3A_652, %mul3A_655 : i32
        %dma_wait3A_657 = tpu.memref_slice %arg3[%add3A_97, %mul3A_654] : memref<32x10000xi32, #tpu.memory_space<hbm>> -> memref<1x80xi32, #tpu.memory_space<hbm>>
        %dma_wait3A_658 = tpu.memref_squeeze %dma_wait3A_657 : memref<1x80xi32, #tpu.memory_space<hbm>> -> memref<80xi32, #tpu.memory_space<hbm>>
        %dma_wait3A_659 = tpu.memref_slice %arg3[%add3A_97, %mul3A_654] : memref<32x10000xi32, #tpu.memory_space<hbm>> -> memref<1x80xi32, #tpu.memory_space<hbm>>
        %dma_wait3A_660 = tpu.memref_squeeze %dma_wait3A_659 : memref<1x80xi32, #tpu.memory_space<hbm>> -> memref<80xi32, #tpu.memory_space<hbm>>
        tpu.wait_dma2 semaphore(%arg31 : memref<!tpu.dma_semaphore, #tpu.memory_space<semaphore_mem>>) src(%dma_wait3A_660 : memref<80xi32, #tpu.memory_space<hbm>>) dst(%arg11 : memref<80xi32, #tpu.memory_space<vmem>>)
        %dma_wait3A_661 = tpu.memref_slice %arg4[%add3A_97, %mul3A_656] : memref<32x10000xi32, #tpu.memory_space<hbm>> -> memref<1x80xi32, #tpu.memory_space<hbm>>
        %dma_wait3A_662 = tpu.memref_squeeze %dma_wait3A_661 : memref<1x80xi32, #tpu.memory_space<hbm>> -> memref<80xi32, #tpu.memory_space<hbm>>
        %dma_wait3A_663 = tpu.memref_slice %arg4[%add3A_97, %mul3A_656] : memref<32x10000xi32, #tpu.memory_space<hbm>> -> memref<1x80xi32, #tpu.memory_space<hbm>>
        %dma_wait3A_664 = tpu.memref_squeeze %dma_wait3A_663 : memref<1x80xi32, #tpu.memory_space<hbm>> -> memref<80xi32, #tpu.memory_space<hbm>>
        tpu.wait_dma2 semaphore(%arg31 : memref<!tpu.dma_semaphore, #tpu.memory_space<semaphore_mem>>) src(%dma_wait3A_664 : memref<80xi32, #tpu.memory_space<hbm>>) dst(%arg19 : memref<80xi32, #tpu.memory_space<vmem>>)
        %dma_start3A_665 = arith.constant 0 : i32
        %dma_start3A_666 = arith.constant 0 : i32
        %dma_start3A_667 = tpu.memref_slice %arg2[%dma_start3A_665, %dma_start3A_666] : memref<10000x128xf32, #tpu.memory_space<hbm>> -> memref<10000x128xf32, #tpu.memory_space<hbm>>
        tpu.enqueue_indirect_dma source(%dma_start3A_667 : memref<10000x128xf32, #tpu.memory_space<hbm>>) target(%arg23 : memref<80x128xf32, #tpu.memory_space<vmem>>) offsets(%arg11 : memref<80xi32, #tpu.memory_space<vmem>>) semaphore(%arg35 : memref<!tpu.dma_semaphore, #tpu.memory_space<semaphore_mem>>)
      } else {
      }
      %dma_wait3A_478 = arith.constant 0 : i32
      %dma_wait3A_479 = arith.constant 0 : i32
      %dma_wait3A_480 = tpu.memref_slice %arg2[%dma_wait3A_478, %dma_wait3A_479] : memref<10000x128xf32, #tpu.memory_space<hbm>> -> memref<10000x128xf32, #tpu.memory_space<hbm>>
      tpu.wait_indirect_dma semaphore(%arg37 : memref<!tpu.dma_semaphore, #tpu.memory_space<semaphore_mem>>) src(%dma_wait3A_480 : memref<10000x128xf32, #tpu.memory_space<hbm>>) dst(%arg25 : memref<80x128xf32, #tpu.memory_space<vmem>>)
      %dma_start3A_481 = arith.constant 0 : i32
      %dma_start3A_482 = tpu.memref_slice %arg47[%dma_start3A_481] : memref<10112xf32, #tpu.memory_space<vmem_shared>> -> memref<10112xf32, #tpu.memory_space<vmem_shared>>
      tpu.enqueue_indirect_dma source(%arg48 : memref<80xf32, #tpu.memory_space<vmem>>) target(%dma_start3A_482 : memref<10112xf32, #tpu.memory_space<vmem_shared>>) offsets(%arg17 : memref<80xi32, #tpu.memory_space<vmem>>) semaphore(%arg41 : memref<!tpu.dma_semaphore, #tpu.memory_space<semaphore_mem>>) {add = true}
      %dma_start3A_483 = arith.constant 0 : i32
      %dma_start3A_484 = arith.constant 0 : i32
      %dma_start3A_485 = tpu.memref_slice %arg43[%dma_start3A_483, %dma_start3A_484] : memref<10112x128xf32, #tpu.memory_space<vmem_shared>> -> memref<10112x128xf32, #tpu.memory_space<vmem_shared>>
      tpu.enqueue_indirect_dma source(%arg25 : memref<80x128xf32, #tpu.memory_space<vmem>>) target(%dma_start3A_485 : memref<10112x128xf32, #tpu.memory_space<vmem_shared>>) offsets(%arg17 : memref<80xi32, #tpu.memory_space<vmem>>) semaphore(%arg41 : memref<!tpu.dma_semaphore, #tpu.memory_space<semaphore_mem>>) {add = true}
      %mul3A_486 = arith.constant 8 : i32
      %mul3A_487 = arith.muli %mul3A_486, %scan3A_386 : i32
      %add3A_488 = arith.constant 3 : i32
      %add3A_489 = arith.addi %mul3A_487, %add3A_488 : i32
      %ge3A_490 = arith.constant 2 : i32
      %ge3A_491 = arith.cmpi sge, %add3A_489, %ge3A_490 : i32
      %convert_element_type3A_492 = arith.extui %ge3A_491 : i1 to i32
      %cond3A_493 = arith.constant 0 : i32
      %cond3A_494 = arith.cmpi ne, %convert_element_type3A_492, %cond3A_493 : i32
      scf.if %cond3A_494 {
        %dma_wait3A_651 = arith.constant 0 : i32
        %dma_wait3A_652 = tpu.memref_slice %arg47[%dma_wait3A_651] : memref<10112xf32, #tpu.memory_space<vmem_shared>> -> memref<10112xf32, #tpu.memory_space<vmem_shared>>
        tpu.wait_indirect_dma semaphore(%arg40 : memref<!tpu.dma_semaphore, #tpu.memory_space<semaphore_mem>>) src(%arg48 : memref<80xf32, #tpu.memory_space<vmem>>) dst(%dma_wait3A_652 : memref<10112xf32, #tpu.memory_space<vmem_shared>>)
        %dma_wait3A_653 = arith.constant 0 : i32
        %dma_wait3A_654 = arith.constant 0 : i32
        %dma_wait3A_655 = tpu.memref_slice %arg43[%dma_wait3A_653, %dma_wait3A_654] : memref<10112x128xf32, #tpu.memory_space<vmem_shared>> -> memref<10112x128xf32, #tpu.memory_space<vmem_shared>>
        tpu.wait_indirect_dma semaphore(%arg40 : memref<!tpu.dma_semaphore, #tpu.memory_space<semaphore_mem>>) src(%arg24 : memref<80x128xf32, #tpu.memory_space<vmem>>) dst(%dma_wait3A_655 : memref<10112x128xf32, #tpu.memory_space<vmem_shared>>)
      } else {
      }
      %add3A_495 = arith.constant 8 : i32
      %add3A_496 = arith.addi %add3A_489, %add3A_495 : i32
      %sub3A_497 = arith.constant 2 : i32
      %sub3A_498 = arith.subi %add3A_496, %sub3A_497 : i32
      %lt3A_499 = arith.constant 125 : i32
      %lt3A_500 = arith.cmpi slt, %sub3A_498, %lt3A_499 : i32
      %convert_element_type3A_501 = arith.extui %lt3A_500 : i1 to i32
      %cond3A_502 = arith.constant 0 : i32
      %cond3A_503 = arith.cmpi ne, %convert_element_type3A_501, %cond3A_502 : i32
      scf.if %cond3A_503 {
        %add3A_651 = arith.constant 8 : i32
        %add3A_652 = arith.addi %add3A_489, %add3A_651 : i32
        %sub3A_653 = arith.constant 2 : i32
        %sub3A_654 = arith.subi %add3A_652, %sub3A_653 : i32
        %mul3A_655 = arith.constant 80 : i32
        %mul3A_656 = arith.muli %sub3A_654, %mul3A_655 : i32
        %mul3A_657 = arith.constant 80 : i32
        %mul3A_658 = arith.muli %sub3A_654, %mul3A_657 : i32
        %dma_start3A_659 = tpu.memref_slice %arg3[%add3A_97, %mul3A_656] : memref<32x10000xi32, #tpu.memory_space<hbm>> -> memref<1x80xi32, #tpu.memory_space<hbm>>
        %dma_start3A_660 = tpu.memref_squeeze %dma_start3A_659 : memref<1x80xi32, #tpu.memory_space<hbm>> -> memref<80xi32, #tpu.memory_space<hbm>>
        %dma_start3A_661 = tpu.memref_slice %arg3[%add3A_97, %mul3A_656] : memref<32x10000xi32, #tpu.memory_space<hbm>> -> memref<1x80xi32, #tpu.memory_space<hbm>>
        %dma_start3A_662 = tpu.memref_squeeze %dma_start3A_661 : memref<1x80xi32, #tpu.memory_space<hbm>> -> memref<80xi32, #tpu.memory_space<hbm>>
        tpu.enqueue_dma source(%dma_start3A_662 : memref<80xi32, #tpu.memory_space<hbm>>) target(%arg8 : memref<80xi32, #tpu.memory_space<vmem>>) target_semaphore(%arg28 : memref<!tpu.dma_semaphore, #tpu.memory_space<semaphore_mem>>)
        %dma_start3A_663 = tpu.memref_slice %arg4[%add3A_97, %mul3A_658] : memref<32x10000xi32, #tpu.memory_space<hbm>> -> memref<1x80xi32, #tpu.memory_space<hbm>>
        %dma_start3A_664 = tpu.memref_squeeze %dma_start3A_663 : memref<1x80xi32, #tpu.memory_space<hbm>> -> memref<80xi32, #tpu.memory_space<hbm>>
        %dma_start3A_665 = tpu.memref_slice %arg4[%add3A_97, %mul3A_658] : memref<32x10000xi32, #tpu.memory_space<hbm>> -> memref<1x80xi32, #tpu.memory_space<hbm>>
        %dma_start3A_666 = tpu.memref_squeeze %dma_start3A_665 : memref<1x80xi32, #tpu.memory_space<hbm>> -> memref<80xi32, #tpu.memory_space<hbm>>
        tpu.enqueue_dma source(%dma_start3A_666 : memref<80xi32, #tpu.memory_space<hbm>>) target(%arg16 : memref<80xi32, #tpu.memory_space<vmem>>) target_semaphore(%arg28 : memref<!tpu.dma_semaphore, #tpu.memory_space<semaphore_mem>>)
      } else {
      }
      %add3A_504 = arith.constant 2 : i32
      %add3A_505 = arith.addi %add3A_489, %add3A_504 : i32
      %lt3A_506 = arith.constant 125 : i32
      %lt3A_507 = arith.cmpi slt, %add3A_505, %lt3A_506 : i32
      %convert_element_type3A_508 = arith.extui %lt3A_507 : i1 to i32
      %cond3A_509 = arith.constant 0 : i32
      %cond3A_510 = arith.cmpi ne, %convert_element_type3A_508, %cond3A_509 : i32
      scf.if %cond3A_510 {
        %add3A_651 = arith.constant 2 : i32
        %add3A_652 = arith.addi %add3A_489, %add3A_651 : i32
        %mul3A_653 = arith.constant 80 : i32
        %mul3A_654 = arith.muli %add3A_652, %mul3A_653 : i32
        %mul3A_655 = arith.constant 80 : i32
        %mul3A_656 = arith.muli %add3A_652, %mul3A_655 : i32
        %dma_wait3A_657 = tpu.memref_slice %arg3[%add3A_97, %mul3A_654] : memref<32x10000xi32, #tpu.memory_space<hbm>> -> memref<1x80xi32, #tpu.memory_space<hbm>>
        %dma_wait3A_658 = tpu.memref_squeeze %dma_wait3A_657 : memref<1x80xi32, #tpu.memory_space<hbm>> -> memref<80xi32, #tpu.memory_space<hbm>>
        %dma_wait3A_659 = tpu.memref_slice %arg3[%add3A_97, %mul3A_654] : memref<32x10000xi32, #tpu.memory_space<hbm>> -> memref<1x80xi32, #tpu.memory_space<hbm>>
        %dma_wait3A_660 = tpu.memref_squeeze %dma_wait3A_659 : memref<1x80xi32, #tpu.memory_space<hbm>> -> memref<80xi32, #tpu.memory_space<hbm>>
        tpu.wait_dma2 semaphore(%arg32 : memref<!tpu.dma_semaphore, #tpu.memory_space<semaphore_mem>>) src(%dma_wait3A_660 : memref<80xi32, #tpu.memory_space<hbm>>) dst(%arg12 : memref<80xi32, #tpu.memory_space<vmem>>)
        %dma_wait3A_661 = tpu.memref_slice %arg4[%add3A_97, %mul3A_656] : memref<32x10000xi32, #tpu.memory_space<hbm>> -> memref<1x80xi32, #tpu.memory_space<hbm>>
        %dma_wait3A_662 = tpu.memref_squeeze %dma_wait3A_661 : memref<1x80xi32, #tpu.memory_space<hbm>> -> memref<80xi32, #tpu.memory_space<hbm>>
        %dma_wait3A_663 = tpu.memref_slice %arg4[%add3A_97, %mul3A_656] : memref<32x10000xi32, #tpu.memory_space<hbm>> -> memref<1x80xi32, #tpu.memory_space<hbm>>
        %dma_wait3A_664 = tpu.memref_squeeze %dma_wait3A_663 : memref<1x80xi32, #tpu.memory_space<hbm>> -> memref<80xi32, #tpu.memory_space<hbm>>
        tpu.wait_dma2 semaphore(%arg32 : memref<!tpu.dma_semaphore, #tpu.memory_space<semaphore_mem>>) src(%dma_wait3A_664 : memref<80xi32, #tpu.memory_space<hbm>>) dst(%arg20 : memref<80xi32, #tpu.memory_space<vmem>>)
        %dma_start3A_665 = arith.constant 0 : i32
        %dma_start3A_666 = arith.constant 0 : i32
        %dma_start3A_667 = tpu.memref_slice %arg2[%dma_start3A_665, %dma_start3A_666] : memref<10000x128xf32, #tpu.memory_space<hbm>> -> memref<10000x128xf32, #tpu.memory_space<hbm>>
        tpu.enqueue_indirect_dma source(%dma_start3A_667 : memref<10000x128xf32, #tpu.memory_space<hbm>>) target(%arg24 : memref<80x128xf32, #tpu.memory_space<vmem>>) offsets(%arg12 : memref<80xi32, #tpu.memory_space<vmem>>) semaphore(%arg36 : memref<!tpu.dma_semaphore, #tpu.memory_space<semaphore_mem>>)
      } else {
      }
      %dma_wait3A_511 = arith.constant 0 : i32
      %dma_wait3A_512 = arith.constant 0 : i32
      %dma_wait3A_513 = tpu.memref_slice %arg2[%dma_wait3A_511, %dma_wait3A_512] : memref<10000x128xf32, #tpu.memory_space<hbm>> -> memref<10000x128xf32, #tpu.memory_space<hbm>>
      tpu.wait_indirect_dma semaphore(%arg38 : memref<!tpu.dma_semaphore, #tpu.memory_space<semaphore_mem>>) src(%dma_wait3A_513 : memref<10000x128xf32, #tpu.memory_space<hbm>>) dst(%arg26 : memref<80x128xf32, #tpu.memory_space<vmem>>)
      %dma_start3A_514 = arith.constant 0 : i32
      %dma_start3A_515 = tpu.memref_slice %arg47[%dma_start3A_514] : memref<10112xf32, #tpu.memory_space<vmem_shared>> -> memref<10112xf32, #tpu.memory_space<vmem_shared>>
      tpu.enqueue_indirect_dma source(%arg48 : memref<80xf32, #tpu.memory_space<vmem>>) target(%dma_start3A_515 : memref<10112xf32, #tpu.memory_space<vmem_shared>>) offsets(%arg18 : memref<80xi32, #tpu.memory_space<vmem>>) semaphore(%arg42 : memref<!tpu.dma_semaphore, #tpu.memory_space<semaphore_mem>>) {add = true}
      %dma_start3A_516 = arith.constant 0 : i32
      %dma_start3A_517 = arith.constant 0 : i32
      %dma_start3A_518 = tpu.memref_slice %arg43[%dma_start3A_516, %dma_start3A_517] : memref<10112x128xf32, #tpu.memory_space<vmem_shared>> -> memref<10112x128xf32, #tpu.memory_space<vmem_shared>>
      tpu.enqueue_indirect_dma source(%arg26 : memref<80x128xf32, #tpu.memory_space<vmem>>) target(%dma_start3A_518 : memref<10112x128xf32, #tpu.memory_space<vmem_shared>>) offsets(%arg18 : memref<80xi32, #tpu.memory_space<vmem>>) semaphore(%arg42 : memref<!tpu.dma_semaphore, #tpu.memory_space<semaphore_mem>>) {add = true}
      %mul3A_519 = arith.constant 8 : i32
      %mul3A_520 = arith.muli %mul3A_519, %scan3A_386 : i32
      %add3A_521 = arith.constant 4 : i32
      %add3A_522 = arith.addi %mul3A_520, %add3A_521 : i32
      %ge3A_523 = arith.constant 2 : i32
      %ge3A_524 = arith.cmpi sge, %add3A_522, %ge3A_523 : i32
      %convert_element_type3A_525 = arith.extui %ge3A_524 : i1 to i32
      %cond3A_526 = arith.constant 0 : i32
      %cond3A_527 = arith.cmpi ne, %convert_element_type3A_525, %cond3A_526 : i32
      scf.if %cond3A_527 {
        %dma_wait3A_651 = arith.constant 0 : i32
        %dma_wait3A_652 = tpu.memref_slice %arg47[%dma_wait3A_651] : memref<10112xf32, #tpu.memory_space<vmem_shared>> -> memref<10112xf32, #tpu.memory_space<vmem_shared>>
        tpu.wait_indirect_dma semaphore(%arg41 : memref<!tpu.dma_semaphore, #tpu.memory_space<semaphore_mem>>) src(%arg48 : memref<80xf32, #tpu.memory_space<vmem>>) dst(%dma_wait3A_652 : memref<10112xf32, #tpu.memory_space<vmem_shared>>)
        %dma_wait3A_653 = arith.constant 0 : i32
        %dma_wait3A_654 = arith.constant 0 : i32
        %dma_wait3A_655 = tpu.memref_slice %arg43[%dma_wait3A_653, %dma_wait3A_654] : memref<10112x128xf32, #tpu.memory_space<vmem_shared>> -> memref<10112x128xf32, #tpu.memory_space<vmem_shared>>
        tpu.wait_indirect_dma semaphore(%arg41 : memref<!tpu.dma_semaphore, #tpu.memory_space<semaphore_mem>>) src(%arg25 : memref<80x128xf32, #tpu.memory_space<vmem>>) dst(%dma_wait3A_655 : memref<10112x128xf32, #tpu.memory_space<vmem_shared>>)
      } else {
      }
      %add3A_528 = arith.constant 8 : i32
      %add3A_529 = arith.addi %add3A_522, %add3A_528 : i32
      %sub3A_530 = arith.constant 2 : i32
      %sub3A_531 = arith.subi %add3A_529, %sub3A_530 : i32
      %lt3A_532 = arith.constant 125 : i32
      %lt3A_533 = arith.cmpi slt, %sub3A_531, %lt3A_532 : i32
      %convert_element_type3A_534 = arith.extui %lt3A_533 : i1 to i32
      %cond3A_535 = arith.constant 0 : i32
      %cond3A_536 = arith.cmpi ne, %convert_element_type3A_534, %cond3A_535 : i32
      scf.if %cond3A_536 {
        %add3A_651 = arith.constant 8 : i32
        %add3A_652 = arith.addi %add3A_522, %add3A_651 : i32
        %sub3A_653 = arith.constant 2 : i32
        %sub3A_654 = arith.subi %add3A_652, %sub3A_653 : i32
        %mul3A_655 = arith.constant 80 : i32
        %mul3A_656 = arith.muli %sub3A_654, %mul3A_655 : i32
        %mul3A_657 = arith.constant 80 : i32
        %mul3A_658 = arith.muli %sub3A_654, %mul3A_657 : i32
        %dma_start3A_659 = tpu.memref_slice %arg3[%add3A_97, %mul3A_656] : memref<32x10000xi32, #tpu.memory_space<hbm>> -> memref<1x80xi32, #tpu.memory_space<hbm>>
        %dma_start3A_660 = tpu.memref_squeeze %dma_start3A_659 : memref<1x80xi32, #tpu.memory_space<hbm>> -> memref<80xi32, #tpu.memory_space<hbm>>
        %dma_start3A_661 = tpu.memref_slice %arg3[%add3A_97, %mul3A_656] : memref<32x10000xi32, #tpu.memory_space<hbm>> -> memref<1x80xi32, #tpu.memory_space<hbm>>
        %dma_start3A_662 = tpu.memref_squeeze %dma_start3A_661 : memref<1x80xi32, #tpu.memory_space<hbm>> -> memref<80xi32, #tpu.memory_space<hbm>>
        tpu.enqueue_dma source(%dma_start3A_662 : memref<80xi32, #tpu.memory_space<hbm>>) target(%arg9 : memref<80xi32, #tpu.memory_space<vmem>>) target_semaphore(%arg29 : memref<!tpu.dma_semaphore, #tpu.memory_space<semaphore_mem>>)
        %dma_start3A_663 = tpu.memref_slice %arg4[%add3A_97, %mul3A_658] : memref<32x10000xi32, #tpu.memory_space<hbm>> -> memref<1x80xi32, #tpu.memory_space<hbm>>
        %dma_start3A_664 = tpu.memref_squeeze %dma_start3A_663 : memref<1x80xi32, #tpu.memory_space<hbm>> -> memref<80xi32, #tpu.memory_space<hbm>>
        %dma_start3A_665 = tpu.memref_slice %arg4[%add3A_97, %mul3A_658] : memref<32x10000xi32, #tpu.memory_space<hbm>> -> memref<1x80xi32, #tpu.memory_space<hbm>>
        %dma_start3A_666 = tpu.memref_squeeze %dma_start3A_665 : memref<1x80xi32, #tpu.memory_space<hbm>> -> memref<80xi32, #tpu.memory_space<hbm>>
        tpu.enqueue_dma source(%dma_start3A_666 : memref<80xi32, #tpu.memory_space<hbm>>) target(%arg17 : memref<80xi32, #tpu.memory_space<vmem>>) target_semaphore(%arg29 : memref<!tpu.dma_semaphore, #tpu.memory_space<semaphore_mem>>)
      } else {
      }
      %add3A_537 = arith.constant 2 : i32
      %add3A_538 = arith.addi %add3A_522, %add3A_537 : i32
      %lt3A_539 = arith.constant 125 : i32
      %lt3A_540 = arith.cmpi slt, %add3A_538, %lt3A_539 : i32
      %convert_element_type3A_541 = arith.extui %lt3A_540 : i1 to i32
      %cond3A_542 = arith.constant 0 : i32
      %cond3A_543 = arith.cmpi ne, %convert_element_type3A_541, %cond3A_542 : i32
      scf.if %cond3A_543 {
        %add3A_651 = arith.constant 2 : i32
        %add3A_652 = arith.addi %add3A_522, %add3A_651 : i32
        %mul3A_653 = arith.constant 80 : i32
        %mul3A_654 = arith.muli %add3A_652, %mul3A_653 : i32
        %mul3A_655 = arith.constant 80 : i32
        %mul3A_656 = arith.muli %add3A_652, %mul3A_655 : i32
        %dma_wait3A_657 = tpu.memref_slice %arg3[%add3A_97, %mul3A_654] : memref<32x10000xi32, #tpu.memory_space<hbm>> -> memref<1x80xi32, #tpu.memory_space<hbm>>
        %dma_wait3A_658 = tpu.memref_squeeze %dma_wait3A_657 : memref<1x80xi32, #tpu.memory_space<hbm>> -> memref<80xi32, #tpu.memory_space<hbm>>
        %dma_wait3A_659 = tpu.memref_slice %arg3[%add3A_97, %mul3A_654] : memref<32x10000xi32, #tpu.memory_space<hbm>> -> memref<1x80xi32, #tpu.memory_space<hbm>>
        %dma_wait3A_660 = tpu.memref_squeeze %dma_wait3A_659 : memref<1x80xi32, #tpu.memory_space<hbm>> -> memref<80xi32, #tpu.memory_space<hbm>>
        tpu.wait_dma2 semaphore(%arg33 : memref<!tpu.dma_semaphore, #tpu.memory_space<semaphore_mem>>) src(%dma_wait3A_660 : memref<80xi32, #tpu.memory_space<hbm>>) dst(%arg13 : memref<80xi32, #tpu.memory_space<vmem>>)
        %dma_wait3A_661 = tpu.memref_slice %arg4[%add3A_97, %mul3A_656] : memref<32x10000xi32, #tpu.memory_space<hbm>> -> memref<1x80xi32, #tpu.memory_space<hbm>>
        %dma_wait3A_662 = tpu.memref_squeeze %dma_wait3A_661 : memref<1x80xi32, #tpu.memory_space<hbm>> -> memref<80xi32, #tpu.memory_space<hbm>>
        %dma_wait3A_663 = tpu.memref_slice %arg4[%add3A_97, %mul3A_656] : memref<32x10000xi32, #tpu.memory_space<hbm>> -> memref<1x80xi32, #tpu.memory_space<hbm>>
        %dma_wait3A_664 = tpu.memref_squeeze %dma_wait3A_663 : memref<1x80xi32, #tpu.memory_space<hbm>> -> memref<80xi32, #tpu.memory_space<hbm>>
        tpu.wait_dma2 semaphore(%arg33 : memref<!tpu.dma_semaphore, #tpu.memory_space<semaphore_mem>>) src(%dma_wait3A_664 : memref<80xi32, #tpu.memory_space<hbm>>) dst(%arg21 : memref<80xi32, #tpu.memory_space<vmem>>)
        %dma_start3A_665 = arith.constant 0 : i32
        %dma_start3A_666 = arith.constant 0 : i32
        %dma_start3A_667 = tpu.memref_slice %arg2[%dma_start3A_665, %dma_start3A_666] : memref<10000x128xf32, #tpu.memory_space<hbm>> -> memref<10000x128xf32, #tpu.memory_space<hbm>>
        tpu.enqueue_indirect_dma source(%dma_start3A_667 : memref<10000x128xf32, #tpu.memory_space<hbm>>) target(%arg25 : memref<80x128xf32, #tpu.memory_space<vmem>>) offsets(%arg13 : memref<80xi32, #tpu.memory_space<vmem>>) semaphore(%arg37 : memref<!tpu.dma_semaphore, #tpu.memory_space<semaphore_mem>>)
      } else {
      }
      %dma_wait3A_544 = arith.constant 0 : i32
      %dma_wait3A_545 = arith.constant 0 : i32
      %dma_wait3A_546 = tpu.memref_slice %arg2[%dma_wait3A_544, %dma_wait3A_545] : memref<10000x128xf32, #tpu.memory_space<hbm>> -> memref<10000x128xf32, #tpu.memory_space<hbm>>
      tpu.wait_indirect_dma semaphore(%arg35 : memref<!tpu.dma_semaphore, #tpu.memory_space<semaphore_mem>>) src(%dma_wait3A_546 : memref<10000x128xf32, #tpu.memory_space<hbm>>) dst(%arg23 : memref<80x128xf32, #tpu.memory_space<vmem>>)
      %dma_start3A_547 = arith.constant 0 : i32
      %dma_start3A_548 = tpu.memref_slice %arg47[%dma_start3A_547] : memref<10112xf32, #tpu.memory_space<vmem_shared>> -> memref<10112xf32, #tpu.memory_space<vmem_shared>>
      tpu.enqueue_indirect_dma source(%arg48 : memref<80xf32, #tpu.memory_space<vmem>>) target(%dma_start3A_548 : memref<10112xf32, #tpu.memory_space<vmem_shared>>) offsets(%arg19 : memref<80xi32, #tpu.memory_space<vmem>>) semaphore(%arg39 : memref<!tpu.dma_semaphore, #tpu.memory_space<semaphore_mem>>) {add = true}
      %dma_start3A_549 = arith.constant 0 : i32
      %dma_start3A_550 = arith.constant 0 : i32
      %dma_start3A_551 = tpu.memref_slice %arg43[%dma_start3A_549, %dma_start3A_550] : memref<10112x128xf32, #tpu.memory_space<vmem_shared>> -> memref<10112x128xf32, #tpu.memory_space<vmem_shared>>
      tpu.enqueue_indirect_dma source(%arg23 : memref<80x128xf32, #tpu.memory_space<vmem>>) target(%dma_start3A_551 : memref<10112x128xf32, #tpu.memory_space<vmem_shared>>) offsets(%arg19 : memref<80xi32, #tpu.memory_space<vmem>>) semaphore(%arg39 : memref<!tpu.dma_semaphore, #tpu.memory_space<semaphore_mem>>) {add = true}
      %mul3A_552 = arith.constant 8 : i32
      %mul3A_553 = arith.muli %mul3A_552, %scan3A_386 : i32
      %add3A_554 = arith.constant 5 : i32
      %add3A_555 = arith.addi %mul3A_553, %add3A_554 : i32
      %ge3A_556 = arith.constant 2 : i32
      %ge3A_557 = arith.cmpi sge, %add3A_555, %ge3A_556 : i32
      %convert_element_type3A_558 = arith.extui %ge3A_557 : i1 to i32
      %cond3A_559 = arith.constant 0 : i32
      %cond3A_560 = arith.cmpi ne, %convert_element_type3A_558, %cond3A_559 : i32
      scf.if %cond3A_560 {
        %dma_wait3A_651 = arith.constant 0 : i32
        %dma_wait3A_652 = tpu.memref_slice %arg47[%dma_wait3A_651] : memref<10112xf32, #tpu.memory_space<vmem_shared>> -> memref<10112xf32, #tpu.memory_space<vmem_shared>>
        tpu.wait_indirect_dma semaphore(%arg42 : memref<!tpu.dma_semaphore, #tpu.memory_space<semaphore_mem>>) src(%arg48 : memref<80xf32, #tpu.memory_space<vmem>>) dst(%dma_wait3A_652 : memref<10112xf32, #tpu.memory_space<vmem_shared>>)
        %dma_wait3A_653 = arith.constant 0 : i32
        %dma_wait3A_654 = arith.constant 0 : i32
        %dma_wait3A_655 = tpu.memref_slice %arg43[%dma_wait3A_653, %dma_wait3A_654] : memref<10112x128xf32, #tpu.memory_space<vmem_shared>> -> memref<10112x128xf32, #tpu.memory_space<vmem_shared>>
        tpu.wait_indirect_dma semaphore(%arg42 : memref<!tpu.dma_semaphore, #tpu.memory_space<semaphore_mem>>) src(%arg26 : memref<80x128xf32, #tpu.memory_space<vmem>>) dst(%dma_wait3A_655 : memref<10112x128xf32, #tpu.memory_space<vmem_shared>>)
      } else {
      }
      %add3A_561 = arith.constant 8 : i32
      %add3A_562 = arith.addi %add3A_555, %add3A_561 : i32
      %sub3A_563 = arith.constant 2 : i32
      %sub3A_564 = arith.subi %add3A_562, %sub3A_563 : i32
      %lt3A_565 = arith.constant 125 : i32
      %lt3A_566 = arith.cmpi slt, %sub3A_564, %lt3A_565 : i32
      %convert_element_type3A_567 = arith.extui %lt3A_566 : i1 to i32
      %cond3A_568 = arith.constant 0 : i32
      %cond3A_569 = arith.cmpi ne, %convert_element_type3A_567, %cond3A_568 : i32
      scf.if %cond3A_569 {
        %add3A_651 = arith.constant 8 : i32
        %add3A_652 = arith.addi %add3A_555, %add3A_651 : i32
        %sub3A_653 = arith.constant 2 : i32
        %sub3A_654 = arith.subi %add3A_652, %sub3A_653 : i32
        %mul3A_655 = arith.constant 80 : i32
        %mul3A_656 = arith.muli %sub3A_654, %mul3A_655 : i32
        %mul3A_657 = arith.constant 80 : i32
        %mul3A_658 = arith.muli %sub3A_654, %mul3A_657 : i32
        %dma_start3A_659 = tpu.memref_slice %arg3[%add3A_97, %mul3A_656] : memref<32x10000xi32, #tpu.memory_space<hbm>> -> memref<1x80xi32, #tpu.memory_space<hbm>>
        %dma_start3A_660 = tpu.memref_squeeze %dma_start3A_659 : memref<1x80xi32, #tpu.memory_space<hbm>> -> memref<80xi32, #tpu.memory_space<hbm>>
        %dma_start3A_661 = tpu.memref_slice %arg3[%add3A_97, %mul3A_656] : memref<32x10000xi32, #tpu.memory_space<hbm>> -> memref<1x80xi32, #tpu.memory_space<hbm>>
        %dma_start3A_662 = tpu.memref_squeeze %dma_start3A_661 : memref<1x80xi32, #tpu.memory_space<hbm>> -> memref<80xi32, #tpu.memory_space<hbm>>
        tpu.enqueue_dma source(%dma_start3A_662 : memref<80xi32, #tpu.memory_space<hbm>>) target(%arg10 : memref<80xi32, #tpu.memory_space<vmem>>) target_semaphore(%arg30 : memref<!tpu.dma_semaphore, #tpu.memory_space<semaphore_mem>>)
        %dma_start3A_663 = tpu.memref_slice %arg4[%add3A_97, %mul3A_658] : memref<32x10000xi32, #tpu.memory_space<hbm>> -> memref<1x80xi32, #tpu.memory_space<hbm>>
        %dma_start3A_664 = tpu.memref_squeeze %dma_start3A_663 : memref<1x80xi32, #tpu.memory_space<hbm>> -> memref<80xi32, #tpu.memory_space<hbm>>
        %dma_start3A_665 = tpu.memref_slice %arg4[%add3A_97, %mul3A_658] : memref<32x10000xi32, #tpu.memory_space<hbm>> -> memref<1x80xi32, #tpu.memory_space<hbm>>
        %dma_start3A_666 = tpu.memref_squeeze %dma_start3A_665 : memref<1x80xi32, #tpu.memory_space<hbm>> -> memref<80xi32, #tpu.memory_space<hbm>>
        tpu.enqueue_dma source(%dma_start3A_666 : memref<80xi32, #tpu.memory_space<hbm>>) target(%arg18 : memref<80xi32, #tpu.memory_space<vmem>>) target_semaphore(%arg30 : memref<!tpu.dma_semaphore, #tpu.memory_space<semaphore_mem>>)
      } else {
      }
      %add3A_570 = arith.constant 2 : i32
      %add3A_571 = arith.addi %add3A_555, %add3A_570 : i32
      %lt3A_572 = arith.constant 125 : i32
      %lt3A_573 = arith.cmpi slt, %add3A_571, %lt3A_572 : i32
      %convert_element_type3A_574 = arith.extui %lt3A_573 : i1 to i32
      %cond3A_575 = arith.constant 0 : i32
      %cond3A_576 = arith.cmpi ne, %convert_element_type3A_574, %cond3A_575 : i32
      scf.if %cond3A_576 {
        %add3A_651 = arith.constant 2 : i32
        %add3A_652 = arith.addi %add3A_555, %add3A_651 : i32
        %mul3A_653 = arith.constant 80 : i32
        %mul3A_654 = arith.muli %add3A_652, %mul3A_653 : i32
        %mul3A_655 = arith.constant 80 : i32
        %mul3A_656 = arith.muli %add3A_652, %mul3A_655 : i32
        %dma_wait3A_657 = tpu.memref_slice %arg3[%add3A_97, %mul3A_654] : memref<32x10000xi32, #tpu.memory_space<hbm>> -> memref<1x80xi32, #tpu.memory_space<hbm>>
        %dma_wait3A_658 = tpu.memref_squeeze %dma_wait3A_657 : memref<1x80xi32, #tpu.memory_space<hbm>> -> memref<80xi32, #tpu.memory_space<hbm>>
        %dma_wait3A_659 = tpu.memref_slice %arg3[%add3A_97, %mul3A_654] : memref<32x10000xi32, #tpu.memory_space<hbm>> -> memref<1x80xi32, #tpu.memory_space<hbm>>
        %dma_wait3A_660 = tpu.memref_squeeze %dma_wait3A_659 : memref<1x80xi32, #tpu.memory_space<hbm>> -> memref<80xi32, #tpu.memory_space<hbm>>
        tpu.wait_dma2 semaphore(%arg34 : memref<!tpu.dma_semaphore, #tpu.memory_space<semaphore_mem>>) src(%dma_wait3A_660 : memref<80xi32, #tpu.memory_space<hbm>>) dst(%arg14 : memref<80xi32, #tpu.memory_space<vmem>>)
        %dma_wait3A_661 = tpu.memref_slice %arg4[%add3A_97, %mul3A_656] : memref<32x10000xi32, #tpu.memory_space<hbm>> -> memref<1x80xi32, #tpu.memory_space<hbm>>
        %dma_wait3A_662 = tpu.memref_squeeze %dma_wait3A_661 : memref<1x80xi32, #tpu.memory_space<hbm>> -> memref<80xi32, #tpu.memory_space<hbm>>
        %dma_wait3A_663 = tpu.memref_slice %arg4[%add3A_97, %mul3A_656] : memref<32x10000xi32, #tpu.memory_space<hbm>> -> memref<1x80xi32, #tpu.memory_space<hbm>>
        %dma_wait3A_664 = tpu.memref_squeeze %dma_wait3A_663 : memref<1x80xi32, #tpu.memory_space<hbm>> -> memref<80xi32, #tpu.memory_space<hbm>>
        tpu.wait_dma2 semaphore(%arg34 : memref<!tpu.dma_semaphore, #tpu.memory_space<semaphore_mem>>) src(%dma_wait3A_664 : memref<80xi32, #tpu.memory_space<hbm>>) dst(%arg22 : memref<80xi32, #tpu.memory_space<vmem>>)
        %dma_start3A_665 = arith.constant 0 : i32
        %dma_start3A_666 = arith.constant 0 : i32
        %dma_start3A_667 = tpu.memref_slice %arg2[%dma_start3A_665, %dma_start3A_666] : memref<10000x128xf32, #tpu.memory_space<hbm>> -> memref<10000x128xf32, #tpu.memory_space<hbm>>
        tpu.enqueue_indirect_dma source(%dma_start3A_667 : memref<10000x128xf32, #tpu.memory_space<hbm>>) target(%arg26 : memref<80x128xf32, #tpu.memory_space<vmem>>) offsets(%arg14 : memref<80xi32, #tpu.memory_space<vmem>>) semaphore(%arg38 : memref<!tpu.dma_semaphore, #tpu.memory_space<semaphore_mem>>)
      } else {
      }
      %dma_wait3A_577 = arith.constant 0 : i32
      %dma_wait3A_578 = arith.constant 0 : i32
      %dma_wait3A_579 = tpu.memref_slice %arg2[%dma_wait3A_577, %dma_wait3A_578] : memref<10000x128xf32, #tpu.memory_space<hbm>> -> memref<10000x128xf32, #tpu.memory_space<hbm>>
      tpu.wait_indirect_dma semaphore(%arg36 : memref<!tpu.dma_semaphore, #tpu.memory_space<semaphore_mem>>) src(%dma_wait3A_579 : memref<10000x128xf32, #tpu.memory_space<hbm>>) dst(%arg24 : memref<80x128xf32, #tpu.memory_space<vmem>>)
      %dma_start3A_580 = arith.constant 0 : i32
      %dma_start3A_581 = tpu.memref_slice %arg47[%dma_start3A_580] : memref<10112xf32, #tpu.memory_space<vmem_shared>> -> memref<10112xf32, #tpu.memory_space<vmem_shared>>
      tpu.enqueue_indirect_dma source(%arg48 : memref<80xf32, #tpu.memory_space<vmem>>) target(%dma_start3A_581 : memref<10112xf32, #tpu.memory_space<vmem_shared>>) offsets(%arg20 : memref<80xi32, #tpu.memory_space<vmem>>) semaphore(%arg40 : memref<!tpu.dma_semaphore, #tpu.memory_space<semaphore_mem>>) {add = true}
      %dma_start3A_582 = arith.constant 0 : i32
      %dma_start3A_583 = arith.constant 0 : i32
      %dma_start3A_584 = tpu.memref_slice %arg43[%dma_start3A_582, %dma_start3A_583] : memref<10112x128xf32, #tpu.memory_space<vmem_shared>> -> memref<10112x128xf32, #tpu.memory_space<vmem_shared>>
      tpu.enqueue_indirect_dma source(%arg24 : memref<80x128xf32, #tpu.memory_space<vmem>>) target(%dma_start3A_584 : memref<10112x128xf32, #tpu.memory_space<vmem_shared>>) offsets(%arg20 : memref<80xi32, #tpu.memory_space<vmem>>) semaphore(%arg40 : memref<!tpu.dma_semaphore, #tpu.memory_space<semaphore_mem>>) {add = true}
      %mul3A_585 = arith.constant 8 : i32
      %mul3A_586 = arith.muli %mul3A_585, %scan3A_386 : i32
      %add3A_587 = arith.constant 6 : i32
      %add3A_588 = arith.addi %mul3A_586, %add3A_587 : i32
      %ge3A_589 = arith.constant 2 : i32
      %ge3A_590 = arith.cmpi sge, %add3A_588, %ge3A_589 : i32
      %convert_element_type3A_591 = arith.extui %ge3A_590 : i1 to i32
      %cond3A_592 = arith.constant 0 : i32
      %cond3A_593 = arith.cmpi ne, %convert_element_type3A_591, %cond3A_592 : i32
      scf.if %cond3A_593 {
        %dma_wait3A_651 = arith.constant 0 : i32
        %dma_wait3A_652 = tpu.memref_slice %arg47[%dma_wait3A_651] : memref<10112xf32, #tpu.memory_space<vmem_shared>> -> memref<10112xf32, #tpu.memory_space<vmem_shared>>
        tpu.wait_indirect_dma semaphore(%arg39 : memref<!tpu.dma_semaphore, #tpu.memory_space<semaphore_mem>>) src(%arg48 : memref<80xf32, #tpu.memory_space<vmem>>) dst(%dma_wait3A_652 : memref<10112xf32, #tpu.memory_space<vmem_shared>>)
        %dma_wait3A_653 = arith.constant 0 : i32
        %dma_wait3A_654 = arith.constant 0 : i32
        %dma_wait3A_655 = tpu.memref_slice %arg43[%dma_wait3A_653, %dma_wait3A_654] : memref<10112x128xf32, #tpu.memory_space<vmem_shared>> -> memref<10112x128xf32, #tpu.memory_space<vmem_shared>>
        tpu.wait_indirect_dma semaphore(%arg39 : memref<!tpu.dma_semaphore, #tpu.memory_space<semaphore_mem>>) src(%arg23 : memref<80x128xf32, #tpu.memory_space<vmem>>) dst(%dma_wait3A_655 : memref<10112x128xf32, #tpu.memory_space<vmem_shared>>)
      } else {
      }
      %add3A_594 = arith.constant 8 : i32
      %add3A_595 = arith.addi %add3A_588, %add3A_594 : i32
      %sub3A_596 = arith.constant 2 : i32
      %sub3A_597 = arith.subi %add3A_595, %sub3A_596 : i32
      %lt3A_598 = arith.constant 125 : i32
      %lt3A_599 = arith.cmpi slt, %sub3A_597, %lt3A_598 : i32
      %convert_element_type3A_600 = arith.extui %lt3A_599 : i1 to i32
      %cond3A_601 = arith.constant 0 : i32
      %cond3A_602 = arith.cmpi ne, %convert_element_type3A_600, %cond3A_601 : i32
      scf.if %cond3A_602 {
        %add3A_651 = arith.constant 8 : i32
        %add3A_652 = arith.addi %add3A_588, %add3A_651 : i32
        %sub3A_653 = arith.constant 2 : i32
        %sub3A_654 = arith.subi %add3A_652, %sub3A_653 : i32
        %mul3A_655 = arith.constant 80 : i32
        %mul3A_656 = arith.muli %sub3A_654, %mul3A_655 : i32
        %mul3A_657 = arith.constant 80 : i32
        %mul3A_658 = arith.muli %sub3A_654, %mul3A_657 : i32
        %dma_start3A_659 = tpu.memref_slice %arg3[%add3A_97, %mul3A_656] : memref<32x10000xi32, #tpu.memory_space<hbm>> -> memref<1x80xi32, #tpu.memory_space<hbm>>
        %dma_start3A_660 = tpu.memref_squeeze %dma_start3A_659 : memref<1x80xi32, #tpu.memory_space<hbm>> -> memref<80xi32, #tpu.memory_space<hbm>>
        %dma_start3A_661 = tpu.memref_slice %arg3[%add3A_97, %mul3A_656] : memref<32x10000xi32, #tpu.memory_space<hbm>> -> memref<1x80xi32, #tpu.memory_space<hbm>>
        %dma_start3A_662 = tpu.memref_squeeze %dma_start3A_661 : memref<1x80xi32, #tpu.memory_space<hbm>> -> memref<80xi32, #tpu.memory_space<hbm>>
        tpu.enqueue_dma source(%dma_start3A_662 : memref<80xi32, #tpu.memory_space<hbm>>) target(%arg11 : memref<80xi32, #tpu.memory_space<vmem>>) target_semaphore(%arg31 : memref<!tpu.dma_semaphore, #tpu.memory_space<semaphore_mem>>)
        %dma_start3A_663 = tpu.memref_slice %arg4[%add3A_97, %mul3A_658] : memref<32x10000xi32, #tpu.memory_space<hbm>> -> memref<1x80xi32, #tpu.memory_space<hbm>>
        %dma_start3A_664 = tpu.memref_squeeze %dma_start3A_663 : memref<1x80xi32, #tpu.memory_space<hbm>> -> memref<80xi32, #tpu.memory_space<hbm>>
        %dma_start3A_665 = tpu.memref_slice %arg4[%add3A_97, %mul3A_658] : memref<32x10000xi32, #tpu.memory_space<hbm>> -> memref<1x80xi32, #tpu.memory_space<hbm>>
        %dma_start3A_666 = tpu.memref_squeeze %dma_start3A_665 : memref<1x80xi32, #tpu.memory_space<hbm>> -> memref<80xi32, #tpu.memory_space<hbm>>
        tpu.enqueue_dma source(%dma_start3A_666 : memref<80xi32, #tpu.memory_space<hbm>>) target(%arg19 : memref<80xi32, #tpu.memory_space<vmem>>) target_semaphore(%arg31 : memref<!tpu.dma_semaphore, #tpu.memory_space<semaphore_mem>>)
      } else {
      }
      %add3A_603 = arith.constant 2 : i32
      %add3A_604 = arith.addi %add3A_588, %add3A_603 : i32
      %lt3A_605 = arith.constant 125 : i32
      %lt3A_606 = arith.cmpi slt, %add3A_604, %lt3A_605 : i32
      %convert_element_type3A_607 = arith.extui %lt3A_606 : i1 to i32
      %cond3A_608 = arith.constant 0 : i32
      %cond3A_609 = arith.cmpi ne, %convert_element_type3A_607, %cond3A_608 : i32
      scf.if %cond3A_609 {
        %add3A_651 = arith.constant 2 : i32
        %add3A_652 = arith.addi %add3A_588, %add3A_651 : i32
        %mul3A_653 = arith.constant 80 : i32
        %mul3A_654 = arith.muli %add3A_652, %mul3A_653 : i32
        %mul3A_655 = arith.constant 80 : i32
        %mul3A_656 = arith.muli %add3A_652, %mul3A_655 : i32
        %dma_wait3A_657 = tpu.memref_slice %arg3[%add3A_97, %mul3A_654] : memref<32x10000xi32, #tpu.memory_space<hbm>> -> memref<1x80xi32, #tpu.memory_space<hbm>>
        %dma_wait3A_658 = tpu.memref_squeeze %dma_wait3A_657 : memref<1x80xi32, #tpu.memory_space<hbm>> -> memref<80xi32, #tpu.memory_space<hbm>>
        %dma_wait3A_659 = tpu.memref_slice %arg3[%add3A_97, %mul3A_654] : memref<32x10000xi32, #tpu.memory_space<hbm>> -> memref<1x80xi32, #tpu.memory_space<hbm>>
        %dma_wait3A_660 = tpu.memref_squeeze %dma_wait3A_659 : memref<1x80xi32, #tpu.memory_space<hbm>> -> memref<80xi32, #tpu.memory_space<hbm>>
        tpu.wait_dma2 semaphore(%arg27 : memref<!tpu.dma_semaphore, #tpu.memory_space<semaphore_mem>>) src(%dma_wait3A_660 : memref<80xi32, #tpu.memory_space<hbm>>) dst(%arg7 : memref<80xi32, #tpu.memory_space<vmem>>)
        %dma_wait3A_661 = tpu.memref_slice %arg4[%add3A_97, %mul3A_656] : memref<32x10000xi32, #tpu.memory_space<hbm>> -> memref<1x80xi32, #tpu.memory_space<hbm>>
        %dma_wait3A_662 = tpu.memref_squeeze %dma_wait3A_661 : memref<1x80xi32, #tpu.memory_space<hbm>> -> memref<80xi32, #tpu.memory_space<hbm>>
        %dma_wait3A_663 = tpu.memref_slice %arg4[%add3A_97, %mul3A_656] : memref<32x10000xi32, #tpu.memory_space<hbm>> -> memref<1x80xi32, #tpu.memory_space<hbm>>
        %dma_wait3A_664 = tpu.memref_squeeze %dma_wait3A_663 : memref<1x80xi32, #tpu.memory_space<hbm>> -> memref<80xi32, #tpu.memory_space<hbm>>
        tpu.wait_dma2 semaphore(%arg27 : memref<!tpu.dma_semaphore, #tpu.memory_space<semaphore_mem>>) src(%dma_wait3A_664 : memref<80xi32, #tpu.memory_space<hbm>>) dst(%arg15 : memref<80xi32, #tpu.memory_space<vmem>>)
        %dma_start3A_665 = arith.constant 0 : i32
        %dma_start3A_666 = arith.constant 0 : i32
        %dma_start3A_667 = tpu.memref_slice %arg2[%dma_start3A_665, %dma_start3A_666] : memref<10000x128xf32, #tpu.memory_space<hbm>> -> memref<10000x128xf32, #tpu.memory_space<hbm>>
        tpu.enqueue_indirect_dma source(%dma_start3A_667 : memref<10000x128xf32, #tpu.memory_space<hbm>>) target(%arg23 : memref<80x128xf32, #tpu.memory_space<vmem>>) offsets(%arg7 : memref<80xi32, #tpu.memory_space<vmem>>) semaphore(%arg35 : memref<!tpu.dma_semaphore, #tpu.memory_space<semaphore_mem>>)
      } else {
      }
      %dma_wait3A_610 = arith.constant 0 : i32
      %dma_wait3A_611 = arith.constant 0 : i32
      %dma_wait3A_612 = tpu.memref_slice %arg2[%dma_wait3A_610, %dma_wait3A_611] : memref<10000x128xf32, #tpu.memory_space<hbm>> -> memref<10000x128xf32, #tpu.memory_space<hbm>>
      tpu.wait_indirect_dma semaphore(%arg37 : memref<!tpu.dma_semaphore, #tpu.memory_space<semaphore_mem>>) src(%dma_wait3A_612 : memref<10000x128xf32, #tpu.memory_space<hbm>>) dst(%arg25 : memref<80x128xf32, #tpu.memory_space<vmem>>)
      %dma_start3A_613 = arith.constant 0 : i32
      %dma_start3A_614 = tpu.memref_slice %arg47[%dma_start3A_613] : memref<10112xf32, #tpu.memory_space<vmem_shared>> -> memref<10112xf32, #tpu.memory_space<vmem_shared>>
      tpu.enqueue_indirect_dma source(%arg48 : memref<80xf32, #tpu.memory_space<vmem>>) target(%dma_start3A_614 : memref<10112xf32, #tpu.memory_space<vmem_shared>>) offsets(%arg21 : memref<80xi32, #tpu.memory_space<vmem>>) semaphore(%arg41 : memref<!tpu.dma_semaphore, #tpu.memory_space<semaphore_mem>>) {add = true}
      %dma_start3A_615 = arith.constant 0 : i32
      %dma_start3A_616 = arith.constant 0 : i32
      %dma_start3A_617 = tpu.memref_slice %arg43[%dma_start3A_615, %dma_start3A_616] : memref<10112x128xf32, #tpu.memory_space<vmem_shared>> -> memref<10112x128xf32, #tpu.memory_space<vmem_shared>>
      tpu.enqueue_indirect_dma source(%arg25 : memref<80x128xf32, #tpu.memory_space<vmem>>) target(%dma_start3A_617 : memref<10112x128xf32, #tpu.memory_space<vmem_shared>>) offsets(%arg21 : memref<80xi32, #tpu.memory_space<vmem>>) semaphore(%arg41 : memref<!tpu.dma_semaphore, #tpu.memory_space<semaphore_mem>>) {add = true}
      %mul3A_618 = arith.constant 8 : i32
      %mul3A_619 = arith.muli %mul3A_618, %scan3A_386 : i32
      %add3A_620 = arith.constant 7 : i32
      %add3A_621 = arith.addi %mul3A_619, %add3A_620 : i32
      %ge3A_622 = arith.constant 2 : i32
      %ge3A_623 = arith.cmpi sge, %add3A_621, %ge3A_622 : i32
      %convert_element_type3A_624 = arith.extui %ge3A_623 : i1 to i32
      %cond3A_625 = arith.constant 0 : i32
      %cond3A_626 = arith.cmpi ne, %convert_element_type3A_624, %cond3A_625 : i32
      scf.if %cond3A_626 {
        %dma_wait3A_651 = arith.constant 0 : i32
        %dma_wait3A_652 = tpu.memref_slice %arg47[%dma_wait3A_651] : memref<10112xf32, #tpu.memory_space<vmem_shared>> -> memref<10112xf32, #tpu.memory_space<vmem_shared>>
        tpu.wait_indirect_dma semaphore(%arg40 : memref<!tpu.dma_semaphore, #tpu.memory_space<semaphore_mem>>) src(%arg48 : memref<80xf32, #tpu.memory_space<vmem>>) dst(%dma_wait3A_652 : memref<10112xf32, #tpu.memory_space<vmem_shared>>)
        %dma_wait3A_653 = arith.constant 0 : i32
        %dma_wait3A_654 = arith.constant 0 : i32
        %dma_wait3A_655 = tpu.memref_slice %arg43[%dma_wait3A_653, %dma_wait3A_654] : memref<10112x128xf32, #tpu.memory_space<vmem_shared>> -> memref<10112x128xf32, #tpu.memory_space<vmem_shared>>
        tpu.wait_indirect_dma semaphore(%arg40 : memref<!tpu.dma_semaphore, #tpu.memory_space<semaphore_mem>>) src(%arg24 : memref<80x128xf32, #tpu.memory_space<vmem>>) dst(%dma_wait3A_655 : memref<10112x128xf32, #tpu.memory_space<vmem_shared>>)
      } else {
      }
      %add3A_627 = arith.constant 8 : i32
      %add3A_628 = arith.addi %add3A_621, %add3A_627 : i32
      %sub3A_629 = arith.constant 2 : i32
      %sub3A_630 = arith.subi %add3A_628, %sub3A_629 : i32
      %lt3A_631 = arith.constant 125 : i32
      %lt3A_632 = arith.cmpi slt, %sub3A_630, %lt3A_631 : i32
      %convert_element_type3A_633 = arith.extui %lt3A_632 : i1 to i32
      %cond3A_634 = arith.constant 0 : i32
      %cond3A_635 = arith.cmpi ne, %convert_element_type3A_633, %cond3A_634 : i32
      scf.if %cond3A_635 {
        %add3A_651 = arith.constant 8 : i32
        %add3A_652 = arith.addi %add3A_621, %add3A_651 : i32
        %sub3A_653 = arith.constant 2 : i32
        %sub3A_654 = arith.subi %add3A_652, %sub3A_653 : i32
        %mul3A_655 = arith.constant 80 : i32
        %mul3A_656 = arith.muli %sub3A_654, %mul3A_655 : i32
        %mul3A_657 = arith.constant 80 : i32
        %mul3A_658 = arith.muli %sub3A_654, %mul3A_657 : i32
        %dma_start3A_659 = tpu.memref_slice %arg3[%add3A_97, %mul3A_656] : memref<32x10000xi32, #tpu.memory_space<hbm>> -> memref<1x80xi32, #tpu.memory_space<hbm>>
        %dma_start3A_660 = tpu.memref_squeeze %dma_start3A_659 : memref<1x80xi32, #tpu.memory_space<hbm>> -> memref<80xi32, #tpu.memory_space<hbm>>
        %dma_start3A_661 = tpu.memref_slice %arg3[%add3A_97, %mul3A_656] : memref<32x10000xi32, #tpu.memory_space<hbm>> -> memref<1x80xi32, #tpu.memory_space<hbm>>
        %dma_start3A_662 = tpu.memref_squeeze %dma_start3A_661 : memref<1x80xi32, #tpu.memory_space<hbm>> -> memref<80xi32, #tpu.memory_space<hbm>>
        tpu.enqueue_dma source(%dma_start3A_662 : memref<80xi32, #tpu.memory_space<hbm>>) target(%arg12 : memref<80xi32, #tpu.memory_space<vmem>>) target_semaphore(%arg32 : memref<!tpu.dma_semaphore, #tpu.memory_space<semaphore_mem>>)
        %dma_start3A_663 = tpu.memref_slice %arg4[%add3A_97, %mul3A_658] : memref<32x10000xi32, #tpu.memory_space<hbm>> -> memref<1x80xi32, #tpu.memory_space<hbm>>
        %dma_start3A_664 = tpu.memref_squeeze %dma_start3A_663 : memref<1x80xi32, #tpu.memory_space<hbm>> -> memref<80xi32, #tpu.memory_space<hbm>>
        %dma_start3A_665 = tpu.memref_slice %arg4[%add3A_97, %mul3A_658] : memref<32x10000xi32, #tpu.memory_space<hbm>> -> memref<1x80xi32, #tpu.memory_space<hbm>>
        %dma_start3A_666 = tpu.memref_squeeze %dma_start3A_665 : memref<1x80xi32, #tpu.memory_space<hbm>> -> memref<80xi32, #tpu.memory_space<hbm>>
        tpu.enqueue_dma source(%dma_start3A_666 : memref<80xi32, #tpu.memory_space<hbm>>) target(%arg20 : memref<80xi32, #tpu.memory_space<vmem>>) target_semaphore(%arg32 : memref<!tpu.dma_semaphore, #tpu.memory_space<semaphore_mem>>)
      } else {
      }
      %add3A_636 = arith.constant 2 : i32
      %add3A_637 = arith.addi %add3A_621, %add3A_636 : i32
      %lt3A_638 = arith.constant 125 : i32
      %lt3A_639 = arith.cmpi slt, %add3A_637, %lt3A_638 : i32
      %convert_element_type3A_640 = arith.extui %lt3A_639 : i1 to i32
      %cond3A_641 = arith.constant 0 : i32
      %cond3A_642 = arith.cmpi ne, %convert_element_type3A_640, %cond3A_641 : i32
      scf.if %cond3A_642 {
        %add3A_651 = arith.constant 2 : i32
        %add3A_652 = arith.addi %add3A_621, %add3A_651 : i32
        %mul3A_653 = arith.constant 80 : i32
        %mul3A_654 = arith.muli %add3A_652, %mul3A_653 : i32
        %mul3A_655 = arith.constant 80 : i32
        %mul3A_656 = arith.muli %add3A_652, %mul3A_655 : i32
        %dma_wait3A_657 = tpu.memref_slice %arg3[%add3A_97, %mul3A_654] : memref<32x10000xi32, #tpu.memory_space<hbm>> -> memref<1x80xi32, #tpu.memory_space<hbm>>
        %dma_wait3A_658 = tpu.memref_squeeze %dma_wait3A_657 : memref<1x80xi32, #tpu.memory_space<hbm>> -> memref<80xi32, #tpu.memory_space<hbm>>
        %dma_wait3A_659 = tpu.memref_slice %arg3[%add3A_97, %mul3A_654] : memref<32x10000xi32, #tpu.memory_space<hbm>> -> memref<1x80xi32, #tpu.memory_space<hbm>>
        %dma_wait3A_660 = tpu.memref_squeeze %dma_wait3A_659 : memref<1x80xi32, #tpu.memory_space<hbm>> -> memref<80xi32, #tpu.memory_space<hbm>>
        tpu.wait_dma2 semaphore(%arg28 : memref<!tpu.dma_semaphore, #tpu.memory_space<semaphore_mem>>) src(%dma_wait3A_660 : memref<80xi32, #tpu.memory_space<hbm>>) dst(%arg8 : memref<80xi32, #tpu.memory_space<vmem>>)
        %dma_wait3A_661 = tpu.memref_slice %arg4[%add3A_97, %mul3A_656] : memref<32x10000xi32, #tpu.memory_space<hbm>> -> memref<1x80xi32, #tpu.memory_space<hbm>>
        %dma_wait3A_662 = tpu.memref_squeeze %dma_wait3A_661 : memref<1x80xi32, #tpu.memory_space<hbm>> -> memref<80xi32, #tpu.memory_space<hbm>>
        %dma_wait3A_663 = tpu.memref_slice %arg4[%add3A_97, %mul3A_656] : memref<32x10000xi32, #tpu.memory_space<hbm>> -> memref<1x80xi32, #tpu.memory_space<hbm>>
        %dma_wait3A_664 = tpu.memref_squeeze %dma_wait3A_663 : memref<1x80xi32, #tpu.memory_space<hbm>> -> memref<80xi32, #tpu.memory_space<hbm>>
        tpu.wait_dma2 semaphore(%arg28 : memref<!tpu.dma_semaphore, #tpu.memory_space<semaphore_mem>>) src(%dma_wait3A_664 : memref<80xi32, #tpu.memory_space<hbm>>) dst(%arg16 : memref<80xi32, #tpu.memory_space<vmem>>)
        %dma_start3A_665 = arith.constant 0 : i32
        %dma_start3A_666 = arith.constant 0 : i32
        %dma_start3A_667 = tpu.memref_slice %arg2[%dma_start3A_665, %dma_start3A_666] : memref<10000x128xf32, #tpu.memory_space<hbm>> -> memref<10000x128xf32, #tpu.memory_space<hbm>>
        tpu.enqueue_indirect_dma source(%dma_start3A_667 : memref<10000x128xf32, #tpu.memory_space<hbm>>) target(%arg24 : memref<80x128xf32, #tpu.memory_space<vmem>>) offsets(%arg8 : memref<80xi32, #tpu.memory_space<vmem>>) semaphore(%arg36 : memref<!tpu.dma_semaphore, #tpu.memory_space<semaphore_mem>>)
      } else {
      }
      %dma_wait3A_643 = arith.constant 0 : i32
      %dma_wait3A_644 = arith.constant 0 : i32
      %dma_wait3A_645 = tpu.memref_slice %arg2[%dma_wait3A_643, %dma_wait3A_644] : memref<10000x128xf32, #tpu.memory_space<hbm>> -> memref<10000x128xf32, #tpu.memory_space<hbm>>
      tpu.wait_indirect_dma semaphore(%arg38 : memref<!tpu.dma_semaphore, #tpu.memory_space<semaphore_mem>>) src(%dma_wait3A_645 : memref<10000x128xf32, #tpu.memory_space<hbm>>) dst(%arg26 : memref<80x128xf32, #tpu.memory_space<vmem>>)
      %dma_start3A_646 = arith.constant 0 : i32
      %dma_start3A_647 = tpu.memref_slice %arg47[%dma_start3A_646] : memref<10112xf32, #tpu.memory_space<vmem_shared>> -> memref<10112xf32, #tpu.memory_space<vmem_shared>>
      tpu.enqueue_indirect_dma source(%arg48 : memref<80xf32, #tpu.memory_space<vmem>>) target(%dma_start3A_647 : memref<10112xf32, #tpu.memory_space<vmem_shared>>) offsets(%arg22 : memref<80xi32, #tpu.memory_space<vmem>>) semaphore(%arg42 : memref<!tpu.dma_semaphore, #tpu.memory_space<semaphore_mem>>) {add = true}
      %dma_start3A_648 = arith.constant 0 : i32
      %dma_start3A_649 = arith.constant 0 : i32
      %dma_start3A_650 = tpu.memref_slice %arg43[%dma_start3A_648, %dma_start3A_649] : memref<10112x128xf32, #tpu.memory_space<vmem_shared>> -> memref<10112x128xf32, #tpu.memory_space<vmem_shared>>
      tpu.enqueue_indirect_dma source(%arg26 : memref<80x128xf32, #tpu.memory_space<vmem>>) target(%dma_start3A_650 : memref<10112x128xf32, #tpu.memory_space<vmem_shared>>) offsets(%arg22 : memref<80xi32, #tpu.memory_space<vmem>>) semaphore(%arg42 : memref<!tpu.dma_semaphore, #tpu.memory_space<semaphore_mem>>) {add = true}
    }
    %scan3A_203 = arith.constant 15 : i32
    %ge3A = arith.constant 120 : i32
    %ge3A_204 = arith.constant 2 : i32
    %ge3A_205 = arith.cmpi sge, %ge3A, %ge3A_204 : i32
    %convert_element_type3A = arith.extui %ge3A_205 : i1 to i32
    %cond3A = arith.constant 0 : i32
    %cond3A_206 = arith.cmpi ne, %convert_element_type3A, %cond3A : i32
    scf.if %cond3A_206 {
      %dma_wait3A_386 = arith.constant 0 : i32
      %dma_wait3A_387 = tpu.memref_slice %arg47[%dma_wait3A_386] : memref<10112xf32, #tpu.memory_space<vmem_shared>> -> memref<10112xf32, #tpu.memory_space<vmem_shared>>
      tpu.wait_indirect_dma semaphore(%arg41 : memref<!tpu.dma_semaphore, #tpu.memory_space<semaphore_mem>>) src(%arg48 : memref<80xf32, #tpu.memory_space<vmem>>) dst(%dma_wait3A_387 : memref<10112xf32, #tpu.memory_space<vmem_shared>>)
      %dma_wait3A_388 = arith.constant 0 : i32
      %dma_wait3A_389 = arith.constant 0 : i32
      %dma_wait3A_390 = tpu.memref_slice %arg43[%dma_wait3A_388, %dma_wait3A_389] : memref<10112x128xf32, #tpu.memory_space<vmem_shared>> -> memref<10112x128xf32, #tpu.memory_space<vmem_shared>>
      tpu.wait_indirect_dma semaphore(%arg41 : memref<!tpu.dma_semaphore, #tpu.memory_space<semaphore_mem>>) src(%arg25 : memref<80x128xf32, #tpu.memory_space<vmem>>) dst(%dma_wait3A_390 : memref<10112x128xf32, #tpu.memory_space<vmem_shared>>)
    } else {
    }
    %add3A_207 = arith.constant 120 : i32
    %add3A_208 = arith.constant 8 : i32
    %add3A_209 = arith.addi %add3A_207, %add3A_208 : i32
    %sub3A = arith.constant 2 : i32
    %sub3A_210 = arith.subi %add3A_209, %sub3A : i32
    %lt3A = arith.constant 125 : i32
    %lt3A_211 = arith.cmpi slt, %sub3A_210, %lt3A : i32
    %convert_element_type3A_212 = arith.extui %lt3A_211 : i1 to i32
    %cond3A_213 = arith.constant 120 : i32
    %cond3A_214 = arith.constant 0 : i32
    %cond3A_215 = arith.cmpi ne, %convert_element_type3A_212, %cond3A_214 : i32
    scf.if %cond3A_215 {
      %add3A_386 = arith.constant 8 : i32
      %add3A_387 = arith.addi %cond3A_213, %add3A_386 : i32
      %sub3A_388 = arith.constant 2 : i32
      %sub3A_389 = arith.subi %add3A_387, %sub3A_388 : i32
      %mul3A_390 = arith.constant 80 : i32
      %mul3A_391 = arith.muli %sub3A_389, %mul3A_390 : i32
      %mul3A_392 = arith.constant 80 : i32
      %mul3A_393 = arith.muli %sub3A_389, %mul3A_392 : i32
      %dma_start3A_394 = tpu.memref_slice %arg3[%add3A_97, %mul3A_391] : memref<32x10000xi32, #tpu.memory_space<hbm>> -> memref<1x80xi32, #tpu.memory_space<hbm>>
      %dma_start3A_395 = tpu.memref_squeeze %dma_start3A_394 : memref<1x80xi32, #tpu.memory_space<hbm>> -> memref<80xi32, #tpu.memory_space<hbm>>
      %dma_start3A_396 = tpu.memref_slice %arg3[%add3A_97, %mul3A_391] : memref<32x10000xi32, #tpu.memory_space<hbm>> -> memref<1x80xi32, #tpu.memory_space<hbm>>
      %dma_start3A_397 = tpu.memref_squeeze %dma_start3A_396 : memref<1x80xi32, #tpu.memory_space<hbm>> -> memref<80xi32, #tpu.memory_space<hbm>>
      tpu.enqueue_dma source(%dma_start3A_397 : memref<80xi32, #tpu.memory_space<hbm>>) target(%arg13 : memref<80xi32, #tpu.memory_space<vmem>>) target_semaphore(%arg33 : memref<!tpu.dma_semaphore, #tpu.memory_space<semaphore_mem>>)
      %dma_start3A_398 = tpu.memref_slice %arg4[%add3A_97, %mul3A_393] : memref<32x10000xi32, #tpu.memory_space<hbm>> -> memref<1x80xi32, #tpu.memory_space<hbm>>
      %dma_start3A_399 = tpu.memref_squeeze %dma_start3A_398 : memref<1x80xi32, #tpu.memory_space<hbm>> -> memref<80xi32, #tpu.memory_space<hbm>>
      %dma_start3A_400 = tpu.memref_slice %arg4[%add3A_97, %mul3A_393] : memref<32x10000xi32, #tpu.memory_space<hbm>> -> memref<1x80xi32, #tpu.memory_space<hbm>>
      %dma_start3A_401 = tpu.memref_squeeze %dma_start3A_400 : memref<1x80xi32, #tpu.memory_space<hbm>> -> memref<80xi32, #tpu.memory_space<hbm>>
      tpu.enqueue_dma source(%dma_start3A_401 : memref<80xi32, #tpu.memory_space<hbm>>) target(%arg21 : memref<80xi32, #tpu.memory_space<vmem>>) target_semaphore(%arg33 : memref<!tpu.dma_semaphore, #tpu.memory_space<semaphore_mem>>)
    } else {
    }
    %add3A_216 = arith.constant 120 : i32
    %add3A_217 = arith.constant 2 : i32
    %add3A_218 = arith.addi %add3A_216, %add3A_217 : i32
    %lt3A_219 = arith.constant 125 : i32
    %lt3A_220 = arith.cmpi slt, %add3A_218, %lt3A_219 : i32
    %convert_element_type3A_221 = arith.extui %lt3A_220 : i1 to i32
    %cond3A_222 = arith.constant 120 : i32
    %cond3A_223 = arith.constant 0 : i32
    %cond3A_224 = arith.cmpi ne, %convert_element_type3A_221, %cond3A_223 : i32
    scf.if %cond3A_224 {
      %add3A_386 = arith.constant 2 : i32
      %add3A_387 = arith.addi %cond3A_222, %add3A_386 : i32
      %mul3A_388 = arith.constant 80 : i32
      %mul3A_389 = arith.muli %add3A_387, %mul3A_388 : i32
      %mul3A_390 = arith.constant 80 : i32
      %mul3A_391 = arith.muli %add3A_387, %mul3A_390 : i32
      %dma_wait3A_392 = tpu.memref_slice %arg3[%add3A_97, %mul3A_389] : memref<32x10000xi32, #tpu.memory_space<hbm>> -> memref<1x80xi32, #tpu.memory_space<hbm>>
      %dma_wait3A_393 = tpu.memref_squeeze %dma_wait3A_392 : memref<1x80xi32, #tpu.memory_space<hbm>> -> memref<80xi32, #tpu.memory_space<hbm>>
      %dma_wait3A_394 = tpu.memref_slice %arg3[%add3A_97, %mul3A_389] : memref<32x10000xi32, #tpu.memory_space<hbm>> -> memref<1x80xi32, #tpu.memory_space<hbm>>
      %dma_wait3A_395 = tpu.memref_squeeze %dma_wait3A_394 : memref<1x80xi32, #tpu.memory_space<hbm>> -> memref<80xi32, #tpu.memory_space<hbm>>
      tpu.wait_dma2 semaphore(%arg29 : memref<!tpu.dma_semaphore, #tpu.memory_space<semaphore_mem>>) src(%dma_wait3A_395 : memref<80xi32, #tpu.memory_space<hbm>>) dst(%arg9 : memref<80xi32, #tpu.memory_space<vmem>>)
      %dma_wait3A_396 = tpu.memref_slice %arg4[%add3A_97, %mul3A_391] : memref<32x10000xi32, #tpu.memory_space<hbm>> -> memref<1x80xi32, #tpu.memory_space<hbm>>
      %dma_wait3A_397 = tpu.memref_squeeze %dma_wait3A_396 : memref<1x80xi32, #tpu.memory_space<hbm>> -> memref<80xi32, #tpu.memory_space<hbm>>
      %dma_wait3A_398 = tpu.memref_slice %arg4[%add3A_97, %mul3A_391] : memref<32x10000xi32, #tpu.memory_space<hbm>> -> memref<1x80xi32, #tpu.memory_space<hbm>>
      %dma_wait3A_399 = tpu.memref_squeeze %dma_wait3A_398 : memref<1x80xi32, #tpu.memory_space<hbm>> -> memref<80xi32, #tpu.memory_space<hbm>>
      tpu.wait_dma2 semaphore(%arg29 : memref<!tpu.dma_semaphore, #tpu.memory_space<semaphore_mem>>) src(%dma_wait3A_399 : memref<80xi32, #tpu.memory_space<hbm>>) dst(%arg17 : memref<80xi32, #tpu.memory_space<vmem>>)
      %dma_start3A_400 = arith.constant 0 : i32
      %dma_start3A_401 = arith.constant 0 : i32
      %dma_start3A_402 = tpu.memref_slice %arg2[%dma_start3A_400, %dma_start3A_401] : memref<10000x128xf32, #tpu.memory_space<hbm>> -> memref<10000x128xf32, #tpu.memory_space<hbm>>
      tpu.enqueue_indirect_dma source(%dma_start3A_402 : memref<10000x128xf32, #tpu.memory_space<hbm>>) target(%arg25 : memref<80x128xf32, #tpu.memory_space<vmem>>) offsets(%arg9 : memref<80xi32, #tpu.memory_space<vmem>>) semaphore(%arg37 : memref<!tpu.dma_semaphore, #tpu.memory_space<semaphore_mem>>)
    } else {
    }
    %dma_wait3A_225 = arith.constant 0 : i32
    %dma_wait3A_226 = arith.constant 0 : i32
    %dma_wait3A_227 = tpu.memref_slice %arg2[%dma_wait3A_225, %dma_wait3A_226] : memref<10000x128xf32, #tpu.memory_space<hbm>> -> memref<10000x128xf32, #tpu.memory_space<hbm>>
    tpu.wait_indirect_dma semaphore(%arg35 : memref<!tpu.dma_semaphore, #tpu.memory_space<semaphore_mem>>) src(%dma_wait3A_227 : memref<10000x128xf32, #tpu.memory_space<hbm>>) dst(%arg23 : memref<80x128xf32, #tpu.memory_space<vmem>>)
    %dma_start3A_228 = arith.constant 0 : i32
    %dma_start3A_229 = tpu.memref_slice %arg47[%dma_start3A_228] : memref<10112xf32, #tpu.memory_space<vmem_shared>> -> memref<10112xf32, #tpu.memory_space<vmem_shared>>
    tpu.enqueue_indirect_dma source(%arg48 : memref<80xf32, #tpu.memory_space<vmem>>) target(%dma_start3A_229 : memref<10112xf32, #tpu.memory_space<vmem_shared>>) offsets(%arg15 : memref<80xi32, #tpu.memory_space<vmem>>) semaphore(%arg39 : memref<!tpu.dma_semaphore, #tpu.memory_space<semaphore_mem>>) {add = true}
    %dma_start3A_230 = arith.constant 0 : i32
    %dma_start3A_231 = arith.constant 0 : i32
    %dma_start3A_232 = tpu.memref_slice %arg43[%dma_start3A_230, %dma_start3A_231] : memref<10112x128xf32, #tpu.memory_space<vmem_shared>> -> memref<10112x128xf32, #tpu.memory_space<vmem_shared>>
    tpu.enqueue_indirect_dma source(%arg23 : memref<80x128xf32, #tpu.memory_space<vmem>>) target(%dma_start3A_232 : memref<10112x128xf32, #tpu.memory_space<vmem_shared>>) offsets(%arg15 : memref<80xi32, #tpu.memory_space<vmem>>) semaphore(%arg39 : memref<!tpu.dma_semaphore, #tpu.memory_space<semaphore_mem>>) {add = true}
    %ge3A_233 = arith.constant 121 : i32
    %ge3A_234 = arith.constant 2 : i32
    %ge3A_235 = arith.cmpi sge, %ge3A_233, %ge3A_234 : i32
    %convert_element_type3A_236 = arith.extui %ge3A_235 : i1 to i32
    %cond3A_237 = arith.constant 0 : i32
    %cond3A_238 = arith.cmpi ne, %convert_element_type3A_236, %cond3A_237 : i32
    scf.if %cond3A_238 {
      %dma_wait3A_386 = arith.constant 0 : i32
      %dma_wait3A_387 = tpu.memref_slice %arg47[%dma_wait3A_386] : memref<10112xf32, #tpu.memory_space<vmem_shared>> -> memref<10112xf32, #tpu.memory_space<vmem_shared>>
      tpu.wait_indirect_dma semaphore(%arg42 : memref<!tpu.dma_semaphore, #tpu.memory_space<semaphore_mem>>) src(%arg48 : memref<80xf32, #tpu.memory_space<vmem>>) dst(%dma_wait3A_387 : memref<10112xf32, #tpu.memory_space<vmem_shared>>)
      %dma_wait3A_388 = arith.constant 0 : i32
      %dma_wait3A_389 = arith.constant 0 : i32
      %dma_wait3A_390 = tpu.memref_slice %arg43[%dma_wait3A_388, %dma_wait3A_389] : memref<10112x128xf32, #tpu.memory_space<vmem_shared>> -> memref<10112x128xf32, #tpu.memory_space<vmem_shared>>
      tpu.wait_indirect_dma semaphore(%arg42 : memref<!tpu.dma_semaphore, #tpu.memory_space<semaphore_mem>>) src(%arg26 : memref<80x128xf32, #tpu.memory_space<vmem>>) dst(%dma_wait3A_390 : memref<10112x128xf32, #tpu.memory_space<vmem_shared>>)
    } else {
    }
    %add3A_239 = arith.constant 121 : i32
    %add3A_240 = arith.constant 8 : i32
    %add3A_241 = arith.addi %add3A_239, %add3A_240 : i32
    %sub3A_242 = arith.constant 2 : i32
    %sub3A_243 = arith.subi %add3A_241, %sub3A_242 : i32
    %lt3A_244 = arith.constant 125 : i32
    %lt3A_245 = arith.cmpi slt, %sub3A_243, %lt3A_244 : i32
    %convert_element_type3A_246 = arith.extui %lt3A_245 : i1 to i32
    %cond3A_247 = arith.constant 121 : i32
    %cond3A_248 = arith.constant 0 : i32
    %cond3A_249 = arith.cmpi ne, %convert_element_type3A_246, %cond3A_248 : i32
    scf.if %cond3A_249 {
      %add3A_386 = arith.constant 8 : i32
      %add3A_387 = arith.addi %cond3A_247, %add3A_386 : i32
      %sub3A_388 = arith.constant 2 : i32
      %sub3A_389 = arith.subi %add3A_387, %sub3A_388 : i32
      %mul3A_390 = arith.constant 80 : i32
      %mul3A_391 = arith.muli %sub3A_389, %mul3A_390 : i32
      %mul3A_392 = arith.constant 80 : i32
      %mul3A_393 = arith.muli %sub3A_389, %mul3A_392 : i32
      %dma_start3A_394 = tpu.memref_slice %arg3[%add3A_97, %mul3A_391] : memref<32x10000xi32, #tpu.memory_space<hbm>> -> memref<1x80xi32, #tpu.memory_space<hbm>>
      %dma_start3A_395 = tpu.memref_squeeze %dma_start3A_394 : memref<1x80xi32, #tpu.memory_space<hbm>> -> memref<80xi32, #tpu.memory_space<hbm>>
      %dma_start3A_396 = tpu.memref_slice %arg3[%add3A_97, %mul3A_391] : memref<32x10000xi32, #tpu.memory_space<hbm>> -> memref<1x80xi32, #tpu.memory_space<hbm>>
      %dma_start3A_397 = tpu.memref_squeeze %dma_start3A_396 : memref<1x80xi32, #tpu.memory_space<hbm>> -> memref<80xi32, #tpu.memory_space<hbm>>
      tpu.enqueue_dma source(%dma_start3A_397 : memref<80xi32, #tpu.memory_space<hbm>>) target(%arg14 : memref<80xi32, #tpu.memory_space<vmem>>) target_semaphore(%arg34 : memref<!tpu.dma_semaphore, #tpu.memory_space<semaphore_mem>>)
      %dma_start3A_398 = tpu.memref_slice %arg4[%add3A_97, %mul3A_393] : memref<32x10000xi32, #tpu.memory_space<hbm>> -> memref<1x80xi32, #tpu.memory_space<hbm>>
      %dma_start3A_399 = tpu.memref_squeeze %dma_start3A_398 : memref<1x80xi32, #tpu.memory_space<hbm>> -> memref<80xi32, #tpu.memory_space<hbm>>
      %dma_start3A_400 = tpu.memref_slice %arg4[%add3A_97, %mul3A_393] : memref<32x10000xi32, #tpu.memory_space<hbm>> -> memref<1x80xi32, #tpu.memory_space<hbm>>
      %dma_start3A_401 = tpu.memref_squeeze %dma_start3A_400 : memref<1x80xi32, #tpu.memory_space<hbm>> -> memref<80xi32, #tpu.memory_space<hbm>>
      tpu.enqueue_dma source(%dma_start3A_401 : memref<80xi32, #tpu.memory_space<hbm>>) target(%arg22 : memref<80xi32, #tpu.memory_space<vmem>>) target_semaphore(%arg34 : memref<!tpu.dma_semaphore, #tpu.memory_space<semaphore_mem>>)
    } else {
    }
    %add3A_250 = arith.constant 121 : i32
    %add3A_251 = arith.constant 2 : i32
    %add3A_252 = arith.addi %add3A_250, %add3A_251 : i32
    %lt3A_253 = arith.constant 125 : i32
    %lt3A_254 = arith.cmpi slt, %add3A_252, %lt3A_253 : i32
    %convert_element_type3A_255 = arith.extui %lt3A_254 : i1 to i32
    %cond3A_256 = arith.constant 121 : i32
    %cond3A_257 = arith.constant 0 : i32
    %cond3A_258 = arith.cmpi ne, %convert_element_type3A_255, %cond3A_257 : i32
    scf.if %cond3A_258 {
      %add3A_386 = arith.constant 2 : i32
      %add3A_387 = arith.addi %cond3A_256, %add3A_386 : i32
      %mul3A_388 = arith.constant 80 : i32
      %mul3A_389 = arith.muli %add3A_387, %mul3A_388 : i32
      %mul3A_390 = arith.constant 80 : i32
      %mul3A_391 = arith.muli %add3A_387, %mul3A_390 : i32
      %dma_wait3A_392 = tpu.memref_slice %arg3[%add3A_97, %mul3A_389] : memref<32x10000xi32, #tpu.memory_space<hbm>> -> memref<1x80xi32, #tpu.memory_space<hbm>>
      %dma_wait3A_393 = tpu.memref_squeeze %dma_wait3A_392 : memref<1x80xi32, #tpu.memory_space<hbm>> -> memref<80xi32, #tpu.memory_space<hbm>>
      %dma_wait3A_394 = tpu.memref_slice %arg3[%add3A_97, %mul3A_389] : memref<32x10000xi32, #tpu.memory_space<hbm>> -> memref<1x80xi32, #tpu.memory_space<hbm>>
      %dma_wait3A_395 = tpu.memref_squeeze %dma_wait3A_394 : memref<1x80xi32, #tpu.memory_space<hbm>> -> memref<80xi32, #tpu.memory_space<hbm>>
      tpu.wait_dma2 semaphore(%arg30 : memref<!tpu.dma_semaphore, #tpu.memory_space<semaphore_mem>>) src(%dma_wait3A_395 : memref<80xi32, #tpu.memory_space<hbm>>) dst(%arg10 : memref<80xi32, #tpu.memory_space<vmem>>)
      %dma_wait3A_396 = tpu.memref_slice %arg4[%add3A_97, %mul3A_391] : memref<32x10000xi32, #tpu.memory_space<hbm>> -> memref<1x80xi32, #tpu.memory_space<hbm>>
      %dma_wait3A_397 = tpu.memref_squeeze %dma_wait3A_396 : memref<1x80xi32, #tpu.memory_space<hbm>> -> memref<80xi32, #tpu.memory_space<hbm>>
      %dma_wait3A_398 = tpu.memref_slice %arg4[%add3A_97, %mul3A_391] : memref<32x10000xi32, #tpu.memory_space<hbm>> -> memref<1x80xi32, #tpu.memory_space<hbm>>
      %dma_wait3A_399 = tpu.memref_squeeze %dma_wait3A_398 : memref<1x80xi32, #tpu.memory_space<hbm>> -> memref<80xi32, #tpu.memory_space<hbm>>
      tpu.wait_dma2 semaphore(%arg30 : memref<!tpu.dma_semaphore, #tpu.memory_space<semaphore_mem>>) src(%dma_wait3A_399 : memref<80xi32, #tpu.memory_space<hbm>>) dst(%arg18 : memref<80xi32, #tpu.memory_space<vmem>>)
      %dma_start3A_400 = arith.constant 0 : i32
      %dma_start3A_401 = arith.constant 0 : i32
      %dma_start3A_402 = tpu.memref_slice %arg2[%dma_start3A_400, %dma_start3A_401] : memref<10000x128xf32, #tpu.memory_space<hbm>> -> memref<10000x128xf32, #tpu.memory_space<hbm>>
      tpu.enqueue_indirect_dma source(%dma_start3A_402 : memref<10000x128xf32, #tpu.memory_space<hbm>>) target(%arg26 : memref<80x128xf32, #tpu.memory_space<vmem>>) offsets(%arg10 : memref<80xi32, #tpu.memory_space<vmem>>) semaphore(%arg38 : memref<!tpu.dma_semaphore, #tpu.memory_space<semaphore_mem>>)
    } else {
    }
    %dma_wait3A_259 = arith.constant 0 : i32
    %dma_wait3A_260 = arith.constant 0 : i32
    %dma_wait3A_261 = tpu.memref_slice %arg2[%dma_wait3A_259, %dma_wait3A_260] : memref<10000x128xf32, #tpu.memory_space<hbm>> -> memref<10000x128xf32, #tpu.memory_space<hbm>>
    tpu.wait_indirect_dma semaphore(%arg36 : memref<!tpu.dma_semaphore, #tpu.memory_space<semaphore_mem>>) src(%dma_wait3A_261 : memref<10000x128xf32, #tpu.memory_space<hbm>>) dst(%arg24 : memref<80x128xf32, #tpu.memory_space<vmem>>)
    %dma_start3A_262 = arith.constant 0 : i32
    %dma_start3A_263 = tpu.memref_slice %arg47[%dma_start3A_262] : memref<10112xf32, #tpu.memory_space<vmem_shared>> -> memref<10112xf32, #tpu.memory_space<vmem_shared>>
    tpu.enqueue_indirect_dma source(%arg48 : memref<80xf32, #tpu.memory_space<vmem>>) target(%dma_start3A_263 : memref<10112xf32, #tpu.memory_space<vmem_shared>>) offsets(%arg16 : memref<80xi32, #tpu.memory_space<vmem>>) semaphore(%arg40 : memref<!tpu.dma_semaphore, #tpu.memory_space<semaphore_mem>>) {add = true}
    %dma_start3A_264 = arith.constant 0 : i32
    %dma_start3A_265 = arith.constant 0 : i32
    %dma_start3A_266 = tpu.memref_slice %arg43[%dma_start3A_264, %dma_start3A_265] : memref<10112x128xf32, #tpu.memory_space<vmem_shared>> -> memref<10112x128xf32, #tpu.memory_space<vmem_shared>>
    tpu.enqueue_indirect_dma source(%arg24 : memref<80x128xf32, #tpu.memory_space<vmem>>) target(%dma_start3A_266 : memref<10112x128xf32, #tpu.memory_space<vmem_shared>>) offsets(%arg16 : memref<80xi32, #tpu.memory_space<vmem>>) semaphore(%arg40 : memref<!tpu.dma_semaphore, #tpu.memory_space<semaphore_mem>>) {add = true}
    %ge3A_267 = arith.constant 122 : i32
    %ge3A_268 = arith.constant 2 : i32
    %ge3A_269 = arith.cmpi sge, %ge3A_267, %ge3A_268 : i32
    %convert_element_type3A_270 = arith.extui %ge3A_269 : i1 to i32
    %cond3A_271 = arith.constant 0 : i32
    %cond3A_272 = arith.cmpi ne, %convert_element_type3A_270, %cond3A_271 : i32
    scf.if %cond3A_272 {
      %dma_wait3A_386 = arith.constant 0 : i32
      %dma_wait3A_387 = tpu.memref_slice %arg47[%dma_wait3A_386] : memref<10112xf32, #tpu.memory_space<vmem_shared>> -> memref<10112xf32, #tpu.memory_space<vmem_shared>>
      tpu.wait_indirect_dma semaphore(%arg39 : memref<!tpu.dma_semaphore, #tpu.memory_space<semaphore_mem>>) src(%arg48 : memref<80xf32, #tpu.memory_space<vmem>>) dst(%dma_wait3A_387 : memref<10112xf32, #tpu.memory_space<vmem_shared>>)
      %dma_wait3A_388 = arith.constant 0 : i32
      %dma_wait3A_389 = arith.constant 0 : i32
      %dma_wait3A_390 = tpu.memref_slice %arg43[%dma_wait3A_388, %dma_wait3A_389] : memref<10112x128xf32, #tpu.memory_space<vmem_shared>> -> memref<10112x128xf32, #tpu.memory_space<vmem_shared>>
      tpu.wait_indirect_dma semaphore(%arg39 : memref<!tpu.dma_semaphore, #tpu.memory_space<semaphore_mem>>) src(%arg23 : memref<80x128xf32, #tpu.memory_space<vmem>>) dst(%dma_wait3A_390 : memref<10112x128xf32, #tpu.memory_space<vmem_shared>>)
    } else {
    }
    %add3A_273 = arith.constant 122 : i32
    %add3A_274 = arith.constant 8 : i32
    %add3A_275 = arith.addi %add3A_273, %add3A_274 : i32
    %sub3A_276 = arith.constant 2 : i32
    %sub3A_277 = arith.subi %add3A_275, %sub3A_276 : i32
    %lt3A_278 = arith.constant 125 : i32
    %lt3A_279 = arith.cmpi slt, %sub3A_277, %lt3A_278 : i32
    %convert_element_type3A_280 = arith.extui %lt3A_279 : i1 to i32
    %cond3A_281 = arith.constant 122 : i32
    %cond3A_282 = arith.constant 0 : i32
    %cond3A_283 = arith.cmpi ne, %convert_element_type3A_280, %cond3A_282 : i32
    scf.if %cond3A_283 {
      %add3A_386 = arith.constant 8 : i32
      %add3A_387 = arith.addi %cond3A_281, %add3A_386 : i32
      %sub3A_388 = arith.constant 2 : i32
      %sub3A_389 = arith.subi %add3A_387, %sub3A_388 : i32
      %mul3A_390 = arith.constant 80 : i32
      %mul3A_391 = arith.muli %sub3A_389, %mul3A_390 : i32
      %mul3A_392 = arith.constant 80 : i32
      %mul3A_393 = arith.muli %sub3A_389, %mul3A_392 : i32
      %dma_start3A_394 = tpu.memref_slice %arg3[%add3A_97, %mul3A_391] : memref<32x10000xi32, #tpu.memory_space<hbm>> -> memref<1x80xi32, #tpu.memory_space<hbm>>
      %dma_start3A_395 = tpu.memref_squeeze %dma_start3A_394 : memref<1x80xi32, #tpu.memory_space<hbm>> -> memref<80xi32, #tpu.memory_space<hbm>>
      %dma_start3A_396 = tpu.memref_slice %arg3[%add3A_97, %mul3A_391] : memref<32x10000xi32, #tpu.memory_space<hbm>> -> memref<1x80xi32, #tpu.memory_space<hbm>>
      %dma_start3A_397 = tpu.memref_squeeze %dma_start3A_396 : memref<1x80xi32, #tpu.memory_space<hbm>> -> memref<80xi32, #tpu.memory_space<hbm>>
      tpu.enqueue_dma source(%dma_start3A_397 : memref<80xi32, #tpu.memory_space<hbm>>) target(%arg7 : memref<80xi32, #tpu.memory_space<vmem>>) target_semaphore(%arg27 : memref<!tpu.dma_semaphore, #tpu.memory_space<semaphore_mem>>)
      %dma_start3A_398 = tpu.memref_slice %arg4[%add3A_97, %mul3A_393] : memref<32x10000xi32, #tpu.memory_space<hbm>> -> memref<1x80xi32, #tpu.memory_space<hbm>>
      %dma_start3A_399 = tpu.memref_squeeze %dma_start3A_398 : memref<1x80xi32, #tpu.memory_space<hbm>> -> memref<80xi32, #tpu.memory_space<hbm>>
      %dma_start3A_400 = tpu.memref_slice %arg4[%add3A_97, %mul3A_393] : memref<32x10000xi32, #tpu.memory_space<hbm>> -> memref<1x80xi32, #tpu.memory_space<hbm>>
      %dma_start3A_401 = tpu.memref_squeeze %dma_start3A_400 : memref<1x80xi32, #tpu.memory_space<hbm>> -> memref<80xi32, #tpu.memory_space<hbm>>
      tpu.enqueue_dma source(%dma_start3A_401 : memref<80xi32, #tpu.memory_space<hbm>>) target(%arg15 : memref<80xi32, #tpu.memory_space<vmem>>) target_semaphore(%arg27 : memref<!tpu.dma_semaphore, #tpu.memory_space<semaphore_mem>>)
    } else {
    }
    %add3A_284 = arith.constant 122 : i32
    %add3A_285 = arith.constant 2 : i32
    %add3A_286 = arith.addi %add3A_284, %add3A_285 : i32
    %lt3A_287 = arith.constant 125 : i32
    %lt3A_288 = arith.cmpi slt, %add3A_286, %lt3A_287 : i32
    %convert_element_type3A_289 = arith.extui %lt3A_288 : i1 to i32
    %cond3A_290 = arith.constant 122 : i32
    %cond3A_291 = arith.constant 0 : i32
    %cond3A_292 = arith.cmpi ne, %convert_element_type3A_289, %cond3A_291 : i32
    scf.if %cond3A_292 {
      %add3A_386 = arith.constant 2 : i32
      %add3A_387 = arith.addi %cond3A_290, %add3A_386 : i32
      %mul3A_388 = arith.constant 80 : i32
      %mul3A_389 = arith.muli %add3A_387, %mul3A_388 : i32
      %mul3A_390 = arith.constant 80 : i32
      %mul3A_391 = arith.muli %add3A_387, %mul3A_390 : i32
      %dma_wait3A_392 = tpu.memref_slice %arg3[%add3A_97, %mul3A_389] : memref<32x10000xi32, #tpu.memory_space<hbm>> -> memref<1x80xi32, #tpu.memory_space<hbm>>
      %dma_wait3A_393 = tpu.memref_squeeze %dma_wait3A_392 : memref<1x80xi32, #tpu.memory_space<hbm>> -> memref<80xi32, #tpu.memory_space<hbm>>
      %dma_wait3A_394 = tpu.memref_slice %arg3[%add3A_97, %mul3A_389] : memref<32x10000xi32, #tpu.memory_space<hbm>> -> memref<1x80xi32, #tpu.memory_space<hbm>>
      %dma_wait3A_395 = tpu.memref_squeeze %dma_wait3A_394 : memref<1x80xi32, #tpu.memory_space<hbm>> -> memref<80xi32, #tpu.memory_space<hbm>>
      tpu.wait_dma2 semaphore(%arg31 : memref<!tpu.dma_semaphore, #tpu.memory_space<semaphore_mem>>) src(%dma_wait3A_395 : memref<80xi32, #tpu.memory_space<hbm>>) dst(%arg11 : memref<80xi32, #tpu.memory_space<vmem>>)
      %dma_wait3A_396 = tpu.memref_slice %arg4[%add3A_97, %mul3A_391] : memref<32x10000xi32, #tpu.memory_space<hbm>> -> memref<1x80xi32, #tpu.memory_space<hbm>>
      %dma_wait3A_397 = tpu.memref_squeeze %dma_wait3A_396 : memref<1x80xi32, #tpu.memory_space<hbm>> -> memref<80xi32, #tpu.memory_space<hbm>>
      %dma_wait3A_398 = tpu.memref_slice %arg4[%add3A_97, %mul3A_391] : memref<32x10000xi32, #tpu.memory_space<hbm>> -> memref<1x80xi32, #tpu.memory_space<hbm>>
      %dma_wait3A_399 = tpu.memref_squeeze %dma_wait3A_398 : memref<1x80xi32, #tpu.memory_space<hbm>> -> memref<80xi32, #tpu.memory_space<hbm>>
      tpu.wait_dma2 semaphore(%arg31 : memref<!tpu.dma_semaphore, #tpu.memory_space<semaphore_mem>>) src(%dma_wait3A_399 : memref<80xi32, #tpu.memory_space<hbm>>) dst(%arg19 : memref<80xi32, #tpu.memory_space<vmem>>)
      %dma_start3A_400 = arith.constant 0 : i32
      %dma_start3A_401 = arith.constant 0 : i32
      %dma_start3A_402 = tpu.memref_slice %arg2[%dma_start3A_400, %dma_start3A_401] : memref<10000x128xf32, #tpu.memory_space<hbm>> -> memref<10000x128xf32, #tpu.memory_space<hbm>>
      tpu.enqueue_indirect_dma source(%dma_start3A_402 : memref<10000x128xf32, #tpu.memory_space<hbm>>) target(%arg23 : memref<80x128xf32, #tpu.memory_space<vmem>>) offsets(%arg11 : memref<80xi32, #tpu.memory_space<vmem>>) semaphore(%arg35 : memref<!tpu.dma_semaphore, #tpu.memory_space<semaphore_mem>>)
    } else {
    }
    %dma_wait3A_293 = arith.constant 0 : i32
    %dma_wait3A_294 = arith.constant 0 : i32
    %dma_wait3A_295 = tpu.memref_slice %arg2[%dma_wait3A_293, %dma_wait3A_294] : memref<10000x128xf32, #tpu.memory_space<hbm>> -> memref<10000x128xf32, #tpu.memory_space<hbm>>
    tpu.wait_indirect_dma semaphore(%arg37 : memref<!tpu.dma_semaphore, #tpu.memory_space<semaphore_mem>>) src(%dma_wait3A_295 : memref<10000x128xf32, #tpu.memory_space<hbm>>) dst(%arg25 : memref<80x128xf32, #tpu.memory_space<vmem>>)
    %dma_start3A_296 = arith.constant 0 : i32
    %dma_start3A_297 = tpu.memref_slice %arg47[%dma_start3A_296] : memref<10112xf32, #tpu.memory_space<vmem_shared>> -> memref<10112xf32, #tpu.memory_space<vmem_shared>>
    tpu.enqueue_indirect_dma source(%arg48 : memref<80xf32, #tpu.memory_space<vmem>>) target(%dma_start3A_297 : memref<10112xf32, #tpu.memory_space<vmem_shared>>) offsets(%arg17 : memref<80xi32, #tpu.memory_space<vmem>>) semaphore(%arg41 : memref<!tpu.dma_semaphore, #tpu.memory_space<semaphore_mem>>) {add = true}
    %dma_start3A_298 = arith.constant 0 : i32
    %dma_start3A_299 = arith.constant 0 : i32
    %dma_start3A_300 = tpu.memref_slice %arg43[%dma_start3A_298, %dma_start3A_299] : memref<10112x128xf32, #tpu.memory_space<vmem_shared>> -> memref<10112x128xf32, #tpu.memory_space<vmem_shared>>
    tpu.enqueue_indirect_dma source(%arg25 : memref<80x128xf32, #tpu.memory_space<vmem>>) target(%dma_start3A_300 : memref<10112x128xf32, #tpu.memory_space<vmem_shared>>) offsets(%arg17 : memref<80xi32, #tpu.memory_space<vmem>>) semaphore(%arg41 : memref<!tpu.dma_semaphore, #tpu.memory_space<semaphore_mem>>) {add = true}
    %ge3A_301 = arith.constant 123 : i32
    %ge3A_302 = arith.constant 2 : i32
    %ge3A_303 = arith.cmpi sge, %ge3A_301, %ge3A_302 : i32
    %convert_element_type3A_304 = arith.extui %ge3A_303 : i1 to i32
    %cond3A_305 = arith.constant 0 : i32
    %cond3A_306 = arith.cmpi ne, %convert_element_type3A_304, %cond3A_305 : i32
    scf.if %cond3A_306 {
      %dma_wait3A_386 = arith.constant 0 : i32
      %dma_wait3A_387 = tpu.memref_slice %arg47[%dma_wait3A_386] : memref<10112xf32, #tpu.memory_space<vmem_shared>> -> memref<10112xf32, #tpu.memory_space<vmem_shared>>
      tpu.wait_indirect_dma semaphore(%arg40 : memref<!tpu.dma_semaphore, #tpu.memory_space<semaphore_mem>>) src(%arg48 : memref<80xf32, #tpu.memory_space<vmem>>) dst(%dma_wait3A_387 : memref<10112xf32, #tpu.memory_space<vmem_shared>>)
      %dma_wait3A_388 = arith.constant 0 : i32
      %dma_wait3A_389 = arith.constant 0 : i32
      %dma_wait3A_390 = tpu.memref_slice %arg43[%dma_wait3A_388, %dma_wait3A_389] : memref<10112x128xf32, #tpu.memory_space<vmem_shared>> -> memref<10112x128xf32, #tpu.memory_space<vmem_shared>>
      tpu.wait_indirect_dma semaphore(%arg40 : memref<!tpu.dma_semaphore, #tpu.memory_space<semaphore_mem>>) src(%arg24 : memref<80x128xf32, #tpu.memory_space<vmem>>) dst(%dma_wait3A_390 : memref<10112x128xf32, #tpu.memory_space<vmem_shared>>)
    } else {
    }
    %add3A_307 = arith.constant 123 : i32
    %add3A_308 = arith.constant 8 : i32
    %add3A_309 = arith.addi %add3A_307, %add3A_308 : i32
    %sub3A_310 = arith.constant 2 : i32
    %sub3A_311 = arith.subi %add3A_309, %sub3A_310 : i32
    %lt3A_312 = arith.constant 125 : i32
    %lt3A_313 = arith.cmpi slt, %sub3A_311, %lt3A_312 : i32
    %convert_element_type3A_314 = arith.extui %lt3A_313 : i1 to i32
    %cond3A_315 = arith.constant 123 : i32
    %cond3A_316 = arith.constant 0 : i32
    %cond3A_317 = arith.cmpi ne, %convert_element_type3A_314, %cond3A_316 : i32
    scf.if %cond3A_317 {
      %add3A_386 = arith.constant 8 : i32
      %add3A_387 = arith.addi %cond3A_315, %add3A_386 : i32
      %sub3A_388 = arith.constant 2 : i32
      %sub3A_389 = arith.subi %add3A_387, %sub3A_388 : i32
      %mul3A_390 = arith.constant 80 : i32
      %mul3A_391 = arith.muli %sub3A_389, %mul3A_390 : i32
      %mul3A_392 = arith.constant 80 : i32
      %mul3A_393 = arith.muli %sub3A_389, %mul3A_392 : i32
      %dma_start3A_394 = tpu.memref_slice %arg3[%add3A_97, %mul3A_391] : memref<32x10000xi32, #tpu.memory_space<hbm>> -> memref<1x80xi32, #tpu.memory_space<hbm>>
      %dma_start3A_395 = tpu.memref_squeeze %dma_start3A_394 : memref<1x80xi32, #tpu.memory_space<hbm>> -> memref<80xi32, #tpu.memory_space<hbm>>
      %dma_start3A_396 = tpu.memref_slice %arg3[%add3A_97, %mul3A_391] : memref<32x10000xi32, #tpu.memory_space<hbm>> -> memref<1x80xi32, #tpu.memory_space<hbm>>
      %dma_start3A_397 = tpu.memref_squeeze %dma_start3A_396 : memref<1x80xi32, #tpu.memory_space<hbm>> -> memref<80xi32, #tpu.memory_space<hbm>>
      tpu.enqueue_dma source(%dma_start3A_397 : memref<80xi32, #tpu.memory_space<hbm>>) target(%arg8 : memref<80xi32, #tpu.memory_space<vmem>>) target_semaphore(%arg28 : memref<!tpu.dma_semaphore, #tpu.memory_space<semaphore_mem>>)
      %dma_start3A_398 = tpu.memref_slice %arg4[%add3A_97, %mul3A_393] : memref<32x10000xi32, #tpu.memory_space<hbm>> -> memref<1x80xi32, #tpu.memory_space<hbm>>
      %dma_start3A_399 = tpu.memref_squeeze %dma_start3A_398 : memref<1x80xi32, #tpu.memory_space<hbm>> -> memref<80xi32, #tpu.memory_space<hbm>>
      %dma_start3A_400 = tpu.memref_slice %arg4[%add3A_97, %mul3A_393] : memref<32x10000xi32, #tpu.memory_space<hbm>> -> memref<1x80xi32, #tpu.memory_space<hbm>>
      %dma_start3A_401 = tpu.memref_squeeze %dma_start3A_400 : memref<1x80xi32, #tpu.memory_space<hbm>> -> memref<80xi32, #tpu.memory_space<hbm>>
      tpu.enqueue_dma source(%dma_start3A_401 : memref<80xi32, #tpu.memory_space<hbm>>) target(%arg16 : memref<80xi32, #tpu.memory_space<vmem>>) target_semaphore(%arg28 : memref<!tpu.dma_semaphore, #tpu.memory_space<semaphore_mem>>)
    } else {
    }
    %add3A_318 = arith.constant 123 : i32
    %add3A_319 = arith.constant 2 : i32
    %add3A_320 = arith.addi %add3A_318, %add3A_319 : i32
    %lt3A_321 = arith.constant 125 : i32
    %lt3A_322 = arith.cmpi slt, %add3A_320, %lt3A_321 : i32
    %convert_element_type3A_323 = arith.extui %lt3A_322 : i1 to i32
    %cond3A_324 = arith.constant 123 : i32
    %cond3A_325 = arith.constant 0 : i32
    %cond3A_326 = arith.cmpi ne, %convert_element_type3A_323, %cond3A_325 : i32
    scf.if %cond3A_326 {
      %add3A_386 = arith.constant 2 : i32
      %add3A_387 = arith.addi %cond3A_324, %add3A_386 : i32
      %mul3A_388 = arith.constant 80 : i32
      %mul3A_389 = arith.muli %add3A_387, %mul3A_388 : i32
      %mul3A_390 = arith.constant 80 : i32
      %mul3A_391 = arith.muli %add3A_387, %mul3A_390 : i32
      %dma_wait3A_392 = tpu.memref_slice %arg3[%add3A_97, %mul3A_389] : memref<32x10000xi32, #tpu.memory_space<hbm>> -> memref<1x80xi32, #tpu.memory_space<hbm>>
      %dma_wait3A_393 = tpu.memref_squeeze %dma_wait3A_392 : memref<1x80xi32, #tpu.memory_space<hbm>> -> memref<80xi32, #tpu.memory_space<hbm>>
      %dma_wait3A_394 = tpu.memref_slice %arg3[%add3A_97, %mul3A_389] : memref<32x10000xi32, #tpu.memory_space<hbm>> -> memref<1x80xi32, #tpu.memory_space<hbm>>
      %dma_wait3A_395 = tpu.memref_squeeze %dma_wait3A_394 : memref<1x80xi32, #tpu.memory_space<hbm>> -> memref<80xi32, #tpu.memory_space<hbm>>
      tpu.wait_dma2 semaphore(%arg32 : memref<!tpu.dma_semaphore, #tpu.memory_space<semaphore_mem>>) src(%dma_wait3A_395 : memref<80xi32, #tpu.memory_space<hbm>>) dst(%arg12 : memref<80xi32, #tpu.memory_space<vmem>>)
      %dma_wait3A_396 = tpu.memref_slice %arg4[%add3A_97, %mul3A_391] : memref<32x10000xi32, #tpu.memory_space<hbm>> -> memref<1x80xi32, #tpu.memory_space<hbm>>
      %dma_wait3A_397 = tpu.memref_squeeze %dma_wait3A_396 : memref<1x80xi32, #tpu.memory_space<hbm>> -> memref<80xi32, #tpu.memory_space<hbm>>
      %dma_wait3A_398 = tpu.memref_slice %arg4[%add3A_97, %mul3A_391] : memref<32x10000xi32, #tpu.memory_space<hbm>> -> memref<1x80xi32, #tpu.memory_space<hbm>>
      %dma_wait3A_399 = tpu.memref_squeeze %dma_wait3A_398 : memref<1x80xi32, #tpu.memory_space<hbm>> -> memref<80xi32, #tpu.memory_space<hbm>>
      tpu.wait_dma2 semaphore(%arg32 : memref<!tpu.dma_semaphore, #tpu.memory_space<semaphore_mem>>) src(%dma_wait3A_399 : memref<80xi32, #tpu.memory_space<hbm>>) dst(%arg20 : memref<80xi32, #tpu.memory_space<vmem>>)
      %dma_start3A_400 = arith.constant 0 : i32
      %dma_start3A_401 = arith.constant 0 : i32
      %dma_start3A_402 = tpu.memref_slice %arg2[%dma_start3A_400, %dma_start3A_401] : memref<10000x128xf32, #tpu.memory_space<hbm>> -> memref<10000x128xf32, #tpu.memory_space<hbm>>
      tpu.enqueue_indirect_dma source(%dma_start3A_402 : memref<10000x128xf32, #tpu.memory_space<hbm>>) target(%arg24 : memref<80x128xf32, #tpu.memory_space<vmem>>) offsets(%arg12 : memref<80xi32, #tpu.memory_space<vmem>>) semaphore(%arg36 : memref<!tpu.dma_semaphore, #tpu.memory_space<semaphore_mem>>)
    } else {
    }
    %dma_wait3A_327 = arith.constant 0 : i32
    %dma_wait3A_328 = arith.constant 0 : i32
    %dma_wait3A_329 = tpu.memref_slice %arg2[%dma_wait3A_327, %dma_wait3A_328] : memref<10000x128xf32, #tpu.memory_space<hbm>> -> memref<10000x128xf32, #tpu.memory_space<hbm>>
    tpu.wait_indirect_dma semaphore(%arg38 : memref<!tpu.dma_semaphore, #tpu.memory_space<semaphore_mem>>) src(%dma_wait3A_329 : memref<10000x128xf32, #tpu.memory_space<hbm>>) dst(%arg26 : memref<80x128xf32, #tpu.memory_space<vmem>>)
    %dma_start3A_330 = arith.constant 0 : i32
    %dma_start3A_331 = tpu.memref_slice %arg47[%dma_start3A_330] : memref<10112xf32, #tpu.memory_space<vmem_shared>> -> memref<10112xf32, #tpu.memory_space<vmem_shared>>
    tpu.enqueue_indirect_dma source(%arg48 : memref<80xf32, #tpu.memory_space<vmem>>) target(%dma_start3A_331 : memref<10112xf32, #tpu.memory_space<vmem_shared>>) offsets(%arg18 : memref<80xi32, #tpu.memory_space<vmem>>) semaphore(%arg42 : memref<!tpu.dma_semaphore, #tpu.memory_space<semaphore_mem>>) {add = true}
    %dma_start3A_332 = arith.constant 0 : i32
    %dma_start3A_333 = arith.constant 0 : i32
    %dma_start3A_334 = tpu.memref_slice %arg43[%dma_start3A_332, %dma_start3A_333] : memref<10112x128xf32, #tpu.memory_space<vmem_shared>> -> memref<10112x128xf32, #tpu.memory_space<vmem_shared>>
    tpu.enqueue_indirect_dma source(%arg26 : memref<80x128xf32, #tpu.memory_space<vmem>>) target(%dma_start3A_334 : memref<10112x128xf32, #tpu.memory_space<vmem_shared>>) offsets(%arg18 : memref<80xi32, #tpu.memory_space<vmem>>) semaphore(%arg42 : memref<!tpu.dma_semaphore, #tpu.memory_space<semaphore_mem>>) {add = true}
    %ge3A_335 = arith.constant 124 : i32
    %ge3A_336 = arith.constant 2 : i32
    %ge3A_337 = arith.cmpi sge, %ge3A_335, %ge3A_336 : i32
    %convert_element_type3A_338 = arith.extui %ge3A_337 : i1 to i32
    %cond3A_339 = arith.constant 0 : i32
    %cond3A_340 = arith.cmpi ne, %convert_element_type3A_338, %cond3A_339 : i32
    scf.if %cond3A_340 {
      %dma_wait3A_386 = arith.constant 0 : i32
      %dma_wait3A_387 = tpu.memref_slice %arg47[%dma_wait3A_386] : memref<10112xf32, #tpu.memory_space<vmem_shared>> -> memref<10112xf32, #tpu.memory_space<vmem_shared>>
      tpu.wait_indirect_dma semaphore(%arg41 : memref<!tpu.dma_semaphore, #tpu.memory_space<semaphore_mem>>) src(%arg48 : memref<80xf32, #tpu.memory_space<vmem>>) dst(%dma_wait3A_387 : memref<10112xf32, #tpu.memory_space<vmem_shared>>)
      %dma_wait3A_388 = arith.constant 0 : i32
      %dma_wait3A_389 = arith.constant 0 : i32
      %dma_wait3A_390 = tpu.memref_slice %arg43[%dma_wait3A_388, %dma_wait3A_389] : memref<10112x128xf32, #tpu.memory_space<vmem_shared>> -> memref<10112x128xf32, #tpu.memory_space<vmem_shared>>
      tpu.wait_indirect_dma semaphore(%arg41 : memref<!tpu.dma_semaphore, #tpu.memory_space<semaphore_mem>>) src(%arg25 : memref<80x128xf32, #tpu.memory_space<vmem>>) dst(%dma_wait3A_390 : memref<10112x128xf32, #tpu.memory_space<vmem_shared>>)
    } else {
    }
    %add3A_341 = arith.constant 124 : i32
    %add3A_342 = arith.constant 8 : i32
    %add3A_343 = arith.addi %add3A_341, %add3A_342 : i32
    %sub3A_344 = arith.constant 2 : i32
    %sub3A_345 = arith.subi %add3A_343, %sub3A_344 : i32
    %lt3A_346 = arith.constant 125 : i32
    %lt3A_347 = arith.cmpi slt, %sub3A_345, %lt3A_346 : i32
    %convert_element_type3A_348 = arith.extui %lt3A_347 : i1 to i32
    %cond3A_349 = arith.constant 124 : i32
    %cond3A_350 = arith.constant 0 : i32
    %cond3A_351 = arith.cmpi ne, %convert_element_type3A_348, %cond3A_350 : i32
    scf.if %cond3A_351 {
      %add3A_386 = arith.constant 8 : i32
      %add3A_387 = arith.addi %cond3A_349, %add3A_386 : i32
      %sub3A_388 = arith.constant 2 : i32
      %sub3A_389 = arith.subi %add3A_387, %sub3A_388 : i32
      %mul3A_390 = arith.constant 80 : i32
      %mul3A_391 = arith.muli %sub3A_389, %mul3A_390 : i32
      %mul3A_392 = arith.constant 80 : i32
      %mul3A_393 = arith.muli %sub3A_389, %mul3A_392 : i32
      %dma_start3A_394 = tpu.memref_slice %arg3[%add3A_97, %mul3A_391] : memref<32x10000xi32, #tpu.memory_space<hbm>> -> memref<1x80xi32, #tpu.memory_space<hbm>>
      %dma_start3A_395 = tpu.memref_squeeze %dma_start3A_394 : memref<1x80xi32, #tpu.memory_space<hbm>> -> memref<80xi32, #tpu.memory_space<hbm>>
      %dma_start3A_396 = tpu.memref_slice %arg3[%add3A_97, %mul3A_391] : memref<32x10000xi32, #tpu.memory_space<hbm>> -> memref<1x80xi32, #tpu.memory_space<hbm>>
      %dma_start3A_397 = tpu.memref_squeeze %dma_start3A_396 : memref<1x80xi32, #tpu.memory_space<hbm>> -> memref<80xi32, #tpu.memory_space<hbm>>
      tpu.enqueue_dma source(%dma_start3A_397 : memref<80xi32, #tpu.memory_space<hbm>>) target(%arg9 : memref<80xi32, #tpu.memory_space<vmem>>) target_semaphore(%arg29 : memref<!tpu.dma_semaphore, #tpu.memory_space<semaphore_mem>>)
      %dma_start3A_398 = tpu.memref_slice %arg4[%add3A_97, %mul3A_393] : memref<32x10000xi32, #tpu.memory_space<hbm>> -> memref<1x80xi32, #tpu.memory_space<hbm>>
      %dma_start3A_399 = tpu.memref_squeeze %dma_start3A_398 : memref<1x80xi32, #tpu.memory_space<hbm>> -> memref<80xi32, #tpu.memory_space<hbm>>
      %dma_start3A_400 = tpu.memref_slice %arg4[%add3A_97, %mul3A_393] : memref<32x10000xi32, #tpu.memory_space<hbm>> -> memref<1x80xi32, #tpu.memory_space<hbm>>
      %dma_start3A_401 = tpu.memref_squeeze %dma_start3A_400 : memref<1x80xi32, #tpu.memory_space<hbm>> -> memref<80xi32, #tpu.memory_space<hbm>>
      tpu.enqueue_dma source(%dma_start3A_401 : memref<80xi32, #tpu.memory_space<hbm>>) target(%arg17 : memref<80xi32, #tpu.memory_space<vmem>>) target_semaphore(%arg29 : memref<!tpu.dma_semaphore, #tpu.memory_space<semaphore_mem>>)
    } else {
    }
    %add3A_352 = arith.constant 124 : i32
    %add3A_353 = arith.constant 2 : i32
    %add3A_354 = arith.addi %add3A_352, %add3A_353 : i32
    %lt3A_355 = arith.constant 125 : i32
    %lt3A_356 = arith.cmpi slt, %add3A_354, %lt3A_355 : i32
    %convert_element_type3A_357 = arith.extui %lt3A_356 : i1 to i32
    %cond3A_358 = arith.constant 124 : i32
    %cond3A_359 = arith.constant 0 : i32
    %cond3A_360 = arith.cmpi ne, %convert_element_type3A_357, %cond3A_359 : i32
    scf.if %cond3A_360 {
      %add3A_386 = arith.constant 2 : i32
      %add3A_387 = arith.addi %cond3A_358, %add3A_386 : i32
      %mul3A_388 = arith.constant 80 : i32
      %mul3A_389 = arith.muli %add3A_387, %mul3A_388 : i32
      %mul3A_390 = arith.constant 80 : i32
      %mul3A_391 = arith.muli %add3A_387, %mul3A_390 : i32
      %dma_wait3A_392 = tpu.memref_slice %arg3[%add3A_97, %mul3A_389] : memref<32x10000xi32, #tpu.memory_space<hbm>> -> memref<1x80xi32, #tpu.memory_space<hbm>>
      %dma_wait3A_393 = tpu.memref_squeeze %dma_wait3A_392 : memref<1x80xi32, #tpu.memory_space<hbm>> -> memref<80xi32, #tpu.memory_space<hbm>>
      %dma_wait3A_394 = tpu.memref_slice %arg3[%add3A_97, %mul3A_389] : memref<32x10000xi32, #tpu.memory_space<hbm>> -> memref<1x80xi32, #tpu.memory_space<hbm>>
      %dma_wait3A_395 = tpu.memref_squeeze %dma_wait3A_394 : memref<1x80xi32, #tpu.memory_space<hbm>> -> memref<80xi32, #tpu.memory_space<hbm>>
      tpu.wait_dma2 semaphore(%arg33 : memref<!tpu.dma_semaphore, #tpu.memory_space<semaphore_mem>>) src(%dma_wait3A_395 : memref<80xi32, #tpu.memory_space<hbm>>) dst(%arg13 : memref<80xi32, #tpu.memory_space<vmem>>)
      %dma_wait3A_396 = tpu.memref_slice %arg4[%add3A_97, %mul3A_391] : memref<32x10000xi32, #tpu.memory_space<hbm>> -> memref<1x80xi32, #tpu.memory_space<hbm>>
      %dma_wait3A_397 = tpu.memref_squeeze %dma_wait3A_396 : memref<1x80xi32, #tpu.memory_space<hbm>> -> memref<80xi32, #tpu.memory_space<hbm>>
      %dma_wait3A_398 = tpu.memref_slice %arg4[%add3A_97, %mul3A_391] : memref<32x10000xi32, #tpu.memory_space<hbm>> -> memref<1x80xi32, #tpu.memory_space<hbm>>
      %dma_wait3A_399 = tpu.memref_squeeze %dma_wait3A_398 : memref<1x80xi32, #tpu.memory_space<hbm>> -> memref<80xi32, #tpu.memory_space<hbm>>
      tpu.wait_dma2 semaphore(%arg33 : memref<!tpu.dma_semaphore, #tpu.memory_space<semaphore_mem>>) src(%dma_wait3A_399 : memref<80xi32, #tpu.memory_space<hbm>>) dst(%arg21 : memref<80xi32, #tpu.memory_space<vmem>>)
      %dma_start3A_400 = arith.constant 0 : i32
      %dma_start3A_401 = arith.constant 0 : i32
      %dma_start3A_402 = tpu.memref_slice %arg2[%dma_start3A_400, %dma_start3A_401] : memref<10000x128xf32, #tpu.memory_space<hbm>> -> memref<10000x128xf32, #tpu.memory_space<hbm>>
      tpu.enqueue_indirect_dma source(%dma_start3A_402 : memref<10000x128xf32, #tpu.memory_space<hbm>>) target(%arg25 : memref<80x128xf32, #tpu.memory_space<vmem>>) offsets(%arg13 : memref<80xi32, #tpu.memory_space<vmem>>) semaphore(%arg37 : memref<!tpu.dma_semaphore, #tpu.memory_space<semaphore_mem>>)
    } else {
    }
    %dma_wait3A_361 = arith.constant 0 : i32
    %dma_wait3A_362 = arith.constant 0 : i32
    %dma_wait3A_363 = tpu.memref_slice %arg2[%dma_wait3A_361, %dma_wait3A_362] : memref<10000x128xf32, #tpu.memory_space<hbm>> -> memref<10000x128xf32, #tpu.memory_space<hbm>>
    tpu.wait_indirect_dma semaphore(%arg35 : memref<!tpu.dma_semaphore, #tpu.memory_space<semaphore_mem>>) src(%dma_wait3A_363 : memref<10000x128xf32, #tpu.memory_space<hbm>>) dst(%arg23 : memref<80x128xf32, #tpu.memory_space<vmem>>)
    %dma_start3A_364 = arith.constant 0 : i32
    %dma_start3A_365 = tpu.memref_slice %arg47[%dma_start3A_364] : memref<10112xf32, #tpu.memory_space<vmem_shared>> -> memref<10112xf32, #tpu.memory_space<vmem_shared>>
    tpu.enqueue_indirect_dma source(%arg48 : memref<80xf32, #tpu.memory_space<vmem>>) target(%dma_start3A_365 : memref<10112xf32, #tpu.memory_space<vmem_shared>>) offsets(%arg19 : memref<80xi32, #tpu.memory_space<vmem>>) semaphore(%arg39 : memref<!tpu.dma_semaphore, #tpu.memory_space<semaphore_mem>>) {add = true}
    %dma_start3A_366 = arith.constant 0 : i32
    %dma_start3A_367 = arith.constant 0 : i32
    %dma_start3A_368 = tpu.memref_slice %arg43[%dma_start3A_366, %dma_start3A_367] : memref<10112x128xf32, #tpu.memory_space<vmem_shared>> -> memref<10112x128xf32, #tpu.memory_space<vmem_shared>>
    tpu.enqueue_indirect_dma source(%arg23 : memref<80x128xf32, #tpu.memory_space<vmem>>) target(%dma_start3A_368 : memref<10112x128xf32, #tpu.memory_space<vmem_shared>>) offsets(%arg19 : memref<80xi32, #tpu.memory_space<vmem>>) semaphore(%arg39 : memref<!tpu.dma_semaphore, #tpu.memory_space<semaphore_mem>>) {add = true}
    %dma_wait3A_369 = arith.constant 0 : i32
    %dma_wait3A_370 = tpu.memref_slice %arg47[%dma_wait3A_369] : memref<10112xf32, #tpu.memory_space<vmem_shared>> -> memref<10112xf32, #tpu.memory_space<vmem_shared>>
    tpu.wait_indirect_dma semaphore(%arg42 : memref<!tpu.dma_semaphore, #tpu.memory_space<semaphore_mem>>) src(%arg48 : memref<80xf32, #tpu.memory_space<vmem>>) dst(%dma_wait3A_370 : memref<10112xf32, #tpu.memory_space<vmem_shared>>)
    %dma_wait3A_371 = arith.constant 0 : i32
    %dma_wait3A_372 = arith.constant 0 : i32
    %dma_wait3A_373 = tpu.memref_slice %arg43[%dma_wait3A_371, %dma_wait3A_372] : memref<10112x128xf32, #tpu.memory_space<vmem_shared>> -> memref<10112x128xf32, #tpu.memory_space<vmem_shared>>
    tpu.wait_indirect_dma semaphore(%arg42 : memref<!tpu.dma_semaphore, #tpu.memory_space<semaphore_mem>>) src(%arg26 : memref<80x128xf32, #tpu.memory_space<vmem>>) dst(%dma_wait3A_373 : memref<10112x128xf32, #tpu.memory_space<vmem_shared>>)
    %dma_wait3A_374 = arith.constant 0 : i32
    %dma_wait3A_375 = tpu.memref_slice %arg47[%dma_wait3A_374] : memref<10112xf32, #tpu.memory_space<vmem_shared>> -> memref<10112xf32, #tpu.memory_space<vmem_shared>>
    tpu.wait_indirect_dma semaphore(%arg39 : memref<!tpu.dma_semaphore, #tpu.memory_space<semaphore_mem>>) src(%arg48 : memref<80xf32, #tpu.memory_space<vmem>>) dst(%dma_wait3A_375 : memref<10112xf32, #tpu.memory_space<vmem_shared>>)
    %dma_wait3A_376 = arith.constant 0 : i32
    %dma_wait3A_377 = arith.constant 0 : i32
    %dma_wait3A_378 = tpu.memref_slice %arg43[%dma_wait3A_376, %dma_wait3A_377] : memref<10112x128xf32, #tpu.memory_space<vmem_shared>> -> memref<10112x128xf32, #tpu.memory_space<vmem_shared>>
    tpu.wait_indirect_dma semaphore(%arg39 : memref<!tpu.dma_semaphore, #tpu.memory_space<semaphore_mem>>) src(%arg23 : memref<80x128xf32, #tpu.memory_space<vmem>>) dst(%dma_wait3A_378 : memref<10112x128xf32, #tpu.memory_space<vmem_shared>>)
    %barrier3A_379 = arith.constant 0 : index
    tpu.barrier barrier_id(%barrier3A_379)
    %mul3A_380 = arith.constant 10112 : i32
    %mul3A_381 = arith.muli %arg0, %mul3A_380 : i32
    %add3A_382 = arith.addi %mul3A_381, %mul3A_0 : i32
    "tpu.region"() ({
      %run_scoped3A = tpu.sem_alloc : memref<!tpu.dma_semaphore, #tpu.memory_space<semaphore_mem>>
      %dma_start3A_386 = arith.constant 0 : i32
      %dma_start3A_387 = tpu.memref_slice %arg5[%add3A_382, %dma_start3A_386] : memref<20224x128xf32, #tpu.memory_space<hbm>> -> memref<632x128xf32, #tpu.memory_space<hbm>>
      %dma_start3A_388 = arith.constant 0 : i32
      %dma_start3A_389 = tpu.memref_slice %arg43[%mul3A_0, %dma_start3A_388] : memref<10112x128xf32, #tpu.memory_space<vmem_shared>> -> memref<632x128xf32, #tpu.memory_space<vmem_shared>>
      tpu.enqueue_dma source(%dma_start3A_389 : memref<632x128xf32, #tpu.memory_space<vmem_shared>>) target(%dma_start3A_387 : memref<632x128xf32, #tpu.memory_space<hbm>>) target_semaphore(%run_scoped3A : memref<!tpu.dma_semaphore, #tpu.memory_space<semaphore_mem>>)
      %dma_wait3A_390 = arith.constant 0 : i32
      %dma_wait3A_391 = tpu.memref_slice %arg5[%add3A_382, %dma_wait3A_390] : memref<20224x128xf32, #tpu.memory_space<hbm>> -> memref<632x128xf32, #tpu.memory_space<hbm>>
      %dma_wait3A_392 = arith.constant 0 : i32
      %dma_wait3A_393 = tpu.memref_slice %arg43[%mul3A_0, %dma_wait3A_392] : memref<10112x128xf32, #tpu.memory_space<vmem_shared>> -> memref<632x128xf32, #tpu.memory_space<vmem_shared>>
      tpu.wait_dma2 semaphore(%run_scoped3A : memref<!tpu.dma_semaphore, #tpu.memory_space<semaphore_mem>>) src(%dma_wait3A_393 : memref<632x128xf32, #tpu.memory_space<vmem_shared>>) dst(%dma_wait3A_391 : memref<632x128xf32, #tpu.memory_space<hbm>>)
      tpu.yield
    }) : () -> ()
    %mul3A_383 = arith.constant 10112 : i32
    %mul3A_384 = arith.muli %arg0, %mul3A_383 : i32
    %add3A_385 = arith.addi %mul3A_384, %mul3A_0 : i32
    "tpu.region"() ({
      %run_scoped3A = tpu.sem_alloc : memref<!tpu.dma_semaphore, #tpu.memory_space<semaphore_mem>>
      %dma_start3A_386 = tpu.memref_slice %arg6[%add3A_385] : memref<20224xf32, #tpu.memory_space<hbm>> -> memref<632xf32, #tpu.memory_space<hbm>>
      %dma_start3A_387 = tpu.memref_slice %arg47[%mul3A_0] : memref<10112xf32, #tpu.memory_space<vmem_shared>> -> memref<632xf32, #tpu.memory_space<vmem_shared>>
      tpu.enqueue_dma source(%dma_start3A_387 : memref<632xf32, #tpu.memory_space<vmem_shared>>) target(%dma_start3A_386 : memref<632xf32, #tpu.memory_space<hbm>>) target_semaphore(%run_scoped3A : memref<!tpu.dma_semaphore, #tpu.memory_space<semaphore_mem>>)
      %dma_wait3A_388 = tpu.memref_slice %arg6[%add3A_385] : memref<20224xf32, #tpu.memory_space<hbm>> -> memref<632xf32, #tpu.memory_space<hbm>>
      %dma_wait3A_389 = tpu.memref_slice %arg47[%mul3A_0] : memref<10112xf32, #tpu.memory_space<vmem_shared>> -> memref<632xf32, #tpu.memory_space<vmem_shared>>
      tpu.wait_dma2 semaphore(%run_scoped3A : memref<!tpu.dma_semaphore, #tpu.memory_space<semaphore_mem>>) src(%dma_wait3A_389 : memref<632xf32, #tpu.memory_space<vmem_shared>>) dst(%dma_wait3A_388 : memref<632xf32, #tpu.memory_space<hbm>>)
      tpu.yield
    }) : () -> ()
    return
  }
}

#map = affine_map<(d0, d1) -> (0, 0)>
module attributes {stable_mosaic.version = 14 : i64} {
  func.func @sc_agg(%arg0: i32, %arg1: i32, %arg2: memref<10000x128xf32, #tpu.memory_space<hbm>>, %arg3: memref<32x10000xi32, #tpu.memory_space<hbm>>, %arg4: memref<32x10000xi32, #tpu.memory_space<hbm>>, %arg5: memref<20224x128xf32, #tpu.memory_space<hbm>>, %arg6: memref<80xi32, #tpu.memory_space<vmem>>, %arg7: memref<80xi32, #tpu.memory_space<vmem>>, %arg8: memref<80xi32, #tpu.memory_space<vmem>>, %arg9: memref<80xi32, #tpu.memory_space<vmem>>, %arg10: memref<80xi32, #tpu.memory_space<vmem>>, %arg11: memref<80xi32, #tpu.memory_space<vmem>>, %arg12: memref<80xi32, #tpu.memory_space<vmem>>, %arg13: memref<80xi32, #tpu.memory_space<vmem>>, %arg14: memref<80xi32, #tpu.memory_space<vmem>>, %arg15: memref<80xi32, #tpu.memory_space<vmem>>, %arg16: memref<80xi32, #tpu.memory_space<vmem>>, %arg17: memref<80xi32, #tpu.memory_space<vmem>>, %arg18: memref<80xi32, #tpu.memory_space<vmem>>, %arg19: memref<80xi32, #tpu.memory_space<vmem>>, %arg20: memref<80xi32, #tpu.memory_space<vmem>>, %arg21: memref<80xi32, #tpu.memory_space<vmem>>, %arg22: memref<80x128xf32, #tpu.memory_space<vmem>>, %arg23: memref<80x128xf32, #tpu.memory_space<vmem>>, %arg24: memref<80x128xf32, #tpu.memory_space<vmem>>, %arg25: memref<80x128xf32, #tpu.memory_space<vmem>>, %arg26: memref<!tpu.dma_semaphore, #tpu.memory_space<semaphore_mem>>, %arg27: memref<!tpu.dma_semaphore, #tpu.memory_space<semaphore_mem>>, %arg28: memref<!tpu.dma_semaphore, #tpu.memory_space<semaphore_mem>>, %arg29: memref<!tpu.dma_semaphore, #tpu.memory_space<semaphore_mem>>, %arg30: memref<!tpu.dma_semaphore, #tpu.memory_space<semaphore_mem>>, %arg31: memref<!tpu.dma_semaphore, #tpu.memory_space<semaphore_mem>>, %arg32: memref<!tpu.dma_semaphore, #tpu.memory_space<semaphore_mem>>, %arg33: memref<!tpu.dma_semaphore, #tpu.memory_space<semaphore_mem>>, %arg34: memref<!tpu.dma_semaphore, #tpu.memory_space<semaphore_mem>>, %arg35: memref<!tpu.dma_semaphore, #tpu.memory_space<semaphore_mem>>, %arg36: memref<!tpu.dma_semaphore, #tpu.memory_space<semaphore_mem>>, %arg37: memref<!tpu.dma_semaphore, #tpu.memory_space<semaphore_mem>>, %arg38: memref<!tpu.dma_semaphore, #tpu.memory_space<semaphore_mem>>, %arg39: memref<!tpu.dma_semaphore, #tpu.memory_space<semaphore_mem>>, %arg40: memref<!tpu.dma_semaphore, #tpu.memory_space<semaphore_mem>>, %arg41: memref<!tpu.dma_semaphore, #tpu.memory_space<semaphore_mem>>, %arg42: memref<10112x128xf32, #tpu.memory_space<vmem_shared>>, %arg43: memref<80xf32, #tpu.memory_space<vmem>>, %arg44: memref<8xi32, #tpu.memory_space<vmem>>, %arg45: memref<8xi32, #tpu.memory_space<vmem>>) attributes {dimension_semantics = [#tpu.dimension_semantics<core_parallel>, #tpu.dimension_semantics<subcore_parallel>], iteration_bounds = array<i64: 2, 16>, scalar_prefetch = 0 : i64, scratch_operands = 40 : i64, tpu.core_type = #tpu.core_type<sc_vector_subcore>, window_params = [{transform_indices = #map}, {transform_indices = #map}, {transform_indices = #map}, {transform_indices = #map}]} {
    %mul3A = arith.constant 632 : i32
    %mul3A_0 = arith.muli %arg1, %mul3A : i32
    %scan3A = arith.constant 0 : i32
    %scan3A_1 = arith.constant 0 : i32
    %scan3A_2 = arith.constant 640 : i32
    %scan3A_3 = arith.addi %scan3A_1, %scan3A_2 : i32
    %scan3A_4 = arith.constant 1 : i32
    scf.for %scan3A_323 = %scan3A_1 to %scan3A_3 step %scan3A_4  : i32 {
      %broadcast_in_dim3A_324 = arith.constant 0.000000e+00 : f32
      %broadcast_in_dim3A_325 = vector.broadcast %broadcast_in_dim3A_324 : f32 to vector<16xf32>
      %jit3A = arith.constant 8 : i32
      %div3A = arith.divsi %scan3A_323, %jit3A : i32
      %sign3A = arith.constant 0 : i32
      %sign3A_326 = arith.cmpi sgt, %scan3A_323, %sign3A : i32
      %sign3A_327 = arith.extui %sign3A_326 : i1 to i32
      %sign3A_328 = arith.constant 0 : i32
      %sign3A_329 = arith.cmpi slt, %scan3A_323, %sign3A_328 : i32
      %sign3A_330 = arith.extui %sign3A_329 : i1 to i32
      %sign3A_331 = arith.subi %sign3A_327, %sign3A_330 : i32
      %sign3A_332 = arith.constant 0 : i32
      %sign3A_333 = arith.cmpi sgt, %jit3A, %sign3A_332 : i32
      %sign3A_334 = arith.extui %sign3A_333 : i1 to i32
      %sign3A_335 = arith.constant 0 : i32
      %sign3A_336 = arith.cmpi slt, %jit3A, %sign3A_335 : i32
      %sign3A_337 = arith.extui %sign3A_336 : i1 to i32
      %sign3A_338 = arith.subi %sign3A_334, %sign3A_337 : i32
      %ne3A = arith.cmpi ne, %sign3A_331, %sign3A_338 : i32
      %rem3A = arith.remsi %scan3A_323, %jit3A : i32
      %ne3A_339 = arith.constant 0 : i32
      %ne3A_340 = arith.cmpi ne, %rem3A, %ne3A_339 : i32
      %and3A = arith.andi %ne3A, %ne3A_340 : i1
      %sub3A_341 = arith.constant 1 : i32
      %sub3A_342 = arith.subi %div3A, %sub3A_341 : i32
      %select_n3A = arith.select %and3A, %sub3A_342, %div3A : i32
      %jit3A_343 = arith.constant 8 : i32
      %eq3A = arith.constant 0 : i32
      %eq3A_344 = arith.cmpi eq, %jit3A_343, %eq3A : i32
      %jit3A_345 = arith.constant 1 : i32
      %select_n3A_346 = arith.select %eq3A_344, %jit3A_345, %jit3A_343 : i32
      %rem3A_347 = arith.remsi %scan3A_323, %select_n3A_346 : i32
      %ne3A_348 = arith.constant 0 : i32
      %ne3A_349 = arith.cmpi ne, %rem3A_347, %ne3A_348 : i32
      %lt3A_350 = arith.constant 0 : i32
      %lt3A_351 = arith.cmpi slt, %rem3A_347, %lt3A_350 : i32
      %lt3A_352 = arith.constant 0 : i32
      %lt3A_353 = arith.cmpi slt, %select_n3A_346, %lt3A_352 : i32
      %ne3A_354 = arith.xori %lt3A_351, %lt3A_353 : i1
      %and3A_355 = arith.andi %ne3A_354, %ne3A_349 : i1
      %add3A_356 = arith.addi %rem3A_347, %select_n3A_346 : i32
      %select_n3A_357 = arith.select %and3A_355, %add3A_356, %rem3A_347 : i32
      %mul3A_358 = arith.constant 16 : i32
      %mul3A_359 = arith.muli %select_n3A_357, %mul3A_358 : i32
      %swap3A_360 = arith.index_cast %select_n3A : i32 to index
      %swap3A_361 = arith.index_cast %mul3A_359 : i32 to index
      %swap3A_362 = tpu.vector_load %arg22[%swap3A_360, %swap3A_361] {strides = array<i32>} : memref<80x128xf32, #tpu.memory_space<vmem>>, vector<1x16xf32>,
      %swap3A_363 = vector.shape_cast %swap3A_362 : vector<1x16xf32> to vector<16xf32>
      %swap3A_364 = vector.shape_cast %broadcast_in_dim3A_325 : vector<16xf32> to vector<1x16xf32>
      tpu.vector_store %arg22[%swap3A_360, %swap3A_361], %swap3A_364 {strides = array<i32>} : memref<80x128xf32, #tpu.memory_space<vmem>>, vector<1x16xf32>,
    }
    %scan3A_5 = arith.constant 640 : i32
    %broadcast_in_dim3A = arith.constant 0.000000e+00 : f32
    %broadcast_in_dim3A_6 = vector.broadcast %broadcast_in_dim3A : f32 to vector<16xf32>
    %swap3A = arith.constant 0 : index
    %swap3A_7 = tpu.vector_load %arg43[%swap3A] {strides = array<i32>} : memref<80xf32, #tpu.memory_space<vmem>>, vector<16xf32>,
    %swap3A_8 = vector.shape_cast %swap3A_7 : vector<16xf32> to vector<16xf32>
    %swap3A_9 = vector.shape_cast %broadcast_in_dim3A_6 : vector<16xf32> to vector<16xf32>
    tpu.vector_store %arg43[%swap3A], %swap3A_9 {strides = array<i32>} : memref<80xf32, #tpu.memory_space<vmem>>, vector<16xf32>,
    %broadcast_in_dim3A_10 = arith.constant 0.000000e+00 : f32
    %broadcast_in_dim3A_11 = vector.broadcast %broadcast_in_dim3A_10 : f32 to vector<16xf32>
    %swap3A_12 = arith.constant 16 : index
    %swap3A_13 = tpu.vector_load %arg43[%swap3A_12] {strides = array<i32>} : memref<80xf32, #tpu.memory_space<vmem>>, vector<16xf32>,
    %swap3A_14 = vector.shape_cast %swap3A_13 : vector<16xf32> to vector<16xf32>
    %swap3A_15 = vector.shape_cast %broadcast_in_dim3A_11 : vector<16xf32> to vector<16xf32>
    tpu.vector_store %arg43[%swap3A_12], %swap3A_15 {strides = array<i32>} : memref<80xf32, #tpu.memory_space<vmem>>, vector<16xf32>,
    %broadcast_in_dim3A_16 = arith.constant 0.000000e+00 : f32
    %broadcast_in_dim3A_17 = vector.broadcast %broadcast_in_dim3A_16 : f32 to vector<16xf32>
    %swap3A_18 = arith.constant 32 : index
    %swap3A_19 = tpu.vector_load %arg43[%swap3A_18] {strides = array<i32>} : memref<80xf32, #tpu.memory_space<vmem>>, vector<16xf32>,
    %swap3A_20 = vector.shape_cast %swap3A_19 : vector<16xf32> to vector<16xf32>
    %swap3A_21 = vector.shape_cast %broadcast_in_dim3A_17 : vector<16xf32> to vector<16xf32>
    tpu.vector_store %arg43[%swap3A_18], %swap3A_21 {strides = array<i32>} : memref<80xf32, #tpu.memory_space<vmem>>, vector<16xf32>,
    %broadcast_in_dim3A_22 = arith.constant 0.000000e+00 : f32
    %broadcast_in_dim3A_23 = vector.broadcast %broadcast_in_dim3A_22 : f32 to vector<16xf32>
    %swap3A_24 = arith.constant 48 : index
    %swap3A_25 = tpu.vector_load %arg43[%swap3A_24] {strides = array<i32>} : memref<80xf32, #tpu.memory_space<vmem>>, vector<16xf32>,
    %swap3A_26 = vector.shape_cast %swap3A_25 : vector<16xf32> to vector<16xf32>
    %swap3A_27 = vector.shape_cast %broadcast_in_dim3A_23 : vector<16xf32> to vector<16xf32>
    tpu.vector_store %arg43[%swap3A_24], %swap3A_27 {strides = array<i32>} : memref<80xf32, #tpu.memory_space<vmem>>, vector<16xf32>,
    %broadcast_in_dim3A_28 = arith.constant 0.000000e+00 : f32
    %broadcast_in_dim3A_29 = vector.broadcast %broadcast_in_dim3A_28 : f32 to vector<16xf32>
    %swap3A_30 = arith.constant 64 : index
    %swap3A_31 = tpu.vector_load %arg43[%swap3A_30] {strides = array<i32>} : memref<80xf32, #tpu.memory_space<vmem>>, vector<16xf32>,
    %swap3A_32 = vector.shape_cast %swap3A_31 : vector<16xf32> to vector<16xf32>
    %swap3A_33 = vector.shape_cast %broadcast_in_dim3A_29 : vector<16xf32> to vector<16xf32>
    tpu.vector_store %arg43[%swap3A_30], %swap3A_33 {strides = array<i32>} : memref<80xf32, #tpu.memory_space<vmem>>, vector<16xf32>,
    %add3A = arith.constant 0 : i32
    %add3A_34 = arith.addi %mul3A_0, %add3A : i32
    "tpu.region"() ({
      %run_scoped3A = tpu.sem_alloc : memref<!tpu.dma_semaphore, #tpu.memory_space<semaphore_mem>>
      %dma_start3A_323 = arith.constant 0 : i32
      %dma_start3A_324 = arith.constant 0 : i32
      %dma_start3A_325 = tpu.memref_slice %arg22[%dma_start3A_323, %dma_start3A_324] : memref<80x128xf32, #tpu.memory_space<vmem>> -> memref<80x128xf32, #tpu.memory_space<vmem>>
      %dma_start3A_326 = arith.constant 0 : i32
      %dma_start3A_327 = tpu.memref_slice %arg42[%add3A_34, %dma_start3A_326] : memref<10112x128xf32, #tpu.memory_space<vmem_shared>> -> memref<80x128xf32, #tpu.memory_space<vmem_shared>>
      %dma_start3A_328 = arith.constant 0 : i32
      %dma_start3A_329 = tpu.memref_slice %arg42[%add3A_34, %dma_start3A_328] : memref<10112x128xf32, #tpu.memory_space<vmem_shared>> -> memref<80x128xf32, #tpu.memory_space<vmem_shared>>
      %dma_start3A_330 = arith.constant 0 : i32
      %dma_start3A_331 = arith.constant 0 : i32
      %dma_start3A_332 = tpu.memref_slice %arg22[%dma_start3A_330, %dma_start3A_331] : memref<80x128xf32, #tpu.memory_space<vmem>> -> memref<80x128xf32, #tpu.memory_space<vmem>>
      tpu.enqueue_dma source(%dma_start3A_332 : memref<80x128xf32, #tpu.memory_space<vmem>>) target(%dma_start3A_329 : memref<80x128xf32, #tpu.memory_space<vmem_shared>>) target_semaphore(%run_scoped3A : memref<!tpu.dma_semaphore, #tpu.memory_space<semaphore_mem>>)
      %dma_wait3A_333 = arith.constant 0 : i32
      %dma_wait3A_334 = arith.constant 0 : i32
      %dma_wait3A_335 = tpu.memref_slice %arg22[%dma_wait3A_333, %dma_wait3A_334] : memref<80x128xf32, #tpu.memory_space<vmem>> -> memref<80x128xf32, #tpu.memory_space<vmem>>
      %dma_wait3A_336 = arith.constant 0 : i32
      %dma_wait3A_337 = tpu.memref_slice %arg42[%add3A_34, %dma_wait3A_336] : memref<10112x128xf32, #tpu.memory_space<vmem_shared>> -> memref<80x128xf32, #tpu.memory_space<vmem_shared>>
      %dma_wait3A_338 = arith.constant 0 : i32
      %dma_wait3A_339 = tpu.memref_slice %arg42[%add3A_34, %dma_wait3A_338] : memref<10112x128xf32, #tpu.memory_space<vmem_shared>> -> memref<80x128xf32, #tpu.memory_space<vmem_shared>>
      %dma_wait3A_340 = arith.constant 0 : i32
      %dma_wait3A_341 = arith.constant 0 : i32
      %dma_wait3A_342 = tpu.memref_slice %arg22[%dma_wait3A_340, %dma_wait3A_341] : memref<80x128xf32, #tpu.memory_space<vmem>> -> memref<80x128xf32, #tpu.memory_space<vmem>>
      tpu.wait_dma2 semaphore(%run_scoped3A : memref<!tpu.dma_semaphore, #tpu.memory_space<semaphore_mem>>) src(%dma_wait3A_342 : memref<80x128xf32, #tpu.memory_space<vmem>>) dst(%dma_wait3A_339 : memref<80x128xf32, #tpu.memory_space<vmem_shared>>)
      tpu.yield
    }) : () -> ()
    %add3A_35 = arith.constant 80 : i32
    %add3A_36 = arith.addi %mul3A_0, %add3A_35 : i32
    "tpu.region"() ({
      %run_scoped3A = tpu.sem_alloc : memref<!tpu.dma_semaphore, #tpu.memory_space<semaphore_mem>>
      %dma_start3A_323 = arith.constant 0 : i32
      %dma_start3A_324 = arith.constant 0 : i32
      %dma_start3A_325 = tpu.memref_slice %arg22[%dma_start3A_323, %dma_start3A_324] : memref<80x128xf32, #tpu.memory_space<vmem>> -> memref<80x128xf32, #tpu.memory_space<vmem>>
      %dma_start3A_326 = arith.constant 0 : i32
      %dma_start3A_327 = tpu.memref_slice %arg42[%add3A_36, %dma_start3A_326] : memref<10112x128xf32, #tpu.memory_space<vmem_shared>> -> memref<80x128xf32, #tpu.memory_space<vmem_shared>>
      %dma_start3A_328 = arith.constant 0 : i32
      %dma_start3A_329 = tpu.memref_slice %arg42[%add3A_36, %dma_start3A_328] : memref<10112x128xf32, #tpu.memory_space<vmem_shared>> -> memref<80x128xf32, #tpu.memory_space<vmem_shared>>
      %dma_start3A_330 = arith.constant 0 : i32
      %dma_start3A_331 = arith.constant 0 : i32
      %dma_start3A_332 = tpu.memref_slice %arg22[%dma_start3A_330, %dma_start3A_331] : memref<80x128xf32, #tpu.memory_space<vmem>> -> memref<80x128xf32, #tpu.memory_space<vmem>>
      tpu.enqueue_dma source(%dma_start3A_332 : memref<80x128xf32, #tpu.memory_space<vmem>>) target(%dma_start3A_329 : memref<80x128xf32, #tpu.memory_space<vmem_shared>>) target_semaphore(%run_scoped3A : memref<!tpu.dma_semaphore, #tpu.memory_space<semaphore_mem>>)
      %dma_wait3A_333 = arith.constant 0 : i32
      %dma_wait3A_334 = arith.constant 0 : i32
      %dma_wait3A_335 = tpu.memref_slice %arg22[%dma_wait3A_333, %dma_wait3A_334] : memref<80x128xf32, #tpu.memory_space<vmem>> -> memref<80x128xf32, #tpu.memory_space<vmem>>
      %dma_wait3A_336 = arith.constant 0 : i32
      %dma_wait3A_337 = tpu.memref_slice %arg42[%add3A_36, %dma_wait3A_336] : memref<10112x128xf32, #tpu.memory_space<vmem_shared>> -> memref<80x128xf32, #tpu.memory_space<vmem_shared>>
      %dma_wait3A_338 = arith.constant 0 : i32
      %dma_wait3A_339 = tpu.memref_slice %arg42[%add3A_36, %dma_wait3A_338] : memref<10112x128xf32, #tpu.memory_space<vmem_shared>> -> memref<80x128xf32, #tpu.memory_space<vmem_shared>>
      %dma_wait3A_340 = arith.constant 0 : i32
      %dma_wait3A_341 = arith.constant 0 : i32
      %dma_wait3A_342 = tpu.memref_slice %arg22[%dma_wait3A_340, %dma_wait3A_341] : memref<80x128xf32, #tpu.memory_space<vmem>> -> memref<80x128xf32, #tpu.memory_space<vmem>>
      tpu.wait_dma2 semaphore(%run_scoped3A : memref<!tpu.dma_semaphore, #tpu.memory_space<semaphore_mem>>) src(%dma_wait3A_342 : memref<80x128xf32, #tpu.memory_space<vmem>>) dst(%dma_wait3A_339 : memref<80x128xf32, #tpu.memory_space<vmem_shared>>)
      tpu.yield
    }) : () -> ()
    %add3A_37 = arith.constant 160 : i32
    %add3A_38 = arith.addi %mul3A_0, %add3A_37 : i32
    "tpu.region"() ({
      %run_scoped3A = tpu.sem_alloc : memref<!tpu.dma_semaphore, #tpu.memory_space<semaphore_mem>>
      %dma_start3A_323 = arith.constant 0 : i32
      %dma_start3A_324 = arith.constant 0 : i32
      %dma_start3A_325 = tpu.memref_slice %arg22[%dma_start3A_323, %dma_start3A_324] : memref<80x128xf32, #tpu.memory_space<vmem>> -> memref<80x128xf32, #tpu.memory_space<vmem>>
      %dma_start3A_326 = arith.constant 0 : i32
      %dma_start3A_327 = tpu.memref_slice %arg42[%add3A_38, %dma_start3A_326] : memref<10112x128xf32, #tpu.memory_space<vmem_shared>> -> memref<80x128xf32, #tpu.memory_space<vmem_shared>>
      %dma_start3A_328 = arith.constant 0 : i32
      %dma_start3A_329 = tpu.memref_slice %arg42[%add3A_38, %dma_start3A_328] : memref<10112x128xf32, #tpu.memory_space<vmem_shared>> -> memref<80x128xf32, #tpu.memory_space<vmem_shared>>
      %dma_start3A_330 = arith.constant 0 : i32
      %dma_start3A_331 = arith.constant 0 : i32
      %dma_start3A_332 = tpu.memref_slice %arg22[%dma_start3A_330, %dma_start3A_331] : memref<80x128xf32, #tpu.memory_space<vmem>> -> memref<80x128xf32, #tpu.memory_space<vmem>>
      tpu.enqueue_dma source(%dma_start3A_332 : memref<80x128xf32, #tpu.memory_space<vmem>>) target(%dma_start3A_329 : memref<80x128xf32, #tpu.memory_space<vmem_shared>>) target_semaphore(%run_scoped3A : memref<!tpu.dma_semaphore, #tpu.memory_space<semaphore_mem>>)
      %dma_wait3A_333 = arith.constant 0 : i32
      %dma_wait3A_334 = arith.constant 0 : i32
      %dma_wait3A_335 = tpu.memref_slice %arg22[%dma_wait3A_333, %dma_wait3A_334] : memref<80x128xf32, #tpu.memory_space<vmem>> -> memref<80x128xf32, #tpu.memory_space<vmem>>
      %dma_wait3A_336 = arith.constant 0 : i32
      %dma_wait3A_337 = tpu.memref_slice %arg42[%add3A_38, %dma_wait3A_336] : memref<10112x128xf32, #tpu.memory_space<vmem_shared>> -> memref<80x128xf32, #tpu.memory_space<vmem_shared>>
      %dma_wait3A_338 = arith.constant 0 : i32
      %dma_wait3A_339 = tpu.memref_slice %arg42[%add3A_38, %dma_wait3A_338] : memref<10112x128xf32, #tpu.memory_space<vmem_shared>> -> memref<80x128xf32, #tpu.memory_space<vmem_shared>>
      %dma_wait3A_340 = arith.constant 0 : i32
      %dma_wait3A_341 = arith.constant 0 : i32
      %dma_wait3A_342 = tpu.memref_slice %arg22[%dma_wait3A_340, %dma_wait3A_341] : memref<80x128xf32, #tpu.memory_space<vmem>> -> memref<80x128xf32, #tpu.memory_space<vmem>>
      tpu.wait_dma2 semaphore(%run_scoped3A : memref<!tpu.dma_semaphore, #tpu.memory_space<semaphore_mem>>) src(%dma_wait3A_342 : memref<80x128xf32, #tpu.memory_space<vmem>>) dst(%dma_wait3A_339 : memref<80x128xf32, #tpu.memory_space<vmem_shared>>)
      tpu.yield
    }) : () -> ()
    %add3A_39 = arith.constant 240 : i32
    %add3A_40 = arith.addi %mul3A_0, %add3A_39 : i32
    "tpu.region"() ({
      %run_scoped3A = tpu.sem_alloc : memref<!tpu.dma_semaphore, #tpu.memory_space<semaphore_mem>>
      %dma_start3A_323 = arith.constant 0 : i32
      %dma_start3A_324 = arith.constant 0 : i32
      %dma_start3A_325 = tpu.memref_slice %arg22[%dma_start3A_323, %dma_start3A_324] : memref<80x128xf32, #tpu.memory_space<vmem>> -> memref<80x128xf32, #tpu.memory_space<vmem>>
      %dma_start3A_326 = arith.constant 0 : i32
      %dma_start3A_327 = tpu.memref_slice %arg42[%add3A_40, %dma_start3A_326] : memref<10112x128xf32, #tpu.memory_space<vmem_shared>> -> memref<80x128xf32, #tpu.memory_space<vmem_shared>>
      %dma_start3A_328 = arith.constant 0 : i32
      %dma_start3A_329 = tpu.memref_slice %arg42[%add3A_40, %dma_start3A_328] : memref<10112x128xf32, #tpu.memory_space<vmem_shared>> -> memref<80x128xf32, #tpu.memory_space<vmem_shared>>
      %dma_start3A_330 = arith.constant 0 : i32
      %dma_start3A_331 = arith.constant 0 : i32
      %dma_start3A_332 = tpu.memref_slice %arg22[%dma_start3A_330, %dma_start3A_331] : memref<80x128xf32, #tpu.memory_space<vmem>> -> memref<80x128xf32, #tpu.memory_space<vmem>>
      tpu.enqueue_dma source(%dma_start3A_332 : memref<80x128xf32, #tpu.memory_space<vmem>>) target(%dma_start3A_329 : memref<80x128xf32, #tpu.memory_space<vmem_shared>>) target_semaphore(%run_scoped3A : memref<!tpu.dma_semaphore, #tpu.memory_space<semaphore_mem>>)
      %dma_wait3A_333 = arith.constant 0 : i32
      %dma_wait3A_334 = arith.constant 0 : i32
      %dma_wait3A_335 = tpu.memref_slice %arg22[%dma_wait3A_333, %dma_wait3A_334] : memref<80x128xf32, #tpu.memory_space<vmem>> -> memref<80x128xf32, #tpu.memory_space<vmem>>
      %dma_wait3A_336 = arith.constant 0 : i32
      %dma_wait3A_337 = tpu.memref_slice %arg42[%add3A_40, %dma_wait3A_336] : memref<10112x128xf32, #tpu.memory_space<vmem_shared>> -> memref<80x128xf32, #tpu.memory_space<vmem_shared>>
      %dma_wait3A_338 = arith.constant 0 : i32
      %dma_wait3A_339 = tpu.memref_slice %arg42[%add3A_40, %dma_wait3A_338] : memref<10112x128xf32, #tpu.memory_space<vmem_shared>> -> memref<80x128xf32, #tpu.memory_space<vmem_shared>>
      %dma_wait3A_340 = arith.constant 0 : i32
      %dma_wait3A_341 = arith.constant 0 : i32
      %dma_wait3A_342 = tpu.memref_slice %arg22[%dma_wait3A_340, %dma_wait3A_341] : memref<80x128xf32, #tpu.memory_space<vmem>> -> memref<80x128xf32, #tpu.memory_space<vmem>>
      tpu.wait_dma2 semaphore(%run_scoped3A : memref<!tpu.dma_semaphore, #tpu.memory_space<semaphore_mem>>) src(%dma_wait3A_342 : memref<80x128xf32, #tpu.memory_space<vmem>>) dst(%dma_wait3A_339 : memref<80x128xf32, #tpu.memory_space<vmem_shared>>)
      tpu.yield
    }) : () -> ()
    %add3A_41 = arith.constant 320 : i32
    %add3A_42 = arith.addi %mul3A_0, %add3A_41 : i32
    "tpu.region"() ({
      %run_scoped3A = tpu.sem_alloc : memref<!tpu.dma_semaphore, #tpu.memory_space<semaphore_mem>>
      %dma_start3A_323 = arith.constant 0 : i32
      %dma_start3A_324 = arith.constant 0 : i32
      %dma_start3A_325 = tpu.memref_slice %arg22[%dma_start3A_323, %dma_start3A_324] : memref<80x128xf32, #tpu.memory_space<vmem>> -> memref<80x128xf32, #tpu.memory_space<vmem>>
      %dma_start3A_326 = arith.constant 0 : i32
      %dma_start3A_327 = tpu.memref_slice %arg42[%add3A_42, %dma_start3A_326] : memref<10112x128xf32, #tpu.memory_space<vmem_shared>> -> memref<80x128xf32, #tpu.memory_space<vmem_shared>>
      %dma_start3A_328 = arith.constant 0 : i32
      %dma_start3A_329 = tpu.memref_slice %arg42[%add3A_42, %dma_start3A_328] : memref<10112x128xf32, #tpu.memory_space<vmem_shared>> -> memref<80x128xf32, #tpu.memory_space<vmem_shared>>
      %dma_start3A_330 = arith.constant 0 : i32
      %dma_start3A_331 = arith.constant 0 : i32
      %dma_start3A_332 = tpu.memref_slice %arg22[%dma_start3A_330, %dma_start3A_331] : memref<80x128xf32, #tpu.memory_space<vmem>> -> memref<80x128xf32, #tpu.memory_space<vmem>>
      tpu.enqueue_dma source(%dma_start3A_332 : memref<80x128xf32, #tpu.memory_space<vmem>>) target(%dma_start3A_329 : memref<80x128xf32, #tpu.memory_space<vmem_shared>>) target_semaphore(%run_scoped3A : memref<!tpu.dma_semaphore, #tpu.memory_space<semaphore_mem>>)
      %dma_wait3A_333 = arith.constant 0 : i32
      %dma_wait3A_334 = arith.constant 0 : i32
      %dma_wait3A_335 = tpu.memref_slice %arg22[%dma_wait3A_333, %dma_wait3A_334] : memref<80x128xf32, #tpu.memory_space<vmem>> -> memref<80x128xf32, #tpu.memory_space<vmem>>
      %dma_wait3A_336 = arith.constant 0 : i32
      %dma_wait3A_337 = tpu.memref_slice %arg42[%add3A_42, %dma_wait3A_336] : memref<10112x128xf32, #tpu.memory_space<vmem_shared>> -> memref<80x128xf32, #tpu.memory_space<vmem_shared>>
      %dma_wait3A_338 = arith.constant 0 : i32
      %dma_wait3A_339 = tpu.memref_slice %arg42[%add3A_42, %dma_wait3A_338] : memref<10112x128xf32, #tpu.memory_space<vmem_shared>> -> memref<80x128xf32, #tpu.memory_space<vmem_shared>>
      %dma_wait3A_340 = arith.constant 0 : i32
      %dma_wait3A_341 = arith.constant 0 : i32
      %dma_wait3A_342 = tpu.memref_slice %arg22[%dma_wait3A_340, %dma_wait3A_341] : memref<80x128xf32, #tpu.memory_space<vmem>> -> memref<80x128xf32, #tpu.memory_space<vmem>>
      tpu.wait_dma2 semaphore(%run_scoped3A : memref<!tpu.dma_semaphore, #tpu.memory_space<semaphore_mem>>) src(%dma_wait3A_342 : memref<80x128xf32, #tpu.memory_space<vmem>>) dst(%dma_wait3A_339 : memref<80x128xf32, #tpu.memory_space<vmem_shared>>)
      tpu.yield
    }) : () -> ()
    %add3A_43 = arith.constant 400 : i32
    %add3A_44 = arith.addi %mul3A_0, %add3A_43 : i32
    "tpu.region"() ({
      %run_scoped3A = tpu.sem_alloc : memref<!tpu.dma_semaphore, #tpu.memory_space<semaphore_mem>>
      %dma_start3A_323 = arith.constant 0 : i32
      %dma_start3A_324 = arith.constant 0 : i32
      %dma_start3A_325 = tpu.memref_slice %arg22[%dma_start3A_323, %dma_start3A_324] : memref<80x128xf32, #tpu.memory_space<vmem>> -> memref<80x128xf32, #tpu.memory_space<vmem>>
      %dma_start3A_326 = arith.constant 0 : i32
      %dma_start3A_327 = tpu.memref_slice %arg42[%add3A_44, %dma_start3A_326] : memref<10112x128xf32, #tpu.memory_space<vmem_shared>> -> memref<80x128xf32, #tpu.memory_space<vmem_shared>>
      %dma_start3A_328 = arith.constant 0 : i32
      %dma_start3A_329 = tpu.memref_slice %arg42[%add3A_44, %dma_start3A_328] : memref<10112x128xf32, #tpu.memory_space<vmem_shared>> -> memref<80x128xf32, #tpu.memory_space<vmem_shared>>
      %dma_start3A_330 = arith.constant 0 : i32
      %dma_start3A_331 = arith.constant 0 : i32
      %dma_start3A_332 = tpu.memref_slice %arg22[%dma_start3A_330, %dma_start3A_331] : memref<80x128xf32, #tpu.memory_space<vmem>> -> memref<80x128xf32, #tpu.memory_space<vmem>>
      tpu.enqueue_dma source(%dma_start3A_332 : memref<80x128xf32, #tpu.memory_space<vmem>>) target(%dma_start3A_329 : memref<80x128xf32, #tpu.memory_space<vmem_shared>>) target_semaphore(%run_scoped3A : memref<!tpu.dma_semaphore, #tpu.memory_space<semaphore_mem>>)
      %dma_wait3A_333 = arith.constant 0 : i32
      %dma_wait3A_334 = arith.constant 0 : i32
      %dma_wait3A_335 = tpu.memref_slice %arg22[%dma_wait3A_333, %dma_wait3A_334] : memref<80x128xf32, #tpu.memory_space<vmem>> -> memref<80x128xf32, #tpu.memory_space<vmem>>
      %dma_wait3A_336 = arith.constant 0 : i32
      %dma_wait3A_337 = tpu.memref_slice %arg42[%add3A_44, %dma_wait3A_336] : memref<10112x128xf32, #tpu.memory_space<vmem_shared>> -> memref<80x128xf32, #tpu.memory_space<vmem_shared>>
      %dma_wait3A_338 = arith.constant 0 : i32
      %dma_wait3A_339 = tpu.memref_slice %arg42[%add3A_44, %dma_wait3A_338] : memref<10112x128xf32, #tpu.memory_space<vmem_shared>> -> memref<80x128xf32, #tpu.memory_space<vmem_shared>>
      %dma_wait3A_340 = arith.constant 0 : i32
      %dma_wait3A_341 = arith.constant 0 : i32
      %dma_wait3A_342 = tpu.memref_slice %arg22[%dma_wait3A_340, %dma_wait3A_341] : memref<80x128xf32, #tpu.memory_space<vmem>> -> memref<80x128xf32, #tpu.memory_space<vmem>>
      tpu.wait_dma2 semaphore(%run_scoped3A : memref<!tpu.dma_semaphore, #tpu.memory_space<semaphore_mem>>) src(%dma_wait3A_342 : memref<80x128xf32, #tpu.memory_space<vmem>>) dst(%dma_wait3A_339 : memref<80x128xf32, #tpu.memory_space<vmem_shared>>)
      tpu.yield
    }) : () -> ()
    %add3A_45 = arith.constant 480 : i32
    %add3A_46 = arith.addi %mul3A_0, %add3A_45 : i32
    "tpu.region"() ({
      %run_scoped3A = tpu.sem_alloc : memref<!tpu.dma_semaphore, #tpu.memory_space<semaphore_mem>>
      %dma_start3A_323 = arith.constant 0 : i32
      %dma_start3A_324 = arith.constant 0 : i32
      %dma_start3A_325 = tpu.memref_slice %arg22[%dma_start3A_323, %dma_start3A_324] : memref<80x128xf32, #tpu.memory_space<vmem>> -> memref<80x128xf32, #tpu.memory_space<vmem>>
      %dma_start3A_326 = arith.constant 0 : i32
      %dma_start3A_327 = tpu.memref_slice %arg42[%add3A_46, %dma_start3A_326] : memref<10112x128xf32, #tpu.memory_space<vmem_shared>> -> memref<80x128xf32, #tpu.memory_space<vmem_shared>>
      %dma_start3A_328 = arith.constant 0 : i32
      %dma_start3A_329 = tpu.memref_slice %arg42[%add3A_46, %dma_start3A_328] : memref<10112x128xf32, #tpu.memory_space<vmem_shared>> -> memref<80x128xf32, #tpu.memory_space<vmem_shared>>
      %dma_start3A_330 = arith.constant 0 : i32
      %dma_start3A_331 = arith.constant 0 : i32
      %dma_start3A_332 = tpu.memref_slice %arg22[%dma_start3A_330, %dma_start3A_331] : memref<80x128xf32, #tpu.memory_space<vmem>> -> memref<80x128xf32, #tpu.memory_space<vmem>>
      tpu.enqueue_dma source(%dma_start3A_332 : memref<80x128xf32, #tpu.memory_space<vmem>>) target(%dma_start3A_329 : memref<80x128xf32, #tpu.memory_space<vmem_shared>>) target_semaphore(%run_scoped3A : memref<!tpu.dma_semaphore, #tpu.memory_space<semaphore_mem>>)
      %dma_wait3A_333 = arith.constant 0 : i32
      %dma_wait3A_334 = arith.constant 0 : i32
      %dma_wait3A_335 = tpu.memref_slice %arg22[%dma_wait3A_333, %dma_wait3A_334] : memref<80x128xf32, #tpu.memory_space<vmem>> -> memref<80x128xf32, #tpu.memory_space<vmem>>
      %dma_wait3A_336 = arith.constant 0 : i32
      %dma_wait3A_337 = tpu.memref_slice %arg42[%add3A_46, %dma_wait3A_336] : memref<10112x128xf32, #tpu.memory_space<vmem_shared>> -> memref<80x128xf32, #tpu.memory_space<vmem_shared>>
      %dma_wait3A_338 = arith.constant 0 : i32
      %dma_wait3A_339 = tpu.memref_slice %arg42[%add3A_46, %dma_wait3A_338] : memref<10112x128xf32, #tpu.memory_space<vmem_shared>> -> memref<80x128xf32, #tpu.memory_space<vmem_shared>>
      %dma_wait3A_340 = arith.constant 0 : i32
      %dma_wait3A_341 = arith.constant 0 : i32
      %dma_wait3A_342 = tpu.memref_slice %arg22[%dma_wait3A_340, %dma_wait3A_341] : memref<80x128xf32, #tpu.memory_space<vmem>> -> memref<80x128xf32, #tpu.memory_space<vmem>>
      tpu.wait_dma2 semaphore(%run_scoped3A : memref<!tpu.dma_semaphore, #tpu.memory_space<semaphore_mem>>) src(%dma_wait3A_342 : memref<80x128xf32, #tpu.memory_space<vmem>>) dst(%dma_wait3A_339 : memref<80x128xf32, #tpu.memory_space<vmem_shared>>)
      tpu.yield
    }) : () -> ()
    %add3A_47 = arith.constant 560 : i32
    %add3A_48 = arith.addi %mul3A_0, %add3A_47 : i32
    "tpu.region"() ({
      %run_scoped3A = tpu.sem_alloc : memref<!tpu.dma_semaphore, #tpu.memory_space<semaphore_mem>>
      %dma_start3A_323 = arith.constant 0 : i32
      %dma_start3A_324 = arith.constant 0 : i32
      %dma_start3A_325 = tpu.memref_slice %arg22[%dma_start3A_323, %dma_start3A_324] : memref<80x128xf32, #tpu.memory_space<vmem>> -> memref<72x128xf32, #tpu.memory_space<vmem>>
      %dma_start3A_326 = arith.constant 0 : i32
      %dma_start3A_327 = tpu.memref_slice %arg42[%add3A_48, %dma_start3A_326] : memref<10112x128xf32, #tpu.memory_space<vmem_shared>> -> memref<72x128xf32, #tpu.memory_space<vmem_shared>>
      %dma_start3A_328 = arith.constant 0 : i32
      %dma_start3A_329 = tpu.memref_slice %arg42[%add3A_48, %dma_start3A_328] : memref<10112x128xf32, #tpu.memory_space<vmem_shared>> -> memref<72x128xf32, #tpu.memory_space<vmem_shared>>
      %dma_start3A_330 = arith.constant 0 : i32
      %dma_start3A_331 = arith.constant 0 : i32
      %dma_start3A_332 = tpu.memref_slice %arg22[%dma_start3A_330, %dma_start3A_331] : memref<80x128xf32, #tpu.memory_space<vmem>> -> memref<72x128xf32, #tpu.memory_space<vmem>>
      tpu.enqueue_dma source(%dma_start3A_332 : memref<72x128xf32, #tpu.memory_space<vmem>>) target(%dma_start3A_329 : memref<72x128xf32, #tpu.memory_space<vmem_shared>>) target_semaphore(%run_scoped3A : memref<!tpu.dma_semaphore, #tpu.memory_space<semaphore_mem>>)
      %dma_wait3A_333 = arith.constant 0 : i32
      %dma_wait3A_334 = arith.constant 0 : i32
      %dma_wait3A_335 = tpu.memref_slice %arg22[%dma_wait3A_333, %dma_wait3A_334] : memref<80x128xf32, #tpu.memory_space<vmem>> -> memref<72x128xf32, #tpu.memory_space<vmem>>
      %dma_wait3A_336 = arith.constant 0 : i32
      %dma_wait3A_337 = tpu.memref_slice %arg42[%add3A_48, %dma_wait3A_336] : memref<10112x128xf32, #tpu.memory_space<vmem_shared>> -> memref<72x128xf32, #tpu.memory_space<vmem_shared>>
      %dma_wait3A_338 = arith.constant 0 : i32
      %dma_wait3A_339 = tpu.memref_slice %arg42[%add3A_48, %dma_wait3A_338] : memref<10112x128xf32, #tpu.memory_space<vmem_shared>> -> memref<72x128xf32, #tpu.memory_space<vmem_shared>>
      %dma_wait3A_340 = arith.constant 0 : i32
      %dma_wait3A_341 = arith.constant 0 : i32
      %dma_wait3A_342 = tpu.memref_slice %arg22[%dma_wait3A_340, %dma_wait3A_341] : memref<80x128xf32, #tpu.memory_space<vmem>> -> memref<72x128xf32, #tpu.memory_space<vmem>>
      tpu.wait_dma2 semaphore(%run_scoped3A : memref<!tpu.dma_semaphore, #tpu.memory_space<semaphore_mem>>) src(%dma_wait3A_342 : memref<72x128xf32, #tpu.memory_space<vmem>>) dst(%dma_wait3A_339 : memref<72x128xf32, #tpu.memory_space<vmem_shared>>)
      tpu.yield
    }) : () -> ()
    %barrier3A = arith.constant 0 : index
    tpu.barrier barrier_id(%barrier3A)
    %mul3A_49 = arith.constant 16 : i32
    %mul3A_50 = arith.muli %arg0, %mul3A_49 : i32
    %add3A_51 = arith.addi %mul3A_50, %arg1 : i32
    %dma_start3A = arith.constant 0 : i32
    %dma_start3A_52 = tpu.memref_slice %arg3[%add3A_51, %dma_start3A] : memref<32x10000xi32, #tpu.memory_space<hbm>> -> memref<1x80xi32, #tpu.memory_space<hbm>>
    %dma_start3A_53 = tpu.memref_squeeze %dma_start3A_52 : memref<1x80xi32, #tpu.memory_space<hbm>> -> memref<80xi32, #tpu.memory_space<hbm>>
    %dma_start3A_54 = arith.constant 0 : i32
    %dma_start3A_55 = tpu.memref_slice %arg3[%add3A_51, %dma_start3A_54] : memref<32x10000xi32, #tpu.memory_space<hbm>> -> memref<1x80xi32, #tpu.memory_space<hbm>>
    %dma_start3A_56 = tpu.memref_squeeze %dma_start3A_55 : memref<1x80xi32, #tpu.memory_space<hbm>> -> memref<80xi32, #tpu.memory_space<hbm>>
    tpu.enqueue_dma source(%dma_start3A_56 : memref<80xi32, #tpu.memory_space<hbm>>) target(%arg6 : memref<80xi32, #tpu.memory_space<vmem>>) target_semaphore(%arg26 : memref<!tpu.dma_semaphore, #tpu.memory_space<semaphore_mem>>)
    %dma_start3A_57 = arith.constant 0 : i32
    %dma_start3A_58 = tpu.memref_slice %arg4[%add3A_51, %dma_start3A_57] : memref<32x10000xi32, #tpu.memory_space<hbm>> -> memref<1x80xi32, #tpu.memory_space<hbm>>
    %dma_start3A_59 = tpu.memref_squeeze %dma_start3A_58 : memref<1x80xi32, #tpu.memory_space<hbm>> -> memref<80xi32, #tpu.memory_space<hbm>>
    %dma_start3A_60 = arith.constant 0 : i32
    %dma_start3A_61 = tpu.memref_slice %arg4[%add3A_51, %dma_start3A_60] : memref<32x10000xi32, #tpu.memory_space<hbm>> -> memref<1x80xi32, #tpu.memory_space<hbm>>
    %dma_start3A_62 = tpu.memref_squeeze %dma_start3A_61 : memref<1x80xi32, #tpu.memory_space<hbm>> -> memref<80xi32, #tpu.memory_space<hbm>>
    tpu.enqueue_dma source(%dma_start3A_62 : memref<80xi32, #tpu.memory_space<hbm>>) target(%arg14 : memref<80xi32, #tpu.memory_space<vmem>>) target_semaphore(%arg26 : memref<!tpu.dma_semaphore, #tpu.memory_space<semaphore_mem>>)
    %dma_start3A_63 = arith.constant 80 : i32
    %dma_start3A_64 = tpu.memref_slice %arg3[%add3A_51, %dma_start3A_63] : memref<32x10000xi32, #tpu.memory_space<hbm>> -> memref<1x80xi32, #tpu.memory_space<hbm>>
    %dma_start3A_65 = tpu.memref_squeeze %dma_start3A_64 : memref<1x80xi32, #tpu.memory_space<hbm>> -> memref<80xi32, #tpu.memory_space<hbm>>
    %dma_start3A_66 = arith.constant 80 : i32
    %dma_start3A_67 = tpu.memref_slice %arg3[%add3A_51, %dma_start3A_66] : memref<32x10000xi32, #tpu.memory_space<hbm>> -> memref<1x80xi32, #tpu.memory_space<hbm>>
    %dma_start3A_68 = tpu.memref_squeeze %dma_start3A_67 : memref<1x80xi32, #tpu.memory_space<hbm>> -> memref<80xi32, #tpu.memory_space<hbm>>
    tpu.enqueue_dma source(%dma_start3A_68 : memref<80xi32, #tpu.memory_space<hbm>>) target(%arg7 : memref<80xi32, #tpu.memory_space<vmem>>) target_semaphore(%arg27 : memref<!tpu.dma_semaphore, #tpu.memory_space<semaphore_mem>>)
    %dma_start3A_69 = arith.constant 80 : i32
    %dma_start3A_70 = tpu.memref_slice %arg4[%add3A_51, %dma_start3A_69] : memref<32x10000xi32, #tpu.memory_space<hbm>> -> memref<1x80xi32, #tpu.memory_space<hbm>>
    %dma_start3A_71 = tpu.memref_squeeze %dma_start3A_70 : memref<1x80xi32, #tpu.memory_space<hbm>> -> memref<80xi32, #tpu.memory_space<hbm>>
    %dma_start3A_72 = arith.constant 80 : i32
    %dma_start3A_73 = tpu.memref_slice %arg4[%add3A_51, %dma_start3A_72] : memref<32x10000xi32, #tpu.memory_space<hbm>> -> memref<1x80xi32, #tpu.memory_space<hbm>>
    %dma_start3A_74 = tpu.memref_squeeze %dma_start3A_73 : memref<1x80xi32, #tpu.memory_space<hbm>> -> memref<80xi32, #tpu.memory_space<hbm>>
    tpu.enqueue_dma source(%dma_start3A_74 : memref<80xi32, #tpu.memory_space<hbm>>) target(%arg15 : memref<80xi32, #tpu.memory_space<vmem>>) target_semaphore(%arg27 : memref<!tpu.dma_semaphore, #tpu.memory_space<semaphore_mem>>)
    %dma_start3A_75 = arith.constant 160 : i32
    %dma_start3A_76 = tpu.memref_slice %arg3[%add3A_51, %dma_start3A_75] : memref<32x10000xi32, #tpu.memory_space<hbm>> -> memref<1x80xi32, #tpu.memory_space<hbm>>
    %dma_start3A_77 = tpu.memref_squeeze %dma_start3A_76 : memref<1x80xi32, #tpu.memory_space<hbm>> -> memref<80xi32, #tpu.memory_space<hbm>>
    %dma_start3A_78 = arith.constant 160 : i32
    %dma_start3A_79 = tpu.memref_slice %arg3[%add3A_51, %dma_start3A_78] : memref<32x10000xi32, #tpu.memory_space<hbm>> -> memref<1x80xi32, #tpu.memory_space<hbm>>
    %dma_start3A_80 = tpu.memref_squeeze %dma_start3A_79 : memref<1x80xi32, #tpu.memory_space<hbm>> -> memref<80xi32, #tpu.memory_space<hbm>>
    tpu.enqueue_dma source(%dma_start3A_80 : memref<80xi32, #tpu.memory_space<hbm>>) target(%arg8 : memref<80xi32, #tpu.memory_space<vmem>>) target_semaphore(%arg28 : memref<!tpu.dma_semaphore, #tpu.memory_space<semaphore_mem>>)
    %dma_start3A_81 = arith.constant 160 : i32
    %dma_start3A_82 = tpu.memref_slice %arg4[%add3A_51, %dma_start3A_81] : memref<32x10000xi32, #tpu.memory_space<hbm>> -> memref<1x80xi32, #tpu.memory_space<hbm>>
    %dma_start3A_83 = tpu.memref_squeeze %dma_start3A_82 : memref<1x80xi32, #tpu.memory_space<hbm>> -> memref<80xi32, #tpu.memory_space<hbm>>
    %dma_start3A_84 = arith.constant 160 : i32
    %dma_start3A_85 = tpu.memref_slice %arg4[%add3A_51, %dma_start3A_84] : memref<32x10000xi32, #tpu.memory_space<hbm>> -> memref<1x80xi32, #tpu.memory_space<hbm>>
    %dma_start3A_86 = tpu.memref_squeeze %dma_start3A_85 : memref<1x80xi32, #tpu.memory_space<hbm>> -> memref<80xi32, #tpu.memory_space<hbm>>
    tpu.enqueue_dma source(%dma_start3A_86 : memref<80xi32, #tpu.memory_space<hbm>>) target(%arg16 : memref<80xi32, #tpu.memory_space<vmem>>) target_semaphore(%arg28 : memref<!tpu.dma_semaphore, #tpu.memory_space<semaphore_mem>>)
    %dma_start3A_87 = arith.constant 240 : i32
    %dma_start3A_88 = tpu.memref_slice %arg3[%add3A_51, %dma_start3A_87] : memref<32x10000xi32, #tpu.memory_space<hbm>> -> memref<1x80xi32, #tpu.memory_space<hbm>>
    %dma_start3A_89 = tpu.memref_squeeze %dma_start3A_88 : memref<1x80xi32, #tpu.memory_space<hbm>> -> memref<80xi32, #tpu.memory_space<hbm>>
    %dma_start3A_90 = arith.constant 240 : i32
    %dma_start3A_91 = tpu.memref_slice %arg3[%add3A_51, %dma_start3A_90] : memref<32x10000xi32, #tpu.memory_space<hbm>> -> memref<1x80xi32, #tpu.memory_space<hbm>>
    %dma_start3A_92 = tpu.memref_squeeze %dma_start3A_91 : memref<1x80xi32, #tpu.memory_space<hbm>> -> memref<80xi32, #tpu.memory_space<hbm>>
    tpu.enqueue_dma source(%dma_start3A_92 : memref<80xi32, #tpu.memory_space<hbm>>) target(%arg9 : memref<80xi32, #tpu.memory_space<vmem>>) target_semaphore(%arg29 : memref<!tpu.dma_semaphore, #tpu.memory_space<semaphore_mem>>)
    %dma_start3A_93 = arith.constant 240 : i32
    %dma_start3A_94 = tpu.memref_slice %arg4[%add3A_51, %dma_start3A_93] : memref<32x10000xi32, #tpu.memory_space<hbm>> -> memref<1x80xi32, #tpu.memory_space<hbm>>
    %dma_start3A_95 = tpu.memref_squeeze %dma_start3A_94 : memref<1x80xi32, #tpu.memory_space<hbm>> -> memref<80xi32, #tpu.memory_space<hbm>>
    %dma_start3A_96 = arith.constant 240 : i32
    %dma_start3A_97 = tpu.memref_slice %arg4[%add3A_51, %dma_start3A_96] : memref<32x10000xi32, #tpu.memory_space<hbm>> -> memref<1x80xi32, #tpu.memory_space<hbm>>
    %dma_start3A_98 = tpu.memref_squeeze %dma_start3A_97 : memref<1x80xi32, #tpu.memory_space<hbm>> -> memref<80xi32, #tpu.memory_space<hbm>>
    tpu.enqueue_dma source(%dma_start3A_98 : memref<80xi32, #tpu.memory_space<hbm>>) target(%arg17 : memref<80xi32, #tpu.memory_space<vmem>>) target_semaphore(%arg29 : memref<!tpu.dma_semaphore, #tpu.memory_space<semaphore_mem>>)
    %dma_start3A_99 = arith.constant 320 : i32
    %dma_start3A_100 = tpu.memref_slice %arg3[%add3A_51, %dma_start3A_99] : memref<32x10000xi32, #tpu.memory_space<hbm>> -> memref<1x80xi32, #tpu.memory_space<hbm>>
    %dma_start3A_101 = tpu.memref_squeeze %dma_start3A_100 : memref<1x80xi32, #tpu.memory_space<hbm>> -> memref<80xi32, #tpu.memory_space<hbm>>
    %dma_start3A_102 = arith.constant 320 : i32
    %dma_start3A_103 = tpu.memref_slice %arg3[%add3A_51, %dma_start3A_102] : memref<32x10000xi32, #tpu.memory_space<hbm>> -> memref<1x80xi32, #tpu.memory_space<hbm>>
    %dma_start3A_104 = tpu.memref_squeeze %dma_start3A_103 : memref<1x80xi32, #tpu.memory_space<hbm>> -> memref<80xi32, #tpu.memory_space<hbm>>
    tpu.enqueue_dma source(%dma_start3A_104 : memref<80xi32, #tpu.memory_space<hbm>>) target(%arg10 : memref<80xi32, #tpu.memory_space<vmem>>) target_semaphore(%arg30 : memref<!tpu.dma_semaphore, #tpu.memory_space<semaphore_mem>>)
    %dma_start3A_105 = arith.constant 320 : i32
    %dma_start3A_106 = tpu.memref_slice %arg4[%add3A_51, %dma_start3A_105] : memref<32x10000xi32, #tpu.memory_space<hbm>> -> memref<1x80xi32, #tpu.memory_space<hbm>>
    %dma_start3A_107 = tpu.memref_squeeze %dma_start3A_106 : memref<1x80xi32, #tpu.memory_space<hbm>> -> memref<80xi32, #tpu.memory_space<hbm>>
    %dma_start3A_108 = arith.constant 320 : i32
    %dma_start3A_109 = tpu.memref_slice %arg4[%add3A_51, %dma_start3A_108] : memref<32x10000xi32, #tpu.memory_space<hbm>> -> memref<1x80xi32, #tpu.memory_space<hbm>>
    %dma_start3A_110 = tpu.memref_squeeze %dma_start3A_109 : memref<1x80xi32, #tpu.memory_space<hbm>> -> memref<80xi32, #tpu.memory_space<hbm>>
    tpu.enqueue_dma source(%dma_start3A_110 : memref<80xi32, #tpu.memory_space<hbm>>) target(%arg18 : memref<80xi32, #tpu.memory_space<vmem>>) target_semaphore(%arg30 : memref<!tpu.dma_semaphore, #tpu.memory_space<semaphore_mem>>)
    %dma_start3A_111 = arith.constant 400 : i32
    %dma_start3A_112 = tpu.memref_slice %arg3[%add3A_51, %dma_start3A_111] : memref<32x10000xi32, #tpu.memory_space<hbm>> -> memref<1x80xi32, #tpu.memory_space<hbm>>
    %dma_start3A_113 = tpu.memref_squeeze %dma_start3A_112 : memref<1x80xi32, #tpu.memory_space<hbm>> -> memref<80xi32, #tpu.memory_space<hbm>>
    %dma_start3A_114 = arith.constant 400 : i32
    %dma_start3A_115 = tpu.memref_slice %arg3[%add3A_51, %dma_start3A_114] : memref<32x10000xi32, #tpu.memory_space<hbm>> -> memref<1x80xi32, #tpu.memory_space<hbm>>
    %dma_start3A_116 = tpu.memref_squeeze %dma_start3A_115 : memref<1x80xi32, #tpu.memory_space<hbm>> -> memref<80xi32, #tpu.memory_space<hbm>>
    tpu.enqueue_dma source(%dma_start3A_116 : memref<80xi32, #tpu.memory_space<hbm>>) target(%arg11 : memref<80xi32, #tpu.memory_space<vmem>>) target_semaphore(%arg31 : memref<!tpu.dma_semaphore, #tpu.memory_space<semaphore_mem>>)
    %dma_start3A_117 = arith.constant 400 : i32
    %dma_start3A_118 = tpu.memref_slice %arg4[%add3A_51, %dma_start3A_117] : memref<32x10000xi32, #tpu.memory_space<hbm>> -> memref<1x80xi32, #tpu.memory_space<hbm>>
    %dma_start3A_119 = tpu.memref_squeeze %dma_start3A_118 : memref<1x80xi32, #tpu.memory_space<hbm>> -> memref<80xi32, #tpu.memory_space<hbm>>
    %dma_start3A_120 = arith.constant 400 : i32
    %dma_start3A_121 = tpu.memref_slice %arg4[%add3A_51, %dma_start3A_120] : memref<32x10000xi32, #tpu.memory_space<hbm>> -> memref<1x80xi32, #tpu.memory_space<hbm>>
    %dma_start3A_122 = tpu.memref_squeeze %dma_start3A_121 : memref<1x80xi32, #tpu.memory_space<hbm>> -> memref<80xi32, #tpu.memory_space<hbm>>
    tpu.enqueue_dma source(%dma_start3A_122 : memref<80xi32, #tpu.memory_space<hbm>>) target(%arg19 : memref<80xi32, #tpu.memory_space<vmem>>) target_semaphore(%arg31 : memref<!tpu.dma_semaphore, #tpu.memory_space<semaphore_mem>>)
    %dma_wait3A = arith.constant 0 : i32
    %dma_wait3A_123 = tpu.memref_slice %arg3[%add3A_51, %dma_wait3A] : memref<32x10000xi32, #tpu.memory_space<hbm>> -> memref<1x80xi32, #tpu.memory_space<hbm>>
    %dma_wait3A_124 = tpu.memref_squeeze %dma_wait3A_123 : memref<1x80xi32, #tpu.memory_space<hbm>> -> memref<80xi32, #tpu.memory_space<hbm>>
    %dma_wait3A_125 = arith.constant 0 : i32
    %dma_wait3A_126 = tpu.memref_slice %arg3[%add3A_51, %dma_wait3A_125] : memref<32x10000xi32, #tpu.memory_space<hbm>> -> memref<1x80xi32, #tpu.memory_space<hbm>>
    %dma_wait3A_127 = tpu.memref_squeeze %dma_wait3A_126 : memref<1x80xi32, #tpu.memory_space<hbm>> -> memref<80xi32, #tpu.memory_space<hbm>>
    tpu.wait_dma2 semaphore(%arg26 : memref<!tpu.dma_semaphore, #tpu.memory_space<semaphore_mem>>) src(%dma_wait3A_127 : memref<80xi32, #tpu.memory_space<hbm>>) dst(%arg6 : memref<80xi32, #tpu.memory_space<vmem>>)
    %dma_wait3A_128 = arith.constant 0 : i32
    %dma_wait3A_129 = tpu.memref_slice %arg4[%add3A_51, %dma_wait3A_128] : memref<32x10000xi32, #tpu.memory_space<hbm>> -> memref<1x80xi32, #tpu.memory_space<hbm>>
    %dma_wait3A_130 = tpu.memref_squeeze %dma_wait3A_129 : memref<1x80xi32, #tpu.memory_space<hbm>> -> memref<80xi32, #tpu.memory_space<hbm>>
    %dma_wait3A_131 = arith.constant 0 : i32
    %dma_wait3A_132 = tpu.memref_slice %arg4[%add3A_51, %dma_wait3A_131] : memref<32x10000xi32, #tpu.memory_space<hbm>> -> memref<1x80xi32, #tpu.memory_space<hbm>>
    %dma_wait3A_133 = tpu.memref_squeeze %dma_wait3A_132 : memref<1x80xi32, #tpu.memory_space<hbm>> -> memref<80xi32, #tpu.memory_space<hbm>>
    tpu.wait_dma2 semaphore(%arg26 : memref<!tpu.dma_semaphore, #tpu.memory_space<semaphore_mem>>) src(%dma_wait3A_133 : memref<80xi32, #tpu.memory_space<hbm>>) dst(%arg14 : memref<80xi32, #tpu.memory_space<vmem>>)
    %dma_start3A_134 = arith.constant 0 : i32
    %dma_start3A_135 = arith.constant 0 : i32
    %dma_start3A_136 = tpu.memref_slice %arg2[%dma_start3A_134, %dma_start3A_135] : memref<10000x128xf32, #tpu.memory_space<hbm>> -> memref<10000x128xf32, #tpu.memory_space<hbm>>
    tpu.enqueue_indirect_dma source(%dma_start3A_136 : memref<10000x128xf32, #tpu.memory_space<hbm>>) target(%arg22 : memref<80x128xf32, #tpu.memory_space<vmem>>) offsets(%arg6 : memref<80xi32, #tpu.memory_space<vmem>>) semaphore(%arg34 : memref<!tpu.dma_semaphore, #tpu.memory_space<semaphore_mem>>)
    %dma_wait3A_137 = arith.constant 80 : i32
    %dma_wait3A_138 = tpu.memref_slice %arg3[%add3A_51, %dma_wait3A_137] : memref<32x10000xi32, #tpu.memory_space<hbm>> -> memref<1x80xi32, #tpu.memory_space<hbm>>
    %dma_wait3A_139 = tpu.memref_squeeze %dma_wait3A_138 : memref<1x80xi32, #tpu.memory_space<hbm>> -> memref<80xi32, #tpu.memory_space<hbm>>
    %dma_wait3A_140 = arith.constant 80 : i32
    %dma_wait3A_141 = tpu.memref_slice %arg3[%add3A_51, %dma_wait3A_140] : memref<32x10000xi32, #tpu.memory_space<hbm>> -> memref<1x80xi32, #tpu.memory_space<hbm>>
    %dma_wait3A_142 = tpu.memref_squeeze %dma_wait3A_141 : memref<1x80xi32, #tpu.memory_space<hbm>> -> memref<80xi32, #tpu.memory_space<hbm>>
    tpu.wait_dma2 semaphore(%arg27 : memref<!tpu.dma_semaphore, #tpu.memory_space<semaphore_mem>>) src(%dma_wait3A_142 : memref<80xi32, #tpu.memory_space<hbm>>) dst(%arg7 : memref<80xi32, #tpu.memory_space<vmem>>)
    %dma_wait3A_143 = arith.constant 80 : i32
    %dma_wait3A_144 = tpu.memref_slice %arg4[%add3A_51, %dma_wait3A_143] : memref<32x10000xi32, #tpu.memory_space<hbm>> -> memref<1x80xi32, #tpu.memory_space<hbm>>
    %dma_wait3A_145 = tpu.memref_squeeze %dma_wait3A_144 : memref<1x80xi32, #tpu.memory_space<hbm>> -> memref<80xi32, #tpu.memory_space<hbm>>
    %dma_wait3A_146 = arith.constant 80 : i32
    %dma_wait3A_147 = tpu.memref_slice %arg4[%add3A_51, %dma_wait3A_146] : memref<32x10000xi32, #tpu.memory_space<hbm>> -> memref<1x80xi32, #tpu.memory_space<hbm>>
    %dma_wait3A_148 = tpu.memref_squeeze %dma_wait3A_147 : memref<1x80xi32, #tpu.memory_space<hbm>> -> memref<80xi32, #tpu.memory_space<hbm>>
    tpu.wait_dma2 semaphore(%arg27 : memref<!tpu.dma_semaphore, #tpu.memory_space<semaphore_mem>>) src(%dma_wait3A_148 : memref<80xi32, #tpu.memory_space<hbm>>) dst(%arg15 : memref<80xi32, #tpu.memory_space<vmem>>)
    %dma_start3A_149 = arith.constant 0 : i32
    %dma_start3A_150 = arith.constant 0 : i32
    %dma_start3A_151 = tpu.memref_slice %arg2[%dma_start3A_149, %dma_start3A_150] : memref<10000x128xf32, #tpu.memory_space<hbm>> -> memref<10000x128xf32, #tpu.memory_space<hbm>>
    tpu.enqueue_indirect_dma source(%dma_start3A_151 : memref<10000x128xf32, #tpu.memory_space<hbm>>) target(%arg23 : memref<80x128xf32, #tpu.memory_space<vmem>>) offsets(%arg7 : memref<80xi32, #tpu.memory_space<vmem>>) semaphore(%arg35 : memref<!tpu.dma_semaphore, #tpu.memory_space<semaphore_mem>>)
    %scan3A_152 = arith.constant 0 : i32
    %scan3A_153 = arith.constant 0 : i32
    %scan3A_154 = arith.constant 15 : i32
    %scan3A_155 = arith.addi %scan3A_153, %scan3A_154 : i32
    %scan3A_156 = arith.constant 1 : i32
    scf.for %scan3A_323 = %scan3A_153 to %scan3A_155 step %scan3A_156  : i32 {
      %mul3A_324 = arith.constant 8 : i32
      %mul3A_325 = arith.muli %mul3A_324, %scan3A_323 : i32
      %add3A_326 = arith.constant 0 : i32
      %add3A_327 = arith.addi %mul3A_325, %add3A_326 : i32
      %ge3A_328 = arith.constant 2 : i32
      %ge3A_329 = arith.cmpi sge, %add3A_327, %ge3A_328 : i32
      %convert_element_type3A_330 = arith.extui %ge3A_329 : i1 to i32
      %cond3A_331 = arith.constant 0 : i32
      %cond3A_332 = arith.cmpi ne, %convert_element_type3A_330, %cond3A_331 : i32
      scf.if %cond3A_332 {
        %dma_wait3A_572 = arith.constant 0 : i32
        %dma_wait3A_573 = arith.constant 0 : i32
        %dma_wait3A_574 = tpu.memref_slice %arg42[%dma_wait3A_572, %dma_wait3A_573] : memref<10112x128xf32, #tpu.memory_space<vmem_shared>> -> memref<10112x128xf32, #tpu.memory_space<vmem_shared>>
        tpu.wait_indirect_dma semaphore(%arg40 : memref<!tpu.dma_semaphore, #tpu.memory_space<semaphore_mem>>) src(%arg24 : memref<80x128xf32, #tpu.memory_space<vmem>>) dst(%dma_wait3A_574 : memref<10112x128xf32, #tpu.memory_space<vmem_shared>>)
      } else {
      }
      %add3A_333 = arith.constant 8 : i32
      %add3A_334 = arith.addi %add3A_327, %add3A_333 : i32
      %sub3A_335 = arith.constant 2 : i32
      %sub3A_336 = arith.subi %add3A_334, %sub3A_335 : i32
      %lt3A_337 = arith.constant 125 : i32
      %lt3A_338 = arith.cmpi slt, %sub3A_336, %lt3A_337 : i32
      %convert_element_type3A_339 = arith.extui %lt3A_338 : i1 to i32
      %cond3A_340 = arith.constant 0 : i32
      %cond3A_341 = arith.cmpi ne, %convert_element_type3A_339, %cond3A_340 : i32
      scf.if %cond3A_341 {
        %add3A_572 = arith.constant 8 : i32
        %add3A_573 = arith.addi %add3A_327, %add3A_572 : i32
        %sub3A_574 = arith.constant 2 : i32
        %sub3A_575 = arith.subi %add3A_573, %sub3A_574 : i32
        %mul3A_576 = arith.constant 80 : i32
        %mul3A_577 = arith.muli %sub3A_575, %mul3A_576 : i32
        %mul3A_578 = arith.constant 80 : i32
        %mul3A_579 = arith.muli %sub3A_575, %mul3A_578 : i32
        %dma_start3A_580 = tpu.memref_slice %arg3[%add3A_51, %mul3A_577] : memref<32x10000xi32, #tpu.memory_space<hbm>> -> memref<1x80xi32, #tpu.memory_space<hbm>>
        %dma_start3A_581 = tpu.memref_squeeze %dma_start3A_580 : memref<1x80xi32, #tpu.memory_space<hbm>> -> memref<80xi32, #tpu.memory_space<hbm>>
        %dma_start3A_582 = tpu.memref_slice %arg3[%add3A_51, %mul3A_577] : memref<32x10000xi32, #tpu.memory_space<hbm>> -> memref<1x80xi32, #tpu.memory_space<hbm>>
        %dma_start3A_583 = tpu.memref_squeeze %dma_start3A_582 : memref<1x80xi32, #tpu.memory_space<hbm>> -> memref<80xi32, #tpu.memory_space<hbm>>
        tpu.enqueue_dma source(%dma_start3A_583 : memref<80xi32, #tpu.memory_space<hbm>>) target(%arg12 : memref<80xi32, #tpu.memory_space<vmem>>) target_semaphore(%arg32 : memref<!tpu.dma_semaphore, #tpu.memory_space<semaphore_mem>>)
        %dma_start3A_584 = tpu.memref_slice %arg4[%add3A_51, %mul3A_579] : memref<32x10000xi32, #tpu.memory_space<hbm>> -> memref<1x80xi32, #tpu.memory_space<hbm>>
        %dma_start3A_585 = tpu.memref_squeeze %dma_start3A_584 : memref<1x80xi32, #tpu.memory_space<hbm>> -> memref<80xi32, #tpu.memory_space<hbm>>
        %dma_start3A_586 = tpu.memref_slice %arg4[%add3A_51, %mul3A_579] : memref<32x10000xi32, #tpu.memory_space<hbm>> -> memref<1x80xi32, #tpu.memory_space<hbm>>
        %dma_start3A_587 = tpu.memref_squeeze %dma_start3A_586 : memref<1x80xi32, #tpu.memory_space<hbm>> -> memref<80xi32, #tpu.memory_space<hbm>>
        tpu.enqueue_dma source(%dma_start3A_587 : memref<80xi32, #tpu.memory_space<hbm>>) target(%arg20 : memref<80xi32, #tpu.memory_space<vmem>>) target_semaphore(%arg32 : memref<!tpu.dma_semaphore, #tpu.memory_space<semaphore_mem>>)
      } else {
      }
      %add3A_342 = arith.constant 2 : i32
      %add3A_343 = arith.addi %add3A_327, %add3A_342 : i32
      %lt3A_344 = arith.constant 125 : i32
      %lt3A_345 = arith.cmpi slt, %add3A_343, %lt3A_344 : i32
      %convert_element_type3A_346 = arith.extui %lt3A_345 : i1 to i32
      %cond3A_347 = arith.constant 0 : i32
      %cond3A_348 = arith.cmpi ne, %convert_element_type3A_346, %cond3A_347 : i32
      scf.if %cond3A_348 {
        %add3A_572 = arith.constant 2 : i32
        %add3A_573 = arith.addi %add3A_327, %add3A_572 : i32
        %mul3A_574 = arith.constant 80 : i32
        %mul3A_575 = arith.muli %add3A_573, %mul3A_574 : i32
        %mul3A_576 = arith.constant 80 : i32
        %mul3A_577 = arith.muli %add3A_573, %mul3A_576 : i32
        %dma_wait3A_578 = tpu.memref_slice %arg3[%add3A_51, %mul3A_575] : memref<32x10000xi32, #tpu.memory_space<hbm>> -> memref<1x80xi32, #tpu.memory_space<hbm>>
        %dma_wait3A_579 = tpu.memref_squeeze %dma_wait3A_578 : memref<1x80xi32, #tpu.memory_space<hbm>> -> memref<80xi32, #tpu.memory_space<hbm>>
        %dma_wait3A_580 = tpu.memref_slice %arg3[%add3A_51, %mul3A_575] : memref<32x10000xi32, #tpu.memory_space<hbm>> -> memref<1x80xi32, #tpu.memory_space<hbm>>
        %dma_wait3A_581 = tpu.memref_squeeze %dma_wait3A_580 : memref<1x80xi32, #tpu.memory_space<hbm>> -> memref<80xi32, #tpu.memory_space<hbm>>
        tpu.wait_dma2 semaphore(%arg28 : memref<!tpu.dma_semaphore, #tpu.memory_space<semaphore_mem>>) src(%dma_wait3A_581 : memref<80xi32, #tpu.memory_space<hbm>>) dst(%arg8 : memref<80xi32, #tpu.memory_space<vmem>>)
        %dma_wait3A_582 = tpu.memref_slice %arg4[%add3A_51, %mul3A_577] : memref<32x10000xi32, #tpu.memory_space<hbm>> -> memref<1x80xi32, #tpu.memory_space<hbm>>
        %dma_wait3A_583 = tpu.memref_squeeze %dma_wait3A_582 : memref<1x80xi32, #tpu.memory_space<hbm>> -> memref<80xi32, #tpu.memory_space<hbm>>
        %dma_wait3A_584 = tpu.memref_slice %arg4[%add3A_51, %mul3A_577] : memref<32x10000xi32, #tpu.memory_space<hbm>> -> memref<1x80xi32, #tpu.memory_space<hbm>>
        %dma_wait3A_585 = tpu.memref_squeeze %dma_wait3A_584 : memref<1x80xi32, #tpu.memory_space<hbm>> -> memref<80xi32, #tpu.memory_space<hbm>>
        tpu.wait_dma2 semaphore(%arg28 : memref<!tpu.dma_semaphore, #tpu.memory_space<semaphore_mem>>) src(%dma_wait3A_585 : memref<80xi32, #tpu.memory_space<hbm>>) dst(%arg16 : memref<80xi32, #tpu.memory_space<vmem>>)
        %dma_start3A_586 = arith.constant 0 : i32
        %dma_start3A_587 = arith.constant 0 : i32
        %dma_start3A_588 = tpu.memref_slice %arg2[%dma_start3A_586, %dma_start3A_587] : memref<10000x128xf32, #tpu.memory_space<hbm>> -> memref<10000x128xf32, #tpu.memory_space<hbm>>
        tpu.enqueue_indirect_dma source(%dma_start3A_588 : memref<10000x128xf32, #tpu.memory_space<hbm>>) target(%arg24 : memref<80x128xf32, #tpu.memory_space<vmem>>) offsets(%arg8 : memref<80xi32, #tpu.memory_space<vmem>>) semaphore(%arg36 : memref<!tpu.dma_semaphore, #tpu.memory_space<semaphore_mem>>)
      } else {
      }
      %dma_wait3A_349 = arith.constant 0 : i32
      %dma_wait3A_350 = arith.constant 0 : i32
      %dma_wait3A_351 = tpu.memref_slice %arg2[%dma_wait3A_349, %dma_wait3A_350] : memref<10000x128xf32, #tpu.memory_space<hbm>> -> memref<10000x128xf32, #tpu.memory_space<hbm>>
      tpu.wait_indirect_dma semaphore(%arg34 : memref<!tpu.dma_semaphore, #tpu.memory_space<semaphore_mem>>) src(%dma_wait3A_351 : memref<10000x128xf32, #tpu.memory_space<hbm>>) dst(%arg22 : memref<80x128xf32, #tpu.memory_space<vmem>>)
      %dma_start3A_352 = arith.constant 0 : i32
      %dma_start3A_353 = arith.constant 0 : i32
      %dma_start3A_354 = tpu.memref_slice %arg42[%dma_start3A_352, %dma_start3A_353] : memref<10112x128xf32, #tpu.memory_space<vmem_shared>> -> memref<10112x128xf32, #tpu.memory_space<vmem_shared>>
      tpu.enqueue_indirect_dma source(%arg22 : memref<80x128xf32, #tpu.memory_space<vmem>>) target(%dma_start3A_354 : memref<10112x128xf32, #tpu.memory_space<vmem_shared>>) offsets(%arg14 : memref<80xi32, #tpu.memory_space<vmem>>) semaphore(%arg38 : memref<!tpu.dma_semaphore, #tpu.memory_space<semaphore_mem>>) {add = true}
      %mul3A_355 = arith.constant 8 : i32
      %mul3A_356 = arith.muli %mul3A_355, %scan3A_323 : i32
      %add3A_357 = arith.constant 1 : i32
      %add3A_358 = arith.addi %mul3A_356, %add3A_357 : i32
      %ge3A_359 = arith.constant 2 : i32
      %ge3A_360 = arith.cmpi sge, %add3A_358, %ge3A_359 : i32
      %convert_element_type3A_361 = arith.extui %ge3A_360 : i1 to i32
      %cond3A_362 = arith.constant 0 : i32
      %cond3A_363 = arith.cmpi ne, %convert_element_type3A_361, %cond3A_362 : i32
      scf.if %cond3A_363 {
        %dma_wait3A_572 = arith.constant 0 : i32
        %dma_wait3A_573 = arith.constant 0 : i32
        %dma_wait3A_574 = tpu.memref_slice %arg42[%dma_wait3A_572, %dma_wait3A_573] : memref<10112x128xf32, #tpu.memory_space<vmem_shared>> -> memref<10112x128xf32, #tpu.memory_space<vmem_shared>>
        tpu.wait_indirect_dma semaphore(%arg41 : memref<!tpu.dma_semaphore, #tpu.memory_space<semaphore_mem>>) src(%arg25 : memref<80x128xf32, #tpu.memory_space<vmem>>) dst(%dma_wait3A_574 : memref<10112x128xf32, #tpu.memory_space<vmem_shared>>)
      } else {
      }
      %add3A_364 = arith.constant 8 : i32
      %add3A_365 = arith.addi %add3A_358, %add3A_364 : i32
      %sub3A_366 = arith.constant 2 : i32
      %sub3A_367 = arith.subi %add3A_365, %sub3A_366 : i32
      %lt3A_368 = arith.constant 125 : i32
      %lt3A_369 = arith.cmpi slt, %sub3A_367, %lt3A_368 : i32
      %convert_element_type3A_370 = arith.extui %lt3A_369 : i1 to i32
      %cond3A_371 = arith.constant 0 : i32
      %cond3A_372 = arith.cmpi ne, %convert_element_type3A_370, %cond3A_371 : i32
      scf.if %cond3A_372 {
        %add3A_572 = arith.constant 8 : i32
        %add3A_573 = arith.addi %add3A_358, %add3A_572 : i32
        %sub3A_574 = arith.constant 2 : i32
        %sub3A_575 = arith.subi %add3A_573, %sub3A_574 : i32
        %mul3A_576 = arith.constant 80 : i32
        %mul3A_577 = arith.muli %sub3A_575, %mul3A_576 : i32
        %mul3A_578 = arith.constant 80 : i32
        %mul3A_579 = arith.muli %sub3A_575, %mul3A_578 : i32
        %dma_start3A_580 = tpu.memref_slice %arg3[%add3A_51, %mul3A_577] : memref<32x10000xi32, #tpu.memory_space<hbm>> -> memref<1x80xi32, #tpu.memory_space<hbm>>
        %dma_start3A_581 = tpu.memref_squeeze %dma_start3A_580 : memref<1x80xi32, #tpu.memory_space<hbm>> -> memref<80xi32, #tpu.memory_space<hbm>>
        %dma_start3A_582 = tpu.memref_slice %arg3[%add3A_51, %mul3A_577] : memref<32x10000xi32, #tpu.memory_space<hbm>> -> memref<1x80xi32, #tpu.memory_space<hbm>>
        %dma_start3A_583 = tpu.memref_squeeze %dma_start3A_582 : memref<1x80xi32, #tpu.memory_space<hbm>> -> memref<80xi32, #tpu.memory_space<hbm>>
        tpu.enqueue_dma source(%dma_start3A_583 : memref<80xi32, #tpu.memory_space<hbm>>) target(%arg13 : memref<80xi32, #tpu.memory_space<vmem>>) target_semaphore(%arg33 : memref<!tpu.dma_semaphore, #tpu.memory_space<semaphore_mem>>)
        %dma_start3A_584 = tpu.memref_slice %arg4[%add3A_51, %mul3A_579] : memref<32x10000xi32, #tpu.memory_space<hbm>> -> memref<1x80xi32, #tpu.memory_space<hbm>>
        %dma_start3A_585 = tpu.memref_squeeze %dma_start3A_584 : memref<1x80xi32, #tpu.memory_space<hbm>> -> memref<80xi32, #tpu.memory_space<hbm>>
        %dma_start3A_586 = tpu.memref_slice %arg4[%add3A_51, %mul3A_579] : memref<32x10000xi32, #tpu.memory_space<hbm>> -> memref<1x80xi32, #tpu.memory_space<hbm>>
        %dma_start3A_587 = tpu.memref_squeeze %dma_start3A_586 : memref<1x80xi32, #tpu.memory_space<hbm>> -> memref<80xi32, #tpu.memory_space<hbm>>
        tpu.enqueue_dma source(%dma_start3A_587 : memref<80xi32, #tpu.memory_space<hbm>>) target(%arg21 : memref<80xi32, #tpu.memory_space<vmem>>) target_semaphore(%arg33 : memref<!tpu.dma_semaphore, #tpu.memory_space<semaphore_mem>>)
      } else {
      }
      %add3A_373 = arith.constant 2 : i32
      %add3A_374 = arith.addi %add3A_358, %add3A_373 : i32
      %lt3A_375 = arith.constant 125 : i32
      %lt3A_376 = arith.cmpi slt, %add3A_374, %lt3A_375 : i32
      %convert_element_type3A_377 = arith.extui %lt3A_376 : i1 to i32
      %cond3A_378 = arith.constant 0 : i32
      %cond3A_379 = arith.cmpi ne, %convert_element_type3A_377, %cond3A_378 : i32
      scf.if %cond3A_379 {
        %add3A_572 = arith.constant 2 : i32
        %add3A_573 = arith.addi %add3A_358, %add3A_572 : i32
        %mul3A_574 = arith.constant 80 : i32
        %mul3A_575 = arith.muli %add3A_573, %mul3A_574 : i32
        %mul3A_576 = arith.constant 80 : i32
        %mul3A_577 = arith.muli %add3A_573, %mul3A_576 : i32
        %dma_wait3A_578 = tpu.memref_slice %arg3[%add3A_51, %mul3A_575] : memref<32x10000xi32, #tpu.memory_space<hbm>> -> memref<1x80xi32, #tpu.memory_space<hbm>>
        %dma_wait3A_579 = tpu.memref_squeeze %dma_wait3A_578 : memref<1x80xi32, #tpu.memory_space<hbm>> -> memref<80xi32, #tpu.memory_space<hbm>>
        %dma_wait3A_580 = tpu.memref_slice %arg3[%add3A_51, %mul3A_575] : memref<32x10000xi32, #tpu.memory_space<hbm>> -> memref<1x80xi32, #tpu.memory_space<hbm>>
        %dma_wait3A_581 = tpu.memref_squeeze %dma_wait3A_580 : memref<1x80xi32, #tpu.memory_space<hbm>> -> memref<80xi32, #tpu.memory_space<hbm>>
        tpu.wait_dma2 semaphore(%arg29 : memref<!tpu.dma_semaphore, #tpu.memory_space<semaphore_mem>>) src(%dma_wait3A_581 : memref<80xi32, #tpu.memory_space<hbm>>) dst(%arg9 : memref<80xi32, #tpu.memory_space<vmem>>)
        %dma_wait3A_582 = tpu.memref_slice %arg4[%add3A_51, %mul3A_577] : memref<32x10000xi32, #tpu.memory_space<hbm>> -> memref<1x80xi32, #tpu.memory_space<hbm>>
        %dma_wait3A_583 = tpu.memref_squeeze %dma_wait3A_582 : memref<1x80xi32, #tpu.memory_space<hbm>> -> memref<80xi32, #tpu.memory_space<hbm>>
        %dma_wait3A_584 = tpu.memref_slice %arg4[%add3A_51, %mul3A_577] : memref<32x10000xi32, #tpu.memory_space<hbm>> -> memref<1x80xi32, #tpu.memory_space<hbm>>
        %dma_wait3A_585 = tpu.memref_squeeze %dma_wait3A_584 : memref<1x80xi32, #tpu.memory_space<hbm>> -> memref<80xi32, #tpu.memory_space<hbm>>
        tpu.wait_dma2 semaphore(%arg29 : memref<!tpu.dma_semaphore, #tpu.memory_space<semaphore_mem>>) src(%dma_wait3A_585 : memref<80xi32, #tpu.memory_space<hbm>>) dst(%arg17 : memref<80xi32, #tpu.memory_space<vmem>>)
        %dma_start3A_586 = arith.constant 0 : i32
        %dma_start3A_587 = arith.constant 0 : i32
        %dma_start3A_588 = tpu.memref_slice %arg2[%dma_start3A_586, %dma_start3A_587] : memref<10000x128xf32, #tpu.memory_space<hbm>> -> memref<10000x128xf32, #tpu.memory_space<hbm>>
        tpu.enqueue_indirect_dma source(%dma_start3A_588 : memref<10000x128xf32, #tpu.memory_space<hbm>>) target(%arg25 : memref<80x128xf32, #tpu.memory_space<vmem>>) offsets(%arg9 : memref<80xi32, #tpu.memory_space<vmem>>) semaphore(%arg37 : memref<!tpu.dma_semaphore, #tpu.memory_space<semaphore_mem>>)
      } else {
      }
      %dma_wait3A_380 = arith.constant 0 : i32
      %dma_wait3A_381 = arith.constant 0 : i32
      %dma_wait3A_382 = tpu.memref_slice %arg2[%dma_wait3A_380, %dma_wait3A_381] : memref<10000x128xf32, #tpu.memory_space<hbm>> -> memref<10000x128xf32, #tpu.memory_space<hbm>>
      tpu.wait_indirect_dma semaphore(%arg35 : memref<!tpu.dma_semaphore, #tpu.memory_space<semaphore_mem>>) src(%dma_wait3A_382 : memref<10000x128xf32, #tpu.memory_space<hbm>>) dst(%arg23 : memref<80x128xf32, #tpu.memory_space<vmem>>)
      %dma_start3A_383 = arith.constant 0 : i32
      %dma_start3A_384 = arith.constant 0 : i32
      %dma_start3A_385 = tpu.memref_slice %arg42[%dma_start3A_383, %dma_start3A_384] : memref<10112x128xf32, #tpu.memory_space<vmem_shared>> -> memref<10112x128xf32, #tpu.memory_space<vmem_shared>>
      tpu.enqueue_indirect_dma source(%arg23 : memref<80x128xf32, #tpu.memory_space<vmem>>) target(%dma_start3A_385 : memref<10112x128xf32, #tpu.memory_space<vmem_shared>>) offsets(%arg15 : memref<80xi32, #tpu.memory_space<vmem>>) semaphore(%arg39 : memref<!tpu.dma_semaphore, #tpu.memory_space<semaphore_mem>>) {add = true}
      %mul3A_386 = arith.constant 8 : i32
      %mul3A_387 = arith.muli %mul3A_386, %scan3A_323 : i32
      %add3A_388 = arith.constant 2 : i32
      %add3A_389 = arith.addi %mul3A_387, %add3A_388 : i32
      %ge3A_390 = arith.constant 2 : i32
      %ge3A_391 = arith.cmpi sge, %add3A_389, %ge3A_390 : i32
      %convert_element_type3A_392 = arith.extui %ge3A_391 : i1 to i32
      %cond3A_393 = arith.constant 0 : i32
      %cond3A_394 = arith.cmpi ne, %convert_element_type3A_392, %cond3A_393 : i32
      scf.if %cond3A_394 {
        %dma_wait3A_572 = arith.constant 0 : i32
        %dma_wait3A_573 = arith.constant 0 : i32
        %dma_wait3A_574 = tpu.memref_slice %arg42[%dma_wait3A_572, %dma_wait3A_573] : memref<10112x128xf32, #tpu.memory_space<vmem_shared>> -> memref<10112x128xf32, #tpu.memory_space<vmem_shared>>
        tpu.wait_indirect_dma semaphore(%arg38 : memref<!tpu.dma_semaphore, #tpu.memory_space<semaphore_mem>>) src(%arg22 : memref<80x128xf32, #tpu.memory_space<vmem>>) dst(%dma_wait3A_574 : memref<10112x128xf32, #tpu.memory_space<vmem_shared>>)
      } else {
      }
      %add3A_395 = arith.constant 8 : i32
      %add3A_396 = arith.addi %add3A_389, %add3A_395 : i32
      %sub3A_397 = arith.constant 2 : i32
      %sub3A_398 = arith.subi %add3A_396, %sub3A_397 : i32
      %lt3A_399 = arith.constant 125 : i32
      %lt3A_400 = arith.cmpi slt, %sub3A_398, %lt3A_399 : i32
      %convert_element_type3A_401 = arith.extui %lt3A_400 : i1 to i32
      %cond3A_402 = arith.constant 0 : i32
      %cond3A_403 = arith.cmpi ne, %convert_element_type3A_401, %cond3A_402 : i32
      scf.if %cond3A_403 {
        %add3A_572 = arith.constant 8 : i32
        %add3A_573 = arith.addi %add3A_389, %add3A_572 : i32
        %sub3A_574 = arith.constant 2 : i32
        %sub3A_575 = arith.subi %add3A_573, %sub3A_574 : i32
        %mul3A_576 = arith.constant 80 : i32
        %mul3A_577 = arith.muli %sub3A_575, %mul3A_576 : i32
        %mul3A_578 = arith.constant 80 : i32
        %mul3A_579 = arith.muli %sub3A_575, %mul3A_578 : i32
        %dma_start3A_580 = tpu.memref_slice %arg3[%add3A_51, %mul3A_577] : memref<32x10000xi32, #tpu.memory_space<hbm>> -> memref<1x80xi32, #tpu.memory_space<hbm>>
        %dma_start3A_581 = tpu.memref_squeeze %dma_start3A_580 : memref<1x80xi32, #tpu.memory_space<hbm>> -> memref<80xi32, #tpu.memory_space<hbm>>
        %dma_start3A_582 = tpu.memref_slice %arg3[%add3A_51, %mul3A_577] : memref<32x10000xi32, #tpu.memory_space<hbm>> -> memref<1x80xi32, #tpu.memory_space<hbm>>
        %dma_start3A_583 = tpu.memref_squeeze %dma_start3A_582 : memref<1x80xi32, #tpu.memory_space<hbm>> -> memref<80xi32, #tpu.memory_space<hbm>>
        tpu.enqueue_dma source(%dma_start3A_583 : memref<80xi32, #tpu.memory_space<hbm>>) target(%arg6 : memref<80xi32, #tpu.memory_space<vmem>>) target_semaphore(%arg26 : memref<!tpu.dma_semaphore, #tpu.memory_space<semaphore_mem>>)
        %dma_start3A_584 = tpu.memref_slice %arg4[%add3A_51, %mul3A_579] : memref<32x10000xi32, #tpu.memory_space<hbm>> -> memref<1x80xi32, #tpu.memory_space<hbm>>
        %dma_start3A_585 = tpu.memref_squeeze %dma_start3A_584 : memref<1x80xi32, #tpu.memory_space<hbm>> -> memref<80xi32, #tpu.memory_space<hbm>>
        %dma_start3A_586 = tpu.memref_slice %arg4[%add3A_51, %mul3A_579] : memref<32x10000xi32, #tpu.memory_space<hbm>> -> memref<1x80xi32, #tpu.memory_space<hbm>>
        %dma_start3A_587 = tpu.memref_squeeze %dma_start3A_586 : memref<1x80xi32, #tpu.memory_space<hbm>> -> memref<80xi32, #tpu.memory_space<hbm>>
        tpu.enqueue_dma source(%dma_start3A_587 : memref<80xi32, #tpu.memory_space<hbm>>) target(%arg14 : memref<80xi32, #tpu.memory_space<vmem>>) target_semaphore(%arg26 : memref<!tpu.dma_semaphore, #tpu.memory_space<semaphore_mem>>)
      } else {
      }
      %add3A_404 = arith.constant 2 : i32
      %add3A_405 = arith.addi %add3A_389, %add3A_404 : i32
      %lt3A_406 = arith.constant 125 : i32
      %lt3A_407 = arith.cmpi slt, %add3A_405, %lt3A_406 : i32
      %convert_element_type3A_408 = arith.extui %lt3A_407 : i1 to i32
      %cond3A_409 = arith.constant 0 : i32
      %cond3A_410 = arith.cmpi ne, %convert_element_type3A_408, %cond3A_409 : i32
      scf.if %cond3A_410 {
        %add3A_572 = arith.constant 2 : i32
        %add3A_573 = arith.addi %add3A_389, %add3A_572 : i32
        %mul3A_574 = arith.constant 80 : i32
        %mul3A_575 = arith.muli %add3A_573, %mul3A_574 : i32
        %mul3A_576 = arith.constant 80 : i32
        %mul3A_577 = arith.muli %add3A_573, %mul3A_576 : i32
        %dma_wait3A_578 = tpu.memref_slice %arg3[%add3A_51, %mul3A_575] : memref<32x10000xi32, #tpu.memory_space<hbm>> -> memref<1x80xi32, #tpu.memory_space<hbm>>
        %dma_wait3A_579 = tpu.memref_squeeze %dma_wait3A_578 : memref<1x80xi32, #tpu.memory_space<hbm>> -> memref<80xi32, #tpu.memory_space<hbm>>
        %dma_wait3A_580 = tpu.memref_slice %arg3[%add3A_51, %mul3A_575] : memref<32x10000xi32, #tpu.memory_space<hbm>> -> memref<1x80xi32, #tpu.memory_space<hbm>>
        %dma_wait3A_581 = tpu.memref_squeeze %dma_wait3A_580 : memref<1x80xi32, #tpu.memory_space<hbm>> -> memref<80xi32, #tpu.memory_space<hbm>>
        tpu.wait_dma2 semaphore(%arg30 : memref<!tpu.dma_semaphore, #tpu.memory_space<semaphore_mem>>) src(%dma_wait3A_581 : memref<80xi32, #tpu.memory_space<hbm>>) dst(%arg10 : memref<80xi32, #tpu.memory_space<vmem>>)
        %dma_wait3A_582 = tpu.memref_slice %arg4[%add3A_51, %mul3A_577] : memref<32x10000xi32, #tpu.memory_space<hbm>> -> memref<1x80xi32, #tpu.memory_space<hbm>>
        %dma_wait3A_583 = tpu.memref_squeeze %dma_wait3A_582 : memref<1x80xi32, #tpu.memory_space<hbm>> -> memref<80xi32, #tpu.memory_space<hbm>>
        %dma_wait3A_584 = tpu.memref_slice %arg4[%add3A_51, %mul3A_577] : memref<32x10000xi32, #tpu.memory_space<hbm>> -> memref<1x80xi32, #tpu.memory_space<hbm>>
        %dma_wait3A_585 = tpu.memref_squeeze %dma_wait3A_584 : memref<1x80xi32, #tpu.memory_space<hbm>> -> memref<80xi32, #tpu.memory_space<hbm>>
        tpu.wait_dma2 semaphore(%arg30 : memref<!tpu.dma_semaphore, #tpu.memory_space<semaphore_mem>>) src(%dma_wait3A_585 : memref<80xi32, #tpu.memory_space<hbm>>) dst(%arg18 : memref<80xi32, #tpu.memory_space<vmem>>)
        %dma_start3A_586 = arith.constant 0 : i32
        %dma_start3A_587 = arith.constant 0 : i32
        %dma_start3A_588 = tpu.memref_slice %arg2[%dma_start3A_586, %dma_start3A_587] : memref<10000x128xf32, #tpu.memory_space<hbm>> -> memref<10000x128xf32, #tpu.memory_space<hbm>>
        tpu.enqueue_indirect_dma source(%dma_start3A_588 : memref<10000x128xf32, #tpu.memory_space<hbm>>) target(%arg22 : memref<80x128xf32, #tpu.memory_space<vmem>>) offsets(%arg10 : memref<80xi32, #tpu.memory_space<vmem>>) semaphore(%arg34 : memref<!tpu.dma_semaphore, #tpu.memory_space<semaphore_mem>>)
      } else {
      }
      %dma_wait3A_411 = arith.constant 0 : i32
      %dma_wait3A_412 = arith.constant 0 : i32
      %dma_wait3A_413 = tpu.memref_slice %arg2[%dma_wait3A_411, %dma_wait3A_412] : memref<10000x128xf32, #tpu.memory_space<hbm>> -> memref<10000x128xf32, #tpu.memory_space<hbm>>
      tpu.wait_indirect_dma semaphore(%arg36 : memref<!tpu.dma_semaphore, #tpu.memory_space<semaphore_mem>>) src(%dma_wait3A_413 : memref<10000x128xf32, #tpu.memory_space<hbm>>) dst(%arg24 : memref<80x128xf32, #tpu.memory_space<vmem>>)
      %dma_start3A_414 = arith.constant 0 : i32
      %dma_start3A_415 = arith.constant 0 : i32
      %dma_start3A_416 = tpu.memref_slice %arg42[%dma_start3A_414, %dma_start3A_415] : memref<10112x128xf32, #tpu.memory_space<vmem_shared>> -> memref<10112x128xf32, #tpu.memory_space<vmem_shared>>
      tpu.enqueue_indirect_dma source(%arg24 : memref<80x128xf32, #tpu.memory_space<vmem>>) target(%dma_start3A_416 : memref<10112x128xf32, #tpu.memory_space<vmem_shared>>) offsets(%arg16 : memref<80xi32, #tpu.memory_space<vmem>>) semaphore(%arg40 : memref<!tpu.dma_semaphore, #tpu.memory_space<semaphore_mem>>) {add = true}
      %mul3A_417 = arith.constant 8 : i32
      %mul3A_418 = arith.muli %mul3A_417, %scan3A_323 : i32
      %add3A_419 = arith.constant 3 : i32
      %add3A_420 = arith.addi %mul3A_418, %add3A_419 : i32
      %ge3A_421 = arith.constant 2 : i32
      %ge3A_422 = arith.cmpi sge, %add3A_420, %ge3A_421 : i32
      %convert_element_type3A_423 = arith.extui %ge3A_422 : i1 to i32
      %cond3A_424 = arith.constant 0 : i32
      %cond3A_425 = arith.cmpi ne, %convert_element_type3A_423, %cond3A_424 : i32
      scf.if %cond3A_425 {
        %dma_wait3A_572 = arith.constant 0 : i32
        %dma_wait3A_573 = arith.constant 0 : i32
        %dma_wait3A_574 = tpu.memref_slice %arg42[%dma_wait3A_572, %dma_wait3A_573] : memref<10112x128xf32, #tpu.memory_space<vmem_shared>> -> memref<10112x128xf32, #tpu.memory_space<vmem_shared>>
        tpu.wait_indirect_dma semaphore(%arg39 : memref<!tpu.dma_semaphore, #tpu.memory_space<semaphore_mem>>) src(%arg23 : memref<80x128xf32, #tpu.memory_space<vmem>>) dst(%dma_wait3A_574 : memref<10112x128xf32, #tpu.memory_space<vmem_shared>>)
      } else {
      }
      %add3A_426 = arith.constant 8 : i32
      %add3A_427 = arith.addi %add3A_420, %add3A_426 : i32
      %sub3A_428 = arith.constant 2 : i32
      %sub3A_429 = arith.subi %add3A_427, %sub3A_428 : i32
      %lt3A_430 = arith.constant 125 : i32
      %lt3A_431 = arith.cmpi slt, %sub3A_429, %lt3A_430 : i32
      %convert_element_type3A_432 = arith.extui %lt3A_431 : i1 to i32
      %cond3A_433 = arith.constant 0 : i32
      %cond3A_434 = arith.cmpi ne, %convert_element_type3A_432, %cond3A_433 : i32
      scf.if %cond3A_434 {
        %add3A_572 = arith.constant 8 : i32
        %add3A_573 = arith.addi %add3A_420, %add3A_572 : i32
        %sub3A_574 = arith.constant 2 : i32
        %sub3A_575 = arith.subi %add3A_573, %sub3A_574 : i32
        %mul3A_576 = arith.constant 80 : i32
        %mul3A_577 = arith.muli %sub3A_575, %mul3A_576 : i32
        %mul3A_578 = arith.constant 80 : i32
        %mul3A_579 = arith.muli %sub3A_575, %mul3A_578 : i32
        %dma_start3A_580 = tpu.memref_slice %arg3[%add3A_51, %mul3A_577] : memref<32x10000xi32, #tpu.memory_space<hbm>> -> memref<1x80xi32, #tpu.memory_space<hbm>>
        %dma_start3A_581 = tpu.memref_squeeze %dma_start3A_580 : memref<1x80xi32, #tpu.memory_space<hbm>> -> memref<80xi32, #tpu.memory_space<hbm>>
        %dma_start3A_582 = tpu.memref_slice %arg3[%add3A_51, %mul3A_577] : memref<32x10000xi32, #tpu.memory_space<hbm>> -> memref<1x80xi32, #tpu.memory_space<hbm>>
        %dma_start3A_583 = tpu.memref_squeeze %dma_start3A_582 : memref<1x80xi32, #tpu.memory_space<hbm>> -> memref<80xi32, #tpu.memory_space<hbm>>
        tpu.enqueue_dma source(%dma_start3A_583 : memref<80xi32, #tpu.memory_space<hbm>>) target(%arg7 : memref<80xi32, #tpu.memory_space<vmem>>) target_semaphore(%arg27 : memref<!tpu.dma_semaphore, #tpu.memory_space<semaphore_mem>>)
        %dma_start3A_584 = tpu.memref_slice %arg4[%add3A_51, %mul3A_579] : memref<32x10000xi32, #tpu.memory_space<hbm>> -> memref<1x80xi32, #tpu.memory_space<hbm>>
        %dma_start3A_585 = tpu.memref_squeeze %dma_start3A_584 : memref<1x80xi32, #tpu.memory_space<hbm>> -> memref<80xi32, #tpu.memory_space<hbm>>
        %dma_start3A_586 = tpu.memref_slice %arg4[%add3A_51, %mul3A_579] : memref<32x10000xi32, #tpu.memory_space<hbm>> -> memref<1x80xi32, #tpu.memory_space<hbm>>
        %dma_start3A_587 = tpu.memref_squeeze %dma_start3A_586 : memref<1x80xi32, #tpu.memory_space<hbm>> -> memref<80xi32, #tpu.memory_space<hbm>>
        tpu.enqueue_dma source(%dma_start3A_587 : memref<80xi32, #tpu.memory_space<hbm>>) target(%arg15 : memref<80xi32, #tpu.memory_space<vmem>>) target_semaphore(%arg27 : memref<!tpu.dma_semaphore, #tpu.memory_space<semaphore_mem>>)
      } else {
      }
      %add3A_435 = arith.constant 2 : i32
      %add3A_436 = arith.addi %add3A_420, %add3A_435 : i32
      %lt3A_437 = arith.constant 125 : i32
      %lt3A_438 = arith.cmpi slt, %add3A_436, %lt3A_437 : i32
      %convert_element_type3A_439 = arith.extui %lt3A_438 : i1 to i32
      %cond3A_440 = arith.constant 0 : i32
      %cond3A_441 = arith.cmpi ne, %convert_element_type3A_439, %cond3A_440 : i32
      scf.if %cond3A_441 {
        %add3A_572 = arith.constant 2 : i32
        %add3A_573 = arith.addi %add3A_420, %add3A_572 : i32
        %mul3A_574 = arith.constant 80 : i32
        %mul3A_575 = arith.muli %add3A_573, %mul3A_574 : i32
        %mul3A_576 = arith.constant 80 : i32
        %mul3A_577 = arith.muli %add3A_573, %mul3A_576 : i32
        %dma_wait3A_578 = tpu.memref_slice %arg3[%add3A_51, %mul3A_575] : memref<32x10000xi32, #tpu.memory_space<hbm>> -> memref<1x80xi32, #tpu.memory_space<hbm>>
        %dma_wait3A_579 = tpu.memref_squeeze %dma_wait3A_578 : memref<1x80xi32, #tpu.memory_space<hbm>> -> memref<80xi32, #tpu.memory_space<hbm>>
        %dma_wait3A_580 = tpu.memref_slice %arg3[%add3A_51, %mul3A_575] : memref<32x10000xi32, #tpu.memory_space<hbm>> -> memref<1x80xi32, #tpu.memory_space<hbm>>
        %dma_wait3A_581 = tpu.memref_squeeze %dma_wait3A_580 : memref<1x80xi32, #tpu.memory_space<hbm>> -> memref<80xi32, #tpu.memory_space<hbm>>
        tpu.wait_dma2 semaphore(%arg31 : memref<!tpu.dma_semaphore, #tpu.memory_space<semaphore_mem>>) src(%dma_wait3A_581 : memref<80xi32, #tpu.memory_space<hbm>>) dst(%arg11 : memref<80xi32, #tpu.memory_space<vmem>>)
        %dma_wait3A_582 = tpu.memref_slice %arg4[%add3A_51, %mul3A_577] : memref<32x10000xi32, #tpu.memory_space<hbm>> -> memref<1x80xi32, #tpu.memory_space<hbm>>
        %dma_wait3A_583 = tpu.memref_squeeze %dma_wait3A_582 : memref<1x80xi32, #tpu.memory_space<hbm>> -> memref<80xi32, #tpu.memory_space<hbm>>
        %dma_wait3A_584 = tpu.memref_slice %arg4[%add3A_51, %mul3A_577] : memref<32x10000xi32, #tpu.memory_space<hbm>> -> memref<1x80xi32, #tpu.memory_space<hbm>>
        %dma_wait3A_585 = tpu.memref_squeeze %dma_wait3A_584 : memref<1x80xi32, #tpu.memory_space<hbm>> -> memref<80xi32, #tpu.memory_space<hbm>>
        tpu.wait_dma2 semaphore(%arg31 : memref<!tpu.dma_semaphore, #tpu.memory_space<semaphore_mem>>) src(%dma_wait3A_585 : memref<80xi32, #tpu.memory_space<hbm>>) dst(%arg19 : memref<80xi32, #tpu.memory_space<vmem>>)
        %dma_start3A_586 = arith.constant 0 : i32
        %dma_start3A_587 = arith.constant 0 : i32
        %dma_start3A_588 = tpu.memref_slice %arg2[%dma_start3A_586, %dma_start3A_587] : memref<10000x128xf32, #tpu.memory_space<hbm>> -> memref<10000x128xf32, #tpu.memory_space<hbm>>
        tpu.enqueue_indirect_dma source(%dma_start3A_588 : memref<10000x128xf32, #tpu.memory_space<hbm>>) target(%arg23 : memref<80x128xf32, #tpu.memory_space<vmem>>) offsets(%arg11 : memref<80xi32, #tpu.memory_space<vmem>>) semaphore(%arg35 : memref<!tpu.dma_semaphore, #tpu.memory_space<semaphore_mem>>)
      } else {
      }
      %dma_wait3A_442 = arith.constant 0 : i32
      %dma_wait3A_443 = arith.constant 0 : i32
      %dma_wait3A_444 = tpu.memref_slice %arg2[%dma_wait3A_442, %dma_wait3A_443] : memref<10000x128xf32, #tpu.memory_space<hbm>> -> memref<10000x128xf32, #tpu.memory_space<hbm>>
      tpu.wait_indirect_dma semaphore(%arg37 : memref<!tpu.dma_semaphore, #tpu.memory_space<semaphore_mem>>) src(%dma_wait3A_444 : memref<10000x128xf32, #tpu.memory_space<hbm>>) dst(%arg25 : memref<80x128xf32, #tpu.memory_space<vmem>>)
      %dma_start3A_445 = arith.constant 0 : i32
      %dma_start3A_446 = arith.constant 0 : i32
      %dma_start3A_447 = tpu.memref_slice %arg42[%dma_start3A_445, %dma_start3A_446] : memref<10112x128xf32, #tpu.memory_space<vmem_shared>> -> memref<10112x128xf32, #tpu.memory_space<vmem_shared>>
      tpu.enqueue_indirect_dma source(%arg25 : memref<80x128xf32, #tpu.memory_space<vmem>>) target(%dma_start3A_447 : memref<10112x128xf32, #tpu.memory_space<vmem_shared>>) offsets(%arg17 : memref<80xi32, #tpu.memory_space<vmem>>) semaphore(%arg41 : memref<!tpu.dma_semaphore, #tpu.memory_space<semaphore_mem>>) {add = true}
      %mul3A_448 = arith.constant 8 : i32
      %mul3A_449 = arith.muli %mul3A_448, %scan3A_323 : i32
      %add3A_450 = arith.constant 4 : i32
      %add3A_451 = arith.addi %mul3A_449, %add3A_450 : i32
      %ge3A_452 = arith.constant 2 : i32
      %ge3A_453 = arith.cmpi sge, %add3A_451, %ge3A_452 : i32
      %convert_element_type3A_454 = arith.extui %ge3A_453 : i1 to i32
      %cond3A_455 = arith.constant 0 : i32
      %cond3A_456 = arith.cmpi ne, %convert_element_type3A_454, %cond3A_455 : i32
      scf.if %cond3A_456 {
        %dma_wait3A_572 = arith.constant 0 : i32
        %dma_wait3A_573 = arith.constant 0 : i32
        %dma_wait3A_574 = tpu.memref_slice %arg42[%dma_wait3A_572, %dma_wait3A_573] : memref<10112x128xf32, #tpu.memory_space<vmem_shared>> -> memref<10112x128xf32, #tpu.memory_space<vmem_shared>>
        tpu.wait_indirect_dma semaphore(%arg40 : memref<!tpu.dma_semaphore, #tpu.memory_space<semaphore_mem>>) src(%arg24 : memref<80x128xf32, #tpu.memory_space<vmem>>) dst(%dma_wait3A_574 : memref<10112x128xf32, #tpu.memory_space<vmem_shared>>)
      } else {
      }
      %add3A_457 = arith.constant 8 : i32
      %add3A_458 = arith.addi %add3A_451, %add3A_457 : i32
      %sub3A_459 = arith.constant 2 : i32
      %sub3A_460 = arith.subi %add3A_458, %sub3A_459 : i32
      %lt3A_461 = arith.constant 125 : i32
      %lt3A_462 = arith.cmpi slt, %sub3A_460, %lt3A_461 : i32
      %convert_element_type3A_463 = arith.extui %lt3A_462 : i1 to i32
      %cond3A_464 = arith.constant 0 : i32
      %cond3A_465 = arith.cmpi ne, %convert_element_type3A_463, %cond3A_464 : i32
      scf.if %cond3A_465 {
        %add3A_572 = arith.constant 8 : i32
        %add3A_573 = arith.addi %add3A_451, %add3A_572 : i32
        %sub3A_574 = arith.constant 2 : i32
        %sub3A_575 = arith.subi %add3A_573, %sub3A_574 : i32
        %mul3A_576 = arith.constant 80 : i32
        %mul3A_577 = arith.muli %sub3A_575, %mul3A_576 : i32
        %mul3A_578 = arith.constant 80 : i32
        %mul3A_579 = arith.muli %sub3A_575, %mul3A_578 : i32
        %dma_start3A_580 = tpu.memref_slice %arg3[%add3A_51, %mul3A_577] : memref<32x10000xi32, #tpu.memory_space<hbm>> -> memref<1x80xi32, #tpu.memory_space<hbm>>
        %dma_start3A_581 = tpu.memref_squeeze %dma_start3A_580 : memref<1x80xi32, #tpu.memory_space<hbm>> -> memref<80xi32, #tpu.memory_space<hbm>>
        %dma_start3A_582 = tpu.memref_slice %arg3[%add3A_51, %mul3A_577] : memref<32x10000xi32, #tpu.memory_space<hbm>> -> memref<1x80xi32, #tpu.memory_space<hbm>>
        %dma_start3A_583 = tpu.memref_squeeze %dma_start3A_582 : memref<1x80xi32, #tpu.memory_space<hbm>> -> memref<80xi32, #tpu.memory_space<hbm>>
        tpu.enqueue_dma source(%dma_start3A_583 : memref<80xi32, #tpu.memory_space<hbm>>) target(%arg8 : memref<80xi32, #tpu.memory_space<vmem>>) target_semaphore(%arg28 : memref<!tpu.dma_semaphore, #tpu.memory_space<semaphore_mem>>)
        %dma_start3A_584 = tpu.memref_slice %arg4[%add3A_51, %mul3A_579] : memref<32x10000xi32, #tpu.memory_space<hbm>> -> memref<1x80xi32, #tpu.memory_space<hbm>>
        %dma_start3A_585 = tpu.memref_squeeze %dma_start3A_584 : memref<1x80xi32, #tpu.memory_space<hbm>> -> memref<80xi32, #tpu.memory_space<hbm>>
        %dma_start3A_586 = tpu.memref_slice %arg4[%add3A_51, %mul3A_579] : memref<32x10000xi32, #tpu.memory_space<hbm>> -> memref<1x80xi32, #tpu.memory_space<hbm>>
        %dma_start3A_587 = tpu.memref_squeeze %dma_start3A_586 : memref<1x80xi32, #tpu.memory_space<hbm>> -> memref<80xi32, #tpu.memory_space<hbm>>
        tpu.enqueue_dma source(%dma_start3A_587 : memref<80xi32, #tpu.memory_space<hbm>>) target(%arg16 : memref<80xi32, #tpu.memory_space<vmem>>) target_semaphore(%arg28 : memref<!tpu.dma_semaphore, #tpu.memory_space<semaphore_mem>>)
      } else {
      }
      %add3A_466 = arith.constant 2 : i32
      %add3A_467 = arith.addi %add3A_451, %add3A_466 : i32
      %lt3A_468 = arith.constant 125 : i32
      %lt3A_469 = arith.cmpi slt, %add3A_467, %lt3A_468 : i32
      %convert_element_type3A_470 = arith.extui %lt3A_469 : i1 to i32
      %cond3A_471 = arith.constant 0 : i32
      %cond3A_472 = arith.cmpi ne, %convert_element_type3A_470, %cond3A_471 : i32
      scf.if %cond3A_472 {
        %add3A_572 = arith.constant 2 : i32
        %add3A_573 = arith.addi %add3A_451, %add3A_572 : i32
        %mul3A_574 = arith.constant 80 : i32
        %mul3A_575 = arith.muli %add3A_573, %mul3A_574 : i32
        %mul3A_576 = arith.constant 80 : i32
        %mul3A_577 = arith.muli %add3A_573, %mul3A_576 : i32
        %dma_wait3A_578 = tpu.memref_slice %arg3[%add3A_51, %mul3A_575] : memref<32x10000xi32, #tpu.memory_space<hbm>> -> memref<1x80xi32, #tpu.memory_space<hbm>>
        %dma_wait3A_579 = tpu.memref_squeeze %dma_wait3A_578 : memref<1x80xi32, #tpu.memory_space<hbm>> -> memref<80xi32, #tpu.memory_space<hbm>>
        %dma_wait3A_580 = tpu.memref_slice %arg3[%add3A_51, %mul3A_575] : memref<32x10000xi32, #tpu.memory_space<hbm>> -> memref<1x80xi32, #tpu.memory_space<hbm>>
        %dma_wait3A_581 = tpu.memref_squeeze %dma_wait3A_580 : memref<1x80xi32, #tpu.memory_space<hbm>> -> memref<80xi32, #tpu.memory_space<hbm>>
        tpu.wait_dma2 semaphore(%arg32 : memref<!tpu.dma_semaphore, #tpu.memory_space<semaphore_mem>>) src(%dma_wait3A_581 : memref<80xi32, #tpu.memory_space<hbm>>) dst(%arg12 : memref<80xi32, #tpu.memory_space<vmem>>)
        %dma_wait3A_582 = tpu.memref_slice %arg4[%add3A_51, %mul3A_577] : memref<32x10000xi32, #tpu.memory_space<hbm>> -> memref<1x80xi32, #tpu.memory_space<hbm>>
        %dma_wait3A_583 = tpu.memref_squeeze %dma_wait3A_582 : memref<1x80xi32, #tpu.memory_space<hbm>> -> memref<80xi32, #tpu.memory_space<hbm>>
        %dma_wait3A_584 = tpu.memref_slice %arg4[%add3A_51, %mul3A_577] : memref<32x10000xi32, #tpu.memory_space<hbm>> -> memref<1x80xi32, #tpu.memory_space<hbm>>
        %dma_wait3A_585 = tpu.memref_squeeze %dma_wait3A_584 : memref<1x80xi32, #tpu.memory_space<hbm>> -> memref<80xi32, #tpu.memory_space<hbm>>
        tpu.wait_dma2 semaphore(%arg32 : memref<!tpu.dma_semaphore, #tpu.memory_space<semaphore_mem>>) src(%dma_wait3A_585 : memref<80xi32, #tpu.memory_space<hbm>>) dst(%arg20 : memref<80xi32, #tpu.memory_space<vmem>>)
        %dma_start3A_586 = arith.constant 0 : i32
        %dma_start3A_587 = arith.constant 0 : i32
        %dma_start3A_588 = tpu.memref_slice %arg2[%dma_start3A_586, %dma_start3A_587] : memref<10000x128xf32, #tpu.memory_space<hbm>> -> memref<10000x128xf32, #tpu.memory_space<hbm>>
        tpu.enqueue_indirect_dma source(%dma_start3A_588 : memref<10000x128xf32, #tpu.memory_space<hbm>>) target(%arg24 : memref<80x128xf32, #tpu.memory_space<vmem>>) offsets(%arg12 : memref<80xi32, #tpu.memory_space<vmem>>) semaphore(%arg36 : memref<!tpu.dma_semaphore, #tpu.memory_space<semaphore_mem>>)
      } else {
      }
      %dma_wait3A_473 = arith.constant 0 : i32
      %dma_wait3A_474 = arith.constant 0 : i32
      %dma_wait3A_475 = tpu.memref_slice %arg2[%dma_wait3A_473, %dma_wait3A_474] : memref<10000x128xf32, #tpu.memory_space<hbm>> -> memref<10000x128xf32, #tpu.memory_space<hbm>>
      tpu.wait_indirect_dma semaphore(%arg34 : memref<!tpu.dma_semaphore, #tpu.memory_space<semaphore_mem>>) src(%dma_wait3A_475 : memref<10000x128xf32, #tpu.memory_space<hbm>>) dst(%arg22 : memref<80x128xf32, #tpu.memory_space<vmem>>)
      %dma_start3A_476 = arith.constant 0 : i32
      %dma_start3A_477 = arith.constant 0 : i32
      %dma_start3A_478 = tpu.memref_slice %arg42[%dma_start3A_476, %dma_start3A_477] : memref<10112x128xf32, #tpu.memory_space<vmem_shared>> -> memref<10112x128xf32, #tpu.memory_space<vmem_shared>>
      tpu.enqueue_indirect_dma source(%arg22 : memref<80x128xf32, #tpu.memory_space<vmem>>) target(%dma_start3A_478 : memref<10112x128xf32, #tpu.memory_space<vmem_shared>>) offsets(%arg18 : memref<80xi32, #tpu.memory_space<vmem>>) semaphore(%arg38 : memref<!tpu.dma_semaphore, #tpu.memory_space<semaphore_mem>>) {add = true}
      %mul3A_479 = arith.constant 8 : i32
      %mul3A_480 = arith.muli %mul3A_479, %scan3A_323 : i32
      %add3A_481 = arith.constant 5 : i32
      %add3A_482 = arith.addi %mul3A_480, %add3A_481 : i32
      %ge3A_483 = arith.constant 2 : i32
      %ge3A_484 = arith.cmpi sge, %add3A_482, %ge3A_483 : i32
      %convert_element_type3A_485 = arith.extui %ge3A_484 : i1 to i32
      %cond3A_486 = arith.constant 0 : i32
      %cond3A_487 = arith.cmpi ne, %convert_element_type3A_485, %cond3A_486 : i32
      scf.if %cond3A_487 {
        %dma_wait3A_572 = arith.constant 0 : i32
        %dma_wait3A_573 = arith.constant 0 : i32
        %dma_wait3A_574 = tpu.memref_slice %arg42[%dma_wait3A_572, %dma_wait3A_573] : memref<10112x128xf32, #tpu.memory_space<vmem_shared>> -> memref<10112x128xf32, #tpu.memory_space<vmem_shared>>
        tpu.wait_indirect_dma semaphore(%arg41 : memref<!tpu.dma_semaphore, #tpu.memory_space<semaphore_mem>>) src(%arg25 : memref<80x128xf32, #tpu.memory_space<vmem>>) dst(%dma_wait3A_574 : memref<10112x128xf32, #tpu.memory_space<vmem_shared>>)
      } else {
      }
      %add3A_488 = arith.constant 8 : i32
      %add3A_489 = arith.addi %add3A_482, %add3A_488 : i32
      %sub3A_490 = arith.constant 2 : i32
      %sub3A_491 = arith.subi %add3A_489, %sub3A_490 : i32
      %lt3A_492 = arith.constant 125 : i32
      %lt3A_493 = arith.cmpi slt, %sub3A_491, %lt3A_492 : i32
      %convert_element_type3A_494 = arith.extui %lt3A_493 : i1 to i32
      %cond3A_495 = arith.constant 0 : i32
      %cond3A_496 = arith.cmpi ne, %convert_element_type3A_494, %cond3A_495 : i32
      scf.if %cond3A_496 {
        %add3A_572 = arith.constant 8 : i32
        %add3A_573 = arith.addi %add3A_482, %add3A_572 : i32
        %sub3A_574 = arith.constant 2 : i32
        %sub3A_575 = arith.subi %add3A_573, %sub3A_574 : i32
        %mul3A_576 = arith.constant 80 : i32
        %mul3A_577 = arith.muli %sub3A_575, %mul3A_576 : i32
        %mul3A_578 = arith.constant 80 : i32
        %mul3A_579 = arith.muli %sub3A_575, %mul3A_578 : i32
        %dma_start3A_580 = tpu.memref_slice %arg3[%add3A_51, %mul3A_577] : memref<32x10000xi32, #tpu.memory_space<hbm>> -> memref<1x80xi32, #tpu.memory_space<hbm>>
        %dma_start3A_581 = tpu.memref_squeeze %dma_start3A_580 : memref<1x80xi32, #tpu.memory_space<hbm>> -> memref<80xi32, #tpu.memory_space<hbm>>
        %dma_start3A_582 = tpu.memref_slice %arg3[%add3A_51, %mul3A_577] : memref<32x10000xi32, #tpu.memory_space<hbm>> -> memref<1x80xi32, #tpu.memory_space<hbm>>
        %dma_start3A_583 = tpu.memref_squeeze %dma_start3A_582 : memref<1x80xi32, #tpu.memory_space<hbm>> -> memref<80xi32, #tpu.memory_space<hbm>>
        tpu.enqueue_dma source(%dma_start3A_583 : memref<80xi32, #tpu.memory_space<hbm>>) target(%arg9 : memref<80xi32, #tpu.memory_space<vmem>>) target_semaphore(%arg29 : memref<!tpu.dma_semaphore, #tpu.memory_space<semaphore_mem>>)
        %dma_start3A_584 = tpu.memref_slice %arg4[%add3A_51, %mul3A_579] : memref<32x10000xi32, #tpu.memory_space<hbm>> -> memref<1x80xi32, #tpu.memory_space<hbm>>
        %dma_start3A_585 = tpu.memref_squeeze %dma_start3A_584 : memref<1x80xi32, #tpu.memory_space<hbm>> -> memref<80xi32, #tpu.memory_space<hbm>>
        %dma_start3A_586 = tpu.memref_slice %arg4[%add3A_51, %mul3A_579] : memref<32x10000xi32, #tpu.memory_space<hbm>> -> memref<1x80xi32, #tpu.memory_space<hbm>>
        %dma_start3A_587 = tpu.memref_squeeze %dma_start3A_586 : memref<1x80xi32, #tpu.memory_space<hbm>> -> memref<80xi32, #tpu.memory_space<hbm>>
        tpu.enqueue_dma source(%dma_start3A_587 : memref<80xi32, #tpu.memory_space<hbm>>) target(%arg17 : memref<80xi32, #tpu.memory_space<vmem>>) target_semaphore(%arg29 : memref<!tpu.dma_semaphore, #tpu.memory_space<semaphore_mem>>)
      } else {
      }
      %add3A_497 = arith.constant 2 : i32
      %add3A_498 = arith.addi %add3A_482, %add3A_497 : i32
      %lt3A_499 = arith.constant 125 : i32
      %lt3A_500 = arith.cmpi slt, %add3A_498, %lt3A_499 : i32
      %convert_element_type3A_501 = arith.extui %lt3A_500 : i1 to i32
      %cond3A_502 = arith.constant 0 : i32
      %cond3A_503 = arith.cmpi ne, %convert_element_type3A_501, %cond3A_502 : i32
      scf.if %cond3A_503 {
        %add3A_572 = arith.constant 2 : i32
        %add3A_573 = arith.addi %add3A_482, %add3A_572 : i32
        %mul3A_574 = arith.constant 80 : i32
        %mul3A_575 = arith.muli %add3A_573, %mul3A_574 : i32
        %mul3A_576 = arith.constant 80 : i32
        %mul3A_577 = arith.muli %add3A_573, %mul3A_576 : i32
        %dma_wait3A_578 = tpu.memref_slice %arg3[%add3A_51, %mul3A_575] : memref<32x10000xi32, #tpu.memory_space<hbm>> -> memref<1x80xi32, #tpu.memory_space<hbm>>
        %dma_wait3A_579 = tpu.memref_squeeze %dma_wait3A_578 : memref<1x80xi32, #tpu.memory_space<hbm>> -> memref<80xi32, #tpu.memory_space<hbm>>
        %dma_wait3A_580 = tpu.memref_slice %arg3[%add3A_51, %mul3A_575] : memref<32x10000xi32, #tpu.memory_space<hbm>> -> memref<1x80xi32, #tpu.memory_space<hbm>>
        %dma_wait3A_581 = tpu.memref_squeeze %dma_wait3A_580 : memref<1x80xi32, #tpu.memory_space<hbm>> -> memref<80xi32, #tpu.memory_space<hbm>>
        tpu.wait_dma2 semaphore(%arg33 : memref<!tpu.dma_semaphore, #tpu.memory_space<semaphore_mem>>) src(%dma_wait3A_581 : memref<80xi32, #tpu.memory_space<hbm>>) dst(%arg13 : memref<80xi32, #tpu.memory_space<vmem>>)
        %dma_wait3A_582 = tpu.memref_slice %arg4[%add3A_51, %mul3A_577] : memref<32x10000xi32, #tpu.memory_space<hbm>> -> memref<1x80xi32, #tpu.memory_space<hbm>>
        %dma_wait3A_583 = tpu.memref_squeeze %dma_wait3A_582 : memref<1x80xi32, #tpu.memory_space<hbm>> -> memref<80xi32, #tpu.memory_space<hbm>>
        %dma_wait3A_584 = tpu.memref_slice %arg4[%add3A_51, %mul3A_577] : memref<32x10000xi32, #tpu.memory_space<hbm>> -> memref<1x80xi32, #tpu.memory_space<hbm>>
        %dma_wait3A_585 = tpu.memref_squeeze %dma_wait3A_584 : memref<1x80xi32, #tpu.memory_space<hbm>> -> memref<80xi32, #tpu.memory_space<hbm>>
        tpu.wait_dma2 semaphore(%arg33 : memref<!tpu.dma_semaphore, #tpu.memory_space<semaphore_mem>>) src(%dma_wait3A_585 : memref<80xi32, #tpu.memory_space<hbm>>) dst(%arg21 : memref<80xi32, #tpu.memory_space<vmem>>)
        %dma_start3A_586 = arith.constant 0 : i32
        %dma_start3A_587 = arith.constant 0 : i32
        %dma_start3A_588 = tpu.memref_slice %arg2[%dma_start3A_586, %dma_start3A_587] : memref<10000x128xf32, #tpu.memory_space<hbm>> -> memref<10000x128xf32, #tpu.memory_space<hbm>>
        tpu.enqueue_indirect_dma source(%dma_start3A_588 : memref<10000x128xf32, #tpu.memory_space<hbm>>) target(%arg25 : memref<80x128xf32, #tpu.memory_space<vmem>>) offsets(%arg13 : memref<80xi32, #tpu.memory_space<vmem>>) semaphore(%arg37 : memref<!tpu.dma_semaphore, #tpu.memory_space<semaphore_mem>>)
      } else {
      }
      %dma_wait3A_504 = arith.constant 0 : i32
      %dma_wait3A_505 = arith.constant 0 : i32
      %dma_wait3A_506 = tpu.memref_slice %arg2[%dma_wait3A_504, %dma_wait3A_505] : memref<10000x128xf32, #tpu.memory_space<hbm>> -> memref<10000x128xf32, #tpu.memory_space<hbm>>
      tpu.wait_indirect_dma semaphore(%arg35 : memref<!tpu.dma_semaphore, #tpu.memory_space<semaphore_mem>>) src(%dma_wait3A_506 : memref<10000x128xf32, #tpu.memory_space<hbm>>) dst(%arg23 : memref<80x128xf32, #tpu.memory_space<vmem>>)
      %dma_start3A_507 = arith.constant 0 : i32
      %dma_start3A_508 = arith.constant 0 : i32
      %dma_start3A_509 = tpu.memref_slice %arg42[%dma_start3A_507, %dma_start3A_508] : memref<10112x128xf32, #tpu.memory_space<vmem_shared>> -> memref<10112x128xf32, #tpu.memory_space<vmem_shared>>
      tpu.enqueue_indirect_dma source(%arg23 : memref<80x128xf32, #tpu.memory_space<vmem>>) target(%dma_start3A_509 : memref<10112x128xf32, #tpu.memory_space<vmem_shared>>) offsets(%arg19 : memref<80xi32, #tpu.memory_space<vmem>>) semaphore(%arg39 : memref<!tpu.dma_semaphore, #tpu.memory_space<semaphore_mem>>) {add = true}
      %mul3A_510 = arith.constant 8 : i32
      %mul3A_511 = arith.muli %mul3A_510, %scan3A_323 : i32
      %add3A_512 = arith.constant 6 : i32
      %add3A_513 = arith.addi %mul3A_511, %add3A_512 : i32
      %ge3A_514 = arith.constant 2 : i32
      %ge3A_515 = arith.cmpi sge, %add3A_513, %ge3A_514 : i32
      %convert_element_type3A_516 = arith.extui %ge3A_515 : i1 to i32
      %cond3A_517 = arith.constant 0 : i32
      %cond3A_518 = arith.cmpi ne, %convert_element_type3A_516, %cond3A_517 : i32
      scf.if %cond3A_518 {
        %dma_wait3A_572 = arith.constant 0 : i32
        %dma_wait3A_573 = arith.constant 0 : i32
        %dma_wait3A_574 = tpu.memref_slice %arg42[%dma_wait3A_572, %dma_wait3A_573] : memref<10112x128xf32, #tpu.memory_space<vmem_shared>> -> memref<10112x128xf32, #tpu.memory_space<vmem_shared>>
        tpu.wait_indirect_dma semaphore(%arg38 : memref<!tpu.dma_semaphore, #tpu.memory_space<semaphore_mem>>) src(%arg22 : memref<80x128xf32, #tpu.memory_space<vmem>>) dst(%dma_wait3A_574 : memref<10112x128xf32, #tpu.memory_space<vmem_shared>>)
      } else {
      }
      %add3A_519 = arith.constant 8 : i32
      %add3A_520 = arith.addi %add3A_513, %add3A_519 : i32
      %sub3A_521 = arith.constant 2 : i32
      %sub3A_522 = arith.subi %add3A_520, %sub3A_521 : i32
      %lt3A_523 = arith.constant 125 : i32
      %lt3A_524 = arith.cmpi slt, %sub3A_522, %lt3A_523 : i32
      %convert_element_type3A_525 = arith.extui %lt3A_524 : i1 to i32
      %cond3A_526 = arith.constant 0 : i32
      %cond3A_527 = arith.cmpi ne, %convert_element_type3A_525, %cond3A_526 : i32
      scf.if %cond3A_527 {
        %add3A_572 = arith.constant 8 : i32
        %add3A_573 = arith.addi %add3A_513, %add3A_572 : i32
        %sub3A_574 = arith.constant 2 : i32
        %sub3A_575 = arith.subi %add3A_573, %sub3A_574 : i32
        %mul3A_576 = arith.constant 80 : i32
        %mul3A_577 = arith.muli %sub3A_575, %mul3A_576 : i32
        %mul3A_578 = arith.constant 80 : i32
        %mul3A_579 = arith.muli %sub3A_575, %mul3A_578 : i32
        %dma_start3A_580 = tpu.memref_slice %arg3[%add3A_51, %mul3A_577] : memref<32x10000xi32, #tpu.memory_space<hbm>> -> memref<1x80xi32, #tpu.memory_space<hbm>>
        %dma_start3A_581 = tpu.memref_squeeze %dma_start3A_580 : memref<1x80xi32, #tpu.memory_space<hbm>> -> memref<80xi32, #tpu.memory_space<hbm>>
        %dma_start3A_582 = tpu.memref_slice %arg3[%add3A_51, %mul3A_577] : memref<32x10000xi32, #tpu.memory_space<hbm>> -> memref<1x80xi32, #tpu.memory_space<hbm>>
        %dma_start3A_583 = tpu.memref_squeeze %dma_start3A_582 : memref<1x80xi32, #tpu.memory_space<hbm>> -> memref<80xi32, #tpu.memory_space<hbm>>
        tpu.enqueue_dma source(%dma_start3A_583 : memref<80xi32, #tpu.memory_space<hbm>>) target(%arg10 : memref<80xi32, #tpu.memory_space<vmem>>) target_semaphore(%arg30 : memref<!tpu.dma_semaphore, #tpu.memory_space<semaphore_mem>>)
        %dma_start3A_584 = tpu.memref_slice %arg4[%add3A_51, %mul3A_579] : memref<32x10000xi32, #tpu.memory_space<hbm>> -> memref<1x80xi32, #tpu.memory_space<hbm>>
        %dma_start3A_585 = tpu.memref_squeeze %dma_start3A_584 : memref<1x80xi32, #tpu.memory_space<hbm>> -> memref<80xi32, #tpu.memory_space<hbm>>
        %dma_start3A_586 = tpu.memref_slice %arg4[%add3A_51, %mul3A_579] : memref<32x10000xi32, #tpu.memory_space<hbm>> -> memref<1x80xi32, #tpu.memory_space<hbm>>
        %dma_start3A_587 = tpu.memref_squeeze %dma_start3A_586 : memref<1x80xi32, #tpu.memory_space<hbm>> -> memref<80xi32, #tpu.memory_space<hbm>>
        tpu.enqueue_dma source(%dma_start3A_587 : memref<80xi32, #tpu.memory_space<hbm>>) target(%arg18 : memref<80xi32, #tpu.memory_space<vmem>>) target_semaphore(%arg30 : memref<!tpu.dma_semaphore, #tpu.memory_space<semaphore_mem>>)
      } else {
      }
      %add3A_528 = arith.constant 2 : i32
      %add3A_529 = arith.addi %add3A_513, %add3A_528 : i32
      %lt3A_530 = arith.constant 125 : i32
      %lt3A_531 = arith.cmpi slt, %add3A_529, %lt3A_530 : i32
      %convert_element_type3A_532 = arith.extui %lt3A_531 : i1 to i32
      %cond3A_533 = arith.constant 0 : i32
      %cond3A_534 = arith.cmpi ne, %convert_element_type3A_532, %cond3A_533 : i32
      scf.if %cond3A_534 {
        %add3A_572 = arith.constant 2 : i32
        %add3A_573 = arith.addi %add3A_513, %add3A_572 : i32
        %mul3A_574 = arith.constant 80 : i32
        %mul3A_575 = arith.muli %add3A_573, %mul3A_574 : i32
        %mul3A_576 = arith.constant 80 : i32
        %mul3A_577 = arith.muli %add3A_573, %mul3A_576 : i32
        %dma_wait3A_578 = tpu.memref_slice %arg3[%add3A_51, %mul3A_575] : memref<32x10000xi32, #tpu.memory_space<hbm>> -> memref<1x80xi32, #tpu.memory_space<hbm>>
        %dma_wait3A_579 = tpu.memref_squeeze %dma_wait3A_578 : memref<1x80xi32, #tpu.memory_space<hbm>> -> memref<80xi32, #tpu.memory_space<hbm>>
        %dma_wait3A_580 = tpu.memref_slice %arg3[%add3A_51, %mul3A_575] : memref<32x10000xi32, #tpu.memory_space<hbm>> -> memref<1x80xi32, #tpu.memory_space<hbm>>
        %dma_wait3A_581 = tpu.memref_squeeze %dma_wait3A_580 : memref<1x80xi32, #tpu.memory_space<hbm>> -> memref<80xi32, #tpu.memory_space<hbm>>
        tpu.wait_dma2 semaphore(%arg26 : memref<!tpu.dma_semaphore, #tpu.memory_space<semaphore_mem>>) src(%dma_wait3A_581 : memref<80xi32, #tpu.memory_space<hbm>>) dst(%arg6 : memref<80xi32, #tpu.memory_space<vmem>>)
        %dma_wait3A_582 = tpu.memref_slice %arg4[%add3A_51, %mul3A_577] : memref<32x10000xi32, #tpu.memory_space<hbm>> -> memref<1x80xi32, #tpu.memory_space<hbm>>
        %dma_wait3A_583 = tpu.memref_squeeze %dma_wait3A_582 : memref<1x80xi32, #tpu.memory_space<hbm>> -> memref<80xi32, #tpu.memory_space<hbm>>
        %dma_wait3A_584 = tpu.memref_slice %arg4[%add3A_51, %mul3A_577] : memref<32x10000xi32, #tpu.memory_space<hbm>> -> memref<1x80xi32, #tpu.memory_space<hbm>>
        %dma_wait3A_585 = tpu.memref_squeeze %dma_wait3A_584 : memref<1x80xi32, #tpu.memory_space<hbm>> -> memref<80xi32, #tpu.memory_space<hbm>>
        tpu.wait_dma2 semaphore(%arg26 : memref<!tpu.dma_semaphore, #tpu.memory_space<semaphore_mem>>) src(%dma_wait3A_585 : memref<80xi32, #tpu.memory_space<hbm>>) dst(%arg14 : memref<80xi32, #tpu.memory_space<vmem>>)
        %dma_start3A_586 = arith.constant 0 : i32
        %dma_start3A_587 = arith.constant 0 : i32
        %dma_start3A_588 = tpu.memref_slice %arg2[%dma_start3A_586, %dma_start3A_587] : memref<10000x128xf32, #tpu.memory_space<hbm>> -> memref<10000x128xf32, #tpu.memory_space<hbm>>
        tpu.enqueue_indirect_dma source(%dma_start3A_588 : memref<10000x128xf32, #tpu.memory_space<hbm>>) target(%arg22 : memref<80x128xf32, #tpu.memory_space<vmem>>) offsets(%arg6 : memref<80xi32, #tpu.memory_space<vmem>>) semaphore(%arg34 : memref<!tpu.dma_semaphore, #tpu.memory_space<semaphore_mem>>)
      } else {
      }
      %dma_wait3A_535 = arith.constant 0 : i32
      %dma_wait3A_536 = arith.constant 0 : i32
      %dma_wait3A_537 = tpu.memref_slice %arg2[%dma_wait3A_535, %dma_wait3A_536] : memref<10000x128xf32, #tpu.memory_space<hbm>> -> memref<10000x128xf32, #tpu.memory_space<hbm>>
      tpu.wait_indirect_dma semaphore(%arg36 : memref<!tpu.dma_semaphore, #tpu.memory_space<semaphore_mem>>) src(%dma_wait3A_537 : memref<10000x128xf32, #tpu.memory_space<hbm>>) dst(%arg24 : memref<80x128xf32, #tpu.memory_space<vmem>>)
      %dma_start3A_538 = arith.constant 0 : i32
      %dma_start3A_539 = arith.constant 0 : i32
      %dma_start3A_540 = tpu.memref_slice %arg42[%dma_start3A_538, %dma_start3A_539] : memref<10112x128xf32, #tpu.memory_space<vmem_shared>> -> memref<10112x128xf32, #tpu.memory_space<vmem_shared>>
      tpu.enqueue_indirect_dma source(%arg24 : memref<80x128xf32, #tpu.memory_space<vmem>>) target(%dma_start3A_540 : memref<10112x128xf32, #tpu.memory_space<vmem_shared>>) offsets(%arg20 : memref<80xi32, #tpu.memory_space<vmem>>) semaphore(%arg40 : memref<!tpu.dma_semaphore, #tpu.memory_space<semaphore_mem>>) {add = true}
      %mul3A_541 = arith.constant 8 : i32
      %mul3A_542 = arith.muli %mul3A_541, %scan3A_323 : i32
      %add3A_543 = arith.constant 7 : i32
      %add3A_544 = arith.addi %mul3A_542, %add3A_543 : i32
      %ge3A_545 = arith.constant 2 : i32
      %ge3A_546 = arith.cmpi sge, %add3A_544, %ge3A_545 : i32
      %convert_element_type3A_547 = arith.extui %ge3A_546 : i1 to i32
      %cond3A_548 = arith.constant 0 : i32
      %cond3A_549 = arith.cmpi ne, %convert_element_type3A_547, %cond3A_548 : i32
      scf.if %cond3A_549 {
        %dma_wait3A_572 = arith.constant 0 : i32
        %dma_wait3A_573 = arith.constant 0 : i32
        %dma_wait3A_574 = tpu.memref_slice %arg42[%dma_wait3A_572, %dma_wait3A_573] : memref<10112x128xf32, #tpu.memory_space<vmem_shared>> -> memref<10112x128xf32, #tpu.memory_space<vmem_shared>>
        tpu.wait_indirect_dma semaphore(%arg39 : memref<!tpu.dma_semaphore, #tpu.memory_space<semaphore_mem>>) src(%arg23 : memref<80x128xf32, #tpu.memory_space<vmem>>) dst(%dma_wait3A_574 : memref<10112x128xf32, #tpu.memory_space<vmem_shared>>)
      } else {
      }
      %add3A_550 = arith.constant 8 : i32
      %add3A_551 = arith.addi %add3A_544, %add3A_550 : i32
      %sub3A_552 = arith.constant 2 : i32
      %sub3A_553 = arith.subi %add3A_551, %sub3A_552 : i32
      %lt3A_554 = arith.constant 125 : i32
      %lt3A_555 = arith.cmpi slt, %sub3A_553, %lt3A_554 : i32
      %convert_element_type3A_556 = arith.extui %lt3A_555 : i1 to i32
      %cond3A_557 = arith.constant 0 : i32
      %cond3A_558 = arith.cmpi ne, %convert_element_type3A_556, %cond3A_557 : i32
      scf.if %cond3A_558 {
        %add3A_572 = arith.constant 8 : i32
        %add3A_573 = arith.addi %add3A_544, %add3A_572 : i32
        %sub3A_574 = arith.constant 2 : i32
        %sub3A_575 = arith.subi %add3A_573, %sub3A_574 : i32
        %mul3A_576 = arith.constant 80 : i32
        %mul3A_577 = arith.muli %sub3A_575, %mul3A_576 : i32
        %mul3A_578 = arith.constant 80 : i32
        %mul3A_579 = arith.muli %sub3A_575, %mul3A_578 : i32
        %dma_start3A_580 = tpu.memref_slice %arg3[%add3A_51, %mul3A_577] : memref<32x10000xi32, #tpu.memory_space<hbm>> -> memref<1x80xi32, #tpu.memory_space<hbm>>
        %dma_start3A_581 = tpu.memref_squeeze %dma_start3A_580 : memref<1x80xi32, #tpu.memory_space<hbm>> -> memref<80xi32, #tpu.memory_space<hbm>>
        %dma_start3A_582 = tpu.memref_slice %arg3[%add3A_51, %mul3A_577] : memref<32x10000xi32, #tpu.memory_space<hbm>> -> memref<1x80xi32, #tpu.memory_space<hbm>>
        %dma_start3A_583 = tpu.memref_squeeze %dma_start3A_582 : memref<1x80xi32, #tpu.memory_space<hbm>> -> memref<80xi32, #tpu.memory_space<hbm>>
        tpu.enqueue_dma source(%dma_start3A_583 : memref<80xi32, #tpu.memory_space<hbm>>) target(%arg11 : memref<80xi32, #tpu.memory_space<vmem>>) target_semaphore(%arg31 : memref<!tpu.dma_semaphore, #tpu.memory_space<semaphore_mem>>)
        %dma_start3A_584 = tpu.memref_slice %arg4[%add3A_51, %mul3A_579] : memref<32x10000xi32, #tpu.memory_space<hbm>> -> memref<1x80xi32, #tpu.memory_space<hbm>>
        %dma_start3A_585 = tpu.memref_squeeze %dma_start3A_584 : memref<1x80xi32, #tpu.memory_space<hbm>> -> memref<80xi32, #tpu.memory_space<hbm>>
        %dma_start3A_586 = tpu.memref_slice %arg4[%add3A_51, %mul3A_579] : memref<32x10000xi32, #tpu.memory_space<hbm>> -> memref<1x80xi32, #tpu.memory_space<hbm>>
        %dma_start3A_587 = tpu.memref_squeeze %dma_start3A_586 : memref<1x80xi32, #tpu.memory_space<hbm>> -> memref<80xi32, #tpu.memory_space<hbm>>
        tpu.enqueue_dma source(%dma_start3A_587 : memref<80xi32, #tpu.memory_space<hbm>>) target(%arg19 : memref<80xi32, #tpu.memory_space<vmem>>) target_semaphore(%arg31 : memref<!tpu.dma_semaphore, #tpu.memory_space<semaphore_mem>>)
      } else {
      }
      %add3A_559 = arith.constant 2 : i32
      %add3A_560 = arith.addi %add3A_544, %add3A_559 : i32
      %lt3A_561 = arith.constant 125 : i32
      %lt3A_562 = arith.cmpi slt, %add3A_560, %lt3A_561 : i32
      %convert_element_type3A_563 = arith.extui %lt3A_562 : i1 to i32
      %cond3A_564 = arith.constant 0 : i32
      %cond3A_565 = arith.cmpi ne, %convert_element_type3A_563, %cond3A_564 : i32
      scf.if %cond3A_565 {
        %add3A_572 = arith.constant 2 : i32
        %add3A_573 = arith.addi %add3A_544, %add3A_572 : i32
        %mul3A_574 = arith.constant 80 : i32
        %mul3A_575 = arith.muli %add3A_573, %mul3A_574 : i32
        %mul3A_576 = arith.constant 80 : i32
        %mul3A_577 = arith.muli %add3A_573, %mul3A_576 : i32
        %dma_wait3A_578 = tpu.memref_slice %arg3[%add3A_51, %mul3A_575] : memref<32x10000xi32, #tpu.memory_space<hbm>> -> memref<1x80xi32, #tpu.memory_space<hbm>>
        %dma_wait3A_579 = tpu.memref_squeeze %dma_wait3A_578 : memref<1x80xi32, #tpu.memory_space<hbm>> -> memref<80xi32, #tpu.memory_space<hbm>>
        %dma_wait3A_580 = tpu.memref_slice %arg3[%add3A_51, %mul3A_575] : memref<32x10000xi32, #tpu.memory_space<hbm>> -> memref<1x80xi32, #tpu.memory_space<hbm>>
        %dma_wait3A_581 = tpu.memref_squeeze %dma_wait3A_580 : memref<1x80xi32, #tpu.memory_space<hbm>> -> memref<80xi32, #tpu.memory_space<hbm>>
        tpu.wait_dma2 semaphore(%arg27 : memref<!tpu.dma_semaphore, #tpu.memory_space<semaphore_mem>>) src(%dma_wait3A_581 : memref<80xi32, #tpu.memory_space<hbm>>) dst(%arg7 : memref<80xi32, #tpu.memory_space<vmem>>)
        %dma_wait3A_582 = tpu.memref_slice %arg4[%add3A_51, %mul3A_577] : memref<32x10000xi32, #tpu.memory_space<hbm>> -> memref<1x80xi32, #tpu.memory_space<hbm>>
        %dma_wait3A_583 = tpu.memref_squeeze %dma_wait3A_582 : memref<1x80xi32, #tpu.memory_space<hbm>> -> memref<80xi32, #tpu.memory_space<hbm>>
        %dma_wait3A_584 = tpu.memref_slice %arg4[%add3A_51, %mul3A_577] : memref<32x10000xi32, #tpu.memory_space<hbm>> -> memref<1x80xi32, #tpu.memory_space<hbm>>
        %dma_wait3A_585 = tpu.memref_squeeze %dma_wait3A_584 : memref<1x80xi32, #tpu.memory_space<hbm>> -> memref<80xi32, #tpu.memory_space<hbm>>
        tpu.wait_dma2 semaphore(%arg27 : memref<!tpu.dma_semaphore, #tpu.memory_space<semaphore_mem>>) src(%dma_wait3A_585 : memref<80xi32, #tpu.memory_space<hbm>>) dst(%arg15 : memref<80xi32, #tpu.memory_space<vmem>>)
        %dma_start3A_586 = arith.constant 0 : i32
        %dma_start3A_587 = arith.constant 0 : i32
        %dma_start3A_588 = tpu.memref_slice %arg2[%dma_start3A_586, %dma_start3A_587] : memref<10000x128xf32, #tpu.memory_space<hbm>> -> memref<10000x128xf32, #tpu.memory_space<hbm>>
        tpu.enqueue_indirect_dma source(%dma_start3A_588 : memref<10000x128xf32, #tpu.memory_space<hbm>>) target(%arg23 : memref<80x128xf32, #tpu.memory_space<vmem>>) offsets(%arg7 : memref<80xi32, #tpu.memory_space<vmem>>) semaphore(%arg35 : memref<!tpu.dma_semaphore, #tpu.memory_space<semaphore_mem>>)
      } else {
      }
      %dma_wait3A_566 = arith.constant 0 : i32
      %dma_wait3A_567 = arith.constant 0 : i32
      %dma_wait3A_568 = tpu.memref_slice %arg2[%dma_wait3A_566, %dma_wait3A_567] : memref<10000x128xf32, #tpu.memory_space<hbm>> -> memref<10000x128xf32, #tpu.memory_space<hbm>>
      tpu.wait_indirect_dma semaphore(%arg37 : memref<!tpu.dma_semaphore, #tpu.memory_space<semaphore_mem>>) src(%dma_wait3A_568 : memref<10000x128xf32, #tpu.memory_space<hbm>>) dst(%arg25 : memref<80x128xf32, #tpu.memory_space<vmem>>)
      %dma_start3A_569 = arith.constant 0 : i32
      %dma_start3A_570 = arith.constant 0 : i32
      %dma_start3A_571 = tpu.memref_slice %arg42[%dma_start3A_569, %dma_start3A_570] : memref<10112x128xf32, #tpu.memory_space<vmem_shared>> -> memref<10112x128xf32, #tpu.memory_space<vmem_shared>>
      tpu.enqueue_indirect_dma source(%arg25 : memref<80x128xf32, #tpu.memory_space<vmem>>) target(%dma_start3A_571 : memref<10112x128xf32, #tpu.memory_space<vmem_shared>>) offsets(%arg21 : memref<80xi32, #tpu.memory_space<vmem>>) semaphore(%arg41 : memref<!tpu.dma_semaphore, #tpu.memory_space<semaphore_mem>>) {add = true}
    }
    %scan3A_157 = arith.constant 15 : i32
    %ge3A = arith.constant 120 : i32
    %ge3A_158 = arith.constant 2 : i32
    %ge3A_159 = arith.cmpi sge, %ge3A, %ge3A_158 : i32
    %convert_element_type3A = arith.extui %ge3A_159 : i1 to i32
    %cond3A = arith.constant 0 : i32
    %cond3A_160 = arith.cmpi ne, %convert_element_type3A, %cond3A : i32
    scf.if %cond3A_160 {
      %dma_wait3A_323 = arith.constant 0 : i32
      %dma_wait3A_324 = arith.constant 0 : i32
      %dma_wait3A_325 = tpu.memref_slice %arg42[%dma_wait3A_323, %dma_wait3A_324] : memref<10112x128xf32, #tpu.memory_space<vmem_shared>> -> memref<10112x128xf32, #tpu.memory_space<vmem_shared>>
      tpu.wait_indirect_dma semaphore(%arg40 : memref<!tpu.dma_semaphore, #tpu.memory_space<semaphore_mem>>) src(%arg24 : memref<80x128xf32, #tpu.memory_space<vmem>>) dst(%dma_wait3A_325 : memref<10112x128xf32, #tpu.memory_space<vmem_shared>>)
    } else {
    }
    %add3A_161 = arith.constant 120 : i32
    %add3A_162 = arith.constant 8 : i32
    %add3A_163 = arith.addi %add3A_161, %add3A_162 : i32
    %sub3A = arith.constant 2 : i32
    %sub3A_164 = arith.subi %add3A_163, %sub3A : i32
    %lt3A = arith.constant 125 : i32
    %lt3A_165 = arith.cmpi slt, %sub3A_164, %lt3A : i32
    %convert_element_type3A_166 = arith.extui %lt3A_165 : i1 to i32
    %cond3A_167 = arith.constant 120 : i32
    %cond3A_168 = arith.constant 0 : i32
    %cond3A_169 = arith.cmpi ne, %convert_element_type3A_166, %cond3A_168 : i32
    scf.if %cond3A_169 {
      %add3A_323 = arith.constant 8 : i32
      %add3A_324 = arith.addi %cond3A_167, %add3A_323 : i32
      %sub3A_325 = arith.constant 2 : i32
      %sub3A_326 = arith.subi %add3A_324, %sub3A_325 : i32
      %mul3A_327 = arith.constant 80 : i32
      %mul3A_328 = arith.muli %sub3A_326, %mul3A_327 : i32
      %mul3A_329 = arith.constant 80 : i32
      %mul3A_330 = arith.muli %sub3A_326, %mul3A_329 : i32
      %dma_start3A_331 = tpu.memref_slice %arg3[%add3A_51, %mul3A_328] : memref<32x10000xi32, #tpu.memory_space<hbm>> -> memref<1x80xi32, #tpu.memory_space<hbm>>
      %dma_start3A_332 = tpu.memref_squeeze %dma_start3A_331 : memref<1x80xi32, #tpu.memory_space<hbm>> -> memref<80xi32, #tpu.memory_space<hbm>>
      %dma_start3A_333 = tpu.memref_slice %arg3[%add3A_51, %mul3A_328] : memref<32x10000xi32, #tpu.memory_space<hbm>> -> memref<1x80xi32, #tpu.memory_space<hbm>>
      %dma_start3A_334 = tpu.memref_squeeze %dma_start3A_333 : memref<1x80xi32, #tpu.memory_space<hbm>> -> memref<80xi32, #tpu.memory_space<hbm>>
      tpu.enqueue_dma source(%dma_start3A_334 : memref<80xi32, #tpu.memory_space<hbm>>) target(%arg12 : memref<80xi32, #tpu.memory_space<vmem>>) target_semaphore(%arg32 : memref<!tpu.dma_semaphore, #tpu.memory_space<semaphore_mem>>)
      %dma_start3A_335 = tpu.memref_slice %arg4[%add3A_51, %mul3A_330] : memref<32x10000xi32, #tpu.memory_space<hbm>> -> memref<1x80xi32, #tpu.memory_space<hbm>>
      %dma_start3A_336 = tpu.memref_squeeze %dma_start3A_335 : memref<1x80xi32, #tpu.memory_space<hbm>> -> memref<80xi32, #tpu.memory_space<hbm>>
      %dma_start3A_337 = tpu.memref_slice %arg4[%add3A_51, %mul3A_330] : memref<32x10000xi32, #tpu.memory_space<hbm>> -> memref<1x80xi32, #tpu.memory_space<hbm>>
      %dma_start3A_338 = tpu.memref_squeeze %dma_start3A_337 : memref<1x80xi32, #tpu.memory_space<hbm>> -> memref<80xi32, #tpu.memory_space<hbm>>
      tpu.enqueue_dma source(%dma_start3A_338 : memref<80xi32, #tpu.memory_space<hbm>>) target(%arg20 : memref<80xi32, #tpu.memory_space<vmem>>) target_semaphore(%arg32 : memref<!tpu.dma_semaphore, #tpu.memory_space<semaphore_mem>>)
    } else {
    }
    %add3A_170 = arith.constant 120 : i32
    %add3A_171 = arith.constant 2 : i32
    %add3A_172 = arith.addi %add3A_170, %add3A_171 : i32
    %lt3A_173 = arith.constant 125 : i32
    %lt3A_174 = arith.cmpi slt, %add3A_172, %lt3A_173 : i32
    %convert_element_type3A_175 = arith.extui %lt3A_174 : i1 to i32
    %cond3A_176 = arith.constant 120 : i32
    %cond3A_177 = arith.constant 0 : i32
    %cond3A_178 = arith.cmpi ne, %convert_element_type3A_175, %cond3A_177 : i32
    scf.if %cond3A_178 {
      %add3A_323 = arith.constant 2 : i32
      %add3A_324 = arith.addi %cond3A_176, %add3A_323 : i32
      %mul3A_325 = arith.constant 80 : i32
      %mul3A_326 = arith.muli %add3A_324, %mul3A_325 : i32
      %mul3A_327 = arith.constant 80 : i32
      %mul3A_328 = arith.muli %add3A_324, %mul3A_327 : i32
      %dma_wait3A_329 = tpu.memref_slice %arg3[%add3A_51, %mul3A_326] : memref<32x10000xi32, #tpu.memory_space<hbm>> -> memref<1x80xi32, #tpu.memory_space<hbm>>
      %dma_wait3A_330 = tpu.memref_squeeze %dma_wait3A_329 : memref<1x80xi32, #tpu.memory_space<hbm>> -> memref<80xi32, #tpu.memory_space<hbm>>
      %dma_wait3A_331 = tpu.memref_slice %arg3[%add3A_51, %mul3A_326] : memref<32x10000xi32, #tpu.memory_space<hbm>> -> memref<1x80xi32, #tpu.memory_space<hbm>>
      %dma_wait3A_332 = tpu.memref_squeeze %dma_wait3A_331 : memref<1x80xi32, #tpu.memory_space<hbm>> -> memref<80xi32, #tpu.memory_space<hbm>>
      tpu.wait_dma2 semaphore(%arg28 : memref<!tpu.dma_semaphore, #tpu.memory_space<semaphore_mem>>) src(%dma_wait3A_332 : memref<80xi32, #tpu.memory_space<hbm>>) dst(%arg8 : memref<80xi32, #tpu.memory_space<vmem>>)
      %dma_wait3A_333 = tpu.memref_slice %arg4[%add3A_51, %mul3A_328] : memref<32x10000xi32, #tpu.memory_space<hbm>> -> memref<1x80xi32, #tpu.memory_space<hbm>>
      %dma_wait3A_334 = tpu.memref_squeeze %dma_wait3A_333 : memref<1x80xi32, #tpu.memory_space<hbm>> -> memref<80xi32, #tpu.memory_space<hbm>>
      %dma_wait3A_335 = tpu.memref_slice %arg4[%add3A_51, %mul3A_328] : memref<32x10000xi32, #tpu.memory_space<hbm>> -> memref<1x80xi32, #tpu.memory_space<hbm>>
      %dma_wait3A_336 = tpu.memref_squeeze %dma_wait3A_335 : memref<1x80xi32, #tpu.memory_space<hbm>> -> memref<80xi32, #tpu.memory_space<hbm>>
      tpu.wait_dma2 semaphore(%arg28 : memref<!tpu.dma_semaphore, #tpu.memory_space<semaphore_mem>>) src(%dma_wait3A_336 : memref<80xi32, #tpu.memory_space<hbm>>) dst(%arg16 : memref<80xi32, #tpu.memory_space<vmem>>)
      %dma_start3A_337 = arith.constant 0 : i32
      %dma_start3A_338 = arith.constant 0 : i32
      %dma_start3A_339 = tpu.memref_slice %arg2[%dma_start3A_337, %dma_start3A_338] : memref<10000x128xf32, #tpu.memory_space<hbm>> -> memref<10000x128xf32, #tpu.memory_space<hbm>>
      tpu.enqueue_indirect_dma source(%dma_start3A_339 : memref<10000x128xf32, #tpu.memory_space<hbm>>) target(%arg24 : memref<80x128xf32, #tpu.memory_space<vmem>>) offsets(%arg8 : memref<80xi32, #tpu.memory_space<vmem>>) semaphore(%arg36 : memref<!tpu.dma_semaphore, #tpu.memory_space<semaphore_mem>>)
    } else {
    }
    %dma_wait3A_179 = arith.constant 0 : i32
    %dma_wait3A_180 = arith.constant 0 : i32
    %dma_wait3A_181 = tpu.memref_slice %arg2[%dma_wait3A_179, %dma_wait3A_180] : memref<10000x128xf32, #tpu.memory_space<hbm>> -> memref<10000x128xf32, #tpu.memory_space<hbm>>
    tpu.wait_indirect_dma semaphore(%arg34 : memref<!tpu.dma_semaphore, #tpu.memory_space<semaphore_mem>>) src(%dma_wait3A_181 : memref<10000x128xf32, #tpu.memory_space<hbm>>) dst(%arg22 : memref<80x128xf32, #tpu.memory_space<vmem>>)
    %dma_start3A_182 = arith.constant 0 : i32
    %dma_start3A_183 = arith.constant 0 : i32
    %dma_start3A_184 = tpu.memref_slice %arg42[%dma_start3A_182, %dma_start3A_183] : memref<10112x128xf32, #tpu.memory_space<vmem_shared>> -> memref<10112x128xf32, #tpu.memory_space<vmem_shared>>
    tpu.enqueue_indirect_dma source(%arg22 : memref<80x128xf32, #tpu.memory_space<vmem>>) target(%dma_start3A_184 : memref<10112x128xf32, #tpu.memory_space<vmem_shared>>) offsets(%arg14 : memref<80xi32, #tpu.memory_space<vmem>>) semaphore(%arg38 : memref<!tpu.dma_semaphore, #tpu.memory_space<semaphore_mem>>) {add = true}
    %ge3A_185 = arith.constant 121 : i32
    %ge3A_186 = arith.constant 2 : i32
    %ge3A_187 = arith.cmpi sge, %ge3A_185, %ge3A_186 : i32
    %convert_element_type3A_188 = arith.extui %ge3A_187 : i1 to i32
    %cond3A_189 = arith.constant 0 : i32
    %cond3A_190 = arith.cmpi ne, %convert_element_type3A_188, %cond3A_189 : i32
    scf.if %cond3A_190 {
      %dma_wait3A_323 = arith.constant 0 : i32
      %dma_wait3A_324 = arith.constant 0 : i32
      %dma_wait3A_325 = tpu.memref_slice %arg42[%dma_wait3A_323, %dma_wait3A_324] : memref<10112x128xf32, #tpu.memory_space<vmem_shared>> -> memref<10112x128xf32, #tpu.memory_space<vmem_shared>>
      tpu.wait_indirect_dma semaphore(%arg41 : memref<!tpu.dma_semaphore, #tpu.memory_space<semaphore_mem>>) src(%arg25 : memref<80x128xf32, #tpu.memory_space<vmem>>) dst(%dma_wait3A_325 : memref<10112x128xf32, #tpu.memory_space<vmem_shared>>)
    } else {
    }
    %add3A_191 = arith.constant 121 : i32
    %add3A_192 = arith.constant 8 : i32
    %add3A_193 = arith.addi %add3A_191, %add3A_192 : i32
    %sub3A_194 = arith.constant 2 : i32
    %sub3A_195 = arith.subi %add3A_193, %sub3A_194 : i32
    %lt3A_196 = arith.constant 125 : i32
    %lt3A_197 = arith.cmpi slt, %sub3A_195, %lt3A_196 : i32
    %convert_element_type3A_198 = arith.extui %lt3A_197 : i1 to i32
    %cond3A_199 = arith.constant 121 : i32
    %cond3A_200 = arith.constant 0 : i32
    %cond3A_201 = arith.cmpi ne, %convert_element_type3A_198, %cond3A_200 : i32
    scf.if %cond3A_201 {
      %add3A_323 = arith.constant 8 : i32
      %add3A_324 = arith.addi %cond3A_199, %add3A_323 : i32
      %sub3A_325 = arith.constant 2 : i32
      %sub3A_326 = arith.subi %add3A_324, %sub3A_325 : i32
      %mul3A_327 = arith.constant 80 : i32
      %mul3A_328 = arith.muli %sub3A_326, %mul3A_327 : i32
      %mul3A_329 = arith.constant 80 : i32
      %mul3A_330 = arith.muli %sub3A_326, %mul3A_329 : i32
      %dma_start3A_331 = tpu.memref_slice %arg3[%add3A_51, %mul3A_328] : memref<32x10000xi32, #tpu.memory_space<hbm>> -> memref<1x80xi32, #tpu.memory_space<hbm>>
      %dma_start3A_332 = tpu.memref_squeeze %dma_start3A_331 : memref<1x80xi32, #tpu.memory_space<hbm>> -> memref<80xi32, #tpu.memory_space<hbm>>
      %dma_start3A_333 = tpu.memref_slice %arg3[%add3A_51, %mul3A_328] : memref<32x10000xi32, #tpu.memory_space<hbm>> -> memref<1x80xi32, #tpu.memory_space<hbm>>
      %dma_start3A_334 = tpu.memref_squeeze %dma_start3A_333 : memref<1x80xi32, #tpu.memory_space<hbm>> -> memref<80xi32, #tpu.memory_space<hbm>>
      tpu.enqueue_dma source(%dma_start3A_334 : memref<80xi32, #tpu.memory_space<hbm>>) target(%arg13 : memref<80xi32, #tpu.memory_space<vmem>>) target_semaphore(%arg33 : memref<!tpu.dma_semaphore, #tpu.memory_space<semaphore_mem>>)
      %dma_start3A_335 = tpu.memref_slice %arg4[%add3A_51, %mul3A_330] : memref<32x10000xi32, #tpu.memory_space<hbm>> -> memref<1x80xi32, #tpu.memory_space<hbm>>
      %dma_start3A_336 = tpu.memref_squeeze %dma_start3A_335 : memref<1x80xi32, #tpu.memory_space<hbm>> -> memref<80xi32, #tpu.memory_space<hbm>>
      %dma_start3A_337 = tpu.memref_slice %arg4[%add3A_51, %mul3A_330] : memref<32x10000xi32, #tpu.memory_space<hbm>> -> memref<1x80xi32, #tpu.memory_space<hbm>>
      %dma_start3A_338 = tpu.memref_squeeze %dma_start3A_337 : memref<1x80xi32, #tpu.memory_space<hbm>> -> memref<80xi32, #tpu.memory_space<hbm>>
      tpu.enqueue_dma source(%dma_start3A_338 : memref<80xi32, #tpu.memory_space<hbm>>) target(%arg21 : memref<80xi32, #tpu.memory_space<vmem>>) target_semaphore(%arg33 : memref<!tpu.dma_semaphore, #tpu.memory_space<semaphore_mem>>)
    } else {
    }
    %add3A_202 = arith.constant 121 : i32
    %add3A_203 = arith.constant 2 : i32
    %add3A_204 = arith.addi %add3A_202, %add3A_203 : i32
    %lt3A_205 = arith.constant 125 : i32
    %lt3A_206 = arith.cmpi slt, %add3A_204, %lt3A_205 : i32
    %convert_element_type3A_207 = arith.extui %lt3A_206 : i1 to i32
    %cond3A_208 = arith.constant 121 : i32
    %cond3A_209 = arith.constant 0 : i32
    %cond3A_210 = arith.cmpi ne, %convert_element_type3A_207, %cond3A_209 : i32
    scf.if %cond3A_210 {
      %add3A_323 = arith.constant 2 : i32
      %add3A_324 = arith.addi %cond3A_208, %add3A_323 : i32
      %mul3A_325 = arith.constant 80 : i32
      %mul3A_326 = arith.muli %add3A_324, %mul3A_325 : i32
      %mul3A_327 = arith.constant 80 : i32
      %mul3A_328 = arith.muli %add3A_324, %mul3A_327 : i32
      %dma_wait3A_329 = tpu.memref_slice %arg3[%add3A_51, %mul3A_326] : memref<32x10000xi32, #tpu.memory_space<hbm>> -> memref<1x80xi32, #tpu.memory_space<hbm>>
      %dma_wait3A_330 = tpu.memref_squeeze %dma_wait3A_329 : memref<1x80xi32, #tpu.memory_space<hbm>> -> memref<80xi32, #tpu.memory_space<hbm>>
      %dma_wait3A_331 = tpu.memref_slice %arg3[%add3A_51, %mul3A_326] : memref<32x10000xi32, #tpu.memory_space<hbm>> -> memref<1x80xi32, #tpu.memory_space<hbm>>
      %dma_wait3A_332 = tpu.memref_squeeze %dma_wait3A_331 : memref<1x80xi32, #tpu.memory_space<hbm>> -> memref<80xi32, #tpu.memory_space<hbm>>
      tpu.wait_dma2 semaphore(%arg29 : memref<!tpu.dma_semaphore, #tpu.memory_space<semaphore_mem>>) src(%dma_wait3A_332 : memref<80xi32, #tpu.memory_space<hbm>>) dst(%arg9 : memref<80xi32, #tpu.memory_space<vmem>>)
      %dma_wait3A_333 = tpu.memref_slice %arg4[%add3A_51, %mul3A_328] : memref<32x10000xi32, #tpu.memory_space<hbm>> -> memref<1x80xi32, #tpu.memory_space<hbm>>
      %dma_wait3A_334 = tpu.memref_squeeze %dma_wait3A_333 : memref<1x80xi32, #tpu.memory_space<hbm>> -> memref<80xi32, #tpu.memory_space<hbm>>
      %dma_wait3A_335 = tpu.memref_slice %arg4[%add3A_51, %mul3A_328] : memref<32x10000xi32, #tpu.memory_space<hbm>> -> memref<1x80xi32, #tpu.memory_space<hbm>>
      %dma_wait3A_336 = tpu.memref_squeeze %dma_wait3A_335 : memref<1x80xi32, #tpu.memory_space<hbm>> -> memref<80xi32, #tpu.memory_space<hbm>>
      tpu.wait_dma2 semaphore(%arg29 : memref<!tpu.dma_semaphore, #tpu.memory_space<semaphore_mem>>) src(%dma_wait3A_336 : memref<80xi32, #tpu.memory_space<hbm>>) dst(%arg17 : memref<80xi32, #tpu.memory_space<vmem>>)
      %dma_start3A_337 = arith.constant 0 : i32
      %dma_start3A_338 = arith.constant 0 : i32
      %dma_start3A_339 = tpu.memref_slice %arg2[%dma_start3A_337, %dma_start3A_338] : memref<10000x128xf32, #tpu.memory_space<hbm>> -> memref<10000x128xf32, #tpu.memory_space<hbm>>
      tpu.enqueue_indirect_dma source(%dma_start3A_339 : memref<10000x128xf32, #tpu.memory_space<hbm>>) target(%arg25 : memref<80x128xf32, #tpu.memory_space<vmem>>) offsets(%arg9 : memref<80xi32, #tpu.memory_space<vmem>>) semaphore(%arg37 : memref<!tpu.dma_semaphore, #tpu.memory_space<semaphore_mem>>)
    } else {
    }
    %dma_wait3A_211 = arith.constant 0 : i32
    %dma_wait3A_212 = arith.constant 0 : i32
    %dma_wait3A_213 = tpu.memref_slice %arg2[%dma_wait3A_211, %dma_wait3A_212] : memref<10000x128xf32, #tpu.memory_space<hbm>> -> memref<10000x128xf32, #tpu.memory_space<hbm>>
    tpu.wait_indirect_dma semaphore(%arg35 : memref<!tpu.dma_semaphore, #tpu.memory_space<semaphore_mem>>) src(%dma_wait3A_213 : memref<10000x128xf32, #tpu.memory_space<hbm>>) dst(%arg23 : memref<80x128xf32, #tpu.memory_space<vmem>>)
    %dma_start3A_214 = arith.constant 0 : i32
    %dma_start3A_215 = arith.constant 0 : i32
    %dma_start3A_216 = tpu.memref_slice %arg42[%dma_start3A_214, %dma_start3A_215] : memref<10112x128xf32, #tpu.memory_space<vmem_shared>> -> memref<10112x128xf32, #tpu.memory_space<vmem_shared>>
    tpu.enqueue_indirect_dma source(%arg23 : memref<80x128xf32, #tpu.memory_space<vmem>>) target(%dma_start3A_216 : memref<10112x128xf32, #tpu.memory_space<vmem_shared>>) offsets(%arg15 : memref<80xi32, #tpu.memory_space<vmem>>) semaphore(%arg39 : memref<!tpu.dma_semaphore, #tpu.memory_space<semaphore_mem>>) {add = true}
    %ge3A_217 = arith.constant 122 : i32
    %ge3A_218 = arith.constant 2 : i32
    %ge3A_219 = arith.cmpi sge, %ge3A_217, %ge3A_218 : i32
    %convert_element_type3A_220 = arith.extui %ge3A_219 : i1 to i32
    %cond3A_221 = arith.constant 0 : i32
    %cond3A_222 = arith.cmpi ne, %convert_element_type3A_220, %cond3A_221 : i32
    scf.if %cond3A_222 {
      %dma_wait3A_323 = arith.constant 0 : i32
      %dma_wait3A_324 = arith.constant 0 : i32
      %dma_wait3A_325 = tpu.memref_slice %arg42[%dma_wait3A_323, %dma_wait3A_324] : memref<10112x128xf32, #tpu.memory_space<vmem_shared>> -> memref<10112x128xf32, #tpu.memory_space<vmem_shared>>
      tpu.wait_indirect_dma semaphore(%arg38 : memref<!tpu.dma_semaphore, #tpu.memory_space<semaphore_mem>>) src(%arg22 : memref<80x128xf32, #tpu.memory_space<vmem>>) dst(%dma_wait3A_325 : memref<10112x128xf32, #tpu.memory_space<vmem_shared>>)
    } else {
    }
    %add3A_223 = arith.constant 122 : i32
    %add3A_224 = arith.constant 8 : i32
    %add3A_225 = arith.addi %add3A_223, %add3A_224 : i32
    %sub3A_226 = arith.constant 2 : i32
    %sub3A_227 = arith.subi %add3A_225, %sub3A_226 : i32
    %lt3A_228 = arith.constant 125 : i32
    %lt3A_229 = arith.cmpi slt, %sub3A_227, %lt3A_228 : i32
    %convert_element_type3A_230 = arith.extui %lt3A_229 : i1 to i32
    %cond3A_231 = arith.constant 122 : i32
    %cond3A_232 = arith.constant 0 : i32
    %cond3A_233 = arith.cmpi ne, %convert_element_type3A_230, %cond3A_232 : i32
    scf.if %cond3A_233 {
      %add3A_323 = arith.constant 8 : i32
      %add3A_324 = arith.addi %cond3A_231, %add3A_323 : i32
      %sub3A_325 = arith.constant 2 : i32
      %sub3A_326 = arith.subi %add3A_324, %sub3A_325 : i32
      %mul3A_327 = arith.constant 80 : i32
      %mul3A_328 = arith.muli %sub3A_326, %mul3A_327 : i32
      %mul3A_329 = arith.constant 80 : i32
      %mul3A_330 = arith.muli %sub3A_326, %mul3A_329 : i32
      %dma_start3A_331 = tpu.memref_slice %arg3[%add3A_51, %mul3A_328] : memref<32x10000xi32, #tpu.memory_space<hbm>> -> memref<1x80xi32, #tpu.memory_space<hbm>>
      %dma_start3A_332 = tpu.memref_squeeze %dma_start3A_331 : memref<1x80xi32, #tpu.memory_space<hbm>> -> memref<80xi32, #tpu.memory_space<hbm>>
      %dma_start3A_333 = tpu.memref_slice %arg3[%add3A_51, %mul3A_328] : memref<32x10000xi32, #tpu.memory_space<hbm>> -> memref<1x80xi32, #tpu.memory_space<hbm>>
      %dma_start3A_334 = tpu.memref_squeeze %dma_start3A_333 : memref<1x80xi32, #tpu.memory_space<hbm>> -> memref<80xi32, #tpu.memory_space<hbm>>
      tpu.enqueue_dma source(%dma_start3A_334 : memref<80xi32, #tpu.memory_space<hbm>>) target(%arg6 : memref<80xi32, #tpu.memory_space<vmem>>) target_semaphore(%arg26 : memref<!tpu.dma_semaphore, #tpu.memory_space<semaphore_mem>>)
      %dma_start3A_335 = tpu.memref_slice %arg4[%add3A_51, %mul3A_330] : memref<32x10000xi32, #tpu.memory_space<hbm>> -> memref<1x80xi32, #tpu.memory_space<hbm>>
      %dma_start3A_336 = tpu.memref_squeeze %dma_start3A_335 : memref<1x80xi32, #tpu.memory_space<hbm>> -> memref<80xi32, #tpu.memory_space<hbm>>
      %dma_start3A_337 = tpu.memref_slice %arg4[%add3A_51, %mul3A_330] : memref<32x10000xi32, #tpu.memory_space<hbm>> -> memref<1x80xi32, #tpu.memory_space<hbm>>
      %dma_start3A_338 = tpu.memref_squeeze %dma_start3A_337 : memref<1x80xi32, #tpu.memory_space<hbm>> -> memref<80xi32, #tpu.memory_space<hbm>>
      tpu.enqueue_dma source(%dma_start3A_338 : memref<80xi32, #tpu.memory_space<hbm>>) target(%arg14 : memref<80xi32, #tpu.memory_space<vmem>>) target_semaphore(%arg26 : memref<!tpu.dma_semaphore, #tpu.memory_space<semaphore_mem>>)
    } else {
    }
    %add3A_234 = arith.constant 122 : i32
    %add3A_235 = arith.constant 2 : i32
    %add3A_236 = arith.addi %add3A_234, %add3A_235 : i32
    %lt3A_237 = arith.constant 125 : i32
    %lt3A_238 = arith.cmpi slt, %add3A_236, %lt3A_237 : i32
    %convert_element_type3A_239 = arith.extui %lt3A_238 : i1 to i32
    %cond3A_240 = arith.constant 122 : i32
    %cond3A_241 = arith.constant 0 : i32
    %cond3A_242 = arith.cmpi ne, %convert_element_type3A_239, %cond3A_241 : i32
    scf.if %cond3A_242 {
      %add3A_323 = arith.constant 2 : i32
      %add3A_324 = arith.addi %cond3A_240, %add3A_323 : i32
      %mul3A_325 = arith.constant 80 : i32
      %mul3A_326 = arith.muli %add3A_324, %mul3A_325 : i32
      %mul3A_327 = arith.constant 80 : i32
      %mul3A_328 = arith.muli %add3A_324, %mul3A_327 : i32
      %dma_wait3A_329 = tpu.memref_slice %arg3[%add3A_51, %mul3A_326] : memref<32x10000xi32, #tpu.memory_space<hbm>> -> memref<1x80xi32, #tpu.memory_space<hbm>>
      %dma_wait3A_330 = tpu.memref_squeeze %dma_wait3A_329 : memref<1x80xi32, #tpu.memory_space<hbm>> -> memref<80xi32, #tpu.memory_space<hbm>>
      %dma_wait3A_331 = tpu.memref_slice %arg3[%add3A_51, %mul3A_326] : memref<32x10000xi32, #tpu.memory_space<hbm>> -> memref<1x80xi32, #tpu.memory_space<hbm>>
      %dma_wait3A_332 = tpu.memref_squeeze %dma_wait3A_331 : memref<1x80xi32, #tpu.memory_space<hbm>> -> memref<80xi32, #tpu.memory_space<hbm>>
      tpu.wait_dma2 semaphore(%arg30 : memref<!tpu.dma_semaphore, #tpu.memory_space<semaphore_mem>>) src(%dma_wait3A_332 : memref<80xi32, #tpu.memory_space<hbm>>) dst(%arg10 : memref<80xi32, #tpu.memory_space<vmem>>)
      %dma_wait3A_333 = tpu.memref_slice %arg4[%add3A_51, %mul3A_328] : memref<32x10000xi32, #tpu.memory_space<hbm>> -> memref<1x80xi32, #tpu.memory_space<hbm>>
      %dma_wait3A_334 = tpu.memref_squeeze %dma_wait3A_333 : memref<1x80xi32, #tpu.memory_space<hbm>> -> memref<80xi32, #tpu.memory_space<hbm>>
      %dma_wait3A_335 = tpu.memref_slice %arg4[%add3A_51, %mul3A_328] : memref<32x10000xi32, #tpu.memory_space<hbm>> -> memref<1x80xi32, #tpu.memory_space<hbm>>
      %dma_wait3A_336 = tpu.memref_squeeze %dma_wait3A_335 : memref<1x80xi32, #tpu.memory_space<hbm>> -> memref<80xi32, #tpu.memory_space<hbm>>
      tpu.wait_dma2 semaphore(%arg30 : memref<!tpu.dma_semaphore, #tpu.memory_space<semaphore_mem>>) src(%dma_wait3A_336 : memref<80xi32, #tpu.memory_space<hbm>>) dst(%arg18 : memref<80xi32, #tpu.memory_space<vmem>>)
      %dma_start3A_337 = arith.constant 0 : i32
      %dma_start3A_338 = arith.constant 0 : i32
      %dma_start3A_339 = tpu.memref_slice %arg2[%dma_start3A_337, %dma_start3A_338] : memref<10000x128xf32, #tpu.memory_space<hbm>> -> memref<10000x128xf32, #tpu.memory_space<hbm>>
      tpu.enqueue_indirect_dma source(%dma_start3A_339 : memref<10000x128xf32, #tpu.memory_space<hbm>>) target(%arg22 : memref<80x128xf32, #tpu.memory_space<vmem>>) offsets(%arg10 : memref<80xi32, #tpu.memory_space<vmem>>) semaphore(%arg34 : memref<!tpu.dma_semaphore, #tpu.memory_space<semaphore_mem>>)
    } else {
    }
    %dma_wait3A_243 = arith.constant 0 : i32
    %dma_wait3A_244 = arith.constant 0 : i32
    %dma_wait3A_245 = tpu.memref_slice %arg2[%dma_wait3A_243, %dma_wait3A_244] : memref<10000x128xf32, #tpu.memory_space<hbm>> -> memref<10000x128xf32, #tpu.memory_space<hbm>>
    tpu.wait_indirect_dma semaphore(%arg36 : memref<!tpu.dma_semaphore, #tpu.memory_space<semaphore_mem>>) src(%dma_wait3A_245 : memref<10000x128xf32, #tpu.memory_space<hbm>>) dst(%arg24 : memref<80x128xf32, #tpu.memory_space<vmem>>)
    %dma_start3A_246 = arith.constant 0 : i32
    %dma_start3A_247 = arith.constant 0 : i32
    %dma_start3A_248 = tpu.memref_slice %arg42[%dma_start3A_246, %dma_start3A_247] : memref<10112x128xf32, #tpu.memory_space<vmem_shared>> -> memref<10112x128xf32, #tpu.memory_space<vmem_shared>>
    tpu.enqueue_indirect_dma source(%arg24 : memref<80x128xf32, #tpu.memory_space<vmem>>) target(%dma_start3A_248 : memref<10112x128xf32, #tpu.memory_space<vmem_shared>>) offsets(%arg16 : memref<80xi32, #tpu.memory_space<vmem>>) semaphore(%arg40 : memref<!tpu.dma_semaphore, #tpu.memory_space<semaphore_mem>>) {add = true}
    %ge3A_249 = arith.constant 123 : i32
    %ge3A_250 = arith.constant 2 : i32
    %ge3A_251 = arith.cmpi sge, %ge3A_249, %ge3A_250 : i32
    %convert_element_type3A_252 = arith.extui %ge3A_251 : i1 to i32
    %cond3A_253 = arith.constant 0 : i32
    %cond3A_254 = arith.cmpi ne, %convert_element_type3A_252, %cond3A_253 : i32
    scf.if %cond3A_254 {
      %dma_wait3A_323 = arith.constant 0 : i32
      %dma_wait3A_324 = arith.constant 0 : i32
      %dma_wait3A_325 = tpu.memref_slice %arg42[%dma_wait3A_323, %dma_wait3A_324] : memref<10112x128xf32, #tpu.memory_space<vmem_shared>> -> memref<10112x128xf32, #tpu.memory_space<vmem_shared>>
      tpu.wait_indirect_dma semaphore(%arg39 : memref<!tpu.dma_semaphore, #tpu.memory_space<semaphore_mem>>) src(%arg23 : memref<80x128xf32, #tpu.memory_space<vmem>>) dst(%dma_wait3A_325 : memref<10112x128xf32, #tpu.memory_space<vmem_shared>>)
    } else {
    }
    %add3A_255 = arith.constant 123 : i32
    %add3A_256 = arith.constant 8 : i32
    %add3A_257 = arith.addi %add3A_255, %add3A_256 : i32
    %sub3A_258 = arith.constant 2 : i32
    %sub3A_259 = arith.subi %add3A_257, %sub3A_258 : i32
    %lt3A_260 = arith.constant 125 : i32
    %lt3A_261 = arith.cmpi slt, %sub3A_259, %lt3A_260 : i32
    %convert_element_type3A_262 = arith.extui %lt3A_261 : i1 to i32
    %cond3A_263 = arith.constant 123 : i32
    %cond3A_264 = arith.constant 0 : i32
    %cond3A_265 = arith.cmpi ne, %convert_element_type3A_262, %cond3A_264 : i32
    scf.if %cond3A_265 {
      %add3A_323 = arith.constant 8 : i32
      %add3A_324 = arith.addi %cond3A_263, %add3A_323 : i32
      %sub3A_325 = arith.constant 2 : i32
      %sub3A_326 = arith.subi %add3A_324, %sub3A_325 : i32
      %mul3A_327 = arith.constant 80 : i32
      %mul3A_328 = arith.muli %sub3A_326, %mul3A_327 : i32
      %mul3A_329 = arith.constant 80 : i32
      %mul3A_330 = arith.muli %sub3A_326, %mul3A_329 : i32
      %dma_start3A_331 = tpu.memref_slice %arg3[%add3A_51, %mul3A_328] : memref<32x10000xi32, #tpu.memory_space<hbm>> -> memref<1x80xi32, #tpu.memory_space<hbm>>
      %dma_start3A_332 = tpu.memref_squeeze %dma_start3A_331 : memref<1x80xi32, #tpu.memory_space<hbm>> -> memref<80xi32, #tpu.memory_space<hbm>>
      %dma_start3A_333 = tpu.memref_slice %arg3[%add3A_51, %mul3A_328] : memref<32x10000xi32, #tpu.memory_space<hbm>> -> memref<1x80xi32, #tpu.memory_space<hbm>>
      %dma_start3A_334 = tpu.memref_squeeze %dma_start3A_333 : memref<1x80xi32, #tpu.memory_space<hbm>> -> memref<80xi32, #tpu.memory_space<hbm>>
      tpu.enqueue_dma source(%dma_start3A_334 : memref<80xi32, #tpu.memory_space<hbm>>) target(%arg7 : memref<80xi32, #tpu.memory_space<vmem>>) target_semaphore(%arg27 : memref<!tpu.dma_semaphore, #tpu.memory_space<semaphore_mem>>)
      %dma_start3A_335 = tpu.memref_slice %arg4[%add3A_51, %mul3A_330] : memref<32x10000xi32, #tpu.memory_space<hbm>> -> memref<1x80xi32, #tpu.memory_space<hbm>>
      %dma_start3A_336 = tpu.memref_squeeze %dma_start3A_335 : memref<1x80xi32, #tpu.memory_space<hbm>> -> memref<80xi32, #tpu.memory_space<hbm>>
      %dma_start3A_337 = tpu.memref_slice %arg4[%add3A_51, %mul3A_330] : memref<32x10000xi32, #tpu.memory_space<hbm>> -> memref<1x80xi32, #tpu.memory_space<hbm>>
      %dma_start3A_338 = tpu.memref_squeeze %dma_start3A_337 : memref<1x80xi32, #tpu.memory_space<hbm>> -> memref<80xi32, #tpu.memory_space<hbm>>
      tpu.enqueue_dma source(%dma_start3A_338 : memref<80xi32, #tpu.memory_space<hbm>>) target(%arg15 : memref<80xi32, #tpu.memory_space<vmem>>) target_semaphore(%arg27 : memref<!tpu.dma_semaphore, #tpu.memory_space<semaphore_mem>>)
    } else {
    }
    %add3A_266 = arith.constant 123 : i32
    %add3A_267 = arith.constant 2 : i32
    %add3A_268 = arith.addi %add3A_266, %add3A_267 : i32
    %lt3A_269 = arith.constant 125 : i32
    %lt3A_270 = arith.cmpi slt, %add3A_268, %lt3A_269 : i32
    %convert_element_type3A_271 = arith.extui %lt3A_270 : i1 to i32
    %cond3A_272 = arith.constant 123 : i32
    %cond3A_273 = arith.constant 0 : i32
    %cond3A_274 = arith.cmpi ne, %convert_element_type3A_271, %cond3A_273 : i32
    scf.if %cond3A_274 {
      %add3A_323 = arith.constant 2 : i32
      %add3A_324 = arith.addi %cond3A_272, %add3A_323 : i32
      %mul3A_325 = arith.constant 80 : i32
      %mul3A_326 = arith.muli %add3A_324, %mul3A_325 : i32
      %mul3A_327 = arith.constant 80 : i32
      %mul3A_328 = arith.muli %add3A_324, %mul3A_327 : i32
      %dma_wait3A_329 = tpu.memref_slice %arg3[%add3A_51, %mul3A_326] : memref<32x10000xi32, #tpu.memory_space<hbm>> -> memref<1x80xi32, #tpu.memory_space<hbm>>
      %dma_wait3A_330 = tpu.memref_squeeze %dma_wait3A_329 : memref<1x80xi32, #tpu.memory_space<hbm>> -> memref<80xi32, #tpu.memory_space<hbm>>
      %dma_wait3A_331 = tpu.memref_slice %arg3[%add3A_51, %mul3A_326] : memref<32x10000xi32, #tpu.memory_space<hbm>> -> memref<1x80xi32, #tpu.memory_space<hbm>>
      %dma_wait3A_332 = tpu.memref_squeeze %dma_wait3A_331 : memref<1x80xi32, #tpu.memory_space<hbm>> -> memref<80xi32, #tpu.memory_space<hbm>>
      tpu.wait_dma2 semaphore(%arg31 : memref<!tpu.dma_semaphore, #tpu.memory_space<semaphore_mem>>) src(%dma_wait3A_332 : memref<80xi32, #tpu.memory_space<hbm>>) dst(%arg11 : memref<80xi32, #tpu.memory_space<vmem>>)
      %dma_wait3A_333 = tpu.memref_slice %arg4[%add3A_51, %mul3A_328] : memref<32x10000xi32, #tpu.memory_space<hbm>> -> memref<1x80xi32, #tpu.memory_space<hbm>>
      %dma_wait3A_334 = tpu.memref_squeeze %dma_wait3A_333 : memref<1x80xi32, #tpu.memory_space<hbm>> -> memref<80xi32, #tpu.memory_space<hbm>>
      %dma_wait3A_335 = tpu.memref_slice %arg4[%add3A_51, %mul3A_328] : memref<32x10000xi32, #tpu.memory_space<hbm>> -> memref<1x80xi32, #tpu.memory_space<hbm>>
      %dma_wait3A_336 = tpu.memref_squeeze %dma_wait3A_335 : memref<1x80xi32, #tpu.memory_space<hbm>> -> memref<80xi32, #tpu.memory_space<hbm>>
      tpu.wait_dma2 semaphore(%arg31 : memref<!tpu.dma_semaphore, #tpu.memory_space<semaphore_mem>>) src(%dma_wait3A_336 : memref<80xi32, #tpu.memory_space<hbm>>) dst(%arg19 : memref<80xi32, #tpu.memory_space<vmem>>)
      %dma_start3A_337 = arith.constant 0 : i32
      %dma_start3A_338 = arith.constant 0 : i32
      %dma_start3A_339 = tpu.memref_slice %arg2[%dma_start3A_337, %dma_start3A_338] : memref<10000x128xf32, #tpu.memory_space<hbm>> -> memref<10000x128xf32, #tpu.memory_space<hbm>>
      tpu.enqueue_indirect_dma source(%dma_start3A_339 : memref<10000x128xf32, #tpu.memory_space<hbm>>) target(%arg23 : memref<80x128xf32, #tpu.memory_space<vmem>>) offsets(%arg11 : memref<80xi32, #tpu.memory_space<vmem>>) semaphore(%arg35 : memref<!tpu.dma_semaphore, #tpu.memory_space<semaphore_mem>>)
    } else {
    }
    %dma_wait3A_275 = arith.constant 0 : i32
    %dma_wait3A_276 = arith.constant 0 : i32
    %dma_wait3A_277 = tpu.memref_slice %arg2[%dma_wait3A_275, %dma_wait3A_276] : memref<10000x128xf32, #tpu.memory_space<hbm>> -> memref<10000x128xf32, #tpu.memory_space<hbm>>
    tpu.wait_indirect_dma semaphore(%arg37 : memref<!tpu.dma_semaphore, #tpu.memory_space<semaphore_mem>>) src(%dma_wait3A_277 : memref<10000x128xf32, #tpu.memory_space<hbm>>) dst(%arg25 : memref<80x128xf32, #tpu.memory_space<vmem>>)
    %dma_start3A_278 = arith.constant 0 : i32
    %dma_start3A_279 = arith.constant 0 : i32
    %dma_start3A_280 = tpu.memref_slice %arg42[%dma_start3A_278, %dma_start3A_279] : memref<10112x128xf32, #tpu.memory_space<vmem_shared>> -> memref<10112x128xf32, #tpu.memory_space<vmem_shared>>
    tpu.enqueue_indirect_dma source(%arg25 : memref<80x128xf32, #tpu.memory_space<vmem>>) target(%dma_start3A_280 : memref<10112x128xf32, #tpu.memory_space<vmem_shared>>) offsets(%arg17 : memref<80xi32, #tpu.memory_space<vmem>>) semaphore(%arg41 : memref<!tpu.dma_semaphore, #tpu.memory_space<semaphore_mem>>) {add = true}
    %ge3A_281 = arith.constant 124 : i32
    %ge3A_282 = arith.constant 2 : i32
    %ge3A_283 = arith.cmpi sge, %ge3A_281, %ge3A_282 : i32
    %convert_element_type3A_284 = arith.extui %ge3A_283 : i1 to i32
    %cond3A_285 = arith.constant 0 : i32
    %cond3A_286 = arith.cmpi ne, %convert_element_type3A_284, %cond3A_285 : i32
    scf.if %cond3A_286 {
      %dma_wait3A_323 = arith.constant 0 : i32
      %dma_wait3A_324 = arith.constant 0 : i32
      %dma_wait3A_325 = tpu.memref_slice %arg42[%dma_wait3A_323, %dma_wait3A_324] : memref<10112x128xf32, #tpu.memory_space<vmem_shared>> -> memref<10112x128xf32, #tpu.memory_space<vmem_shared>>
      tpu.wait_indirect_dma semaphore(%arg40 : memref<!tpu.dma_semaphore, #tpu.memory_space<semaphore_mem>>) src(%arg24 : memref<80x128xf32, #tpu.memory_space<vmem>>) dst(%dma_wait3A_325 : memref<10112x128xf32, #tpu.memory_space<vmem_shared>>)
    } else {
    }
    %add3A_287 = arith.constant 124 : i32
    %add3A_288 = arith.constant 8 : i32
    %add3A_289 = arith.addi %add3A_287, %add3A_288 : i32
    %sub3A_290 = arith.constant 2 : i32
    %sub3A_291 = arith.subi %add3A_289, %sub3A_290 : i32
    %lt3A_292 = arith.constant 125 : i32
    %lt3A_293 = arith.cmpi slt, %sub3A_291, %lt3A_292 : i32
    %convert_element_type3A_294 = arith.extui %lt3A_293 : i1 to i32
    %cond3A_295 = arith.constant 124 : i32
    %cond3A_296 = arith.constant 0 : i32
    %cond3A_297 = arith.cmpi ne, %convert_element_type3A_294, %cond3A_296 : i32
    scf.if %cond3A_297 {
      %add3A_323 = arith.constant 8 : i32
      %add3A_324 = arith.addi %cond3A_295, %add3A_323 : i32
      %sub3A_325 = arith.constant 2 : i32
      %sub3A_326 = arith.subi %add3A_324, %sub3A_325 : i32
      %mul3A_327 = arith.constant 80 : i32
      %mul3A_328 = arith.muli %sub3A_326, %mul3A_327 : i32
      %mul3A_329 = arith.constant 80 : i32
      %mul3A_330 = arith.muli %sub3A_326, %mul3A_329 : i32
      %dma_start3A_331 = tpu.memref_slice %arg3[%add3A_51, %mul3A_328] : memref<32x10000xi32, #tpu.memory_space<hbm>> -> memref<1x80xi32, #tpu.memory_space<hbm>>
      %dma_start3A_332 = tpu.memref_squeeze %dma_start3A_331 : memref<1x80xi32, #tpu.memory_space<hbm>> -> memref<80xi32, #tpu.memory_space<hbm>>
      %dma_start3A_333 = tpu.memref_slice %arg3[%add3A_51, %mul3A_328] : memref<32x10000xi32, #tpu.memory_space<hbm>> -> memref<1x80xi32, #tpu.memory_space<hbm>>
      %dma_start3A_334 = tpu.memref_squeeze %dma_start3A_333 : memref<1x80xi32, #tpu.memory_space<hbm>> -> memref<80xi32, #tpu.memory_space<hbm>>
      tpu.enqueue_dma source(%dma_start3A_334 : memref<80xi32, #tpu.memory_space<hbm>>) target(%arg8 : memref<80xi32, #tpu.memory_space<vmem>>) target_semaphore(%arg28 : memref<!tpu.dma_semaphore, #tpu.memory_space<semaphore_mem>>)
      %dma_start3A_335 = tpu.memref_slice %arg4[%add3A_51, %mul3A_330] : memref<32x10000xi32, #tpu.memory_space<hbm>> -> memref<1x80xi32, #tpu.memory_space<hbm>>
      %dma_start3A_336 = tpu.memref_squeeze %dma_start3A_335 : memref<1x80xi32, #tpu.memory_space<hbm>> -> memref<80xi32, #tpu.memory_space<hbm>>
      %dma_start3A_337 = tpu.memref_slice %arg4[%add3A_51, %mul3A_330] : memref<32x10000xi32, #tpu.memory_space<hbm>> -> memref<1x80xi32, #tpu.memory_space<hbm>>
      %dma_start3A_338 = tpu.memref_squeeze %dma_start3A_337 : memref<1x80xi32, #tpu.memory_space<hbm>> -> memref<80xi32, #tpu.memory_space<hbm>>
      tpu.enqueue_dma source(%dma_start3A_338 : memref<80xi32, #tpu.memory_space<hbm>>) target(%arg16 : memref<80xi32, #tpu.memory_space<vmem>>) target_semaphore(%arg28 : memref<!tpu.dma_semaphore, #tpu.memory_space<semaphore_mem>>)
    } else {
    }
    %add3A_298 = arith.constant 124 : i32
    %add3A_299 = arith.constant 2 : i32
    %add3A_300 = arith.addi %add3A_298, %add3A_299 : i32
    %lt3A_301 = arith.constant 125 : i32
    %lt3A_302 = arith.cmpi slt, %add3A_300, %lt3A_301 : i32
    %convert_element_type3A_303 = arith.extui %lt3A_302 : i1 to i32
    %cond3A_304 = arith.constant 124 : i32
    %cond3A_305 = arith.constant 0 : i32
    %cond3A_306 = arith.cmpi ne, %convert_element_type3A_303, %cond3A_305 : i32
    scf.if %cond3A_306 {
      %add3A_323 = arith.constant 2 : i32
      %add3A_324 = arith.addi %cond3A_304, %add3A_323 : i32
      %mul3A_325 = arith.constant 80 : i32
      %mul3A_326 = arith.muli %add3A_324, %mul3A_325 : i32
      %mul3A_327 = arith.constant 80 : i32
      %mul3A_328 = arith.muli %add3A_324, %mul3A_327 : i32
      %dma_wait3A_329 = tpu.memref_slice %arg3[%add3A_51, %mul3A_326] : memref<32x10000xi32, #tpu.memory_space<hbm>> -> memref<1x80xi32, #tpu.memory_space<hbm>>
      %dma_wait3A_330 = tpu.memref_squeeze %dma_wait3A_329 : memref<1x80xi32, #tpu.memory_space<hbm>> -> memref<80xi32, #tpu.memory_space<hbm>>
      %dma_wait3A_331 = tpu.memref_slice %arg3[%add3A_51, %mul3A_326] : memref<32x10000xi32, #tpu.memory_space<hbm>> -> memref<1x80xi32, #tpu.memory_space<hbm>>
      %dma_wait3A_332 = tpu.memref_squeeze %dma_wait3A_331 : memref<1x80xi32, #tpu.memory_space<hbm>> -> memref<80xi32, #tpu.memory_space<hbm>>
      tpu.wait_dma2 semaphore(%arg32 : memref<!tpu.dma_semaphore, #tpu.memory_space<semaphore_mem>>) src(%dma_wait3A_332 : memref<80xi32, #tpu.memory_space<hbm>>) dst(%arg12 : memref<80xi32, #tpu.memory_space<vmem>>)
      %dma_wait3A_333 = tpu.memref_slice %arg4[%add3A_51, %mul3A_328] : memref<32x10000xi32, #tpu.memory_space<hbm>> -> memref<1x80xi32, #tpu.memory_space<hbm>>
      %dma_wait3A_334 = tpu.memref_squeeze %dma_wait3A_333 : memref<1x80xi32, #tpu.memory_space<hbm>> -> memref<80xi32, #tpu.memory_space<hbm>>
      %dma_wait3A_335 = tpu.memref_slice %arg4[%add3A_51, %mul3A_328] : memref<32x10000xi32, #tpu.memory_space<hbm>> -> memref<1x80xi32, #tpu.memory_space<hbm>>
      %dma_wait3A_336 = tpu.memref_squeeze %dma_wait3A_335 : memref<1x80xi32, #tpu.memory_space<hbm>> -> memref<80xi32, #tpu.memory_space<hbm>>
      tpu.wait_dma2 semaphore(%arg32 : memref<!tpu.dma_semaphore, #tpu.memory_space<semaphore_mem>>) src(%dma_wait3A_336 : memref<80xi32, #tpu.memory_space<hbm>>) dst(%arg20 : memref<80xi32, #tpu.memory_space<vmem>>)
      %dma_start3A_337 = arith.constant 0 : i32
      %dma_start3A_338 = arith.constant 0 : i32
      %dma_start3A_339 = tpu.memref_slice %arg2[%dma_start3A_337, %dma_start3A_338] : memref<10000x128xf32, #tpu.memory_space<hbm>> -> memref<10000x128xf32, #tpu.memory_space<hbm>>
      tpu.enqueue_indirect_dma source(%dma_start3A_339 : memref<10000x128xf32, #tpu.memory_space<hbm>>) target(%arg24 : memref<80x128xf32, #tpu.memory_space<vmem>>) offsets(%arg12 : memref<80xi32, #tpu.memory_space<vmem>>) semaphore(%arg36 : memref<!tpu.dma_semaphore, #tpu.memory_space<semaphore_mem>>)
    } else {
    }
    %dma_wait3A_307 = arith.constant 0 : i32
    %dma_wait3A_308 = arith.constant 0 : i32
    %dma_wait3A_309 = tpu.memref_slice %arg2[%dma_wait3A_307, %dma_wait3A_308] : memref<10000x128xf32, #tpu.memory_space<hbm>> -> memref<10000x128xf32, #tpu.memory_space<hbm>>
    tpu.wait_indirect_dma semaphore(%arg34 : memref<!tpu.dma_semaphore, #tpu.memory_space<semaphore_mem>>) src(%dma_wait3A_309 : memref<10000x128xf32, #tpu.memory_space<hbm>>) dst(%arg22 : memref<80x128xf32, #tpu.memory_space<vmem>>)
    %dma_start3A_310 = arith.constant 0 : i32
    %dma_start3A_311 = arith.constant 0 : i32
    %dma_start3A_312 = tpu.memref_slice %arg42[%dma_start3A_310, %dma_start3A_311] : memref<10112x128xf32, #tpu.memory_space<vmem_shared>> -> memref<10112x128xf32, #tpu.memory_space<vmem_shared>>
    tpu.enqueue_indirect_dma source(%arg22 : memref<80x128xf32, #tpu.memory_space<vmem>>) target(%dma_start3A_312 : memref<10112x128xf32, #tpu.memory_space<vmem_shared>>) offsets(%arg18 : memref<80xi32, #tpu.memory_space<vmem>>) semaphore(%arg38 : memref<!tpu.dma_semaphore, #tpu.memory_space<semaphore_mem>>) {add = true}
    %dma_wait3A_313 = arith.constant 0 : i32
    %dma_wait3A_314 = arith.constant 0 : i32
    %dma_wait3A_315 = tpu.memref_slice %arg42[%dma_wait3A_313, %dma_wait3A_314] : memref<10112x128xf32, #tpu.memory_space<vmem_shared>> -> memref<10112x128xf32, #tpu.memory_space<vmem_shared>>
    tpu.wait_indirect_dma semaphore(%arg41 : memref<!tpu.dma_semaphore, #tpu.memory_space<semaphore_mem>>) src(%arg25 : memref<80x128xf32, #tpu.memory_space<vmem>>) dst(%dma_wait3A_315 : memref<10112x128xf32, #tpu.memory_space<vmem_shared>>)
    %dma_wait3A_316 = arith.constant 0 : i32
    %dma_wait3A_317 = arith.constant 0 : i32
    %dma_wait3A_318 = tpu.memref_slice %arg42[%dma_wait3A_316, %dma_wait3A_317] : memref<10112x128xf32, #tpu.memory_space<vmem_shared>> -> memref<10112x128xf32, #tpu.memory_space<vmem_shared>>
    tpu.wait_indirect_dma semaphore(%arg38 : memref<!tpu.dma_semaphore, #tpu.memory_space<semaphore_mem>>) src(%arg22 : memref<80x128xf32, #tpu.memory_space<vmem>>) dst(%dma_wait3A_318 : memref<10112x128xf32, #tpu.memory_space<vmem_shared>>)
    %barrier3A_319 = arith.constant 0 : index
    tpu.barrier barrier_id(%barrier3A_319)
    %mul3A_320 = arith.constant 10112 : i32
    %mul3A_321 = arith.muli %arg0, %mul3A_320 : i32
    %add3A_322 = arith.addi %mul3A_321, %mul3A_0 : i32
    "tpu.region"() ({
      %run_scoped3A = tpu.sem_alloc : memref<!tpu.dma_semaphore, #tpu.memory_space<semaphore_mem>>
      %dma_start3A_323 = arith.constant 0 : i32
      %dma_start3A_324 = tpu.memref_slice %arg5[%add3A_322, %dma_start3A_323] : memref<20224x128xf32, #tpu.memory_space<hbm>> -> memref<632x128xf32, #tpu.memory_space<hbm>>
      %dma_start3A_325 = arith.constant 0 : i32
      %dma_start3A_326 = tpu.memref_slice %arg42[%mul3A_0, %dma_start3A_325] : memref<10112x128xf32, #tpu.memory_space<vmem_shared>> -> memref<632x128xf32, #tpu.memory_space<vmem_shared>>
      tpu.enqueue_dma source(%dma_start3A_326 : memref<632x128xf32, #tpu.memory_space<vmem_shared>>) target(%dma_start3A_324 : memref<632x128xf32, #tpu.memory_space<hbm>>) target_semaphore(%run_scoped3A : memref<!tpu.dma_semaphore, #tpu.memory_space<semaphore_mem>>)
      %dma_wait3A_327 = arith.constant 0 : i32
      %dma_wait3A_328 = tpu.memref_slice %arg5[%add3A_322, %dma_wait3A_327] : memref<20224x128xf32, #tpu.memory_space<hbm>> -> memref<632x128xf32, #tpu.memory_space<hbm>>
      %dma_wait3A_329 = arith.constant 0 : i32
      %dma_wait3A_330 = tpu.memref_slice %arg42[%mul3A_0, %dma_wait3A_329] : memref<10112x128xf32, #tpu.memory_space<vmem_shared>> -> memref<632x128xf32, #tpu.memory_space<vmem_shared>>
      tpu.wait_dma2 semaphore(%run_scoped3A : memref<!tpu.dma_semaphore, #tpu.memory_space<semaphore_mem>>) src(%dma_wait3A_330 : memref<632x128xf32, #tpu.memory_space<vmem_shared>>) dst(%dma_wait3A_328 : memref<632x128xf32, #tpu.memory_space<hbm>>)
      tpu.yield
    }) : () -> ()
    return
  }
}

module attributes {stable_mosaic.version = 14 : i64} {
  func.func @body(%arg0: i32, %arg1: memref<1000x128xf32, #tpu.memory_space<vmem>>, %arg2: memref<1x1000x128xf32, #tpu.memory_space<vmem>>, %arg3: memref<1x1000x128xf32, #tpu.memory_space<vmem>>, %arg4: memref<1x1000x1xf32, #tpu.memory_space<vmem>>, %arg5: memref<1x1000x1xf32, #tpu.memory_space<vmem>>, %arg6: memref<128x128xf32, #tpu.memory_space<vmem>>, %arg7: memref<128x128xf32, #tpu.memory_space<vmem>>, %arg8: memref<1x128xf32, #tpu.memory_space<vmem>>, %arg9: memref<1000x128xf32, #tpu.memory_space<vmem>>) attributes {dimension_semantics = [#tpu.dimension_semantics<arbitrary>], iteration_bounds = array<i64: 10>, scalar_prefetch = 0 : i64, scratch_operands = 0 : i64, tpu.core_type = #tpu.core_type<tc>, window_params = [{transform_indices = @transform_0, window_bounds = array<i64: 1000, 128>}, {transform_indices = @transform_1, window_bounds = array<i64: 1, 1000, 128>}, {transform_indices = @transform_2, window_bounds = array<i64: 1, 1000, 128>}, {transform_indices = @transform_3, window_bounds = array<i64: 1, 1000, 1>}, {transform_indices = @transform_4, window_bounds = array<i64: 1, 1000, 1>}, {pipeline_mode = #tpu.pipeline_mode<synchronous>, transform_indices = @transform_5, window_bounds = array<i64: 128, 128>}, {pipeline_mode = #tpu.pipeline_mode<synchronous>, transform_indices = @transform_6, window_bounds = array<i64: 128, 128>}, {pipeline_mode = #tpu.pipeline_mode<synchronous>, transform_indices = @transform_7, window_bounds = array<i64: 1, 128>}, {transform_indices = @transform_8, window_bounds = array<i64: 1000, 128>}]} {
    %get3A = arith.constant 0 : index
    %get3A_0 = arith.constant 0 : index
    %get3A_1 = arith.constant 0 : index
    %get3A_2 = vector.load %arg4[%get3A, %get3A_0, %get3A_1] : memref<1x1000x1xf32, #tpu.memory_space<vmem>>, vector<1x1000x1xf32>
    %get3A_3 = vector.shape_cast %get3A_2 : vector<1x1000x1xf32> to vector<1000x1xf32>
    %get3A_4 = arith.constant 0 : index
    %get3A_5 = arith.constant 0 : index
    %get3A_6 = arith.constant 0 : index
    %get3A_7 = vector.load %arg5[%get3A_4, %get3A_5, %get3A_6] : memref<1x1000x1xf32, #tpu.memory_space<vmem>>, vector<1x1000x1xf32>
    %get3A_8 = vector.shape_cast %get3A_7 : vector<1x1000x1xf32> to vector<1000x1xf32>
    %add3A = arith.addf %get3A_3, %get3A_8 : vector<1000x1xf32>
    %max3A = arith.constant 1.000000e+00 : f32
    %max3A_9 = vector.broadcast %max3A : f32 to vector<1000x1xf32>
    %max3A_10 = arith.maximumf %add3A, %max3A_9 : vector<1000x1xf32>
    %div3A = arith.constant 1.000000e+00 : f32
    %div3A_11 = vector.broadcast %div3A : f32 to vector<1000x1xf32>
    %div3A_12 = arith.divf %div3A_11, %max3A_10 : vector<1000x1xf32>
    %get3A_13 = arith.constant 0 : index
    %get3A_14 = arith.constant 0 : index
    %get3A_15 = arith.constant 0 : index
    %get3A_16 = vector.load %arg2[%get3A_13, %get3A_14, %get3A_15] : memref<1x1000x128xf32, #tpu.memory_space<vmem>>, vector<1x1000x128xf32>
    %get3A_17 = vector.shape_cast %get3A_16 : vector<1x1000x128xf32> to vector<1000x128xf32>
    %get3A_18 = arith.constant 0 : index
    %get3A_19 = arith.constant 0 : index
    %get3A_20 = arith.constant 0 : index
    %get3A_21 = vector.load %arg3[%get3A_18, %get3A_19, %get3A_20] : memref<1x1000x128xf32, #tpu.memory_space<vmem>>, vector<1x1000x128xf32>
    %get3A_22 = vector.shape_cast %get3A_21 : vector<1x1000x128xf32> to vector<1000x128xf32>
    %add3A_23 = arith.addf %get3A_17, %get3A_22 : vector<1000x128xf32>
    %mul3A = vector.broadcast %div3A_12 : vector<1000x1xf32> to vector<1000x128xf32>
    %mul3A_24 = arith.mulf %add3A_23, %mul3A : vector<1000x128xf32>
    %get3A_25 = arith.constant 0 : index
    %get3A_26 = arith.constant 0 : index
    %get3A_27 = vector.load %arg1[%get3A_25, %get3A_26] : memref<1000x128xf32, #tpu.memory_space<vmem>>, vector<1000x128xf32>
    %get3A_28 = arith.constant 0 : index
    %get3A_29 = arith.constant 0 : index
    %get3A_30 = vector.load %arg6[%get3A_28, %get3A_29] : memref<128x128xf32, #tpu.memory_space<vmem>>, vector<128x128xf32>
    %dot_general3A = arith.constant dense<0.000000e+00> : vector<1000x128xf32>
    %dot_general3A_31 = tpu.matmul %get3A_27, %get3A_30, %dot_general3A {dimension_numbers = #tpu.dot_dimension_numbers<[1], [0], [0], [1], [0, 0, 1, 1], [], []>, transpose_lhs_hint = false} : vector<1000x128xf32>, vector<128x128xf32>, vector<1000x128xf32> -> vector<1000x128xf32>
    %get3A_32 = arith.constant 0 : index
    %get3A_33 = arith.constant 0 : index
    %get3A_34 = vector.load %arg7[%get3A_32, %get3A_33] : memref<128x128xf32, #tpu.memory_space<vmem>>, vector<128x128xf32>
    %dot_general3A_35 = arith.constant dense<0.000000e+00> : vector<1000x128xf32>
    %dot_general3A_36 = tpu.matmul %mul3A_24, %get3A_34, %dot_general3A_35 {dimension_numbers = #tpu.dot_dimension_numbers<[1], [0], [0], [1], [0, 0, 1, 1], [], []>, transpose_lhs_hint = false} : vector<1000x128xf32>, vector<128x128xf32>, vector<1000x128xf32> -> vector<1000x128xf32>
    %add3A_37 = arith.addf %dot_general3A_31, %dot_general3A_36 : vector<1000x128xf32>
    %get3A_38 = arith.constant 0 : index
    %get3A_39 = arith.constant 0 : index
    %get3A_40 = vector.load %arg8[%get3A_38, %get3A_39] : memref<1x128xf32, #tpu.memory_space<vmem>>, vector<1x128xf32>
    %add3A_41 = vector.broadcast %get3A_40 : vector<1x128xf32> to vector<1000x128xf32>
    %add3A_42 = arith.addf %add3A_37, %add3A_41 : vector<1000x128xf32>
    %max3A_43 = arith.constant 0.000000e+00 : f32
    %max3A_44 = vector.broadcast %max3A_43 : f32 to vector<1000x128xf32>
    %max3A_45 = arith.maximumf %add3A_42, %max3A_44 : vector<1000x128xf32>
    %swap3A = arith.constant 0 : index
    %swap3A_46 = arith.constant 0 : index
    %swap3A_47 = vector.load %arg9[%swap3A, %swap3A_46] : memref<1000x128xf32, #tpu.memory_space<vmem>>, vector<1000x128xf32>
    tpu.vector_store %arg9[%swap3A, %swap3A_46], %max3A_45 {strides = array<i32>} : memref<1000x128xf32, #tpu.memory_space<vmem>>, vector<1000x128xf32>,
    return
  }
  func.func @transform_0(%arg0: i32) -> (i32, i32) {
    %c0_i32 = arith.constant 0 : i32
    %c0_i32_0 = arith.constant 0 : i32
    return %arg0, %c0_i32 : i32, i32
  }
  func.func @transform_1(%arg0: i32) -> (i32, i32, i32) {
    %c0_i32 = arith.constant 0 : i32
    %c0_i32_0 = arith.constant 0 : i32
    %c0_i32_1 = arith.constant 0 : i32
    return %c0_i32, %arg0, %c0_i32_0 : i32, i32, i32
  }
  func.func @transform_2(%arg0: i32) -> (i32, i32, i32) {
    %c1_i32 = arith.constant 1 : i32
    %c0_i32 = arith.constant 0 : i32
    %c0_i32_0 = arith.constant 0 : i32
    return %c1_i32, %arg0, %c0_i32 : i32, i32, i32
  }
  func.func @transform_3(%arg0: i32) -> (i32, i32, i32) {
    %c0_i32 = arith.constant 0 : i32
    %c0_i32_0 = arith.constant 0 : i32
    %c0_i32_1 = arith.constant 0 : i32
    return %c0_i32, %arg0, %c0_i32_0 : i32, i32, i32
  }
  func.func @transform_4(%arg0: i32) -> (i32, i32, i32) {
    %c1_i32 = arith.constant 1 : i32
    %c0_i32 = arith.constant 0 : i32
    %c0_i32_0 = arith.constant 0 : i32
    return %c1_i32, %arg0, %c0_i32 : i32, i32, i32
  }
  func.func @transform_5(%arg0: i32) -> (i32, i32) {
    %c0_i32 = arith.constant 0 : i32
    %c0_i32_0 = arith.constant 0 : i32
    %c0_i32_1 = arith.constant 0 : i32
    return %c0_i32, %c0_i32_0 : i32, i32
  }
  func.func @transform_6(%arg0: i32) -> (i32, i32) {
    %c0_i32 = arith.constant 0 : i32
    %c0_i32_0 = arith.constant 0 : i32
    %c0_i32_1 = arith.constant 0 : i32
    return %c0_i32, %c0_i32_0 : i32, i32
  }
  func.func @transform_7(%arg0: i32) -> (i32, i32) {
    %c0_i32 = arith.constant 0 : i32
    %c0_i32_0 = arith.constant 0 : i32
    %c0_i32_1 = arith.constant 0 : i32
    return %c0_i32, %c0_i32_0 : i32, i32
  }
  func.func @transform_8(%arg0: i32) -> (i32, i32) {
    %c0_i32 = arith.constant 0 : i32
    %c0_i32_0 = arith.constant 0 : i32
    return %arg0, %c0_i32 : i32, i32
  }
}

module attributes {stable_mosaic.version = 14 : i64} {
  func.func @body(%arg0: i32, %arg1: memref<1000x128xf32, #tpu.memory_space<vmem>>, %arg2: memref<1x1000x128xf32, #tpu.memory_space<vmem>>, %arg3: memref<1x1000x128xf32, #tpu.memory_space<vmem>>, %arg4: memref<1x1000x1xf32, #tpu.memory_space<vmem>>, %arg5: memref<1x1000x1xf32, #tpu.memory_space<vmem>>, %arg6: memref<128x128xf32, #tpu.memory_space<vmem>>, %arg7: memref<128x128xf32, #tpu.memory_space<vmem>>, %arg8: memref<1x128xf32, #tpu.memory_space<vmem>>, %arg9: memref<128x64xf32, #tpu.memory_space<vmem>>, %arg10: memref<1x64xf32, #tpu.memory_space<vmem>>, %arg11: memref<1000x64xf32, #tpu.memory_space<vmem>>, %arg12: memref<1000x128xf32, #tpu.memory_space<vmem>>) attributes {dimension_semantics = [#tpu.dimension_semantics<arbitrary>], iteration_bounds = array<i64: 10>, scalar_prefetch = 0 : i64, scratch_operands = 0 : i64, tpu.core_type = #tpu.core_type<tc>, window_params = [{transform_indices = @transform_0, window_bounds = array<i64: 1000, 128>}, {transform_indices = @transform_1, window_bounds = array<i64: 1, 1000, 128>}, {transform_indices = @transform_2, window_bounds = array<i64: 1, 1000, 128>}, {transform_indices = @transform_3, window_bounds = array<i64: 1, 1000, 1>}, {transform_indices = @transform_4, window_bounds = array<i64: 1, 1000, 1>}, {pipeline_mode = #tpu.pipeline_mode<synchronous>, transform_indices = @transform_5, window_bounds = array<i64: 128, 128>}, {pipeline_mode = #tpu.pipeline_mode<synchronous>, transform_indices = @transform_6, window_bounds = array<i64: 128, 128>}, {pipeline_mode = #tpu.pipeline_mode<synchronous>, transform_indices = @transform_7, window_bounds = array<i64: 1, 128>}, {pipeline_mode = #tpu.pipeline_mode<synchronous>, transform_indices = @transform_8, window_bounds = array<i64: 128, 64>}, {pipeline_mode = #tpu.pipeline_mode<synchronous>, transform_indices = @transform_9, window_bounds = array<i64: 1, 64>}, {transform_indices = @transform_10, window_bounds = array<i64: 1000, 64>}, {transform_indices = @transform_11, window_bounds = array<i64: 1000, 128>}]} {
    %get3A = arith.constant 0 : index
    %get3A_0 = arith.constant 0 : index
    %get3A_1 = arith.constant 0 : index
    %get3A_2 = vector.load %arg4[%get3A, %get3A_0, %get3A_1] : memref<1x1000x1xf32, #tpu.memory_space<vmem>>, vector<1x1000x1xf32>
    %get3A_3 = vector.shape_cast %get3A_2 : vector<1x1000x1xf32> to vector<1000x1xf32>
    %get3A_4 = arith.constant 0 : index
    %get3A_5 = arith.constant 0 : index
    %get3A_6 = arith.constant 0 : index
    %get3A_7 = vector.load %arg5[%get3A_4, %get3A_5, %get3A_6] : memref<1x1000x1xf32, #tpu.memory_space<vmem>>, vector<1x1000x1xf32>
    %get3A_8 = vector.shape_cast %get3A_7 : vector<1x1000x1xf32> to vector<1000x1xf32>
    %add3A = arith.addf %get3A_3, %get3A_8 : vector<1000x1xf32>
    %max3A = arith.constant 1.000000e+00 : f32
    %max3A_9 = vector.broadcast %max3A : f32 to vector<1000x1xf32>
    %max3A_10 = arith.maximumf %add3A, %max3A_9 : vector<1000x1xf32>
    %div3A = arith.constant 1.000000e+00 : f32
    %div3A_11 = vector.broadcast %div3A : f32 to vector<1000x1xf32>
    %div3A_12 = arith.divf %div3A_11, %max3A_10 : vector<1000x1xf32>
    %get3A_13 = arith.constant 0 : index
    %get3A_14 = arith.constant 0 : index
    %get3A_15 = arith.constant 0 : index
    %get3A_16 = vector.load %arg2[%get3A_13, %get3A_14, %get3A_15] : memref<1x1000x128xf32, #tpu.memory_space<vmem>>, vector<1x1000x128xf32>
    %get3A_17 = vector.shape_cast %get3A_16 : vector<1x1000x128xf32> to vector<1000x128xf32>
    %get3A_18 = arith.constant 0 : index
    %get3A_19 = arith.constant 0 : index
    %get3A_20 = arith.constant 0 : index
    %get3A_21 = vector.load %arg3[%get3A_18, %get3A_19, %get3A_20] : memref<1x1000x128xf32, #tpu.memory_space<vmem>>, vector<1x1000x128xf32>
    %get3A_22 = vector.shape_cast %get3A_21 : vector<1x1000x128xf32> to vector<1000x128xf32>
    %add3A_23 = arith.addf %get3A_17, %get3A_22 : vector<1000x128xf32>
    %mul3A = vector.broadcast %div3A_12 : vector<1000x1xf32> to vector<1000x128xf32>
    %mul3A_24 = arith.mulf %add3A_23, %mul3A : vector<1000x128xf32>
    %get3A_25 = arith.constant 0 : index
    %get3A_26 = arith.constant 0 : index
    %get3A_27 = vector.load %arg1[%get3A_25, %get3A_26] : memref<1000x128xf32, #tpu.memory_space<vmem>>, vector<1000x128xf32>
    %get3A_28 = arith.constant 0 : index
    %get3A_29 = arith.constant 0 : index
    %get3A_30 = vector.load %arg6[%get3A_28, %get3A_29] : memref<128x128xf32, #tpu.memory_space<vmem>>, vector<128x128xf32>
    %dot_general3A = arith.constant dense<0.000000e+00> : vector<1000x128xf32>
    %dot_general3A_31 = tpu.matmul %get3A_27, %get3A_30, %dot_general3A {dimension_numbers = #tpu.dot_dimension_numbers<[1], [0], [0], [1], [0, 0, 1, 1], [], []>, transpose_lhs_hint = false} : vector<1000x128xf32>, vector<128x128xf32>, vector<1000x128xf32> -> vector<1000x128xf32>
    %get3A_32 = arith.constant 0 : index
    %get3A_33 = arith.constant 0 : index
    %get3A_34 = vector.load %arg7[%get3A_32, %get3A_33] : memref<128x128xf32, #tpu.memory_space<vmem>>, vector<128x128xf32>
    %dot_general3A_35 = arith.constant dense<0.000000e+00> : vector<1000x128xf32>
    %dot_general3A_36 = tpu.matmul %mul3A_24, %get3A_34, %dot_general3A_35 {dimension_numbers = #tpu.dot_dimension_numbers<[1], [0], [0], [1], [0, 0, 1, 1], [], []>, transpose_lhs_hint = false} : vector<1000x128xf32>, vector<128x128xf32>, vector<1000x128xf32> -> vector<1000x128xf32>
    %add3A_37 = arith.addf %dot_general3A_31, %dot_general3A_36 : vector<1000x128xf32>
    %get3A_38 = arith.constant 0 : index
    %get3A_39 = arith.constant 0 : index
    %get3A_40 = vector.load %arg8[%get3A_38, %get3A_39] : memref<1x128xf32, #tpu.memory_space<vmem>>, vector<1x128xf32>
    %add3A_41 = vector.broadcast %get3A_40 : vector<1x128xf32> to vector<1000x128xf32>
    %add3A_42 = arith.addf %add3A_37, %add3A_41 : vector<1000x128xf32>
    %swap3A = arith.constant 0 : index
    %swap3A_43 = arith.constant 0 : index
    %swap3A_44 = vector.load %arg12[%swap3A, %swap3A_43] : memref<1000x128xf32, #tpu.memory_space<vmem>>, vector<1000x128xf32>
    tpu.vector_store %arg12[%swap3A, %swap3A_43], %add3A_42 {strides = array<i32>} : memref<1000x128xf32, #tpu.memory_space<vmem>>, vector<1000x128xf32>,
    %get3A_45 = arith.constant 0 : index
    %get3A_46 = arith.constant 0 : index
    %get3A_47 = vector.load %arg9[%get3A_45, %get3A_46] : memref<128x64xf32, #tpu.memory_space<vmem>>, vector<128x64xf32>
    %dot_general3A_48 = arith.constant dense<0.000000e+00> : vector<1000x64xf32>
    %dot_general3A_49 = tpu.matmul %add3A_42, %get3A_47, %dot_general3A_48 {dimension_numbers = #tpu.dot_dimension_numbers<[1], [0], [0], [1], [0, 0, 1, 1], [], []>, transpose_lhs_hint = false} : vector<1000x128xf32>, vector<128x64xf32>, vector<1000x64xf32> -> vector<1000x64xf32>
    %get3A_50 = arith.constant 0 : index
    %get3A_51 = arith.constant 0 : index
    %get3A_52 = vector.load %arg10[%get3A_50, %get3A_51] : memref<1x64xf32, #tpu.memory_space<vmem>>, vector<1x64xf32>
    %add3A_53 = vector.broadcast %get3A_52 : vector<1x64xf32> to vector<1000x64xf32>
    %add3A_54 = arith.addf %dot_general3A_49, %add3A_53 : vector<1000x64xf32>
    %swap3A_55 = arith.constant 0 : index
    %swap3A_56 = arith.constant 0 : index
    %swap3A_57 = vector.load %arg11[%swap3A_55, %swap3A_56] : memref<1000x64xf32, #tpu.memory_space<vmem>>, vector<1000x64xf32>
    tpu.vector_store %arg11[%swap3A_55, %swap3A_56], %add3A_54 {strides = array<i32>} : memref<1000x64xf32, #tpu.memory_space<vmem>>, vector<1000x64xf32>,
    return
  }
  func.func @transform_0(%arg0: i32) -> (i32, i32) {
    %c0_i32 = arith.constant 0 : i32
    %c0_i32_0 = arith.constant 0 : i32
    return %arg0, %c0_i32 : i32, i32
  }
  func.func @transform_1(%arg0: i32) -> (i32, i32, i32) {
    %c0_i32 = arith.constant 0 : i32
    %c0_i32_0 = arith.constant 0 : i32
    %c0_i32_1 = arith.constant 0 : i32
    return %c0_i32, %arg0, %c0_i32_0 : i32, i32, i32
  }
  func.func @transform_2(%arg0: i32) -> (i32, i32, i32) {
    %c1_i32 = arith.constant 1 : i32
    %c0_i32 = arith.constant 0 : i32
    %c0_i32_0 = arith.constant 0 : i32
    return %c1_i32, %arg0, %c0_i32 : i32, i32, i32
  }
  func.func @transform_3(%arg0: i32) -> (i32, i32, i32) {
    %c0_i32 = arith.constant 0 : i32
    %c0_i32_0 = arith.constant 0 : i32
    %c0_i32_1 = arith.constant 0 : i32
    return %c0_i32, %arg0, %c0_i32_0 : i32, i32, i32
  }
  func.func @transform_4(%arg0: i32) -> (i32, i32, i32) {
    %c1_i32 = arith.constant 1 : i32
    %c0_i32 = arith.constant 0 : i32
    %c0_i32_0 = arith.constant 0 : i32
    return %c1_i32, %arg0, %c0_i32 : i32, i32, i32
  }
  func.func @transform_5(%arg0: i32) -> (i32, i32) {
    %c0_i32 = arith.constant 0 : i32
    %c0_i32_0 = arith.constant 0 : i32
    %c0_i32_1 = arith.constant 0 : i32
    return %c0_i32, %c0_i32_0 : i32, i32
  }
  func.func @transform_6(%arg0: i32) -> (i32, i32) {
    %c0_i32 = arith.constant 0 : i32
    %c0_i32_0 = arith.constant 0 : i32
    %c0_i32_1 = arith.constant 0 : i32
    return %c0_i32, %c0_i32_0 : i32, i32
  }
  func.func @transform_7(%arg0: i32) -> (i32, i32) {
    %c0_i32 = arith.constant 0 : i32
    %c0_i32_0 = arith.constant 0 : i32
    %c0_i32_1 = arith.constant 0 : i32
    return %c0_i32, %c0_i32_0 : i32, i32
  }
  func.func @transform_8(%arg0: i32) -> (i32, i32) {
    %c0_i32 = arith.constant 0 : i32
    %c0_i32_0 = arith.constant 0 : i32
    %c0_i32_1 = arith.constant 0 : i32
    return %c0_i32, %c0_i32_0 : i32, i32
  }
  func.func @transform_9(%arg0: i32) -> (i32, i32) {
    %c0_i32 = arith.constant 0 : i32
    %c0_i32_0 = arith.constant 0 : i32
    %c0_i32_1 = arith.constant 0 : i32
    return %c0_i32, %c0_i32_0 : i32, i32
  }
  func.func @transform_10(%arg0: i32) -> (i32, i32) {
    %c0_i32 = arith.constant 0 : i32
    %c0_i32_0 = arith.constant 0 : i32
    return %arg0, %c0_i32 : i32, i32
  }
  func.func @transform_11(%arg0: i32) -> (i32, i32) {
    %c0_i32 = arith.constant 0 : i32
    %c0_i32_0 = arith.constant 0 : i32
    return %arg0, %c0_i32 : i32, i32
  }
}

</mosaic_0001>

<sc_bundles>
// kernel: kernel.6.cloned.1.call-start
scs
__scs_entry_jumppad:
0x0: {  	(pc) =	sbr.rel $0x88, $3  }
0x1: {  	(tag) =	ssettag $0x0;
	lr =	simm.s32 $0x1  }
0x2: {  	[smem:$0x3F97] =	sst lr;
	_ =	strace $0xD0000000  }
0x3: {  	_ = 	snop  }
0x4: {  	_ = 	snop  }
0x5: {  	_ = 	snop  }
0x6: {  	_ = 	snop  }
0x7: {  	_ = 	snop  }
__scs_overlays_trampoline_lowered:
0x8: {  	[smem:$0x3FA6] =	sst s0  }
0x9: {  	[smem:$0x3FA7] =	sst s1  }
0xa: {  	[smem:$0x3FA8] =	sst s2  }
0xb: {  	[smem:$0x3FA9] =	sst s3  }
0xc: {  	[smem:$0x3FAA] =	sst s4  }
0xd: {  	[smem:$0x3FAB] =	sst s5  }
0xe: {  	[smem:$0x3FAC] =	sst s6  }
0xf: {  	[smem:$0x3FAD] =	sst s7  }
0x10: {  	[smem:$0x3FAE] =	sst s8  }
0x11: {  	[smem:$0x3FAF] =	sst s9;
	s0 =	simm.s32 @!p0 $0x0  }
0x12: {  	s1 =	sld [smem:$0x3F95];
	s0 =	simm.s32 @p0 $0x1  }
0x13: {  	[smem:$0x3FB0] =	sst s0;
	s0 =	simm.s32 @!p1 $0x0  }
0x14: {  	s2 =	sld [smem:$0x3F94];
	s0 =	simm.s32 @p1 $0x1  }
0x15: {  	[smem:$0x3FB1] =	sst s0;
	s0 =	simm.s32 @!p2 $0x0  }
0x16: {  	s3 =	sld [smem:$0x3FDB];
	s0 =	simm.s32 @p2 $0x1  }
0x17: {  	s4 =	simm.s32 $0x1BF5;
	[smem:$0x3FB3] =	sst s0  }
0x18: {  	s0 =	sld [smem:$0x3F96];
	_ =	swait.ge [sflag:s4], $0x0  }
0x19: {  	s7 =	sld [smem:$0x3F97]  }
0x1a: {  	s8 =	sadd.s32 $0xFFFFE003, lr  }
0x1b: {  	s9 =	sadd.s32 $0xFFFFFEF7, lr;
	s5 =	simm.s32 $0xFFFFFFFF;
	p2 =	slt.u32 s8, $0xFFFFF086  }
0x1c: {  	p1 =	slt.u32 s9, $0xF7A;
	s5 =	simm.s32 @!p2 $0x0  }
0x1d: {  	s5 =	simm.s32 @p1 $0x1;
	p0 =	seq.s32 s7, s2  }
0x1e: {  	s7 =	smul.u32 @!p0 $0xF7A, s2;
	p2 =	seq.s32 @!p0 s5, $0x0  }
0x1f: {  	s9 =	smul.u32 $0xF7A, s1;
	s8 =	simm.s32 @!p0 $0x1BF5;
	p2 =	por !p2, p0  }
0x20: {  	[sflag:s8] =	ssyncset.s32 @!p0 $0xFFFFF086;
	s6 =	sadd.s32 @!p0 s3, s7;
	s7 =	simm.s32 @!p0 $0x108  }
0x21: {  	s3 =	sadd.s32 s3, s9;
	s6 =	sadd.s32 @!p0 $0x88, s6;
	s7 =	simm.s32 @p2 $0x1082  }
0x22: {  	[simem:s7], [sflag:s8] =	dma.local @!p0 [hbm:s6], $0xF7A  }
0x23: {  	s9 =	sor.u32 $0xD0000000, s2;
	s6 =	simm.s32 $0x108;
	_ =	swait.ge @!p0 [sflag:s8], $0x0  }
0x24: {  	s3 =	sadd.s32 $0x88, s3;
	s6 =	simm.s32 @!p1 $0x1082;
	[sflag:s4] =	ssyncset.s32 $0xFFFFF086  }
0x25: {  	[simem:s6], [sflag:s4] =	dma.local [hbm:s3], $0xF7A  }
0x26: {  	[smem:$0x3F97] =	sst s1;
	(tag) =	ssettag s2;
	_ =	strace s9  }
0x27: {  	s1 =	sld [smem:$0x3FA7]  }
0x28: {  	s2 =	sld [smem:$0x3FA8]  }
0x29: {  	s4 =	sld [smem:$0x3FAA]  }
0x2a: {  	p0 =	seq.s32 s5, $0x0;
	s5 =	sld [smem:$0x3FAB]  }
0x2b: {  	s6 =	sld [smem:$0x3FAC]  }
0x2c: {  	s7 =	sld [smem:$0x3FAD]  }
0x2d: {  	s3 =	simm.s32 $0x108;
	s8 =	sld [smem:$0x3FAE]  }
0x2e: {  	s3 =	simm.s32 @!p0 $0x1082;
	s9 =	sld [smem:$0x3FAF]  }
0x2f: {  	lr =	sadd.s32 s0, s3;
	s0 =	sld [smem:$0x3FA6]  }
0x30: {  	s3 =	sld [smem:$0x3FA9]  }
0x31: {  	[smem:$0x3FB2] =	sst s10  }
0x32: {  	s10 =	sld [smem:$0x3FB0];
	_ =	sdelay $0x3  }
0x33: {  	p0 =	seq.s32 s10, $0x1;
	s10 =	sld [smem:$0x3FB2];
	_ =	sdelay $0x3  }
0x34: {  	[smem:$0x3FB2] =	sst s10  }
0x35: {  	s10 =	sld [smem:$0x3FB1];
	_ =	sdelay $0x3  }
0x36: {  	p1 =	seq.s32 s10, $0x1;
	s10 =	sld [smem:$0x3FB2];
	_ =	sdelay $0x3  }
0x37: {  	[smem:$0x3FB2] =	sst s10  }
0x38: {  	s10 =	sld [smem:$0x3FB3]  }
0x39: {  	_ = 	snop;
	(pc) =	sbr.ind lr, $3  }
0x3a: {  	_ = 	snop  }
0x3b: {  	_ = 	snop  }
0x3c: {  	p2 =	seq.s32 s10, $0x1;
	s10 =	sld [smem:$0x3FB2]  }
0x3d: {  	_ =	shalt  }
0x3e: {  	_ =	shalt  }
0x3f: {  	_ =	shalt  }
0x40: {  	_ =	shalt  }
0x41: {  	_ =	shalt  }
0x42: {  	_ =	shalt  }
0x43: {  	_ =	shalt  }
0x44: {  	_ =	shalt  }
0x45: {  	_ =	shalt  }
0x46: {  	_ =	shalt  }
0x47: {  	_ =	shalt  }
0x48: {  	_ =	shalt  }
0x49: {  	_ =	shalt  }
0x4a: {  	_ =	shalt  }
0x4b: {  	_ =	shalt  }
0x4c: {  	_ =	shalt  }
0x4d: {  	_ =	shalt  }
0x4e: {  	_ =	shalt  }
0x4f: {  	_ =	shalt  }
0x50: {  	_ =	shalt  }
0x51: {  	_ =	shalt  }
0x52: {  	_ =	shalt  }
0x53: {  	_ =	shalt  }
0x54: {  	_ =	shalt  }
0x55: {  	_ =	shalt  }
0x56: {  	_ =	shalt  }
0x57: {  	_ =	shalt  }
0x58: {  	_ =	shalt  }
0x59: {  	_ =	shalt  }
0x5a: {  	_ =	shalt  }
0x5b: {  	_ =	shalt  }
0x5c: {  	_ =	shalt  }
0x5d: {  	_ =	shalt  }
0x5e: {  	_ =	shalt  }
0x5f: {  	_ =	shalt  }
0x60: {  	_ =	shalt  }
0x61: {  	_ =	shalt  }
0x62: {  	_ =	shalt  }
0x63: {  	_ =	shalt  }
0x64: {  	_ =	shalt  }
0x65: {  	_ =	shalt  }
0x66: {  	_ =	shalt  }
0x67: {  	_ =	shalt  }
0x68: {  	_ =	shalt  }
0x69: {  	_ =	shalt  }
0x6a: {  	_ =	shalt  }
0x6b: {  	_ =	shalt  }
0x6c: {  	_ =	shalt  }
0x6d: {  	_ =	shalt  }
0x6e: {  	_ =	shalt  }
0x6f: {  	_ =	shalt  }
0x70: {  	_ =	shalt  }
0x71: {  	_ =	shalt  }
0x72: {  	_ =	shalt  }
0x73: {  	_ =	shalt  }
0x74: {  	_ =	shalt  }
0x75: {  	_ =	shalt  }
0x76: {  	_ =	shalt  }
0x77: {  	_ =	shalt  }
0x78: {  	_ =	shalt  }
0x79: {  	_ =	shalt  }
0x7a: {  	_ =	shalt  }
0x7b: {  	_ =	shalt  }
0x7c: {  	_ =	shalt  }
0x7d: {  	_ =	shalt  }
0x7e: {  	_ =	shalt  }
0x7f: {  	_ =	shalt  }
0x80: {  	_ =	shalt  }
0x81: {  	_ =	shalt  }
0x82: {  	_ =	shalt  }
0x83: {  	_ =	shalt  }
0x84: {  	_ =	shalt  }
0x85: {  	_ =	shalt  }
0x86: {  	_ =	shalt  }
0x87: {  	_ =	shalt  }
.Lfunc_end0:
.L_simem_size_0:
called_computation_lowered:
.L_overlay_start_0:
0x88: {  	s2 =	sld [smem:$0x3FD9]  }
0x89: {  	s3 =	sld [smem:$0x3FFE];
	_ =	sdelay $0x1  }
0x8a: {  	s1 =	srdreg.scid  }
0x8b: {  	s0 =	sand.u32 $0x1, s1  }
0x8c: {  	s14 =	sshll.u32 s0, $0xA;
	s2 =	sadd.s32 s3, s2  }
0x8d: {  	s2 =	sadd.s32 s2, s14  }
0x8e: {  	[smem:$0x3FBE] =	sst s2  }
0x8f: {  	_ = 	snop  }
0x90: {  	s2 =	sld [smem:$0x3FD0];
	_ =	sdelay $0x2  }
0x91: {  	s4 =	simm.s32 $0xA;
	s5 =	simm.s32 $0x10;
	s15 =	sld [smem:$0x3FC9]  }
0x92: {  	[smem:s5], [sflag:s4] =	dma.local [hbm:s2], $0x1  }
0x93: {  	_ =	swait.eq [sflag:s4], $0x1  }
0x94: {  	[sflag:s4] =	ssyncset.done $0x0  }
0x95: {  	s16 =	sld [smem:$0x10];
	[sflag:s4] =	ssyncadd.s32 $0xFFFFFFFF  }
0x96: {  	s17 =	sld [smem:$0x11];
	(tm) =	ssettm $0x1  }
0x97: {  	s18 =	sld [smem:$0x3FFB];
	_ =	sdelay $0x3  }
0x98: {  	_ =	strace s18  }
0x99: {  	s5 =	sld [smem:$0x3FFC];
	_ =	sdelay $0x3  }
0x9a: {  	_ =	strace s5  }
0x9b: {  	s5 =	sld [smem:$0x3FFD];
	_ =	sdelay $0x3  }
0x9c: {  	_ =	strace s5  }
0x9d: {  	_ =	strace $0x8FFFFFFF  }
0x9e: {  	s19 =	sld [smem:$0x3FDB];
	_ =	sdelay $0x1  }
0x9f: {  	s6 =	simm.s32 $_scs_section_size  }
0xa0: {  	s7 =	simm.s32 $_size__tile_overlayer_lowered;
	s8 =	simm.s32 $_tile_overlayer_lowered  }
0xa1: {  	s22 =	simm.s32 $0x1BFF;
	s21 =	sshll.u32 s8, $0x1;
	s5 =	sadd.s32 s6, s19  }
0xa2: {  	s9 =	simm.s32 $0x0;
	s20 =	sshll.u32 s7, $0x1;
	s7 =	sadd.s32 s21, s5  }
0xa3: {  	[timem:s9], [sflag:s22] =	dma.local [hbm:s7], s20  }
0xa4: {  	_ =	swait.ge [sflag:s22], s20  }
0xa5: {  	s6 =	ssub.s32 $0x0, s20;
	[sflag:s22] =	ssyncset.done $0x0  }
0xa6: {  	[sflag:s22] =	ssyncadd.s32 s6;
	_ =	sdelay $0x1  }
0xa7: {  	s23 =	simm.s32 $0x1B8B  }
0xa8: {  	_ =	swait.ge [sflag:s23], $0x1  }
0xa9: {  	[sflag:s23] =	ssyncset.done $0x0  }
0xaa: {  	s25 =	simm.s32 $0x1B8E;
	s24 =	sld [smem:$0x3FFE];
	[sflag:s23] =	ssyncadd.s32 $0xFFFFFFFF  }
0xab: {  	s26 =	simm.s32 $execute0_lowered;
	[smem:$0x3FD2] =	sst s25  }
0xac: {  	s7 =	sshll.u32 s26, $0x1;
	_ =	strace $0x80000046;
	[dreg:$0x1] =	wrdreg $0xFFFFFFFF  }
0xad: {  	s28 =	simm.s32 $_size_execute0_lowered;
	s5 =	sadd.s32 s5, s7;
	[dreg:$0x0] =	wrdreg $0x0  }
0xae: {  	s7 =	sshll.u32 s28, $0x1;
	[dreg:$0x2] =	wrdreg s5  }
0xaf: {  	[dreg:$0x3] =	wrdreg s7  }
0xb0: {  	[dreg:$0x4] =	wrdreg $0xC0  }
0xb1: {  	_ =	task [dreg:s9], $0x5FFFF  }
0xb2: {  	[dreg:$0x1] =	wrdreg $0xFFFFFFFF  }
0xb3: {  	[dreg:$0x0] =	wrdreg $0x60  }
0xb4: {  	[dreg:$0x2] =	wrdreg s15  }
0xb5: {  	[dreg:$0x3] =	wrdreg s24  }
0xb6: {  	[dreg:$0x4] =	wrdreg s16  }
0xb7: {  	[dreg:$0x5] =	wrdreg s17  }
0xb8: {  	[dreg:$0x6] =	wrdreg $0xA5000  }
0xb9: {  	[dreg:$0x7] =	wrdreg $0x1E1500  }
0xba: {  	[dreg:$0x8] =	wrdreg $0x9  }
0xbb: {  	_ =	task.clear_ibuf [dreg:s9], $0x9FFFF;
	_ =	strace $0x90000046  }
0xbc: {  	s29 =	simm.s32 $0x9;
	_ =	strace $0x80000048  }
0xbd: {  	_ =	swait.ge [sflag:s29], $0x1  }
0xbe: {  	[sflag:s29] =	ssyncadd.s32 $0xFFFFFFFF  }
0xbf: {  	_ =	strace $0x90000048  }
0xc0: {  	_ =	sfence  }
0xc1: {  	s30 =	sld [smem:$0x0];
	_ =	sdelay $0x2  }
0xc2: {  	s31 =	sshll.u32 s1, $0xD;
	s1 =	sshrl.u32 s1, $0x2  }
0xc3: {  	s3 =	sand.u32 $0x4000, s31;
	s1 =	sadd.s32 s1, s30  }
0xc4: {  	s0 =	sor.u32 s3, s0;
	s1 =	sshll.u32 s1, $0x11  }
0xc5: {  	s0 =	sor.u32 s1, s0  }
0xc6: {  	s0 =	sadd.s32 $0x8F2B, s0  }
0xc7: {  	[sflag:s0] =	ssyncadd.remote.s32 $0x1  }
0xc8: {  	_ =	sfence.sel $0xFFFF  }
0xc9: {  	[dreg:$0x0] =	wrdreg $0xFFFFFFFF;
	(pc) =	sbr.abs _section_cstart, $3  }
0xca: {  	[dreg:$0x1] =	wrdreg $0xFFFFFFFF  }
0xcb: {  	_ =	task.clear_ibuf [dreg:s9], $0x2FFFF;
	_ =	strace $0x9FFFFFFF  }
0xcc: {  	(tm) =	ssettm $0x7FFFFFFF  }
0xcd: {  	_ =	shalt  }
tec
execute0_lowered:
.L_overlay_start_1:
0x0: {  	(tag) =	ssettag $0x1  }
0x1: {  	s1 =	rddreg [dreg:$0x1]  }
0x2: {  	s2 =	rddreg [dreg:$0x2]  }
0x3: {  	s8 =	rddreg [dreg:$0x3]  }
0x4: {  	s4 =	rddreg [dreg:$0x4]  }
0x5: {  	s3 =	srdreg.scid;
	s16 =	stileid.u32  }
0x6: {  	s5 =	rddreg [dreg:$0x5];
	s6 =	simm.s32 $0x0;
	s10 =	smul.u32 $0x278, s16  }
0x7: {  	s9 =	sand.u32 $0x1, s3;
	[smem:$0x7FF] =	sst s6;
	s12 =	smul.u32 $0x4F000, s16  }
0x8: {  	s3 =	smul.u32 $0x2780, s9;
	_ =	strace $0x80000047;
	s23 =	ssub.s32 $0x2, s9  }
0x9: {  	s9 =	sshll.u32 s9, $0x4;
	s13 =	sadd.s32 $0x50, s10;
	s12 =	sshrl.u32 s12, $0x2  }
0xa: {  	s26 =	sadd.s32 $0xA0, s10;
	s30 =	sadd.s32 $0xF0, s10;
	s31 =	sadd.s32 s10, s5  }
0xb: {  	s9 =	sor.u32 s16, s9;
	s25 =	sadd.s32 s13, s5;
	[dreg:$0x1b] =	wrdreg s31  }
0xc: {  	s17 =	sadd.s32 s12, s4;
	s12 =	sadd.s32 s26, s5;
	[dreg:$0x10] =	wrdreg s25  }
0xd: {  	s16 =	sadd.s32 $0x140, s10;
	s18 =	sadd.s32 s30, s5;
	[dreg:$0x12] =	wrdreg s12  }
0xe: {  	s29 =	smul.u32 $0x2710, s9;
	s9 =	sadd.s32 s16, s5;
	[dreg:$0x14] =	wrdreg s18  }
0xf: {  	s15 =	sshll.u32 s13, $0x7;
	[dreg:$0x16] =	wrdreg s9  }
0x10: {  	s28 =	sshll.u32 s26, $0x7;
	s24 =	sadd.s32 s15, s4;
	[dreg:$0xe] =	wrdreg s17  }
0x11: {  	s0 =	sshll.u32 s30, $0x7;
	s13 =	sadd.s32 s28, s4;
	[dreg:$0xf] =	wrdreg s24  }
0x12: {  	s19 =	sshll.u32 s16, $0x7;
	s15 =	sadd.s32 s0, s4;
	[dreg:$0x11] =	wrdreg s13  }
0x13: {  	s30 =	sadd.s32 $0x1E0, s10;
	s12 =	sadd.s32 s19, s4;
	[dreg:$0x13] =	wrdreg s15  }
0x14: {  	s9 =	sadd.s32 s30, s5;
	[dreg:$0x15] =	wrdreg s12  }
0x15: {  	s7 =	sadd.s32 $0x2C00, s1;
	[dreg:$0x1c] =	wrdreg s9  }
0x16: {  	s14 =	sshrl.u32 s23, $0x1;
	s20 =	sadd.s32 $0x280, s29;
	[dreg:$0xd] =	wrdreg s29  }
0x17: {  	s11 =	sadd.s32 s10, s3;
	s21 =	sadd.s32 $0x2D0, s29;
	[dreg:$0x7] =	wrdreg s20  }
0x18: {  	s3 =	sshll.u32 s11, $0x4;
	s22 =	sadd.s32 $0x320, s29;
	[dreg:$0x8] =	wrdreg s21  }
0x19: {  	s11 =	sshrl.u32 s11, $0x3;
	s24 =	sadd.s32 $0x370, s29;
	[dreg:$0x9] =	wrdreg s22  }
0x1a: {  	s1 =	sadd.s32 s3, s1;
	s26 =	sadd.s32 $0x3C0, s29;
	[dreg:$0xa] =	wrdreg s24  }
0x1b: {  	s3 =	ssub.s32 s23, s14;
	s28 =	sadd.s32 $0x410, s29;
	[dreg:$0xb] =	wrdreg s26  }
0x1c: {  	s23 =	sadd.s32 $0x190, s10;
	s8 =	sadd.s32 s8, s11;
	[dreg:$0xc] =	wrdreg s28  }
0x1d: {  	s0 =	sshll.u32 s30, $0x7;
	s12 =	sadd.s32 s23, s5;
	[dreg:$0x19] =	wrdreg s8  }
0x1e: {  	s8 =	sadd.s32 s0, s4;
	[dreg:$0x18] =	wrdreg s12  }
0x1f: {  	s1 =	sadd.s32 $0xCA00, s1;
	[dreg:$0x1a] =	wrdreg s8  }
0x20: {  	s25 =	sshll.u32 s23, $0x7;
	s30 =	smax.u32 s3, $0x1;
	[smem:$0x7FC] =	sst s1  }
0x21: {  	s11 =	sadd.s32 $0x230, s10;
	s13 =	sadd.s32 s25, s4;
	[smem:$0x7FD] =	sst s30  }
0x22: {  	s12 =	sshll.u32 s11, $0x7;
	s8 =	sadd.s32 s11, s5;
	[dreg:$0x17] =	wrdreg s13  }
0x23: {  	s13 =	sshrl.u32 s29, $0x3;
	s9 =	sadd.s32 s12, s4;
	[dreg:$0x1e] =	wrdreg s8  }
0x24: {  	[dreg:$0x1d] =	wrdreg s9;
	s21 =	sadd.s32 s7, s13  }
0x25: {  	s14 =	sadd.s32 $0xA, s13;
	s22 =	sadd.s32 s2, s13;
	[smem:$0x7F6] =	sst s21  }
0x26: {  	s0 =	simm.s32 $0x10;
	s15 =	sadd.s32 s7, s14;
	[smem:$0x7F7] =	sst s22  }
0x27: {  	s16 =	sadd.s32 $0x14, s13;
	s8 =	sadd.s32 s2, s14;
	[dreg:$0x1f] =	wrdreg s15  }
0x28: {  	s19 =	sadd.s32 $0x1E, s13;
	s18 =	sadd.s32 s7, s16;
	[smem:$0x7F1] =	sst s8  }
0x29: {  	s23 =	sadd.s32 $0x28, s13;
	s20 =	sadd.s32 s7, s19;
	[smem:$0x7F2] =	sst s18  }
0x2a: {  	s24 =	sadd.s32 $0x32, s13;
	s25 =	sadd.s32 s7, s23;
	[smem:$0x7F4] =	sst s20  }
0x2b: {  	s11 =	simm.s32 $0xD;
	s26 =	sadd.s32 s7, s24;
	[smem:$0x7F8] =	sst s25  }
0x2c: {  	s9 =	simm.s32 $0x0;
	s28 =	sadd.s32 s2, s24;
	[smem:$0x7FA] =	sst s26  }
0x2d: {  	s21 =	simm.s32 $0x50;
	s8 =	sadd.s32 s2, s16;
	[smem:$0x7FB] =	sst s28  }
0x2e: {  	s25 =	simm.s32 $0x1E3C8;
	[smem:$0x7F3] =	sst s8;
	s8 =	sadd.s32 s2, s19  }
0x2f: {  	s18 =	simm.s32 $0x4;
	[smem:$0x7F5] =	sst s8;
	s8 =	sadd.s32 s2, s23  }
0x30: {  	v0 =	vimm.f32 $0.0e+00;
	v1 =	vimm.f32 $1.000000000e+00;
	s26 =	simm.s32 $0xE;
	s23 =	simm.s32 $0xF;
	[smem:$0x7F9] =	sst s8  }
.LBB2_1:
0x31: {  	s10 =	sand.u32 $0xFE00, s6  }
0x32: {  	[smem:$0x7F0] =	sst s9;
	s12 =	sand.u32 $0x70, s6;
	s13 =	sshrl.u32 s10, $0x2  }
0x33: {  	s10 =	simm.s32 $0x40;
	s13 =	sor.u32 s12, s13;
	s12 =	simm.s32 $0x0  }
.LBB2_2:
0x34: {  	p0 =	sne.s32 s10, $0x9FC0  }
0x35: {  	[tilespmem:s13+$0x500] =	vst v0;
	s12 =	sadd.s32 $0x10, s12;
	s13 =	smov.u32 s10;
	s10 =	sadd.s32 $0x40, s10  }
.Ltmp0:
0x36: {  	(pc) =	sbr.rel @p0 .LBB2_2-.Ltmp0, $4  }
0x37: {  	_ = 	snop  }
0x38: {  	s13 =	sand.u32 $0xFE00, s13  }
0x39: {  	s15 =	sand.u32 $0x70, s12;
	s13 =	sshrl.u32 s13, $0x2  }
0x3a: {  	s13 =	sor.u32 s15, s13  }
0x3b: {  	[tilespmem:s13+$0x500] =	vst v0  }
0x3c: {  	[tilespmem:$0x1E100] =	vst v0  }
0x3d: {  	[tilespmem:$0x1E3C8] =	vst v1  }
0x3e: {  	[tilespmem:$0x1E110] =	vst v0  }
0x3f: {  	[tilespmem:$0x1E3D8] =	vst v1  }
0x40: {  	[tilespmem:$0x1E120] =	vst v0  }
0x41: {  	[tilespmem:$0x1E3E8] =	vst v1  }
0x42: {  	[tilespmem:$0x1E130] =	vst v0  }
0x43: {  	[tilespmem:$0x1E3F8] =	vst v1  }
0x44: {  	[tilespmem:$0x1E140] =	vst v0  }
0x45: {  	s15 =	simm.s32 $0x500;
	s9 =	simm.s32 $0x11;
	[tilespmem:$0x1E408] =	vst v1  }
0x46: {  	[spmem:s17] =	stream.linear.scatter [tilespmem:s15], [sflag:$0x11], $0x2800, $0x38;
	[tilespmem:$0x1E418] =	vst v63  }
0x47: {  	_ =	swait.ge [sflag:s9], $0x2800  }
0x48: {  	[sflag:s9] =	ssyncset.done $0x0  }
0x49: {  	s10 =	simm.s32 $0x1E100;
	[sflag:s9] =	ssyncadd.s32 $0xFFFFD800  }
0x4a: {  	[spmem:s31] =	stream.linear.scatter [tilespmem:s10], [sflag:$0x11], $0x50, $0x38;
	[tilespmem:$0x1E418] =	vst v63  }
0x4b: {  	_ =	swait.ge [sflag:s9], $0x50  }
0x4c: {  	[sflag:s9] =	ssyncset.done $0x0  }
0x4d: {  	s1 =	rddreg [dreg:$0xf];
	[sflag:s9] =	ssyncadd.s32 $0xFFFFFFB0  }
0x4e: {  	[spmem:s1] =	stream.linear.scatter [tilespmem:s15], [sflag:$0x11], $0x2800, $0x38;
	[tilespmem:$0x1E418] =	vst v63  }
0x4f: {  	_ =	swait.ge [sflag:s9], $0x2800  }
0x50: {  	[sflag:s9] =	ssyncset.done $0x0  }
0x51: {  	s13 =	rddreg [dreg:$0x10];
	[sflag:s9] =	ssyncadd.s32 $0xFFFFD800  }
0x52: {  	[spmem:s13] =	stream.linear.scatter [tilespmem:s10], [sflag:$0x11], $0x50, $0x38;
	[tilespmem:$0x1E418] =	vst v63  }
0x53: {  	_ =	swait.ge [sflag:s9], $0x50  }
0x54: {  	[sflag:s9] =	ssyncset.done $0x0  }
0x55: {  	s14 =	rddreg [dreg:$0x11];
	[sflag:s9] =	ssyncadd.s32 $0xFFFFFFB0  }
0x56: {  	[spmem:s14] =	stream.linear.scatter [tilespmem:s15], [sflag:$0x11], $0x2800, $0x38;
	[tilespmem:$0x1E418] =	vst v63  }
0x57: {  	_ =	swait.ge [sflag:s9], $0x2800  }
0x58: {  	[sflag:s9] =	ssyncset.done $0x0  }
0x59: {  	s16 =	rddreg [dreg:$0x12];
	[sflag:s9] =	ssyncadd.s32 $0xFFFFD800  }
0x5a: {  	[spmem:s16] =	stream.linear.scatter [tilespmem:s10], [sflag:$0x11], $0x50, $0x38;
	[tilespmem:$0x1E418] =	vst v63  }
0x5b: {  	_ =	swait.ge [sflag:s9], $0x50  }
0x5c: {  	[sflag:s9] =	ssyncset.done $0x0  }
0x5d: {  	s17 =	rddreg [dreg:$0x13];
	[sflag:s9] =	ssyncadd.s32 $0xFFFFFFB0  }
0x5e: {  	[spmem:s17] =	stream.linear.scatter [tilespmem:s15], [sflag:$0x11], $0x2800, $0x38;
	[tilespmem:$0x1E418] =	vst v63  }
0x5f: {  	_ =	swait.ge [sflag:s9], $0x2800  }
0x60: {  	[sflag:s9] =	ssyncset.done $0x0  }
0x61: {  	s19 =	rddreg [dreg:$0x14];
	[sflag:s9] =	ssyncadd.s32 $0xFFFFD800  }
0x62: {  	[spmem:s19] =	stream.linear.scatter [tilespmem:s10], [sflag:$0x11], $0x50, $0x38;
	[tilespmem:$0x1E418] =	vst v63  }
0x63: {  	_ =	swait.ge [sflag:s9], $0x50  }
0x64: {  	[sflag:s9] =	ssyncset.done $0x0  }
0x65: {  	s20 =	rddreg [dreg:$0x15];
	[sflag:s9] =	ssyncadd.s32 $0xFFFFFFB0  }
0x66: {  	[spmem:s20] =	stream.linear.scatter [tilespmem:s15], [sflag:$0x11], $0x2800, $0x38;
	[tilespmem:$0x1E418] =	vst v63  }
0x67: {  	_ =	swait.ge [sflag:s9], $0x2800  }
0x68: {  	[sflag:s9] =	ssyncset.done $0x0  }
0x69: {  	s22 =	rddreg [dreg:$0x16];
	[sflag:s9] =	ssyncadd.s32 $0xFFFFD800  }
0x6a: {  	[spmem:s22] =	stream.linear.scatter [tilespmem:s10], [sflag:$0x11], $0x50, $0x38;
	[tilespmem:$0x1E418] =	vst v63  }
0x6b: {  	_ =	swait.ge [sflag:s9], $0x50  }
0x6c: {  	[sflag:s9] =	ssyncset.done $0x0  }
0x6d: {  	s24 =	rddreg [dreg:$0x17];
	[sflag:s9] =	ssyncadd.s32 $0xFFFFFFB0  }
0x6e: {  	[spmem:s24] =	stream.linear.scatter [tilespmem:s15], [sflag:$0x11], $0x2800, $0x38;
	[tilespmem:$0x1E418] =	vst v63  }
0x6f: {  	_ =	swait.ge [sflag:s9], $0x2800  }
0x70: {  	[sflag:s9] =	ssyncset.done $0x0  }
0x71: {  	s28 =	rddreg [dreg:$0x18];
	[sflag:s9] =	ssyncadd.s32 $0xFFFFD800  }
0x72: {  	[spmem:s28] =	stream.linear.scatter [tilespmem:s10], [sflag:$0x11], $0x50, $0x38;
	[tilespmem:$0x1E418] =	vst v63  }
0x73: {  	_ =	swait.ge [sflag:s9], $0x50  }
0x74: {  	[sflag:s9] =	ssyncset.done $0x0  }
0x75: {  	s30 =	rddreg [dreg:$0x1a];
	[sflag:s9] =	ssyncadd.s32 $0xFFFFFFB0  }
0x76: {  	[spmem:s30] =	stream.linear.scatter [tilespmem:s15], [sflag:$0x11], $0x2800, $0x38;
	[tilespmem:$0x1E418] =	vst v63  }
0x77: {  	_ =	swait.ge [sflag:s9], $0x2800  }
0x78: {  	[sflag:s9] =	ssyncset.done $0x0  }
0x79: {  	s31 =	rddreg [dreg:$0x1c];
	[sflag:s9] =	ssyncadd.s32 $0xFFFFD800  }
0x7a: {  	[spmem:s31] =	stream.linear.scatter [tilespmem:s10], [sflag:$0x11], $0x50, $0x38;
	[tilespmem:$0x1E418] =	vst v63  }
0x7b: {  	_ =	swait.ge [sflag:s9], $0x50  }
0x7c: {  	[sflag:s9] =	ssyncset.done $0x0  }
0x7d: {  	s3 =	rddreg [dreg:$0x1d];
	[sflag:s9] =	ssyncadd.s32 $0xFFFFFFB0  }
0x7e: {  	[spmem:s3] =	stream.linear.scatter [tilespmem:s15], [sflag:$0x11], $0x2400, $0x38;
	[tilespmem:$0x1E418] =	vst v63  }
0x7f: {  	_ =	swait.ge [sflag:s9], $0x2400  }
0x80: {  	[sflag:s9] =	ssyncset.done $0x0  }
0x81: {  	s8 =	rddreg [dreg:$0x1e];
	[sflag:s9] =	ssyncadd.s32 $0xFFFFDC00  }
0x82: {  	[spmem:s8] =	stream.linear.scatter [tilespmem:s10], [sflag:$0x11], $0x48, $0x38;
	[tilespmem:$0x1E418] =	vst v63  }
0x83: {  	_ =	swait.ge [sflag:s9], $0x48  }
0x84: {  	[sflag:s9] =	ssyncset.done $0x0  }
0x85: {  	[sflag:s9] =	ssyncadd.s32 $0xFFFFFFB8  }
0x86: {  	[bflag:$0x0] =	sbarrier.arrive $0xFFFF  }
0x87: {  	s12 =	sld [smem:$0x7F6];
	_ =	sdelay $0x1  }
0x88: {  	s10 =	simm.s32 $0x0;
	s13 =	sld [smem:$0x7F7]  }
0x89: {  	[tilespmem:s10], [sflag:$0x1] =	stream.linear.gather [hbm4b:s12+s10], $0x50, $0x38;
	[tilespmem:$0x1E418] =	vst v63  }
0x8a: {  	s22 =	simm.s32 $0x280;
	s14 =	rddreg [dreg:$0x1f]  }
0x8b: {  	[tilespmem:s22], [sflag:$0x1] =	stream.linear.gather [hbm4b:s13+s10], $0x50, $0x38;
	[tilespmem:$0x1E418] =	vst v63  }
0x8c: {  	s16 =	sld [smem:$0x7F1]  }
0x8d: {  	[tilespmem:s21], [sflag:$0x2] =	stream.linear.gather [hbm4b:s14+s10], $0x50, $0x38;
	[tilespmem:$0x1E418] =	vst v63  }
0x8e: {  	s20 =	simm.s32 $0x2D0;
	s17 =	sld [smem:$0x7F2]  }
0x8f: {  	[tilespmem:s20], [sflag:$0x2] =	stream.linear.gather [hbm4b:s16+s10], $0x50, $0x38;
	[tilespmem:$0x1E418] =	vst v63  }
0x90: {  	s8 =	simm.s32 $0xA0;
	s19 =	sld [smem:$0x7F3]  }
0x91: {  	[tilespmem:s8], [sflag:$0x3] =	stream.linear.gather [hbm4b:s17+s10], $0x50, $0x38;
	[tilespmem:$0x1E418] =	vst v63  }
0x92: {  	s24 =	sld [smem:$0x7F4];
	s16 =	simm.s32 $0x320  }
0x93: {  	[tilespmem:s16], [sflag:$0x3] =	stream.linear.gather [hbm4b:s19+s10], $0x50, $0x38;
	[tilespmem:$0x1E418] =	vst v63  }
0x94: {  	s3 =	simm.s32 $0xF0;
	s28 =	sld [smem:$0x7F5]  }
0x95: {  	[tilespmem:s3], [sflag:$0x4] =	stream.linear.gather [hbm4b:s24+s10], $0x50, $0x38;
	[tilespmem:$0x1E418] =	vst v63  }
0x96: {  	s9 =	simm.s32 $0x370;
	s30 =	sld [smem:$0x7F8]  }
0x97: {  	[tilespmem:s9], [sflag:$0x4] =	stream.linear.gather [hbm4b:s28+s10], $0x50, $0x38;
	[tilespmem:$0x1E418] =	vst v63  }
0x98: {  	s31 =	simm.s32 $0x140;
	s3 =	sld [smem:$0x7F9]  }
0x99: {  	[tilespmem:s31], [sflag:$0x5] =	stream.linear.gather [hbm4b:s30+s10], $0x50, $0x38;
	[tilespmem:$0x1E418] =	vst v63  }
0x9a: {  	s12 =	sld [smem:$0x7FA];
	s17 =	simm.s32 $0x3C0  }
0x9b: {  	[tilespmem:s17], [sflag:$0x5] =	stream.linear.gather [hbm4b:s3+s10], $0x50, $0x38;
	[tilespmem:$0x1E418] =	vst v63  }
0x9c: {  	s13 =	simm.s32 $0x190;
	s19 =	sld [smem:$0x7FB]  }
0x9d: {  	[tilespmem:s13], [sflag:$0x6] =	stream.linear.gather [hbm4b:s12+s10], $0x50, $0x38;
	[tilespmem:$0x1E418] =	vst v63  }
0x9e: {  	s24 =	simm.s32 $0x410  }
0x9f: {  	[tilespmem:s24], [sflag:$0x6] =	stream.linear.gather [hbm4b:s19+s10], $0x50, $0x38;
	[tilespmem:$0x1E418] =	vst v63  }
0xa0: {  	s19 =	simm.s32 $0x1  }
0xa1: {  	_ =	swait.ge [sflag:s19], $0x50  }
0xa2: {  	[sflag:s19] =	ssyncset.done $0x0  }
0xa3: {  	[sflag:s19] =	ssyncadd.s32 $0xFFFFFFB0  }
0xa4: {  	_ =	swait.ge [sflag:s19], $0x50  }
0xa5: {  	[sflag:s19] =	ssyncset.done $0x0  }
0xa6: {  	[sflag:s19] =	ssyncadd.s32 $0xFFFFFFB0  }
0xa7: {  	s1 =	simm.s32 $0x2;
	s24 =	rddreg [dreg:$0x0]  }
0xa8: {  	[tilespmem:s15], [sflag:$0x9] =	stream.indirect.gather [hbm4b:s24+s21], $0x80, s10, s21, $0xb8;
	[tilespmem:$0x1E418] =	vst v63  }
0xa9: {  	_ =	swait.ge [sflag:s1], $0x50  }
0xaa: {  	[sflag:s1] =	ssyncset.done $0x0  }
0xab: {  	[sflag:s1] =	ssyncadd.s32 $0xFFFFFFB0  }
0xac: {  	p1 =	por $0x1, $0x1;
	_ =	swait.ge [sflag:s1], $0x50  }
0xad: {  	p0 =	por p1, p1;
	[sflag:s1] =	ssyncset.done $0x0  }
0xae: {  	s31 =	simm.s32 $0x2D00;
	s12 =	simm.s32 @!p0 $0xF;
	[sflag:s1] =	ssyncadd.s32 $0xFFFFFFB0  }
0xaf: {  	[tilespmem:s31], [sflag:$0xA] =	stream.indirect.gather [hbm4b:s24+s21], $0x80, s21, s21, $0xb8;
	[tilespmem:$0x1E418] =	vst v63  }
0xb0: {  	_ =	swait.ge @!p0 [sflag:s12], $0x50  }
0xb1: {  	s13 =	simm.s32 @!p1 $0x1E0;
	[sflag:s12] =	ssyncset.done @!p0 $0x0  }
0xb2: {  	s13 =	simm.s32 @p1 $0x1E0;
	[sflag:s12] =	ssyncadd.s32 @!p0 $0xFFFFFFB0  }
0xb3: {  	s13 =	sadd.s32 s29, s13;
	_ =	swait.ge @!p0 [sflag:s12], $0x2800  }
0xb4: {  	s13 =	sshrl.u32 s13, $0x3;
	[sflag:s12] =	ssyncset.done @!p0 $0x0  }
0xb5: {  	s30 =	simm.s32 $0x1E0;
	s28 =	sadd.s32 s7, s13;
	[sflag:s12] =	ssyncadd.s32 @!p0 $0xFFFFD800  }
0xb6: {  	[tilespmem:s30], [sflag:$0x7] =	stream.linear.gather [hbm4b:s28+s6], $0x50, $0x38;
	[tilespmem:$0x1E418] =	vst v63  }
0xb7: {  	s12 =	simm.s32 $0x3;
	s28 =	sadd.s32 s2, s13;
	s30 =	simm.s32 $0x460  }
0xb8: {  	[tilespmem:s30], [sflag:$0x7] =	stream.linear.gather [hbm4b:s28+s6], $0x50, $0x38;
	[tilespmem:$0x1E418] =	vst v63  }
0xb9: {  	_ =	swait.ge [sflag:s12], $0x50  }
0xba: {  	[sflag:s12] =	ssyncset.done $0x0  }
0xbb: {  	[sflag:s12] =	ssyncadd.s32 $0xFFFFFFB0  }
0xbc: {  	_ =	swait.ge [sflag:s12], $0x50  }
0xbd: {  	[sflag:s12] =	ssyncset.done $0x0  }
0xbe: {  	s3 =	simm.s32 $0x9;
	s30 =	simm.s32 $0x5500;
	[sflag:s12] =	ssyncadd.s32 $0xFFFFFFB0  }
0xbf: {  	[tilespmem:s30], [sflag:$0xB] =	stream.indirect.gather [hbm4b:s24+s21], $0x80, s8, s21, $0xb8;
	[tilespmem:$0x1E418] =	vst v63  }
0xc0: {  	_ =	swait.ge [sflag:s3], $0x2800  }
0xc1: {  	[sflag:s3] =	ssyncset.done $0x0  }
0xc2: {  	[sflag:s3] =	ssyncadd.s32 $0xFFFFD800  }
0xc3: {  	[spmem:s5] =	stream.indirect.scatter.add.f32 [tilespmem:s25], [sflag:$0xD], $0x1, s22, s21, $0xb8;
	[tilespmem:$0x1E418] =	vst v63  }
0xc4: {  	s12 =	simm.s32 @!p0 $0x10  }
0xc5: {  	[spmem:s4] =	stream.indirect.scatter.add.f32 [tilespmem:s15], [sflag:$0xD], $0x80, s22, s21, $0xb8;
	[tilespmem:$0x1E418] =	vst v63  }
0xc6: {  	_ =	swait.ge @!p0 [sflag:s12], $0x50  }
0xc7: {  	s13 =	simm.s32 @!p1 $0x230;
	[sflag:s12] =	ssyncset.done @!p0 $0x0  }
0xc8: {  	s13 =	simm.s32 @p1 $0x230;
	[sflag:s12] =	ssyncadd.s32 @!p0 $0xFFFFFFB0  }
0xc9: {  	s13 =	sadd.s32 s29, s13;
	_ =	swait.ge @!p0 [sflag:s12], $0x2800  }
0xca: {  	s13 =	sshrl.u32 s13, $0x3;
	[sflag:s12] =	ssyncset.done @!p0 $0x0  }
0xcb: {  	s28 =	simm.s32 $0x230;
	[sflag:s12] =	ssyncadd.s32 @!p0 $0xFFFFD800;
	s12 =	sadd.s32 s7, s13  }
0xcc: {  	[tilespmem:s28], [sflag:$0x8] =	stream.linear.gather [hbm4b:s12+s6], $0x50, $0x38;
	[tilespmem:$0x1E418] =	vst v63  }
0xcd: {  	s12 =	sadd.s32 s2, s13;
	s13 =	simm.s32 $0x4B0  }
0xce: {  	[tilespmem:s13], [sflag:$0x8] =	stream.linear.gather [hbm4b:s12+s6], $0x50, $0x38;
	[tilespmem:$0x1E418] =	vst v63  }
0xcf: {  	_ =	swait.ge [sflag:s18], $0x50  }
0xd0: {  	[sflag:s18] =	ssyncset.done $0x0  }
0xd1: {  	[sflag:s18] =	ssyncadd.s32 $0xFFFFFFB0  }
0xd2: {  	_ =	swait.ge [sflag:s18], $0x50  }
0xd3: {  	[sflag:s18] =	ssyncset.done $0x0  }
0xd4: {  	s14 =	simm.s32 $0xF0;
	[sflag:s18] =	ssyncadd.s32 $0xFFFFFFB0;
	s18 =	simm.s32 $0x7D00  }
0xd5: {  	[tilespmem:s18], [sflag:$0xC] =	stream.indirect.gather [hbm4b:s24+s21], $0x80, s14, s21, $0xb8;
	[tilespmem:$0x1E418] =	vst v63  }
0xd6: {  	s14 =	simm.s32 $0xA  }
0xd7: {  	_ =	swait.ge [sflag:s14], $0x2800  }
0xd8: {  	[sflag:s14] =	ssyncset.done $0x0  }
0xd9: {  	[sflag:s14] =	ssyncadd.s32 $0xFFFFD800  }
0xda: {  	[spmem:s5] =	stream.indirect.scatter.add.f32 [tilespmem:s25], [sflag:$0xE], $0x1, s20, s21, $0xb8;
	[tilespmem:$0x1E418] =	vst v63  }
0xdb: {  	_ = 	snop  }
0xdc: {  	[spmem:s4] =	stream.indirect.scatter.add.f32 [tilespmem:s31], [sflag:$0xE], $0x80, s20, s21, $0xb8;
	[tilespmem:$0x1E418] =	vst v63  }
0xdd: {  	_ =	swait.ge [sflag:s11], $0x50  }
0xde: {  	[sflag:s11] =	ssyncset.done $0x0  }
0xdf: {  	[sflag:s11] =	ssyncadd.s32 $0xFFFFFFB0  }
0xe0: {  	_ =	swait.ge [sflag:s11], $0x2800  }
0xe1: {  	s10 =	simm.s32 @p0 $0x0;
	s13 =	rddreg [dreg:$0x7]  }
0xe2: {  	s12 =	sadd.s32 s10, s13  }
0xe3: {  	[sflag:s11] =	ssyncset.done $0x0;
	s12 =	sshrl.u32 s12, $0x3  }
0xe4: {  	[sflag:s11] =	ssyncadd.s32 $0xFFFFD800;
	s13 =	sadd.s32 s7, s12  }
0xe5: {  	[tilespmem:s6], [sflag:$0x1] =	stream.linear.gather [hbm4b:s13+s6], $0x50, $0x38;
	[tilespmem:$0x1E418] =	vst v63  }
0xe6: {  	s12 =	sadd.s32 s2, s12;
	s13 =	simm.s32 $0x5  }
0xe7: {  	[tilespmem:s22], [sflag:$0x1] =	stream.linear.gather [hbm4b:s12+s6], $0x50, $0x38;
	[tilespmem:$0x1E418] =	vst v63  }
0xe8: {  	_ =	swait.ge [sflag:s13], $0x50  }
0xe9: {  	[sflag:s13] =	ssyncset.done $0x0  }
0xea: {  	[sflag:s13] =	ssyncadd.s32 $0xFFFFFFB0  }
0xeb: {  	_ =	swait.ge [sflag:s13], $0x50  }
0xec: {  	[sflag:s13] =	ssyncset.done $0x0  }
0xed: {  	s22 =	simm.s32 $0x140;
	[sflag:s13] =	ssyncadd.s32 $0xFFFFFFB0  }
0xee: {  	[tilespmem:s15], [sflag:$0x9] =	stream.indirect.gather [hbm4b:s24+s21], $0x80, s22, s21, $0xb8;
	[tilespmem:$0x1E418] =	vst v63  }
0xef: {  	s22 =	simm.s32 $0xB  }
0xf0: {  	_ =	swait.ge [sflag:s22], $0x2800  }
0xf1: {  	[sflag:s22] =	ssyncset.done $0x0  }
0xf2: {  	[sflag:s22] =	ssyncadd.s32 $0xFFFFD800  }
0xf3: {  	[spmem:s5] =	stream.indirect.scatter.add.f32 [tilespmem:s25], [sflag:$0xF], $0x1, s16, s21, $0xb8;
	[tilespmem:$0x1E418] =	vst v63  }
0xf4: {  	_ = 	snop  }
0xf5: {  	[spmem:s4] =	stream.indirect.scatter.add.f32 [tilespmem:s30], [sflag:$0xF], $0x80, s16, s21, $0xb8;
	[tilespmem:$0x1E418] =	vst v63  }
0xf6: {  	_ =	swait.ge [sflag:s26], $0x50  }
0xf7: {  	[sflag:s26] =	ssyncset.done $0x0  }
0xf8: {  	[sflag:s26] =	ssyncadd.s32 $0xFFFFFFB0  }
0xf9: {  	_ =	swait.ge [sflag:s26], $0x2800  }
0xfa: {  	s13 =	rddreg [dreg:$0x8]  }
0xfb: {  	s12 =	sadd.s32 s10, s13  }
0xfc: {  	[sflag:s26] =	ssyncset.done $0x0;
	s12 =	sshrl.u32 s12, $0x3  }
0xfd: {  	[sflag:s26] =	ssyncadd.s32 $0xFFFFD800;
	s25 =	sadd.s32 s7, s12  }
0xfe: {  	[tilespmem:s21], [sflag:$0x2] =	stream.linear.gather [hbm4b:s25+s6], $0x50, $0x38;
	[tilespmem:$0x1E418] =	vst v63  }
0xff: {  	s12 =	sadd.s32 s2, s12  }
0x100: {  	[tilespmem:s20], [sflag:$0x2] =	stream.linear.gather [hbm4b:s12+s6], $0x50, $0x38;
	[tilespmem:$0x1E418] =	vst v63  }
0x101: {  	s20 =	simm.s32 $0x6  }
0x102: {  	_ =	swait.ge [sflag:s20], $0x50  }
0x103: {  	[sflag:s20] =	ssyncset.done $0x0  }
0x104: {  	[sflag:s20] =	ssyncadd.s32 $0xFFFFFFB0  }
0x105: {  	_ =	swait.ge [sflag:s20], $0x50  }
0x106: {  	[sflag:s20] =	ssyncset.done $0x0  }
0x107: {  	s25 =	simm.s32 $0x190;
	[sflag:s20] =	ssyncadd.s32 $0xFFFFFFB0;
	s20 =	simm.s32 $0xC  }
0x108: {  	[tilespmem:s31], [sflag:$0xA] =	stream.indirect.gather [hbm4b:s24+s21], $0x80, s25, s21, $0xb8;
	[tilespmem:$0x1E418] =	vst v63  }
0x109: {  	_ =	swait.ge [sflag:s20], $0x2800  }
0x10a: {  	[sflag:s20] =	ssyncset.done $0x0  }
0x10b: {  	s25 =	simm.s32 $0x1E3C8;
	[sflag:s20] =	ssyncadd.s32 $0xFFFFD800  }
0x10c: {  	[spmem:s5] =	stream.indirect.scatter.add.f32 [tilespmem:s25], [sflag:$0x10], $0x1, s9, s21, $0xb8;
	[tilespmem:$0x1E418] =	vst v63  }
0x10d: {  	_ = 	snop  }
0x10e: {  	[spmem:s4] =	stream.indirect.scatter.add.f32 [tilespmem:s18], [sflag:$0x10], $0x80, s9, s21, $0xb8;
	[tilespmem:$0x1E418] =	vst v63  }
0x10f: {  	_ =	swait.ge [sflag:s23], $0x50  }
0x110: {  	[sflag:s23] =	ssyncset.done $0x0  }
0x111: {  	[sflag:s23] =	ssyncadd.s32 $0xFFFFFFB0  }
0x112: {  	_ =	swait.ge [sflag:s23], $0x2800  }
0x113: {  	s13 =	rddreg [dreg:$0x9]  }
0x114: {  	s12 =	sadd.s32 s10, s13  }
0x115: {  	[sflag:s23] =	ssyncset.done $0x0;
	s12 =	sshrl.u32 s12, $0x3  }
0x116: {  	[sflag:s23] =	ssyncadd.s32 $0xFFFFD800;
	s23 =	sadd.s32 s7, s12  }
0x117: {  	[tilespmem:s8], [sflag:$0x3] =	stream.linear.gather [hbm4b:s23+s6], $0x50, $0x38;
	[tilespmem:$0x1E418] =	vst v63  }
0x118: {  	s13 =	simm.s32 $0x7;
	s12 =	sadd.s32 s2, s12  }
0x119: {  	[tilespmem:s16], [sflag:$0x3] =	stream.linear.gather [hbm4b:s12+s6], $0x50, $0x38;
	[tilespmem:$0x1E418] =	vst v63  }
0x11a: {  	_ =	swait.ge [sflag:s13], $0x50  }
0x11b: {  	[sflag:s13] =	ssyncset.done $0x0  }
0x11c: {  	[sflag:s13] =	ssyncadd.s32 $0xFFFFFFB0  }
0x11d: {  	_ =	swait.ge [sflag:s13], $0x50  }
0x11e: {  	[sflag:s13] =	ssyncset.done $0x0  }
0x11f: {  	s16 =	simm.s32 $0x1E0;
	[sflag:s13] =	ssyncadd.s32 $0xFFFFFFB0  }
0x120: {  	[tilespmem:s30], [sflag:$0xB] =	stream.indirect.gather [hbm4b:s24+s21], $0x80, s16, s21, $0xb8;
	[tilespmem:$0x1E418] =	vst v63  }
0x121: {  	_ =	swait.ge [sflag:s3], $0x2800  }
0x122: {  	[sflag:s3] =	ssyncset.done $0x0  }
0x123: {  	[sflag:s3] =	ssyncadd.s32 $0xFFFFD800  }
0x124: {  	[spmem:s5] =	stream.indirect.scatter.add.f32 [tilespmem:s25], [sflag:$0xD], $0x1, s17, s21, $0xb8;
	[tilespmem:$0x1E418] =	vst v63  }
0x125: {  	_ = 	snop  }
0x126: {  	[spmem:s4] =	stream.indirect.scatter.add.f32 [tilespmem:s15], [sflag:$0xD], $0x80, s17, s21, $0xb8;
	[tilespmem:$0x1E418] =	vst v63  }
0x127: {  	_ =	swait.ge [sflag:s0], $0x50  }
0x128: {  	[sflag:s0] =	ssyncset.done $0x0  }
0x129: {  	[sflag:s0] =	ssyncadd.s32 $0xFFFFFFB0  }
0x12a: {  	_ =	swait.ge [sflag:s0], $0x2800  }
0x12b: {  	s23 =	rddreg [dreg:$0xa]  }
0x12c: {  	s12 =	sadd.s32 s10, s23  }
0x12d: {  	[sflag:s0] =	ssyncset.done $0x0;
	s12 =	sshrl.u32 s12, $0x3  }
0x12e: {  	s8 =	simm.s32 $0xF0;
	[sflag:s0] =	ssyncadd.s32 $0xFFFFD800;
	s3 =	sadd.s32 s7, s12  }
0x12f: {  	[tilespmem:s8], [sflag:$0x4] =	stream.linear.gather [hbm4b:s3+s6], $0x50, $0x38;
	[tilespmem:$0x1E418] =	vst v63  }
0x130: {  	s13 =	simm.s32 $0x8;
	s12 =	sadd.s32 s2, s12  }
0x131: {  	[tilespmem:s9], [sflag:$0x4] =	stream.linear.gather [hbm4b:s12+s6], $0x50, $0x38;
	[tilespmem:$0x1E418] =	vst v63  }
0x132: {  	_ =	swait.ge [sflag:s13], $0x50  }
0x133: {  	[sflag:s13] =	ssyncset.done $0x0  }
0x134: {  	[sflag:s13] =	ssyncadd.s32 $0xFFFFFFB0  }
0x135: {  	_ =	swait.ge [sflag:s13], $0x50  }
0x136: {  	[sflag:s13] =	ssyncset.done $0x0  }
0x137: {  	[sflag:s13] =	ssyncadd.s32 $0xFFFFFFB0  }
0x138: {  	[tilespmem:s18], [sflag:$0xC] =	stream.indirect.gather [hbm4b:s24+s21], $0x80, s28, s21, $0xb8;
	[tilespmem:$0x1E418] =	vst v63  }
0x139: {  	_ =	swait.ge [sflag:s14], $0x2800  }
0x13a: {  	[sflag:s14] =	ssyncset.done $0x0  }
0x13b: {  	[sflag:s14] =	ssyncadd.s32 $0xFFFFD800;
	s14 =	simm.s32 $0x410  }
0x13c: {  	[spmem:s5] =	stream.indirect.scatter.add.f32 [tilespmem:s25], [sflag:$0xE], $0x1, s14, s21, $0xb8;
	[tilespmem:$0x1E418] =	vst v63  }
0x13d: {  	_ = 	snop  }
0x13e: {  	[spmem:s4] =	stream.indirect.scatter.add.f32 [tilespmem:s31], [sflag:$0xE], $0x80, s14, s21, $0xb8;
	[tilespmem:$0x1E418] =	vst v63  }
0x13f: {  	_ =	swait.ge [sflag:s11], $0x50  }
0x140: {  	[sflag:s11] =	ssyncset.done $0x0  }
0x141: {  	[sflag:s11] =	ssyncadd.s32 $0xFFFFFFB0  }
0x142: {  	_ =	swait.ge [sflag:s11], $0x2800  }
0x143: {  	s16 =	rddreg [dreg:$0xb]  }
0x144: {  	s12 =	sadd.s32 s10, s16  }
0x145: {  	[sflag:s11] =	ssyncset.done $0x0;
	s12 =	sshrl.u32 s12, $0x3  }
0x146: {  	s23 =	simm.s32 $0x140;
	[sflag:s11] =	ssyncadd.s32 $0xFFFFD800;
	s18 =	sadd.s32 s7, s12  }
0x147: {  	[tilespmem:s23], [sflag:$0x5] =	stream.linear.gather [hbm4b:s18+s6], $0x50, $0x38;
	[tilespmem:$0x1E418] =	vst v63  }
0x148: {  	s12 =	sadd.s32 s2, s12  }
0x149: {  	[tilespmem:s17], [sflag:$0x5] =	stream.linear.gather [hbm4b:s12+s6], $0x50, $0x38;
	[tilespmem:$0x1E418] =	vst v63  }
0x14a: {  	_ =	swait.ge [sflag:s19], $0x50  }
0x14b: {  	[sflag:s19] =	ssyncset.done $0x0  }
0x14c: {  	[sflag:s19] =	ssyncadd.s32 $0xFFFFFFB0  }
0x14d: {  	_ =	swait.ge [sflag:s19], $0x50  }
0x14e: {  	[sflag:s19] =	ssyncset.done $0x0  }
0x14f: {  	[sflag:s19] =	ssyncadd.s32 $0xFFFFFFB0  }
0x150: {  	[tilespmem:s15], [sflag:$0x9] =	stream.indirect.gather [hbm4b:s24+s21], $0x80, s6, s21, $0xb8;
	[tilespmem:$0x1E418] =	vst v63  }
0x151: {  	_ =	swait.ge [sflag:s22], $0x2800  }
0x152: {  	[sflag:s22] =	ssyncset.done $0x0  }
0x153: {  	s28 =	simm.s32 $0x460;
	[sflag:s22] =	ssyncadd.s32 $0xFFFFD800  }
0x154: {  	[spmem:s5] =	stream.indirect.scatter.add.f32 [tilespmem:s25], [sflag:$0xF], $0x1, s28, s21, $0xb8;
	[tilespmem:$0x1E418] =	vst v63  }
0x155: {  	_ = 	snop  }
0x156: {  	[spmem:s4] =	stream.indirect.scatter.add.f32 [tilespmem:s30], [sflag:$0xF], $0x80, s28, s21, $0xb8;
	[tilespmem:$0x1E418] =	vst v63  }
0x157: {  	_ =	swait.ge [sflag:s26], $0x50  }
0x158: {  	[sflag:s26] =	ssyncset.done $0x0  }
0x159: {  	[sflag:s26] =	ssyncadd.s32 $0xFFFFFFB0  }
0x15a: {  	_ =	swait.ge [sflag:s26], $0x2800  }
0x15b: {  	p0 =	por $0x0, $0x0;
	s12 =	rddreg [dreg:$0xc]  }
0x15c: {  	s10 =	sadd.s32 @!p0 s10, s12  }
0x15d: {  	s15 =	simm.s32 @!p0 $0x0;
	[sflag:s26] =	ssyncset.done $0x0;
	s10 =	sshrl.u32 @!p0 s10, $0x3  }
0x15e: {  	s12 =	simm.s32 @!p0 $0x190;
	[sflag:s26] =	ssyncadd.s32 $0xFFFFD800;
	s13 =	sadd.s32 @!p0 s7, s10  }
0x15f: {  	[tilespmem:s12], [sflag:$0x6] =	stream.linear.gather @!p0 [hbm4b:s13+s15], $0x50, $0x38;
	[tilespmem:$0x1E418] =	vst v63  }
0x160: {  	s10 =	sadd.s32 @!p0 s2, s10;
	s12 =	simm.s32 @!p0 $0x410  }
0x161: {  	[tilespmem:s12], [sflag:$0x6] =	stream.linear.gather @!p0 [hbm4b:s10+s15], $0x50, $0x38;
	[tilespmem:$0x1E418] =	vst v63  }
0x162: {  	_ =	swait.ge [sflag:s1], $0x50  }
0x163: {  	[sflag:s1] =	ssyncset.done $0x0  }
0x164: {  	[sflag:s1] =	ssyncadd.s32 $0xFFFFFFB0  }
0x165: {  	s11 =	simm.s32 $0xD;
	s17 =	simm.s32 $0x500;
	_ =	swait.ge [sflag:s1], $0x50  }
0x166: {  	s15 =	simm.s32 $0x280;
	p0 =	por $0x0, $0x0;
	[sflag:s1] =	ssyncset.done $0x0  }
0x167: {  	s10 =	simm.s32 @!p0 $0x460;
	s12 =	simm.s32 @!p0 $0x4B0;
	[sflag:s1] =	ssyncadd.s32 $0xFFFFFFB0  }
0x168: {  	[tilespmem:s31], [sflag:$0xA] =	stream.indirect.gather [hbm4b:s24+s21], $0x80, s21, s21, $0xb8;
	[tilespmem:$0x1E418] =	vst v63  }
0x169: {  	s10 =	simm.s32 @p0 $0x1E0;
	s12 =	simm.s32 @p0 $0x230;
	_ =	swait.ge [sflag:s20], $0x2800  }
0x16a: {  	p0 =	por p0, p0;
	s10 =	sadd.s32 s29, s10;
	[sflag:s20] =	ssyncset.done $0x0  }
0x16b: {  	s1 =	simm.s32 $0x4B0;
	s31 =	sadd.s32 s29, s12;
	[sflag:s20] =	ssyncadd.s32 $0xFFFFD800  }
0x16c: {  	[spmem:s5] =	stream.indirect.scatter.add.f32 [tilespmem:s25], [sflag:$0x10], $0x1, s1, s21, $0xb8;
	[tilespmem:$0x1E418] =	vst v63  }
0x16d: {  	s12 =	sshrl.u32 s10, $0x3;
	s19 =	sshrl.u32 s31, $0x3;
	s25 =	simm.s32 $0xE  }
.LBB2_4:
0x16e: {  	s0 =	simm.s32 $0x7D00;
	s13 =	simm.s32 @!p0 $0xF  }
0x16f: {  	[spmem:s4] =	stream.indirect.scatter.add.f32 [tilespmem:s0], [sflag:$0x10], $0x80, s1, s21, $0xb8;
	[tilespmem:$0x1E418] =	vst v63  }
0x170: {  	_ =	swait.ge @!p0 [sflag:s13], $0x50  }
0x171: {  	[sflag:s13] =	ssyncset.done @!p0 $0x0  }
0x172: {  	[sflag:s13] =	ssyncadd.s32 @!p0 $0xFFFFFFB0  }
0x173: {  	s3 =	rddreg [dreg:$0xd];
	_ =	swait.ge @!p0 [sflag:s13], $0x2800  }
0x174: {  	[sflag:s13] =	ssyncset.done @!p0 $0x0  }
0x175: {  	s8 =	sadd.s32 s7, s12;
	s9 =	simm.s32 $0x1E0;
	[sflag:s13] =	ssyncadd.s32 @!p0 $0xFFFFD800  }
0x176: {  	[tilespmem:s9], [sflag:$0x7] =	stream.linear.gather [hbm4b:s8+s6], $0x50, $0x38;
	[tilespmem:$0x1E418] =	vst v63  }
0x177: {  	s14 =	sadd.s32 s2, s12;
	s16 =	simm.s32 $0x460;
	s20 =	simm.s32 $0x3  }
0x178: {  	[tilespmem:s16], [sflag:$0x7] =	stream.linear.gather [hbm4b:s14+s6], $0x50, $0x38;
	[tilespmem:$0x1E418] =	vst v63  }
0x179: {  	s10 =	smov.u32 s17;
	_ =	swait.ge [sflag:s20], $0x50  }
0x17a: {  	s30 =	simm.s32 $0x5500;
	p2 =	seq.s32 s10, $0x0;
	[sflag:s20] =	ssyncset.done $0x0  }
0x17b: {  	s31 =	sadd.s32 @!p2 $0x1E0, s10;
	s1 =	sadd.s32 @!p2 $0x230, s10;
	[sflag:s20] =	ssyncadd.s32 $0xFFFFFFB0  }
0x17c: {  	s31 =	simm.s32 @p2 $0x1E0;
	s1 =	simm.s32 @p2 $0x230;
	_ =	swait.ge [sflag:s20], $0x50  }
0x17d: {  	s31 =	sadd.s32 s3, s31;
	s1 =	sadd.s32 s3, s1;
	[sflag:s20] =	ssyncset.done $0x0  }
0x17e: {  	s3 =	simm.s32 $0x9;
	s8 =	simm.s32 $0xA0;
	[sflag:s20] =	ssyncadd.s32 $0xFFFFFFB0  }
0x17f: {  	[tilespmem:s30], [sflag:$0xB] =	stream.indirect.gather [hbm4b:s24+s21], $0x80, s8, s21, $0xb8;
	[tilespmem:$0x1E418] =	vst v63  }
0x180: {  	_ =	swait.ge [sflag:s3], $0x2800  }
0x181: {  	[sflag:s3] =	ssyncset.done $0x0  }
0x182: {  	s26 =	simm.s32 $0x1E3C8;
	s9 =	simm.s32 $0x280;
	[sflag:s3] =	ssyncadd.s32 $0xFFFFD800  }
0x183: {  	[spmem:s5] =	stream.indirect.scatter.add.f32 [tilespmem:s26], [sflag:$0xD], $0x1, s9, s21, $0xb8;
	[tilespmem:$0x1E418] =	vst v63  }
0x184: {  	s13 =	simm.s32 @!p0 $0x10;
	s24 =	simm.s32 $0x500  }
0x185: {  	[spmem:s4] =	stream.indirect.scatter.add.f32 [tilespmem:s24], [sflag:$0xD], $0x80, s9, s21, $0xb8;
	[tilespmem:$0x1E418] =	vst v63  }
0x186: {  	_ =	swait.ge @!p0 [sflag:s13], $0x50  }
0x187: {  	[sflag:s13] =	ssyncset.done @!p0 $0x0  }
0x188: {  	[sflag:s13] =	ssyncadd.s32 @!p0 $0xFFFFFFB0  }
0x189: {  	_ =	swait.ge @!p0 [sflag:s13], $0x2800  }
0x18a: {  	[sflag:s13] =	ssyncset.done @!p0 $0x0  }
0x18b: {  	s22 =	sadd.s32 s7, s19;
	s14 =	simm.s32 $0x230;
	[sflag:s13] =	ssyncadd.s32 @!p0 $0xFFFFD800  }
0x18c: {  	[tilespmem:s14], [sflag:$0x8] =	stream.linear.gather [hbm4b:s22+s6], $0x50, $0x38;
	[tilespmem:$0x1E418] =	vst v63  }
0x18d: {  	s18 =	simm.s32 $0x4B0;
	s23 =	sadd.s32 s2, s19  }
0x18e: {  	[tilespmem:s18], [sflag:$0x8] =	stream.linear.gather [hbm4b:s23+s6], $0x50, $0x38;
	[tilespmem:$0x1E418] =	vst v63  }
0x18f: {  	s18 =	simm.s32 $0x4  }
0x190: {  	_ =	swait.ge [sflag:s18], $0x50  }
0x191: {  	[sflag:s18] =	ssyncset.done $0x0  }
0x192: {  	[sflag:s18] =	ssyncadd.s32 $0xFFFFFFB0  }
0x193: {  	_ =	swait.ge [sflag:s18], $0x50  }
0x194: {  	[sflag:s18] =	ssyncset.done $0x0  }
0x195: {  	[sflag:s18] =	ssyncadd.s32 $0xFFFFFFB0  }
0x196: {  	s20 =	simm.s32 $0xA;
	s14 =	simm.s32 $0xF0;
	s28 =	rddreg [dreg:$0x0]  }
0x197: {  	[tilespmem:s0], [sflag:$0xC] =	stream.indirect.gather [hbm4b:s28+s21], $0x80, s14, s21, $0xb8;
	[tilespmem:$0x1E418] =	vst v63  }
0x198: {  	_ =	swait.ge [sflag:s20], $0x2800  }
0x199: {  	[sflag:s20] =	ssyncset.done $0x0  }
0x19a: {  	s16 =	simm.s32 $0x2D0;
	[sflag:s20] =	ssyncadd.s32 $0xFFFFD800  }
0x19b: {  	[spmem:s5] =	stream.indirect.scatter.add.f32 [tilespmem:s26], [sflag:$0xE], $0x1, s16, s21, $0xb8;
	[tilespmem:$0x1E418] =	vst v63  }
0x19c: {  	s22 =	simm.s32 $0x2D00  }
0x19d: {  	[spmem:s4] =	stream.indirect.scatter.add.f32 [tilespmem:s22], [sflag:$0xE], $0x80, s16, s21, $0xb8;
	[tilespmem:$0x1E418] =	vst v63  }
0x19e: {  	_ =	swait.ge [sflag:s11], $0x50  }
0x19f: {  	[sflag:s11] =	ssyncset.done $0x0  }
0x1a0: {  	[sflag:s11] =	ssyncadd.s32 $0xFFFFFFB0  }
0x1a1: {  	s13 =	smov.u32 s15;
	_ =	swait.ge [sflag:s11], $0x2800  }
0x1a2: {  	s1 =	sshrl.u32 s1, $0x3;
	s13 =	simm.s32 @p0 $0x0;
	s29 =	rddreg [dreg:$0x7]  }
0x1a3: {  	s19 =	smov.u32 s1;
	s1 =	sadd.s32 s13, s29  }
0x1a4: {  	s31 =	sshrl.u32 s31, $0x3;
	[sflag:s11] =	ssyncset.done $0x0;
	s1 =	sshrl.u32 s1, $0x3  }
0x1a5: {  	s12 =	smov.u32 s31;
	[sflag:s11] =	ssyncadd.s32 $0xFFFFD800;
	s31 =	sadd.s32 s7, s1  }
0x1a6: {  	[tilespmem:s6], [sflag:$0x1] =	stream.linear.gather [hbm4b:s31+s6], $0x50, $0x38;
	[tilespmem:$0x1E418] =	vst v63  }
0x1a7: {  	s23 =	simm.s32 $0x5;
	s1 =	sadd.s32 s2, s1  }
0x1a8: {  	[tilespmem:s9], [sflag:$0x1] =	stream.linear.gather [hbm4b:s1+s6], $0x50, $0x38;
	[tilespmem:$0x1E418] =	vst v63  }
0x1a9: {  	_ =	swait.ge [sflag:s23], $0x50  }
0x1aa: {  	[sflag:s23] =	ssyncset.done $0x0  }
0x1ab: {  	[sflag:s23] =	ssyncadd.s32 $0xFFFFFFB0  }
0x1ac: {  	_ =	swait.ge [sflag:s23], $0x50  }
0x1ad: {  	[sflag:s23] =	ssyncset.done $0x0  }
0x1ae: {  	[sflag:s23] =	ssyncadd.s32 $0xFFFFFFB0  }
0x1af: {  	s29 =	simm.s32 $0x140;
	s23 =	simm.s32 $0xB;
	s1 =	rddreg [dreg:$0x0]  }
0x1b0: {  	[tilespmem:s24], [sflag:$0x9] =	stream.indirect.gather [hbm4b:s1+s21], $0x80, s29, s21, $0xb8;
	[tilespmem:$0x1E418] =	vst v63  }
0x1b1: {  	_ =	swait.ge [sflag:s23], $0x2800  }
0x1b2: {  	[sflag:s23] =	ssyncset.done $0x0  }
0x1b3: {  	s9 =	simm.s32 $0x320;
	[sflag:s23] =	ssyncadd.s32 $0xFFFFD800  }
0x1b4: {  	[spmem:s5] =	stream.indirect.scatter.add.f32 [tilespmem:s26], [sflag:$0xF], $0x1, s9, s21, $0xb8;
	[tilespmem:$0x1E418] =	vst v63  }
0x1b5: {  	_ = 	snop  }
0x1b6: {  	[spmem:s4] =	stream.indirect.scatter.add.f32 [tilespmem:s30], [sflag:$0xF], $0x80, s9, s21, $0xb8;
	[tilespmem:$0x1E418] =	vst v63  }
0x1b7: {  	_ =	swait.ge [sflag:s25], $0x50  }
0x1b8: {  	[sflag:s25] =	ssyncset.done $0x0  }
0x1b9: {  	[sflag:s25] =	ssyncadd.s32 $0xFFFFFFB0  }
0x1ba: {  	_ =	swait.ge [sflag:s25], $0x2800  }
0x1bb: {  	s28 =	rddreg [dreg:$0x8]  }
0x1bc: {  	s1 =	sadd.s32 s13, s28  }
0x1bd: {  	[sflag:s25] =	ssyncset.done $0x0;
	s1 =	sshrl.u32 s1, $0x3  }
0x1be: {  	[sflag:s25] =	ssyncadd.s32 $0xFFFFD800;
	s31 =	sadd.s32 s7, s1  }
0x1bf: {  	[tilespmem:s21], [sflag:$0x2] =	stream.linear.gather [hbm4b:s31+s6], $0x50, $0x38;
	[tilespmem:$0x1E418] =	vst v63  }
0x1c0: {  	s1 =	sadd.s32 s2, s1  }
0x1c1: {  	[tilespmem:s16], [sflag:$0x2] =	stream.linear.gather [hbm4b:s1+s6], $0x50, $0x38;
	[tilespmem:$0x1E418] =	vst v63  }
0x1c2: {  	s16 =	simm.s32 $0x6  }
0x1c3: {  	_ =	swait.ge [sflag:s16], $0x50  }
0x1c4: {  	[sflag:s16] =	ssyncset.done $0x0  }
0x1c5: {  	[sflag:s16] =	ssyncadd.s32 $0xFFFFFFB0  }
0x1c6: {  	_ =	swait.ge [sflag:s16], $0x50  }
0x1c7: {  	[sflag:s16] =	ssyncset.done $0x0  }
0x1c8: {  	[sflag:s16] =	ssyncadd.s32 $0xFFFFFFB0  }
0x1c9: {  	s28 =	simm.s32 $0x190;
	s1 =	rddreg [dreg:$0x0]  }
0x1ca: {  	[tilespmem:s22], [sflag:$0xA] =	stream.indirect.gather [hbm4b:s1+s21], $0x80, s28, s21, $0xb8;
	[tilespmem:$0x1E418] =	vst v63  }
0x1cb: {  	s28 =	simm.s32 $0xC  }
0x1cc: {  	_ =	swait.ge [sflag:s28], $0x2800  }
0x1cd: {  	[sflag:s28] =	ssyncset.done $0x0  }
0x1ce: {  	s16 =	simm.s32 $0x370;
	[sflag:s28] =	ssyncadd.s32 $0xFFFFD800  }
0x1cf: {  	[spmem:s5] =	stream.indirect.scatter.add.f32 [tilespmem:s26], [sflag:$0x10], $0x1, s16, s21, $0xb8;
	[tilespmem:$0x1E418] =	vst v63  }
0x1d0: {  	s31 =	simm.s32 $0xF  }
0x1d1: {  	[spmem:s4] =	stream.indirect.scatter.add.f32 [tilespmem:s0], [sflag:$0x10], $0x80, s16, s21, $0xb8;
	[tilespmem:$0x1E418] =	vst v63  }
0x1d2: {  	_ =	swait.ge [sflag:s31], $0x50  }
0x1d3: {  	[sflag:s31] =	ssyncset.done $0x0  }
0x1d4: {  	[sflag:s31] =	ssyncadd.s32 $0xFFFFFFB0  }
0x1d5: {  	_ =	swait.ge [sflag:s31], $0x2800  }
0x1d6: {  	s1 =	rddreg [dreg:$0x9]  }
0x1d7: {  	s1 =	sadd.s32 s13, s1  }
0x1d8: {  	[sflag:s31] =	ssyncset.done $0x0;
	s1 =	sshrl.u32 s1, $0x3  }
0x1d9: {  	[sflag:s31] =	ssyncadd.s32 $0xFFFFD800;
	s31 =	sadd.s32 s7, s1  }
0x1da: {  	[tilespmem:s8], [sflag:$0x3] =	stream.linear.gather [hbm4b:s31+s6], $0x50, $0x38;
	[tilespmem:$0x1E418] =	vst v63  }
0x1db: {  	s1 =	sadd.s32 s2, s1;
	s8 =	simm.s32 $0x7  }
0x1dc: {  	[tilespmem:s9], [sflag:$0x3] =	stream.linear.gather [hbm4b:s1+s6], $0x50, $0x38;
	[tilespmem:$0x1E418] =	vst v63  }
0x1dd: {  	_ =	swait.ge [sflag:s8], $0x50  }
0x1de: {  	[sflag:s8] =	ssyncset.done $0x0  }
0x1df: {  	[sflag:s8] =	ssyncadd.s32 $0xFFFFFFB0  }
0x1e0: {  	_ =	swait.ge [sflag:s8], $0x50  }
0x1e1: {  	[sflag:s8] =	ssyncset.done $0x0  }
0x1e2: {  	[sflag:s8] =	ssyncadd.s32 $0xFFFFFFB0  }
0x1e3: {  	s9 =	simm.s32 $0x1E0;
	s1 =	rddreg [dreg:$0x0]  }
0x1e4: {  	[tilespmem:s30], [sflag:$0xB] =	stream.indirect.gather [hbm4b:s1+s21], $0x80, s9, s21, $0xb8;
	[tilespmem:$0x1E418] =	vst v63  }
0x1e5: {  	_ =	swait.ge [sflag:s3], $0x2800  }
0x1e6: {  	[sflag:s3] =	ssyncset.done $0x0  }
0x1e7: {  	s9 =	simm.s32 $0x3C0;
	[sflag:s3] =	ssyncadd.s32 $0xFFFFD800  }
0x1e8: {  	[spmem:s5] =	stream.indirect.scatter.add.f32 [tilespmem:s26], [sflag:$0xD], $0x1, s9, s21, $0xb8;
	[tilespmem:$0x1E418] =	vst v63  }
0x1e9: {  	s3 =	simm.s32 $0x10  }
0x1ea: {  	[spmem:s4] =	stream.indirect.scatter.add.f32 [tilespmem:s24], [sflag:$0xD], $0x80, s9, s21, $0xb8;
	[tilespmem:$0x1E418] =	vst v63  }
0x1eb: {  	_ =	swait.ge [sflag:s3], $0x50  }
0x1ec: {  	[sflag:s3] =	ssyncset.done $0x0  }
0x1ed: {  	[sflag:s3] =	ssyncadd.s32 $0xFFFFFFB0  }
0x1ee: {  	_ =	swait.ge [sflag:s3], $0x2800  }
0x1ef: {  	s8 =	rddreg [dreg:$0xa]  }
0x1f0: {  	s1 =	sadd.s32 s13, s8  }
0x1f1: {  	[sflag:s3] =	ssyncset.done $0x0;
	s1 =	sshrl.u32 s1, $0x3  }
0x1f2: {  	[sflag:s3] =	ssyncadd.s32 $0xFFFFD800;
	s31 =	sadd.s32 s7, s1  }
0x1f3: {  	[tilespmem:s14], [sflag:$0x4] =	stream.linear.gather [hbm4b:s31+s6], $0x50, $0x38;
	[tilespmem:$0x1E418] =	vst v63  }
0x1f4: {  	s1 =	sadd.s32 s2, s1;
	s14 =	simm.s32 $0x8  }
0x1f5: {  	[tilespmem:s16], [sflag:$0x4] =	stream.linear.gather [hbm4b:s1+s6], $0x50, $0x38;
	[tilespmem:$0x1E418] =	vst v63  }
0x1f6: {  	_ =	swait.ge [sflag:s14], $0x50  }
0x1f7: {  	[sflag:s14] =	ssyncset.done $0x0  }
0x1f8: {  	[sflag:s14] =	ssyncadd.s32 $0xFFFFFFB0  }
0x1f9: {  	_ =	swait.ge [sflag:s14], $0x50  }
0x1fa: {  	[sflag:s14] =	ssyncset.done $0x0  }
0x1fb: {  	[sflag:s14] =	ssyncadd.s32 $0xFFFFFFB0  }
0x1fc: {  	s16 =	simm.s32 $0x230;
	s1 =	rddreg [dreg:$0x0]  }
0x1fd: {  	[tilespmem:s0], [sflag:$0xC] =	stream.indirect.gather [hbm4b:s1+s21], $0x80, s16, s21, $0xb8;
	[tilespmem:$0x1E418] =	vst v63  }
0x1fe: {  	_ =	swait.ge [sflag:s20], $0x2800  }
0x1ff: {  	[sflag:s20] =	ssyncset.done $0x0  }
0x200: {  	s8 =	simm.s32 $0x410;
	[sflag:s20] =	ssyncadd.s32 $0xFFFFD800  }
0x201: {  	[spmem:s5] =	stream.indirect.scatter.add.f32 [tilespmem:s26], [sflag:$0xE], $0x1, s8, s21, $0xb8;
	[tilespmem:$0x1E418] =	vst v63  }
0x202: {  	_ = 	snop  }
0x203: {  	[spmem:s4] =	stream.indirect.scatter.add.f32 [tilespmem:s22], [sflag:$0xE], $0x80, s8, s21, $0xb8;
	[tilespmem:$0x1E418] =	vst v63  }
0x204: {  	_ =	swait.ge [sflag:s11], $0x50  }
0x205: {  	[sflag:s11] =	ssyncset.done $0x0  }
0x206: {  	[sflag:s11] =	ssyncadd.s32 $0xFFFFFFB0  }
0x207: {  	_ =	swait.ge [sflag:s11], $0x2800  }
0x208: {  	s14 =	rddreg [dreg:$0xb]  }
0x209: {  	s1 =	sadd.s32 s13, s14  }
0x20a: {  	[sflag:s11] =	ssyncset.done $0x0;
	s1 =	sshrl.u32 s1, $0x3  }
0x20b: {  	[sflag:s11] =	ssyncadd.s32 $0xFFFFD800;
	s31 =	sadd.s32 s7, s1  }
0x20c: {  	[tilespmem:s29], [sflag:$0x5] =	stream.linear.gather [hbm4b:s31+s6], $0x50, $0x38;
	[tilespmem:$0x1E418] =	vst v63  }
0x20d: {  	s16 =	simm.s32 $0x1;
	s1 =	sadd.s32 s2, s1  }
0x20e: {  	[tilespmem:s9], [sflag:$0x5] =	stream.linear.gather [hbm4b:s1+s6], $0x50, $0x38;
	[tilespmem:$0x1E418] =	vst v63  }
0x20f: {  	_ =	swait.ge [sflag:s16], $0x50  }
0x210: {  	[sflag:s16] =	ssyncset.done $0x0  }
0x211: {  	[sflag:s16] =	ssyncadd.s32 $0xFFFFFFB0  }
0x212: {  	_ =	swait.ge [sflag:s16], $0x50  }
0x213: {  	[sflag:s16] =	ssyncset.done $0x0  }
0x214: {  	[sflag:s16] =	ssyncadd.s32 $0xFFFFFFB0  }
0x215: {  	s20 =	rddreg [dreg:$0x0]  }
0x216: {  	[tilespmem:s24], [sflag:$0x9] =	stream.indirect.gather [hbm4b:s20+s21], $0x80, s6, s21, $0xb8;
	[tilespmem:$0x1E418] =	vst v63  }
0x217: {  	s24 =	rddreg [dreg:$0x0];
	_ =	swait.ge [sflag:s23], $0x2800  }
0x218: {  	[sflag:s23] =	ssyncset.done $0x0  }
0x219: {  	s29 =	simm.s32 $0x460;
	[sflag:s23] =	ssyncadd.s32 $0xFFFFD800  }
0x21a: {  	[spmem:s5] =	stream.indirect.scatter.add.f32 [tilespmem:s26], [sflag:$0xF], $0x1, s29, s21, $0xb8;
	[tilespmem:$0x1E418] =	vst v63  }
0x21b: {  	_ = 	snop  }
0x21c: {  	[spmem:s4] =	stream.indirect.scatter.add.f32 [tilespmem:s30], [sflag:$0xF], $0x80, s29, s21, $0xb8;
	[tilespmem:$0x1E418] =	vst v63  }
0x21d: {  	_ =	swait.ge [sflag:s25], $0x50  }
0x21e: {  	[sflag:s25] =	ssyncset.done $0x0  }
0x21f: {  	[sflag:s25] =	ssyncadd.s32 $0xFFFFFFB0  }
0x220: {  	_ =	swait.ge [sflag:s25], $0x2800  }
0x221: {  	p0 =	por p2, p2;
	p2 =	seq.s32 s15, $0x2300;
	s1 =	rddreg [dreg:$0xc]  }
0x222: {  	s15 =	smov.u32 s10;
	s1 =	sadd.s32 @!p2 s13, s1  }
0x223: {  	s10 =	simm.s32 @!p2 $0x190;
	[sflag:s25] =	ssyncset.done $0x0;
	s1 =	sshrl.u32 @!p2 s1, $0x3  }
0x224: {  	s31 =	simm.s32 @!p2 $0x0;
	[sflag:s25] =	ssyncadd.s32 $0xFFFFD800;
	s13 =	sadd.s32 @!p2 s7, s1  }
0x225: {  	[tilespmem:s10], [sflag:$0x6] =	stream.linear.gather @!p2 [hbm4b:s13+s31], $0x50, $0x38;
	[tilespmem:$0x1E418] =	vst v63  }
0x226: {  	s1 =	sadd.s32 @!p2 s2, s1;
	s10 =	simm.s32 @!p2 $0x410  }
0x227: {  	[tilespmem:s10], [sflag:$0x6] =	stream.linear.gather @!p2 [hbm4b:s1+s31], $0x50, $0x38;
	[tilespmem:$0x1E418] =	vst v63  }
0x228: {  	s31 =	simm.s32 $0x2  }
0x229: {  	_ =	swait.ge [sflag:s31], $0x50  }
0x22a: {  	[sflag:s31] =	ssyncset.done $0x0  }
0x22b: {  	[sflag:s31] =	ssyncadd.s32 $0xFFFFFFB0  }
0x22c: {  	_ =	swait.ge [sflag:s31], $0x50  }
0x22d: {  	s17 =	sadd.s32 $0x280, s17;
	[sflag:s31] =	ssyncset.done $0x0  }
0x22e: {  	p1 =	sne.s32 s17, $0x2580;
	[sflag:s31] =	ssyncadd.s32 $0xFFFFFFB0  }
0x22f: {  	[tilespmem:s22], [sflag:$0xA] =	stream.indirect.gather [hbm4b:s24+s21], $0x80, s21, s21, $0xb8;
	[tilespmem:$0x1E418] =	vst v63  }
.Ltmp1:
0x230: {  	_ = 	snop;
	(pc) =	sbr.rel @p1 .LBB2_4-.Ltmp1, $4  }
0x231: {  	_ =	swait.ge [sflag:s28], $0x2800  }
0x232: {  	[sflag:s28] =	ssyncset.done $0x0  }
0x233: {  	s1 =	simm.s32 $0x4B0;
	[sflag:s28] =	ssyncadd.s32 $0xFFFFD800  }
0x234: {  	[spmem:s5] =	stream.indirect.scatter.add.f32 [tilespmem:s26], [sflag:$0x10], $0x1, s1, s21, $0xb8;
	[tilespmem:$0x1E418] =	vst v63  }
0x235: {  	s0 =	simm.s32 $0x7D00  }
0x236: {  	[spmem:s4] =	stream.indirect.scatter.add.f32 [tilespmem:s0], [sflag:$0x10], $0x80, s1, s21, $0xb8;
	[tilespmem:$0x1E418] =	vst v63  }
0x237: {  	s1 =	simm.s32 @!p0 $0xF  }
0x238: {  	_ =	swait.ge @!p0 [sflag:s1], $0x50  }
0x239: {  	[sflag:s1] =	ssyncset.done @!p0 $0x0  }
0x23a: {  	[sflag:s1] =	ssyncadd.s32 @!p0 $0xFFFFFFB0  }
0x23b: {  	_ =	swait.ge @!p0 [sflag:s1], $0x2800  }
0x23c: {  	[sflag:s1] =	ssyncset.done @!p0 $0x0  }
0x23d: {  	s10 =	sadd.s32 s7, s12;
	s13 =	simm.s32 $0x1E0;
	[sflag:s1] =	ssyncadd.s32 @!p0 $0xFFFFD800  }
0x23e: {  	[tilespmem:s13], [sflag:$0x7] =	stream.linear.gather [hbm4b:s10+s6], $0x50, $0x38;
	[tilespmem:$0x1E418] =	vst v63  }
0x23f: {  	s12 =	sadd.s32 s2, s12;
	s14 =	simm.s32 $0x460;
	s30 =	simm.s32 $0x3  }
0x240: {  	[tilespmem:s14], [sflag:$0x7] =	stream.linear.gather [hbm4b:s12+s6], $0x50, $0x38;
	[tilespmem:$0x1E418] =	vst v63  }
0x241: {  	_ =	swait.ge [sflag:s30], $0x50  }
0x242: {  	[sflag:s30] =	ssyncset.done $0x0  }
0x243: {  	[sflag:s30] =	ssyncadd.s32 $0xFFFFFFB0  }
0x244: {  	_ =	swait.ge [sflag:s30], $0x50  }
0x245: {  	s16 =	simm.s32 $0xA0;
	[sflag:s30] =	ssyncset.done $0x0  }
0x246: {  	s17 =	simm.s32 $0x5500;
	s14 =	simm.s32 $0x9;
	[sflag:s30] =	ssyncadd.s32 $0xFFFFFFB0  }
0x247: {  	[tilespmem:s17], [sflag:$0xB] =	stream.indirect.gather [hbm4b:s24+s21], $0x80, s16, s21, $0xb8;
	[tilespmem:$0x1E418] =	vst v63  }
0x248: {  	_ =	swait.ge [sflag:s14], $0x2800  }
0x249: {  	[sflag:s14] =	ssyncset.done $0x0  }
0x24a: {  	s20 =	simm.s32 $0x280;
	s26 =	simm.s32 $0x1E3C8;
	[sflag:s14] =	ssyncadd.s32 $0xFFFFD800  }
0x24b: {  	[spmem:s5] =	stream.indirect.scatter.add.f32 [tilespmem:s26], [sflag:$0xD], $0x1, s20, s21, $0xb8;
	[tilespmem:$0x1E418] =	vst v63  }
0x24c: {  	s22 =	simm.s32 $0x500;
	s1 =	simm.s32 @!p0 $0x10  }
0x24d: {  	[spmem:s4] =	stream.indirect.scatter.add.f32 [tilespmem:s22], [sflag:$0xD], $0x80, s20, s21, $0xb8;
	[tilespmem:$0x1E418] =	vst v63  }
0x24e: {  	_ =	swait.ge @!p0 [sflag:s1], $0x50  }
0x24f: {  	[sflag:s1] =	ssyncset.done @!p0 $0x0  }
0x250: {  	[sflag:s1] =	ssyncadd.s32 @!p0 $0xFFFFFFB0  }
0x251: {  	_ =	swait.ge @!p0 [sflag:s1], $0x2800  }
0x252: {  	[sflag:s1] =	ssyncset.done @!p0 $0x0  }
0x253: {  	s28 =	sadd.s32 s7, s19;
	s9 =	simm.s32 $0x230;
	[sflag:s1] =	ssyncadd.s32 @!p0 $0xFFFFD800  }
0x254: {  	[tilespmem:s9], [sflag:$0x8] =	stream.linear.gather [hbm4b:s28+s6], $0x50, $0x38;
	[tilespmem:$0x1E418] =	vst v63  }
0x255: {  	s3 =	simm.s32 $0x4B0;
	s9 =	sadd.s32 s2, s19  }
0x256: {  	[tilespmem:s3], [sflag:$0x8] =	stream.linear.gather [hbm4b:s9+s6], $0x50, $0x38;
	[tilespmem:$0x1E418] =	vst v63  }
0x257: {  	_ =	swait.ge [sflag:s18], $0x50  }
0x258: {  	[sflag:s18] =	ssyncset.done $0x0  }
0x259: {  	[sflag:s18] =	ssyncadd.s32 $0xFFFFFFB0  }
0x25a: {  	_ =	swait.ge [sflag:s18], $0x50  }
0x25b: {  	s8 =	simm.s32 $0x7D00;
	[sflag:s18] =	ssyncset.done $0x0  }
0x25c: {  	s10 =	simm.s32 $0xF0;
	s20 =	simm.s32 $0xA;
	[sflag:s18] =	ssyncadd.s32 $0xFFFFFFB0  }
0x25d: {  	[tilespmem:s8], [sflag:$0xC] =	stream.indirect.gather [hbm4b:s24+s21], $0x80, s10, s21, $0xb8;
	[tilespmem:$0x1E418] =	vst v63  }
0x25e: {  	_ =	swait.ge [sflag:s20], $0x2800  }
0x25f: {  	[sflag:s20] =	ssyncset.done $0x0  }
0x260: {  	s12 =	simm.s32 $0x2D0;
	[sflag:s20] =	ssyncadd.s32 $0xFFFFD800  }
0x261: {  	[spmem:s5] =	stream.indirect.scatter.add.f32 [tilespmem:s26], [sflag:$0xE], $0x1, s12, s21, $0xb8;
	[tilespmem:$0x1E418] =	vst v63  }
0x262: {  	s29 =	simm.s32 $0x2D00  }
0x263: {  	[spmem:s4] =	stream.indirect.scatter.add.f32 [tilespmem:s29], [sflag:$0xE], $0x80, s12, s21, $0xb8;
	[tilespmem:$0x1E418] =	vst v63  }
0x264: {  	_ =	swait.ge [sflag:s11], $0x50  }
0x265: {  	[sflag:s11] =	ssyncset.done $0x0  }
0x266: {  	[sflag:s11] =	ssyncadd.s32 $0xFFFFFFB0  }
0x267: {  	s10 =	smov.u32 s15;
	_ =	swait.ge [sflag:s11], $0x2800  }
0x268: {  	s10 =	simm.s32 @p0 $0x0;
	s17 =	rddreg [dreg:$0x7]  }
0x269: {  	s1 =	sadd.s32 s10, s17  }
0x26a: {  	[sflag:s11] =	ssyncset.done $0x0;
	s1 =	sshrl.u32 s1, $0x3  }
0x26b: {  	[sflag:s11] =	ssyncadd.s32 $0xFFFFD800;
	s19 =	sadd.s32 s7, s1  }
0x26c: {  	[tilespmem:s6], [sflag:$0x1] =	stream.linear.gather [hbm4b:s19+s6], $0x50, $0x38;
	[tilespmem:$0x1E418] =	vst v63  }
0x26d: {  	s23 =	simm.s32 $0x280;
	s8 =	simm.s32 $0x5;
	s1 =	sadd.s32 s2, s1  }
0x26e: {  	[tilespmem:s23], [sflag:$0x1] =	stream.linear.gather [hbm4b:s1+s6], $0x50, $0x38;
	[tilespmem:$0x1E418] =	vst v63  }
0x26f: {  	_ =	swait.ge [sflag:s8], $0x50  }
0x270: {  	[sflag:s8] =	ssyncset.done $0x0  }
0x271: {  	[sflag:s8] =	ssyncadd.s32 $0xFFFFFFB0  }
0x272: {  	_ =	swait.ge [sflag:s8], $0x50  }
0x273: {  	[sflag:s8] =	ssyncset.done $0x0  }
0x274: {  	s23 =	simm.s32 $0x140;
	[sflag:s8] =	ssyncadd.s32 $0xFFFFFFB0  }
0x275: {  	[tilespmem:s22], [sflag:$0x9] =	stream.indirect.gather [hbm4b:s24+s21], $0x80, s23, s21, $0xb8;
	[tilespmem:$0x1E418] =	vst v63  }
0x276: {  	s23 =	simm.s32 $0xB  }
0x277: {  	_ =	swait.ge [sflag:s23], $0x2800  }
0x278: {  	[sflag:s23] =	ssyncset.done $0x0  }
0x279: {  	s17 =	simm.s32 $0x320;
	[sflag:s23] =	ssyncadd.s32 $0xFFFFD800  }
0x27a: {  	[spmem:s5] =	stream.indirect.scatter.add.f32 [tilespmem:s26], [sflag:$0xF], $0x1, s17, s21, $0xb8;
	[tilespmem:$0x1E418] =	vst v63  }
0x27b: {  	s19 =	simm.s32 $0x5500  }
0x27c: {  	[spmem:s4] =	stream.indirect.scatter.add.f32 [tilespmem:s19], [sflag:$0xF], $0x80, s17, s21, $0xb8;
	[tilespmem:$0x1E418] =	vst v63  }
0x27d: {  	_ =	swait.ge [sflag:s25], $0x50  }
0x27e: {  	[sflag:s25] =	ssyncset.done $0x0  }
0x27f: {  	[sflag:s25] =	ssyncadd.s32 $0xFFFFFFB0  }
0x280: {  	_ =	swait.ge [sflag:s25], $0x2800  }
0x281: {  	s28 =	rddreg [dreg:$0x8]  }
0x282: {  	s1 =	sadd.s32 s10, s28  }
0x283: {  	[sflag:s25] =	ssyncset.done $0x0;
	s1 =	sshrl.u32 s1, $0x3  }
0x284: {  	[sflag:s25] =	ssyncadd.s32 $0xFFFFD800;
	s0 =	sadd.s32 s7, s1  }
0x285: {  	[tilespmem:s21], [sflag:$0x2] =	stream.linear.gather [hbm4b:s0+s6], $0x50, $0x38;
	[tilespmem:$0x1E418] =	vst v63  }
0x286: {  	s16 =	simm.s32 $0x2D0;
	s1 =	sadd.s32 s2, s1  }
0x287: {  	[tilespmem:s16], [sflag:$0x2] =	stream.linear.gather [hbm4b:s1+s6], $0x50, $0x38;
	[tilespmem:$0x1E418] =	vst v63  }
0x288: {  	s16 =	simm.s32 $0x6  }
0x289: {  	_ =	swait.ge [sflag:s16], $0x50  }
0x28a: {  	[sflag:s16] =	ssyncset.done $0x0  }
0x28b: {  	[sflag:s16] =	ssyncadd.s32 $0xFFFFFFB0  }
0x28c: {  	_ =	swait.ge [sflag:s16], $0x50  }
0x28d: {  	[sflag:s16] =	ssyncset.done $0x0  }
0x28e: {  	s28 =	simm.s32 $0x190;
	[sflag:s16] =	ssyncadd.s32 $0xFFFFFFB0  }
0x28f: {  	[tilespmem:s29], [sflag:$0xA] =	stream.indirect.gather [hbm4b:s24+s21], $0x80, s28, s21, $0xb8;
	[tilespmem:$0x1E418] =	vst v63  }
0x290: {  	s28 =	simm.s32 $0xC  }
0x291: {  	_ =	swait.ge [sflag:s28], $0x2800  }
0x292: {  	[sflag:s28] =	ssyncset.done $0x0  }
0x293: {  	s9 =	simm.s32 $0x370;
	[sflag:s28] =	ssyncadd.s32 $0xFFFFD800  }
0x294: {  	[spmem:s5] =	stream.indirect.scatter.add.f32 [tilespmem:s26], [sflag:$0x10], $0x1, s9, s21, $0xb8;
	[tilespmem:$0x1E418] =	vst v63  }
0x295: {  	s3 =	simm.s32 $0x7D00  }
0x296: {  	[spmem:s4] =	stream.indirect.scatter.add.f32 [tilespmem:s3], [sflag:$0x10], $0x80, s9, s21, $0xb8;
	[tilespmem:$0x1E418] =	vst v63  }
0x297: {  	s3 =	simm.s32 $0xF  }
0x298: {  	_ =	swait.ge [sflag:s3], $0x50  }
0x299: {  	[sflag:s3] =	ssyncset.done $0x0  }
0x29a: {  	[sflag:s3] =	ssyncadd.s32 $0xFFFFFFB0  }
0x29b: {  	_ =	swait.ge [sflag:s3], $0x2800  }
0x29c: {  	s0 =	rddreg [dreg:$0x9]  }
0x29d: {  	s1 =	sadd.s32 s10, s0  }
0x29e: {  	[sflag:s3] =	ssyncset.done $0x0;
	s1 =	sshrl.u32 s1, $0x3  }
0x29f: {  	[sflag:s3] =	ssyncadd.s32 $0xFFFFD800;
	s0 =	simm.s32 $0xA0;
	s12 =	sadd.s32 s7, s1  }
0x2a0: {  	[tilespmem:s0], [sflag:$0x3] =	stream.linear.gather [hbm4b:s12+s6], $0x50, $0x38;
	[tilespmem:$0x1E418] =	vst v63  }
0x2a1: {  	s1 =	sadd.s32 s2, s1;
	s12 =	simm.s32 $0x7  }
0x2a2: {  	[tilespmem:s17], [sflag:$0x3] =	stream.linear.gather [hbm4b:s1+s6], $0x50, $0x38;
	[tilespmem:$0x1E418] =	vst v63  }
0x2a3: {  	_ =	swait.ge [sflag:s12], $0x50  }
0x2a4: {  	[sflag:s12] =	ssyncset.done $0x0  }
0x2a5: {  	[sflag:s12] =	ssyncadd.s32 $0xFFFFFFB0  }
0x2a6: {  	_ =	swait.ge [sflag:s12], $0x50  }
0x2a7: {  	[sflag:s12] =	ssyncset.done $0x0  }
0x2a8: {  	[sflag:s12] =	ssyncadd.s32 $0xFFFFFFB0  }
0x2a9: {  	[tilespmem:s19], [sflag:$0xB] =	stream.indirect.gather [hbm4b:s24+s21], $0x80, s13, s21, $0xb8;
	[tilespmem:$0x1E418] =	vst v63  }
0x2aa: {  	_ =	swait.ge [sflag:s14], $0x2800  }
0x2ab: {  	[sflag:s14] =	ssyncset.done $0x0  }
0x2ac: {  	s19 =	simm.s32 $0x3C0;
	[sflag:s14] =	ssyncadd.s32 $0xFFFFD800  }
0x2ad: {  	[spmem:s5] =	stream.indirect.scatter.add.f32 [tilespmem:s26], [sflag:$0xD], $0x1, s19, s21, $0xb8;
	[tilespmem:$0x1E418] =	vst v63  }
0x2ae: {  	s0 =	simm.s32 $0x10  }
0x2af: {  	[spmem:s4] =	stream.indirect.scatter.add.f32 [tilespmem:s22], [sflag:$0xD], $0x80, s19, s21, $0xb8;
	[tilespmem:$0x1E418] =	vst v63  }
0x2b0: {  	_ =	swait.ge [sflag:s0], $0x50  }
0x2b1: {  	[sflag:s0] =	ssyncset.done $0x0  }
0x2b2: {  	[sflag:s0] =	ssyncadd.s32 $0xFFFFFFB0  }
0x2b3: {  	_ =	swait.ge [sflag:s0], $0x2800  }
0x2b4: {  	s13 =	rddreg [dreg:$0xa]  }
0x2b5: {  	s1 =	sadd.s32 s10, s13  }
0x2b6: {  	[sflag:s0] =	ssyncset.done $0x0;
	s1 =	sshrl.u32 s1, $0x3  }
0x2b7: {  	[sflag:s0] =	ssyncadd.s32 $0xFFFFD800;
	s13 =	simm.s32 $0xF0;
	s12 =	sadd.s32 s7, s1  }
0x2b8: {  	[tilespmem:s13], [sflag:$0x4] =	stream.linear.gather [hbm4b:s12+s6], $0x50, $0x38;
	[tilespmem:$0x1E418] =	vst v63  }
0x2b9: {  	s1 =	sadd.s32 s2, s1;
	s12 =	simm.s32 $0x8  }
0x2ba: {  	[tilespmem:s9], [sflag:$0x4] =	stream.linear.gather [hbm4b:s1+s6], $0x50, $0x38;
	[tilespmem:$0x1E418] =	vst v63  }
0x2bb: {  	_ =	swait.ge [sflag:s12], $0x50  }
0x2bc: {  	[sflag:s12] =	ssyncset.done $0x0  }
0x2bd: {  	[sflag:s12] =	ssyncadd.s32 $0xFFFFFFB0  }
0x2be: {  	_ =	swait.ge [sflag:s12], $0x50  }
0x2bf: {  	[sflag:s12] =	ssyncset.done $0x0  }
0x2c0: {  	s16 =	simm.s32 $0x7D00;
	s13 =	simm.s32 $0x230;
	[sflag:s12] =	ssyncadd.s32 $0xFFFFFFB0  }
0x2c1: {  	[tilespmem:s16], [sflag:$0xC] =	stream.indirect.gather [hbm4b:s24+s21], $0x80, s13, s21, $0xb8;
	[tilespmem:$0x1E418] =	vst v63  }
0x2c2: {  	_ =	swait.ge [sflag:s20], $0x2800  }
0x2c3: {  	[sflag:s20] =	ssyncset.done $0x0  }
0x2c4: {  	s16 =	simm.s32 $0x410;
	[sflag:s20] =	ssyncadd.s32 $0xFFFFD800  }
0x2c5: {  	[spmem:s5] =	stream.indirect.scatter.add.f32 [tilespmem:s26], [sflag:$0xE], $0x1, s16, s21, $0xb8;
	[tilespmem:$0x1E418] =	vst v63  }
0x2c6: {  	_ = 	snop  }
0x2c7: {  	[spmem:s4] =	stream.indirect.scatter.add.f32 [tilespmem:s29], [sflag:$0xE], $0x80, s16, s21, $0xb8;
	[tilespmem:$0x1E418] =	vst v63  }
0x2c8: {  	_ =	swait.ge [sflag:s11], $0x50  }
0x2c9: {  	[sflag:s11] =	ssyncset.done $0x0  }
0x2ca: {  	[sflag:s11] =	ssyncadd.s32 $0xFFFFFFB0  }
0x2cb: {  	_ =	swait.ge [sflag:s11], $0x2800  }
0x2cc: {  	s12 =	rddreg [dreg:$0xb]  }
0x2cd: {  	s1 =	sadd.s32 s10, s12  }
0x2ce: {  	[sflag:s11] =	ssyncset.done $0x0;
	s1 =	sshrl.u32 s1, $0x3  }
0x2cf: {  	s16 =	simm.s32 $0x140;
	[sflag:s11] =	ssyncadd.s32 $0xFFFFD800;
	s13 =	sadd.s32 s7, s1  }
0x2d0: {  	[tilespmem:s16], [sflag:$0x5] =	stream.linear.gather [hbm4b:s13+s6], $0x50, $0x38;
	[tilespmem:$0x1E418] =	vst v63  }
0x2d1: {  	s1 =	sadd.s32 s2, s1;
	s13 =	simm.s32 $0x1  }
0x2d2: {  	[tilespmem:s19], [sflag:$0x5] =	stream.linear.gather [hbm4b:s1+s6], $0x50, $0x38;
	[tilespmem:$0x1E418] =	vst v63  }
0x2d3: {  	_ =	swait.ge [sflag:s13], $0x50  }
0x2d4: {  	[sflag:s13] =	ssyncset.done $0x0  }
0x2d5: {  	[sflag:s13] =	ssyncadd.s32 $0xFFFFFFB0  }
0x2d6: {  	_ =	swait.ge [sflag:s13], $0x50  }
0x2d7: {  	[sflag:s13] =	ssyncset.done $0x0  }
0x2d8: {  	[sflag:s13] =	ssyncadd.s32 $0xFFFFFFB0  }
0x2d9: {  	[tilespmem:s22], [sflag:$0x9] =	stream.indirect.gather [hbm4b:s24+s21], $0x80, s6, s21, $0xb8;
	[tilespmem:$0x1E418] =	vst v63  }
0x2da: {  	_ =	swait.ge [sflag:s23], $0x2800  }
0x2db: {  	[sflag:s23] =	ssyncset.done $0x0  }
0x2dc: {  	s12 =	simm.s32 $0x460;
	[sflag:s23] =	ssyncadd.s32 $0xFFFFD800  }
0x2dd: {  	[spmem:s5] =	stream.indirect.scatter.add.f32 [tilespmem:s26], [sflag:$0xF], $0x1, s12, s21, $0xb8;
	[tilespmem:$0x1E418] =	vst v63  }
0x2de: {  	s13 =	simm.s32 $0x5500  }
0x2df: {  	[spmem:s4] =	stream.indirect.scatter.add.f32 [tilespmem:s13], [sflag:$0xF], $0x80, s12, s21, $0xb8;
	[tilespmem:$0x1E418] =	vst v63  }
0x2e0: {  	_ =	swait.ge [sflag:s25], $0x50  }
0x2e1: {  	[sflag:s25] =	ssyncset.done $0x0  }
0x2e2: {  	[sflag:s25] =	ssyncadd.s32 $0xFFFFFFB0  }
0x2e3: {  	_ =	swait.ge [sflag:s25], $0x2800  }
0x2e4: {  	p0 =	seq.s32 s15, $0x2300;
	s1 =	rddreg [dreg:$0xc]  }
0x2e5: {  	s1 =	sadd.s32 @!p0 s10, s1  }
0x2e6: {  	s13 =	simm.s32 @!p0 $0x0;
	[sflag:s25] =	ssyncset.done $0x0;
	s1 =	sshrl.u32 @!p0 s1, $0x3  }
0x2e7: {  	s10 =	simm.s32 @!p0 $0x190;
	[sflag:s25] =	ssyncadd.s32 $0xFFFFD800;
	s12 =	sadd.s32 @!p0 s7, s1  }
0x2e8: {  	[tilespmem:s10], [sflag:$0x6] =	stream.linear.gather @!p0 [hbm4b:s12+s13], $0x50, $0x38;
	[tilespmem:$0x1E418] =	vst v63  }
0x2e9: {  	s1 =	sadd.s32 @!p0 s2, s1;
	s10 =	simm.s32 @!p0 $0x410  }
0x2ea: {  	[tilespmem:s10], [sflag:$0x6] =	stream.linear.gather @!p0 [hbm4b:s1+s13], $0x50, $0x38;
	[tilespmem:$0x1E418] =	vst v63  }
0x2eb: {  	_ =	swait.ge [sflag:s31], $0x50  }
0x2ec: {  	[sflag:s31] =	ssyncset.done $0x0  }
0x2ed: {  	[sflag:s31] =	ssyncadd.s32 $0xFFFFFFB0  }
0x2ee: {  	_ =	swait.ge [sflag:s31], $0x50  }
0x2ef: {  	[sflag:s31] =	ssyncset.done $0x0  }
0x2f0: {  	[sflag:s31] =	ssyncadd.s32 $0xFFFFFFB0  }
0x2f1: {  	[tilespmem:s29], [sflag:$0xA] =	stream.indirect.gather [hbm4b:s24+s21], $0x80, s21, s21, $0xb8;
	[tilespmem:$0x1E418] =	vst v63  }
0x2f2: {  	_ =	swait.ge [sflag:s28], $0x2800  }
0x2f3: {  	[sflag:s28] =	ssyncset.done $0x0  }
0x2f4: {  	s12 =	simm.s32 $0x4B0;
	[sflag:s28] =	ssyncadd.s32 $0xFFFFD800  }
0x2f5: {  	[spmem:s5] =	stream.indirect.scatter.add.f32 [tilespmem:s26], [sflag:$0x10], $0x1, s12, s21, $0xb8;
	[tilespmem:$0x1E418] =	vst v63  }
0x2f6: {  	s1 =	simm.s32 $0x7D00  }
0x2f7: {  	[spmem:s4] =	stream.indirect.scatter.add.f32 [tilespmem:s1], [sflag:$0x10], $0x80, s12, s21, $0xb8;
	[tilespmem:$0x1E418] =	vst v63  }
0x2f8: {  	_ =	swait.ge [sflag:s3], $0x50  }
0x2f9: {  	[sflag:s3] =	ssyncset.done $0x0  }
0x2fa: {  	[sflag:s3] =	ssyncadd.s32 $0xFFFFFFB0  }
0x2fb: {  	_ =	swait.ge [sflag:s3], $0x2800  }
0x2fc: {  	[sflag:s3] =	ssyncset.done $0x0  }
0x2fd: {  	[sflag:s3] =	ssyncadd.s32 $0xFFFFD800  }
0x2fe: {  	_ =	swait.ge [sflag:s30], $0x50  }
0x2ff: {  	[sflag:s30] =	ssyncset.done $0x0  }
0x300: {  	[sflag:s30] =	ssyncadd.s32 $0xFFFFFFB0  }
0x301: {  	_ =	swait.ge [sflag:s30], $0x50  }
0x302: {  	[sflag:s30] =	ssyncset.done $0x0  }
0x303: {  	s13 =	simm.s32 $0xA0;
	s12 =	simm.s32 $0x5500;
	[sflag:s30] =	ssyncadd.s32 $0xFFFFFFB0  }
0x304: {  	[tilespmem:s12], [sflag:$0xB] =	stream.indirect.gather [hbm4b:s24+s21], $0x80, s13, s21, $0xb8;
	[tilespmem:$0x1E418] =	vst v63  }
0x305: {  	_ =	swait.ge [sflag:s14], $0x2800  }
0x306: {  	[sflag:s14] =	ssyncset.done $0x0  }
0x307: {  	s15 =	simm.s32 $0x280;
	[sflag:s14] =	ssyncadd.s32 $0xFFFFD800  }
0x308: {  	[spmem:s5] =	stream.indirect.scatter.add.f32 [tilespmem:s26], [sflag:$0xD], $0x1, s15, s21, $0xb8;
	[tilespmem:$0x1E418] =	vst v63  }
0x309: {  	_ = 	snop  }
0x30a: {  	[spmem:s4] =	stream.indirect.scatter.add.f32 [tilespmem:s22], [sflag:$0xD], $0x80, s15, s21, $0xb8;
	[tilespmem:$0x1E418] =	vst v63  }
0x30b: {  	_ =	swait.ge [sflag:s0], $0x50  }
0x30c: {  	[sflag:s0] =	ssyncset.done $0x0  }
0x30d: {  	[sflag:s0] =	ssyncadd.s32 $0xFFFFFFB0  }
0x30e: {  	_ =	swait.ge [sflag:s0], $0x2800  }
0x30f: {  	[sflag:s0] =	ssyncset.done $0x0  }
0x310: {  	[sflag:s0] =	ssyncadd.s32 $0xFFFFD800  }
0x311: {  	_ =	swait.ge [sflag:s18], $0x50  }
0x312: {  	[sflag:s18] =	ssyncset.done $0x0  }
0x313: {  	[sflag:s18] =	ssyncadd.s32 $0xFFFFFFB0  }
0x314: {  	_ =	swait.ge [sflag:s18], $0x50  }
0x315: {  	[sflag:s18] =	ssyncset.done $0x0  }
0x316: {  	s30 =	simm.s32 $0xF0;
	[sflag:s18] =	ssyncadd.s32 $0xFFFFFFB0  }
0x317: {  	[tilespmem:s1], [sflag:$0xC] =	stream.indirect.gather [hbm4b:s24+s21], $0x80, s30, s21, $0xb8;
	[tilespmem:$0x1E418] =	vst v63  }
0x318: {  	_ =	swait.ge [sflag:s20], $0x2800  }
0x319: {  	[sflag:s20] =	ssyncset.done $0x0  }
0x31a: {  	s15 =	simm.s32 $0x2D0;
	[sflag:s20] =	ssyncadd.s32 $0xFFFFD800  }
0x31b: {  	[spmem:s5] =	stream.indirect.scatter.add.f32 [tilespmem:s26], [sflag:$0xE], $0x1, s15, s21, $0xb8;
	[tilespmem:$0x1E418] =	vst v63  }
0x31c: {  	_ = 	snop  }
0x31d: {  	[spmem:s4] =	stream.indirect.scatter.add.f32 [tilespmem:s29], [sflag:$0xE], $0x80, s15, s21, $0xb8;
	[tilespmem:$0x1E418] =	vst v63  }
0x31e: {  	_ =	swait.ge [sflag:s11], $0x50  }
0x31f: {  	[sflag:s11] =	ssyncset.done $0x0  }
0x320: {  	[sflag:s11] =	ssyncadd.s32 $0xFFFFFFB0  }
0x321: {  	_ =	swait.ge [sflag:s11], $0x2800  }
0x322: {  	[sflag:s11] =	ssyncset.done $0x0  }
0x323: {  	[sflag:s11] =	ssyncadd.s32 $0xFFFFD800  }
0x324: {  	_ =	swait.ge [sflag:s8], $0x50  }
0x325: {  	[sflag:s8] =	ssyncset.done $0x0  }
0x326: {  	[sflag:s8] =	ssyncadd.s32 $0xFFFFFFB0  }
0x327: {  	_ =	swait.ge [sflag:s8], $0x50  }
0x328: {  	[sflag:s8] =	ssyncset.done $0x0  }
0x329: {  	s16 =	simm.s32 $0x140;
	[sflag:s8] =	ssyncadd.s32 $0xFFFFFFB0  }
0x32a: {  	[tilespmem:s22], [sflag:$0x9] =	stream.indirect.gather [hbm4b:s24+s21], $0x80, s16, s21, $0xb8;
	[tilespmem:$0x1E418] =	vst v63  }
0x32b: {  	_ =	swait.ge [sflag:s23], $0x2800  }
0x32c: {  	[sflag:s23] =	ssyncset.done $0x0  }
0x32d: {  	[sflag:s23] =	ssyncadd.s32 $0xFFFFD800  }
0x32e: {  	[spmem:s5] =	stream.indirect.scatter.add.f32 [tilespmem:s26], [sflag:$0xF], $0x1, s17, s21, $0xb8;
	[tilespmem:$0x1E418] =	vst v63  }
0x32f: {  	_ = 	snop  }
0x330: {  	[spmem:s4] =	stream.indirect.scatter.add.f32 [tilespmem:s12], [sflag:$0xF], $0x80, s17, s21, $0xb8;
	[tilespmem:$0x1E418] =	vst v63  }
0x331: {  	_ =	swait.ge [sflag:s25], $0x50  }
0x332: {  	[sflag:s25] =	ssyncset.done $0x0  }
0x333: {  	[sflag:s25] =	ssyncadd.s32 $0xFFFFFFB0  }
0x334: {  	_ =	swait.ge [sflag:s25], $0x2800  }
0x335: {  	[sflag:s25] =	ssyncset.done $0x0  }
0x336: {  	[sflag:s25] =	ssyncadd.s32 $0xFFFFD800  }
0x337: {  	_ =	swait.ge [sflag:s28], $0x2800  }
0x338: {  	[sflag:s28] =	ssyncset.done $0x0  }
0x339: {  	[sflag:s28] =	ssyncadd.s32 $0xFFFFD800  }
0x33a: {  	[spmem:s5] =	stream.indirect.scatter.add.f32 [tilespmem:s26], [sflag:$0x10], $0x1, s9, s21, $0xb8;
	[tilespmem:$0x1E418] =	vst v63  }
0x33b: {  	s13 =	simm.s32 $0x7D00  }
0x33c: {  	[spmem:s4] =	stream.indirect.scatter.add.f32 [tilespmem:s13], [sflag:$0x10], $0x80, s9, s21, $0xb8;
	[tilespmem:$0x1E418] =	vst v63  }
0x33d: {  	_ =	swait.ge [sflag:s3], $0x50  }
0x33e: {  	[sflag:s3] =	ssyncset.done $0x0  }
0x33f: {  	[sflag:s3] =	ssyncadd.s32 $0xFFFFFFB0  }
0x340: {  	_ =	swait.ge [sflag:s3], $0x2800  }
0x341: {  	[sflag:s3] =	ssyncset.done $0x0  }
0x342: {  	[sflag:s3] =	ssyncadd.s32 $0xFFFFD800  }
0x343: {  	_ =	swait.ge [sflag:s14], $0x2800  }
0x344: {  	[sflag:s14] =	ssyncset.done $0x0  }
0x345: {  	[sflag:s14] =	ssyncadd.s32 $0xFFFFD800  }
0x346: {  	[spmem:s5] =	stream.indirect.scatter.add.f32 [tilespmem:s26], [sflag:$0xD], $0x1, s19, s21, $0xb8;
	[tilespmem:$0x1E418] =	vst v63  }
0x347: {  	_ = 	snop  }
0x348: {  	[spmem:s4] =	stream.indirect.scatter.add.f32 [tilespmem:s22], [sflag:$0xD], $0x80, s19, s21, $0xb8;
	[tilespmem:$0x1E418] =	vst v63  }
0x349: {  	_ =	swait.ge [sflag:s0], $0x50  }
0x34a: {  	[sflag:s0] =	ssyncset.done $0x0  }
0x34b: {  	[sflag:s0] =	ssyncadd.s32 $0xFFFFFFB0  }
0x34c: {  	_ =	swait.ge [sflag:s0], $0x2800  }
0x34d: {  	[sflag:s0] =	ssyncset.done $0x0  }
0x34e: {  	[sflag:s0] =	ssyncadd.s32 $0xFFFFD800  }
0x34f: {  	_ =	swait.ge [sflag:s11], $0x50  }
0x350: {  	[sflag:s11] =	ssyncset.done $0x0  }
0x351: {  	[sflag:s11] =	ssyncadd.s32 $0xFFFFFFB0  }
0x352: {  	_ =	swait.ge [sflag:s11], $0x2800  }
0x353: {  	[sflag:s11] =	ssyncset.done $0x0  }
0x354: {  	[sflag:s11] =	ssyncadd.s32 $0xFFFFD800  }
0x355: {  	[bflag:$0x0] =	sbarrier.arrive $0xFFFF  }
0x356: {  	s20 =	stileid.u32;
	s23 =	sld [smem:$0x7FC]  }
0x357: {  	s1 =	sshll.u32 s20, $0x6;
	s17 =	rddreg [dreg:$0xe]  }
0x358: {  	s1 =	sor.u32 $0x1C11, s1;
	s24 =	simm.s32 $0x11;
	s22 =	sshrl.u32 s17, $0x3  }
0x359: {  	[hbm:s23], [sflag:s1] =	dma.local [spmem:s22], $0x2780  }
0x35a: {  	_ =	swait.ge [sflag:s24], $0x2780  }
0x35b: {  	[sflag:s24] =	ssyncset.done $0x0;
	s31 =	rddreg [dreg:$0x1b]  }
0x35c: {  	s26 =	rddreg [dreg:$0x19];
	[sflag:s24] =	ssyncadd.s32 $0xFFFFD880;
	s25 =	sshrl.u32 s31, $0x3  }
0x35d: {  	[hbm:s26], [sflag:s1] =	dma.local [spmem:s25], $0x4F  }
0x35e: {  	_ =	swait.ge [sflag:s24], $0x4F  }
0x35f: {  	s28 =	sld [smem:$0x7F0]  }
0x360: {  	s30 =	sld [smem:$0x7FD];
	_ =	sdelay $0x1  }
0x361: {  	s9 =	sadd.s32 $0x1, s28  }
0x362: {  	p0 =	sne.s32 s9, s30  }
.Ltmp2:
0x363: {  	_ = 	snop;
	(pc) =	sbr.rel @p0 .LBB2_1-.Ltmp2, $4  }
0x364: {  	_ = 	snop  }
0x365: {  	s0 =	simm.s32 $0x10;
	s11 =	simm.s32 $0xD  }
0x366: {  	s23 =	simm.s32 $0xF;
	s25 =	simm.s32 $0x1E3C8;
	[sflag:s24] =	ssyncset.done $0x0  }
0x367: {  	s26 =	simm.s32 $0xE;
	s29 =	rddreg [dreg:$0xd];
	[sflag:s24] =	ssyncadd.s32 $0xFFFFFFB1  }
0x368: {  	_ =	sfence.sel $0x180000  }
0x369: {  	[bflag:$0x0] =	sbarrier.arrive $0xFFFF  }
0x36a: {  	_ =	strace $0x90000047  }
0x36b: {  	s0 =	stileid.u32;
	[bflag:$0x2] =	sbarrier.arrive $0xFFFF  }
0x36c: {  	p0 =	sne.s32 s0, $0x0;
	s0 =	rddreg [dreg:$0x6]  }
0x36d: {  	s0 =	sadd.s32 @!p0 $0x100000, s0  }
0x36e: {  	[sflag:s0] =	ssyncadd.tile.s32 @!p0 $0x1;
	_ =	shalt  }
.Lfunc_end2:
_tile_overlayer_lowered:
.L_overlay_start_2:
0x36f: {  	(tag) =	ssettag $0x2  }
0x370: {  	s0 =	rddreg [dreg:$0x0];
	s2 =	stileid.u32  }
0x371: {  	s1 =	rddreg [dreg:$0x1];
	p0 =	sne.s32 s2, $0x0  }
0x372: {  	s3 =	rddreg [dreg:$0x2];
	[bflag:$0x3] =	sbarrier.arrive $0xFFFF;
	s2 =	simm.s32 @!p0 $0x1C11  }
0x373: {  	[timem:s3], [sflag:s2] =	dma.local @!p0 [hbm:s0], s1  }
0x374: {  	s0 =	simm.s32 @!p0 $0x11  }
0x375: {  	_ =	swait.ge @!p0 [sflag:s0], s1  }
0x376: {  	s1 =	ssub.s32 @!p0 $0x0, s1;
	[sflag:s0] =	ssyncset.done @!p0 $0x0  }
0x377: {  	[sflag:s0] =	ssyncadd.s32 @!p0 s1  }
0x378: {  	[bflag:$0x3] =	sbarrier.arrive $0xFFFF  }
0x379: {  	_ =	shalt  }

// kernel: kernel.9.cloned.1.call-start
scs
__scs_entry_jumppad:
0x0: {  	(pc) =	sbr.rel $0x88, $3  }
0x1: {  	(tag) =	ssettag $0x0;
	lr =	simm.s32 $0x1  }
0x2: {  	[smem:$0x3F97] =	sst lr;
	_ =	strace $0xD0000000  }
0x3: {  	_ = 	snop  }
0x4: {  	_ = 	snop  }
0x5: {  	_ = 	snop  }
0x6: {  	_ = 	snop  }
0x7: {  	_ = 	snop  }
__scs_overlays_trampoline_lowered:
0x8: {  	[smem:$0x3FA6] =	sst s0  }
0x9: {  	[smem:$0x3FA7] =	sst s1  }
0xa: {  	[smem:$0x3FA8] =	sst s2  }
0xb: {  	[smem:$0x3FA9] =	sst s3  }
0xc: {  	[smem:$0x3FAA] =	sst s4  }
0xd: {  	[smem:$0x3FAB] =	sst s5  }
0xe: {  	[smem:$0x3FAC] =	sst s6  }
0xf: {  	[smem:$0x3FAD] =	sst s7  }
0x10: {  	[smem:$0x3FAE] =	sst s8  }
0x11: {  	[smem:$0x3FAF] =	sst s9;
	s0 =	simm.s32 @!p0 $0x0  }
0x12: {  	s1 =	sld [smem:$0x3F95];
	s0 =	simm.s32 @p0 $0x1  }
0x13: {  	[smem:$0x3FB0] =	sst s0;
	s0 =	simm.s32 @!p1 $0x0  }
0x14: {  	s2 =	sld [smem:$0x3F94];
	s0 =	simm.s32 @p1 $0x1  }
0x15: {  	[smem:$0x3FB1] =	sst s0;
	s0 =	simm.s32 @!p2 $0x0  }
0x16: {  	s3 =	sld [smem:$0x3FDB];
	s0 =	simm.s32 @p2 $0x1  }
0x17: {  	s4 =	simm.s32 $0x1BF5;
	[smem:$0x3FB3] =	sst s0  }
0x18: {  	s0 =	sld [smem:$0x3F96];
	_ =	swait.ge [sflag:s4], $0x0  }
0x19: {  	s7 =	sld [smem:$0x3F97]  }
0x1a: {  	s8 =	sadd.s32 $0xFFFFE003, lr  }
0x1b: {  	s9 =	sadd.s32 $0xFFFFFEF7, lr;
	s5 =	simm.s32 $0xFFFFFFFF;
	p2 =	slt.u32 s8, $0xFFFFF086  }
0x1c: {  	p1 =	slt.u32 s9, $0xF7A;
	s5 =	simm.s32 @!p2 $0x0  }
0x1d: {  	s5 =	simm.s32 @p1 $0x1;
	p0 =	seq.s32 s7, s2  }
0x1e: {  	s7 =	smul.u32 @!p0 $0xF7A, s2;
	p2 =	seq.s32 @!p0 s5, $0x0  }
0x1f: {  	s9 =	smul.u32 $0xF7A, s1;
	s8 =	simm.s32 @!p0 $0x1BF5;
	p2 =	por !p2, p0  }
0x20: {  	[sflag:s8] =	ssyncset.s32 @!p0 $0xFFFFF086;
	s6 =	sadd.s32 @!p0 s3, s7;
	s7 =	simm.s32 @!p0 $0x108  }
0x21: {  	s3 =	sadd.s32 s3, s9;
	s6 =	sadd.s32 @!p0 $0x88, s6;
	s7 =	simm.s32 @p2 $0x1082  }
0x22: {  	[simem:s7], [sflag:s8] =	dma.local @!p0 [hbm:s6], $0xF7A  }
0x23: {  	s9 =	sor.u32 $0xD0000000, s2;
	s6 =	simm.s32 $0x108;
	_ =	swait.ge @!p0 [sflag:s8], $0x0  }
0x24: {  	s3 =	sadd.s32 $0x88, s3;
	s6 =	simm.s32 @!p1 $0x1082;
	[sflag:s4] =	ssyncset.s32 $0xFFFFF086  }
0x25: {  	[simem:s6], [sflag:s4] =	dma.local [hbm:s3], $0xF7A  }
0x26: {  	[smem:$0x3F97] =	sst s1;
	(tag) =	ssettag s2;
	_ =	strace s9  }
0x27: {  	s1 =	sld [smem:$0x3FA7]  }
0x28: {  	s2 =	sld [smem:$0x3FA8]  }
0x29: {  	s4 =	sld [smem:$0x3FAA]  }
0x2a: {  	p0 =	seq.s32 s5, $0x0;
	s5 =	sld [smem:$0x3FAB]  }
0x2b: {  	s6 =	sld [smem:$0x3FAC]  }
0x2c: {  	s7 =	sld [smem:$0x3FAD]  }
0x2d: {  	s3 =	simm.s32 $0x108;
	s8 =	sld [smem:$0x3FAE]  }
0x2e: {  	s3 =	simm.s32 @!p0 $0x1082;
	s9 =	sld [smem:$0x3FAF]  }
0x2f: {  	lr =	sadd.s32 s0, s3;
	s0 =	sld [smem:$0x3FA6]  }
0x30: {  	s3 =	sld [smem:$0x3FA9]  }
0x31: {  	[smem:$0x3FB2] =	sst s10  }
0x32: {  	s10 =	sld [smem:$0x3FB0];
	_ =	sdelay $0x3  }
0x33: {  	p0 =	seq.s32 s10, $0x1;
	s10 =	sld [smem:$0x3FB2];
	_ =	sdelay $0x3  }
0x34: {  	[smem:$0x3FB2] =	sst s10  }
0x35: {  	s10 =	sld [smem:$0x3FB1];
	_ =	sdelay $0x3  }
0x36: {  	p1 =	seq.s32 s10, $0x1;
	s10 =	sld [smem:$0x3FB2];
	_ =	sdelay $0x3  }
0x37: {  	[smem:$0x3FB2] =	sst s10  }
0x38: {  	s10 =	sld [smem:$0x3FB3]  }
0x39: {  	_ = 	snop;
	(pc) =	sbr.ind lr, $3  }
0x3a: {  	_ = 	snop  }
0x3b: {  	_ = 	snop  }
0x3c: {  	p2 =	seq.s32 s10, $0x1;
	s10 =	sld [smem:$0x3FB2]  }
0x3d: {  	_ =	shalt  }
0x3e: {  	_ =	shalt  }
0x3f: {  	_ =	shalt  }
0x40: {  	_ =	shalt  }
0x41: {  	_ =	shalt  }
0x42: {  	_ =	shalt  }
0x43: {  	_ =	shalt  }
0x44: {  	_ =	shalt  }
0x45: {  	_ =	shalt  }
0x46: {  	_ =	shalt  }
0x47: {  	_ =	shalt  }
0x48: {  	_ =	shalt  }
0x49: {  	_ =	shalt  }
0x4a: {  	_ =	shalt  }
0x4b: {  	_ =	shalt  }
0x4c: {  	_ =	shalt  }
0x4d: {  	_ =	shalt  }
0x4e: {  	_ =	shalt  }
0x4f: {  	_ =	shalt  }
0x50: {  	_ =	shalt  }
0x51: {  	_ =	shalt  }
0x52: {  	_ =	shalt  }
0x53: {  	_ =	shalt  }
0x54: {  	_ =	shalt  }
0x55: {  	_ =	shalt  }
0x56: {  	_ =	shalt  }
0x57: {  	_ =	shalt  }
0x58: {  	_ =	shalt  }
0x59: {  	_ =	shalt  }
0x5a: {  	_ =	shalt  }
0x5b: {  	_ =	shalt  }
0x5c: {  	_ =	shalt  }
0x5d: {  	_ =	shalt  }
0x5e: {  	_ =	shalt  }
0x5f: {  	_ =	shalt  }
0x60: {  	_ =	shalt  }
0x61: {  	_ =	shalt  }
0x62: {  	_ =	shalt  }
0x63: {  	_ =	shalt  }
0x64: {  	_ =	shalt  }
0x65: {  	_ =	shalt  }
0x66: {  	_ =	shalt  }
0x67: {  	_ =	shalt  }
0x68: {  	_ =	shalt  }
0x69: {  	_ =	shalt  }
0x6a: {  	_ =	shalt  }
0x6b: {  	_ =	shalt  }
0x6c: {  	_ =	shalt  }
0x6d: {  	_ =	shalt  }
0x6e: {  	_ =	shalt  }
0x6f: {  	_ =	shalt  }
0x70: {  	_ =	shalt  }
0x71: {  	_ =	shalt  }
0x72: {  	_ =	shalt  }
0x73: {  	_ =	shalt  }
0x74: {  	_ =	shalt  }
0x75: {  	_ =	shalt  }
0x76: {  	_ =	shalt  }
0x77: {  	_ =	shalt  }
0x78: {  	_ =	shalt  }
0x79: {  	_ =	shalt  }
0x7a: {  	_ =	shalt  }
0x7b: {  	_ =	shalt  }
0x7c: {  	_ =	shalt  }
0x7d: {  	_ =	shalt  }
0x7e: {  	_ =	shalt  }
0x7f: {  	_ =	shalt  }
0x80: {  	_ =	shalt  }
0x81: {  	_ =	shalt  }
0x82: {  	_ =	shalt  }
0x83: {  	_ =	shalt  }
0x84: {  	_ =	shalt  }
0x85: {  	_ =	shalt  }
0x86: {  	_ =	shalt  }
0x87: {  	_ =	shalt  }
.Lfunc_end0:
.L_simem_size_0:
called_computation.1_lowered:
.L_overlay_start_0:
0x88: {  	s2 =	sld [smem:$0x3FD9]  }
0x89: {  	s3 =	sld [smem:$0x3FFE];
	_ =	sdelay $0x1  }
0x8a: {  	s1 =	srdreg.scid  }
0x8b: {  	s0 =	sand.u32 $0x1, s1  }
0x8c: {  	s14 =	sshll.u32 s0, $0xA;
	s2 =	sadd.s32 s3, s2  }
0x8d: {  	s2 =	sadd.s32 s2, s14  }
0x8e: {  	[smem:$0x3FBE] =	sst s2  }
0x8f: {  	_ = 	snop  }
0x90: {  	s2 =	sld [smem:$0x3FD0];
	_ =	sdelay $0x2  }
0x91: {  	s15 =	simm.s32 $0xA;
	s4 =	simm.s32 $0x10  }
0x92: {  	[smem:s4], [sflag:s15] =	dma.local [hbm:s2], $0x1  }
0x93: {  	_ =	swait.eq [sflag:s15], $0x1  }
0x94: {  	[sflag:s15] =	ssyncset.done $0x0  }
0x95: {  	s16 =	sld [smem:$0x10];
	[sflag:s15] =	ssyncadd.s32 $0xFFFFFFFF  }
0x96: {  	s17 =	sld [smem:$0x11];
	(tm) =	ssettm $0x1  }
0x97: {  	s18 =	sld [smem:$0x3FFB];
	_ =	sdelay $0x3  }
0x98: {  	_ =	strace s18  }
0x99: {  	s4 =	sld [smem:$0x3FFC];
	_ =	sdelay $0x3  }
0x9a: {  	_ =	strace s4  }
0x9b: {  	s4 =	sld [smem:$0x3FFD];
	_ =	sdelay $0x3  }
0x9c: {  	_ =	strace s4  }
0x9d: {  	_ =	strace $0x8FFFFFFF  }
0x9e: {  	s19 =	sld [smem:$0x3FDB];
	_ =	sdelay $0x1  }
0x9f: {  	s5 =	simm.s32 $_scs_section_size  }
0xa0: {  	s6 =	simm.s32 $_size__tile_overlayer_lowered;
	s7 =	simm.s32 $_tile_overlayer_lowered  }
0xa1: {  	s22 =	simm.s32 $0x1BFF;
	s21 =	sshll.u32 s7, $0x1;
	s4 =	sadd.s32 s5, s19  }
0xa2: {  	s8 =	simm.s32 $0x0;
	s20 =	sshll.u32 s6, $0x1;
	s6 =	sadd.s32 s21, s4  }
0xa3: {  	[timem:s8], [sflag:s22] =	dma.local [hbm:s6], s20  }
0xa4: {  	_ =	swait.ge [sflag:s22], s20  }
0xa5: {  	s5 =	ssub.s32 $0x0, s20;
	[sflag:s22] =	ssyncset.done $0x0  }
0xa6: {  	[sflag:s22] =	ssyncadd.s32 s5;
	_ =	sdelay $0x1  }
0xa7: {  	s23 =	simm.s32 $0x1B8B  }
0xa8: {  	_ =	swait.ge [sflag:s23], $0x1  }
0xa9: {  	[sflag:s23] =	ssyncset.done $0x0  }
0xaa: {  	s25 =	simm.s32 $0x1B8E;
	s24 =	sld [smem:$0x3FFE];
	[sflag:s23] =	ssyncadd.s32 $0xFFFFFFFF  }
0xab: {  	s26 =	simm.s32 $execute0_lowered;
	[smem:$0x3FD2] =	sst s25  }
0xac: {  	s6 =	sshll.u32 s26, $0x1;
	_ =	strace $0x80000049;
	[dreg:$0x1] =	wrdreg $0xFFFFFFFF  }
0xad: {  	s28 =	simm.s32 $_size_execute0_lowered;
	s4 =	sadd.s32 s4, s6;
	[dreg:$0x0] =	wrdreg $0x0  }
0xae: {  	s6 =	sshll.u32 s28, $0x1;
	[dreg:$0x2] =	wrdreg s4  }
0xaf: {  	[dreg:$0x3] =	wrdreg s6  }
0xb0: {  	[dreg:$0x4] =	wrdreg $0xC0  }
0xb1: {  	_ =	task [dreg:s8], $0x5FFFF  }
0xb2: {  	[dreg:$0x1] =	wrdreg $0xFFFFFFFF  }
0xb3: {  	[dreg:$0x0] =	wrdreg $0x60  }
0xb4: {  	[dreg:$0x2] =	wrdreg s17  }
0xb5: {  	[dreg:$0x3] =	wrdreg s24  }
0xb6: {  	[dreg:$0x4] =	wrdreg s16  }
0xb7: {  	[dreg:$0x5] =	wrdreg $0xA5000  }
0xb8: {  	[dreg:$0x6] =	wrdreg $0x9  }
0xb9: {  	_ =	task.clear_ibuf [dreg:s8], $0x7FFFF;
	_ =	strace $0x90000049  }
0xba: {  	s29 =	simm.s32 $0x9;
	_ =	strace $0x8000004B  }
0xbb: {  	_ =	swait.ge [sflag:s29], $0x1  }
0xbc: {  	[sflag:s29] =	ssyncadd.s32 $0xFFFFFFFF  }
0xbd: {  	_ =	strace $0x9000004B  }
0xbe: {  	_ =	sfence  }
0xbf: {  	s30 =	sld [smem:$0x0];
	_ =	sdelay $0x2  }
0xc0: {  	s31 =	sshll.u32 s1, $0xD;
	s1 =	sshrl.u32 s1, $0x2  }
0xc1: {  	s3 =	sand.u32 $0x4000, s31;
	s1 =	sadd.s32 s1, s30  }
0xc2: {  	s0 =	sor.u32 s3, s0;
	s1 =	sshll.u32 s1, $0x11  }
0xc3: {  	s0 =	sor.u32 s1, s0  }
0xc4: {  	s0 =	sadd.s32 $0x8F2B, s0  }
0xc5: {  	[sflag:s0] =	ssyncadd.remote.s32 $0x1  }
0xc6: {  	_ =	sfence.sel $0xFFFF  }
0xc7: {  	[dreg:$0x0] =	wrdreg $0xFFFFFFFF;
	(pc) =	sbr.abs _section_cstart, $3  }
0xc8: {  	[dreg:$0x1] =	wrdreg $0xFFFFFFFF  }
0xc9: {  	_ =	task.clear_ibuf [dreg:s8], $0x2FFFF;
	_ =	strace $0x9FFFFFFF  }
0xca: {  	(tm) =	ssettm $0x7FFFFFFF  }
0xcb: {  	_ =	shalt  }
tec
execute0_lowered:
.L_overlay_start_1:
0x0: {  	(tag) =	ssettag $0x1  }
0x1: {  	s3 =	rddreg [dreg:$0x0]  }
0x2: {  	s0 =	rddreg [dreg:$0x1]  }
0x3: {  	s4 =	rddreg [dreg:$0x2]  }
0x4: {  	s18 =	rddreg [dreg:$0x3]  }
0x5: {  	s2 =	srdreg.scid;
	s10 =	stileid.u32  }
0x6: {  	s5 =	simm.s32 $0x0;
	s2 =	sand.u32 $0x1, s2;
	s9 =	smul.u32 $0x4F000, s10  }
0x7: {  	s7 =	smul.u32 $0x2780, s10;
	[smem:$0x7FF] =	sst s5;
	s6 =	sadd.s32 $0x2C00, s0  }
0x8: {  	s8 =	smul.u32 $0x27800, s2;
	_ =	strace $0x8000004A;
	s9 =	sshrl.u32 s9, $0x2  }
0x9: {  	s21 =	sshll.u32 s2, $0x4;
	s2 =	ssub.s32 $0x2, s2;
	s29 =	sadd.s32 s9, s18  }
0xa: {  	s22 =	sshrl.u32 s2, $0x1;
	s23 =	sadd.s32 $0x2800, s29;
	[dreg:$0xc] =	wrdreg s29  }
0xb: {  	s7 =	sadd.s32 s7, s8;
	s24 =	sadd.s32 $0x5000, s29;
	[dreg:$0xd] =	wrdreg s23  }
0xc: {  	s0 =	sadd.s32 s7, s0;
	s25 =	sadd.s32 $0x7800, s29;
	[dreg:$0xe] =	wrdreg s24  }
0xd: {  	s2 =	ssub.s32 s2, s22;
	[dreg:$0xf] =	wrdreg s25;
	s0 =	sadd.s32 $0xCA00, s0  }
0xe: {  	s8 =	sor.u32 s10, s21;
	s24 =	smax.u32 s2, $0x1;
	[dreg:$0x1c] =	wrdreg s0  }
0xf: {  	s31 =	smul.u32 $0x2710, s8;
	s25 =	sadd.s32 $0xA000, s29;
	[dreg:$0x1d] =	wrdreg s24  }
0x10: {  	[dreg:$0x1e] =	wrdreg s25  }
0x11: {  	s13 =	sadd.s32 $0x280, s31;
	[dreg:$0xb] =	wrdreg s31  }
0x12: {  	s15 =	sadd.s32 $0x2D0, s31;
	[dreg:$0x5] =	wrdreg s13  }
0x13: {  	s16 =	sadd.s32 $0x320, s31;
	[dreg:$0x6] =	wrdreg s15  }
0x14: {  	s26 =	sshrl.u32 s31, $0x3;
	s17 =	sadd.s32 $0x370, s31;
	[dreg:$0x7] =	wrdreg s16  }
0x15: {  	s20 =	sadd.s32 $0x3C0, s31;
	s22 =	sadd.s32 $0x410, s31;
	[dreg:$0x8] =	wrdreg s17  }
0x16: {  	s28 =	sadd.s32 s6, s26;
	s30 =	sadd.s32 s4, s26;
	[dreg:$0x9] =	wrdreg s20  }
0x17: {  	s1 =	sadd.s32 $0xA, s26;
	s11 =	sadd.s32 $0x14, s26;
	[dreg:$0xa] =	wrdreg s22  }
0x18: {  	s14 =	sadd.s32 $0x1E, s26;
	s19 =	sadd.s32 $0x28, s26;
	[dreg:$0x10] =	wrdreg s28  }
0x19: {  	s7 =	sadd.s32 $0x32, s26;
	s26 =	sadd.s32 $0xC800, s29;
	[dreg:$0x11] =	wrdreg s30  }
0x1a: {  	s8 =	sadd.s32 s6, s1;
	[dreg:$0x1f] =	wrdreg s26  }
0x1b: {  	s9 =	sadd.s32 s4, s1;
	[dreg:$0x12] =	wrdreg s8  }
0x1c: {  	s12 =	sadd.s32 s6, s11;
	[dreg:$0x13] =	wrdreg s9  }
0x1d: {  	s10 =	sadd.s32 s4, s14;
	[dreg:$0x14] =	wrdreg s12  }
0x1e: {  	s21 =	sadd.s32 s6, s19;
	[dreg:$0x17] =	wrdreg s10  }
0x1f: {  	s23 =	sadd.s32 s6, s7;
	[dreg:$0x18] =	wrdreg s21  }
0x20: {  	s7 =	sadd.s32 s4, s7;
	[dreg:$0x1a] =	wrdreg s23  }
0x21: {  	s28 =	sadd.s32 $0xF000, s29;
	[dreg:$0x1b] =	wrdreg s7  }
0x22: {  	s30 =	sadd.s32 $0x11800, s29;
	[smem:$0x7FC] =	sst s28  }
0x23: {  	s15 =	simm.s32 $0x11;
	s9 =	sadd.s32 s4, s11;
	[smem:$0x7FD] =	sst s30  }
0x24: {  	s11 =	sadd.s32 s6, s14;
	s10 =	sadd.s32 s4, s19;
	[dreg:$0x15] =	wrdreg s9  }
0x25: {  	s8 =	simm.s32 $0x500;
	s19 =	simm.s32 $0x1;
	[dreg:$0x16] =	wrdreg s11  }
0x26: {  	v0 =	vimm.f32 $0.0e+00;
	s7 =	simm.s32 $0x0;
	[dreg:$0x19] =	wrdreg s10;
	s9 =	simm.s32 $0x50  }
.LBB2_1:
0x27: {  	[smem:$0x7FB] =	sst s7;
	s13 =	sand.u32 $0xFE00, s5  }
0x28: {  	s21 =	smov.u32 s31;
	s22 =	sand.u32 $0x70, s5;
	s23 =	sshrl.u32 s13, $0x2  }
0x29: {  	s13 =	simm.s32 $0x40;
	s23 =	sor.u32 s22, s23;
	s22 =	simm.s32 $0x0  }
.LBB2_2:
0x2a: {  	p0 =	sne.s32 s13, $0x9FC0  }
0x2b: {  	[tilespmem:s23+$0x500] =	vst v0;
	s22 =	sadd.s32 $0x10, s22;
	s23 =	smov.u32 s13;
	s13 =	sadd.s32 $0x40, s13  }
.Ltmp0:
0x2c: {  	(pc) =	sbr.rel @p0 .LBB2_2-.Ltmp0, $4  }
0x2d: {  	_ = 	snop  }
0x2e: {  	s23 =	sand.u32 $0xFE00, s23  }
0x2f: {  	s28 =	sand.u32 $0x70, s22;
	s23 =	sshrl.u32 s23, $0x2  }
0x30: {  	s23 =	sor.u32 s28, s23  }
0x31: {  	[tilespmem:s23+$0x500] =	vst v0  }
0x32: {  	[tilespmem:$0x1E100] =	vst v0  }
0x33: {  	[tilespmem:$0x1E110] =	vst v0  }
0x34: {  	[tilespmem:$0x1E120] =	vst v0  }
0x35: {  	[tilespmem:$0x1E130] =	vst v0  }
0x36: {  	[tilespmem:$0x1E140] =	vst v0  }
0x37: {  	[spmem:s29] =	stream.linear.scatter [tilespmem:s8], [sflag:$0x11], $0x2800, $0x38;
	[tilespmem:$0x1E150] =	vst v63  }
0x38: {  	_ =	swait.ge [sflag:s15], $0x2800  }
0x39: {  	[sflag:s15] =	ssyncset.done $0x0  }
0x3a: {  	s13 =	rddreg [dreg:$0xd];
	[sflag:s15] =	ssyncadd.s32 $0xFFFFD800  }
0x3b: {  	[spmem:s13] =	stream.linear.scatter [tilespmem:s8], [sflag:$0x11], $0x2800, $0x38;
	[tilespmem:$0x1E150] =	vst v63  }
0x3c: {  	_ =	swait.ge [sflag:s15], $0x2800  }
0x3d: {  	[sflag:s15] =	ssyncset.done $0x0  }
0x3e: {  	s25 =	rddreg [dreg:$0xe];
	[sflag:s15] =	ssyncadd.s32 $0xFFFFD800  }
0x3f: {  	[spmem:s25] =	stream.linear.scatter [tilespmem:s8], [sflag:$0x11], $0x2800, $0x38;
	[tilespmem:$0x1E150] =	vst v63  }
0x40: {  	_ =	swait.ge [sflag:s15], $0x2800  }
0x41: {  	[sflag:s15] =	ssyncset.done $0x0  }
0x42: {  	s26 =	rddreg [dreg:$0xf];
	[sflag:s15] =	ssyncadd.s32 $0xFFFFD800  }
0x43: {  	[spmem:s26] =	stream.linear.scatter [tilespmem:s8], [sflag:$0x11], $0x2800, $0x38;
	[tilespmem:$0x1E150] =	vst v63  }
0x44: {  	_ =	swait.ge [sflag:s15], $0x2800  }
0x45: {  	[sflag:s15] =	ssyncset.done $0x0  }
0x46: {  	s28 =	rddreg [dreg:$0x1e];
	[sflag:s15] =	ssyncadd.s32 $0xFFFFD800  }
0x47: {  	[spmem:s28] =	stream.linear.scatter [tilespmem:s8], [sflag:$0x11], $0x2800, $0x38;
	[tilespmem:$0x1E150] =	vst v63  }
0x48: {  	_ =	swait.ge [sflag:s15], $0x2800  }
0x49: {  	[sflag:s15] =	ssyncset.done $0x0  }
0x4a: {  	s0 =	rddreg [dreg:$0x1f];
	[sflag:s15] =	ssyncadd.s32 $0xFFFFD800  }
0x4b: {  	[spmem:s0] =	stream.linear.scatter [tilespmem:s8], [sflag:$0x11], $0x2800, $0x38;
	[tilespmem:$0x1E150] =	vst v63  }
0x4c: {  	_ =	swait.ge [sflag:s15], $0x2800  }
0x4d: {  	s1 =	sld [smem:$0x7FC]  }
0x4e: {  	[sflag:s15] =	ssyncset.done $0x0  }
0x4f: {  	[sflag:s15] =	ssyncadd.s32 $0xFFFFD800  }
0x50: {  	[spmem:s1] =	stream.linear.scatter [tilespmem:s8], [sflag:$0x11], $0x2800, $0x38;
	[tilespmem:$0x1E150] =	vst v63  }
0x51: {  	_ =	swait.ge [sflag:s15], $0x2800  }
0x52: {  	s2 =	sld [smem:$0x7FD]  }
0x53: {  	[sflag:s15] =	ssyncset.done $0x0  }
0x54: {  	[sflag:s15] =	ssyncadd.s32 $0xFFFFD800  }
0x55: {  	[spmem:s2] =	stream.linear.scatter [tilespmem:s8], [sflag:$0x11], $0x2400, $0x38;
	[tilespmem:$0x1E150] =	vst v63  }
0x56: {  	_ =	swait.ge [sflag:s15], $0x2400  }
0x57: {  	[sflag:s15] =	ssyncset.done $0x0  }
0x58: {  	[sflag:s15] =	ssyncadd.s32 $0xFFFFDC00  }
0x59: {  	[bflag:$0x0] =	sbarrier.arrive $0xFFFF  }
0x5a: {  	s22 =	simm.s32 $0x0;
	s7 =	rddreg [dreg:$0x10]  }
0x5b: {  	[tilespmem:s22], [sflag:$0x1] =	stream.linear.gather [hbm4b:s7+s22], $0x50, $0x38;
	[tilespmem:$0x1E150] =	vst v63  }
0x5c: {  	s10 =	rddreg [dreg:$0x11];
	s7 =	simm.s32 $0x280  }
0x5d: {  	[tilespmem:s7], [sflag:$0x1] =	stream.linear.gather [hbm4b:s10+s22], $0x50, $0x38;
	[tilespmem:$0x1E150] =	vst v63  }
0x5e: {  	s11 =	rddreg [dreg:$0x12]  }
0x5f: {  	[tilespmem:s9], [sflag:$0x2] =	stream.linear.gather [hbm4b:s11+s22], $0x50, $0x38;
	[tilespmem:$0x1E150] =	vst v63  }
0x60: {  	s31 =	simm.s32 $0x2D0;
	s12 =	rddreg [dreg:$0x13]  }
0x61: {  	[tilespmem:s31], [sflag:$0x2] =	stream.linear.gather [hbm4b:s12+s22], $0x50, $0x38;
	[tilespmem:$0x1E150] =	vst v63  }
0x62: {  	s15 =	simm.s32 $0xA0;
	s14 =	rddreg [dreg:$0x14]  }
0x63: {  	[tilespmem:s15], [sflag:$0x3] =	stream.linear.gather [hbm4b:s14+s22], $0x50, $0x38;
	[tilespmem:$0x1E150] =	vst v63  }
0x64: {  	s28 =	simm.s32 $0x320;
	s16 =	rddreg [dreg:$0x15]  }
0x65: {  	[tilespmem:s28], [sflag:$0x3] =	stream.linear.gather [hbm4b:s16+s22], $0x50, $0x38;
	[tilespmem:$0x1E150] =	vst v63  }
0x66: {  	s25 =	simm.s32 $0xF0;
	s17 =	rddreg [dreg:$0x16]  }
0x67: {  	[tilespmem:s25], [sflag:$0x4] =	stream.linear.gather [hbm4b:s17+s22], $0x50, $0x38;
	[tilespmem:$0x1E150] =	vst v63  }
0x68: {  	s29 =	simm.s32 $0x370;
	s20 =	rddreg [dreg:$0x17]  }
0x69: {  	[tilespmem:s29], [sflag:$0x4] =	stream.linear.gather [hbm4b:s20+s22], $0x50, $0x38;
	[tilespmem:$0x1E150] =	vst v63  }
0x6a: {  	s0 =	simm.s32 $0x140;
	s23 =	rddreg [dreg:$0x18]  }
0x6b: {  	[tilespmem:s0], [sflag:$0x5] =	stream.linear.gather [hbm4b:s23+s22], $0x50, $0x38;
	[tilespmem:$0x1E150] =	vst v63  }
0x6c: {  	s26 =	simm.s32 $0x3C0;
	s24 =	rddreg [dreg:$0x19]  }
0x6d: {  	[tilespmem:s26], [sflag:$0x5] =	stream.linear.gather [hbm4b:s24+s22], $0x50, $0x38;
	[tilespmem:$0x1E150] =	vst v63  }
0x6e: {  	s16 =	simm.s32 $0x190;
	s0 =	rddreg [dreg:$0x1a]  }
0x6f: {  	[tilespmem:s16], [sflag:$0x6] =	stream.linear.gather [hbm4b:s0+s22], $0x50, $0x38;
	[tilespmem:$0x1E150] =	vst v63  }
0x70: {  	s2 =	simm.s32 $0x410;
	s1 =	rddreg [dreg:$0x1b]  }
0x71: {  	[tilespmem:s2], [sflag:$0x6] =	stream.linear.gather [hbm4b:s1+s22], $0x50, $0x38;
	[tilespmem:$0x1E150] =	vst v63  }
0x72: {  	_ =	swait.ge [sflag:s19], $0x50  }
0x73: {  	[sflag:s19] =	ssyncset.done $0x0  }
0x74: {  	[sflag:s19] =	ssyncadd.s32 $0xFFFFFFB0  }
0x75: {  	_ =	swait.ge [sflag:s19], $0x50  }
0x76: {  	[sflag:s19] =	ssyncset.done $0x0  }
0x77: {  	s24 =	simm.s32 $0x2;
	[sflag:s19] =	ssyncadd.s32 $0xFFFFFFB0  }
0x78: {  	[tilespmem:s8], [sflag:$0x9] =	stream.indirect.gather [hbm4b:s3+s9], $0x80, s22, s9, $0xb8;
	[tilespmem:$0x1E150] =	vst v63  }
0x79: {  	_ =	swait.ge [sflag:s24], $0x50  }
0x7a: {  	[sflag:s24] =	ssyncset.done $0x0  }
0x7b: {  	p0 =	por $0x1, $0x1;
	[sflag:s24] =	ssyncadd.s32 $0xFFFFFFB0  }
0x7c: {  	s13 =	simm.s32 @!p0 $0x1E0;
	_ =	swait.ge [sflag:s24], $0x50  }
0x7d: {  	s13 =	simm.s32 @p0 $0x1E0;
	[sflag:s24] =	ssyncset.done $0x0  }
0x7e: {  	s23 =	simm.s32 @!p0 $0xF;
	s19 =	simm.s32 $0x2D00;
	[sflag:s24] =	ssyncadd.s32 $0xFFFFFFB0  }
0x7f: {  	[tilespmem:s19], [sflag:$0xA] =	stream.indirect.gather [hbm4b:s3+s9], $0x80, s9, s9, $0xb8;
	[tilespmem:$0x1E150] =	vst v63  }
0x80: {  	s13 =	sadd.s32 s21, s13;
	_ =	swait.ge @!p0 [sflag:s23], $0x2800  }
0x81: {  	s13 =	sshrl.u32 s13, $0x3;
	[sflag:s23] =	ssyncset.done @!p0 $0x0  }
0x82: {  	s10 =	sadd.s32 s6, s13;
	s2 =	simm.s32 $0x1E0;
	[sflag:s23] =	ssyncadd.s32 @!p0 $0xFFFFD800  }
0x83: {  	[tilespmem:s2], [sflag:$0x7] =	stream.linear.gather [hbm4b:s10+s5], $0x50, $0x38;
	[tilespmem:$0x1E150] =	vst v63  }
0x84: {  	s13 =	sadd.s32 s4, s13;
	s12 =	simm.s32 $0x460  }
0x85: {  	[tilespmem:s12], [sflag:$0x7] =	stream.linear.gather [hbm4b:s13+s5], $0x50, $0x38;
	[tilespmem:$0x1E150] =	vst v63  }
0x86: {  	s13 =	simm.s32 $0x3  }
0x87: {  	_ =	swait.ge [sflag:s13], $0x50  }
0x88: {  	[sflag:s13] =	ssyncset.done $0x0  }
0x89: {  	[sflag:s13] =	ssyncadd.s32 $0xFFFFFFB0  }
0x8a: {  	_ =	swait.ge [sflag:s13], $0x50  }
0x8b: {  	[sflag:s13] =	ssyncset.done $0x0  }
0x8c: {  	s20 =	simm.s32 $0x5500;
	s1 =	simm.s32 $0x9;
	[sflag:s13] =	ssyncadd.s32 $0xFFFFFFB0  }
0x8d: {  	[tilespmem:s20], [sflag:$0xB] =	stream.indirect.gather [hbm4b:s3+s9], $0x80, s15, s9, $0xb8;
	[tilespmem:$0x1E150] =	vst v63  }
0x8e: {  	_ =	swait.ge [sflag:s1], $0x2800  }
0x8f: {  	s13 =	simm.s32 @!p0 $0x230;
	[sflag:s1] =	ssyncset.done $0x0  }
0x90: {  	s23 =	simm.s32 @!p0 $0x10;
	s13 =	simm.s32 @p0 $0x230;
	[sflag:s1] =	ssyncadd.s32 $0xFFFFD800  }
0x91: {  	[spmem:s18] =	stream.indirect.scatter.add.f32 [tilespmem:s8], [sflag:$0xD], $0x80, s7, s9, $0xb8;
	[tilespmem:$0x1E150] =	vst v63  }
0x92: {  	s13 =	sadd.s32 s21, s13;
	_ =	swait.ge @!p0 [sflag:s23], $0x2800  }
0x93: {  	s13 =	sshrl.u32 s13, $0x3;
	[sflag:s23] =	ssyncset.done @!p0 $0x0  }
0x94: {  	s10 =	simm.s32 $0x230;
	s14 =	sadd.s32 s6, s13;
	[sflag:s23] =	ssyncadd.s32 @!p0 $0xFFFFD800  }
0x95: {  	[tilespmem:s10], [sflag:$0x8] =	stream.linear.gather [hbm4b:s14+s5], $0x50, $0x38;
	[tilespmem:$0x1E150] =	vst v63  }
0x96: {  	s17 =	simm.s32 $0x4B0;
	s21 =	simm.s32 $0x4;
	s13 =	sadd.s32 s4, s13  }
0x97: {  	[tilespmem:s17], [sflag:$0x8] =	stream.linear.gather [hbm4b:s13+s5], $0x50, $0x38;
	[tilespmem:$0x1E150] =	vst v63  }
0x98: {  	_ =	swait.ge [sflag:s21], $0x50  }
0x99: {  	[sflag:s21] =	ssyncset.done $0x0  }
0x9a: {  	[sflag:s21] =	ssyncadd.s32 $0xFFFFFFB0  }
0x9b: {  	_ =	swait.ge [sflag:s21], $0x50  }
0x9c: {  	[sflag:s21] =	ssyncset.done $0x0  }
0x9d: {  	s23 =	simm.s32 $0xA;
	s17 =	simm.s32 $0x7D00;
	[sflag:s21] =	ssyncadd.s32 $0xFFFFFFB0  }
0x9e: {  	[tilespmem:s17], [sflag:$0xC] =	stream.indirect.gather [hbm4b:s3+s9], $0x80, s25, s9, $0xb8;
	[tilespmem:$0x1E150] =	vst v63  }
0x9f: {  	_ =	swait.ge [sflag:s23], $0x2800  }
0xa0: {  	[sflag:s23] =	ssyncset.done $0x0  }
0xa1: {  	s21 =	simm.s32 $0xD;
	[sflag:s23] =	ssyncadd.s32 $0xFFFFD800  }
0xa2: {  	[spmem:s18] =	stream.indirect.scatter.add.f32 [tilespmem:s19], [sflag:$0xE], $0x80, s31, s9, $0xb8;
	[tilespmem:$0x1E150] =	vst v63  }
0xa3: {  	_ =	swait.ge [sflag:s21], $0x2800  }
0xa4: {  	s22 =	simm.s32 @p0 $0x0;
	s26 =	rddreg [dreg:$0x5]  }
0xa5: {  	s13 =	sadd.s32 s22, s26  }
0xa6: {  	[sflag:s21] =	ssyncset.done $0x0;
	s13 =	sshrl.u32 s13, $0x3  }
0xa7: {  	[sflag:s21] =	ssyncadd.s32 $0xFFFFD800;
	s0 =	sadd.s32 s6, s13  }
0xa8: {  	[tilespmem:s5], [sflag:$0x1] =	stream.linear.gather [hbm4b:s0+s5], $0x50, $0x38;
	[tilespmem:$0x1E150] =	vst v63  }
0xa9: {  	s13 =	sadd.s32 s4, s13  }
0xaa: {  	[tilespmem:s7], [sflag:$0x1] =	stream.linear.gather [hbm4b:s13+s5], $0x50, $0x38;
	[tilespmem:$0x1E150] =	vst v63  }
0xab: {  	s7 =	simm.s32 $0x5  }
0xac: {  	_ =	swait.ge [sflag:s7], $0x50  }
0xad: {  	[sflag:s7] =	ssyncset.done $0x0  }
0xae: {  	[sflag:s7] =	ssyncadd.s32 $0xFFFFFFB0  }
0xaf: {  	_ =	swait.ge [sflag:s7], $0x50  }
0xb0: {  	[sflag:s7] =	ssyncset.done $0x0  }
0xb1: {  	s11 =	simm.s32 $0x140;
	[sflag:s7] =	ssyncadd.s32 $0xFFFFFFB0  }
0xb2: {  	[tilespmem:s8], [sflag:$0x9] =	stream.indirect.gather [hbm4b:s3+s9], $0x80, s11, s9, $0xb8;
	[tilespmem:$0x1E150] =	vst v63  }
0xb3: {  	s11 =	simm.s32 $0xB  }
0xb4: {  	_ =	swait.ge [sflag:s11], $0x2800  }
0xb5: {  	[sflag:s11] =	ssyncset.done $0x0  }
0xb6: {  	s14 =	simm.s32 $0xE;
	[sflag:s11] =	ssyncadd.s32 $0xFFFFD800  }
0xb7: {  	[spmem:s18] =	stream.indirect.scatter.add.f32 [tilespmem:s20], [sflag:$0xF], $0x80, s28, s9, $0xb8;
	[tilespmem:$0x1E150] =	vst v63  }
0xb8: {  	_ =	swait.ge [sflag:s14], $0x2800  }
0xb9: {  	s8 =	rddreg [dreg:$0x6]  }
0xba: {  	s13 =	sadd.s32 s22, s8  }
0xbb: {  	[sflag:s14] =	ssyncset.done $0x0;
	s13 =	sshrl.u32 s13, $0x3  }
0xbc: {  	[sflag:s14] =	ssyncadd.s32 $0xFFFFD800;
	s12 =	sadd.s32 s6, s13  }
0xbd: {  	[tilespmem:s9], [sflag:$0x2] =	stream.linear.gather [hbm4b:s12+s5], $0x50, $0x38;
	[tilespmem:$0x1E150] =	vst v63  }
0xbe: {  	s13 =	sadd.s32 s4, s13;
	s12 =	simm.s32 $0x6  }
0xbf: {  	[tilespmem:s31], [sflag:$0x2] =	stream.linear.gather [hbm4b:s13+s5], $0x50, $0x38;
	[tilespmem:$0x1E150] =	vst v63  }
0xc0: {  	_ =	swait.ge [sflag:s12], $0x50  }
0xc1: {  	[sflag:s12] =	ssyncset.done $0x0  }
0xc2: {  	[sflag:s12] =	ssyncadd.s32 $0xFFFFFFB0  }
0xc3: {  	_ =	swait.ge [sflag:s12], $0x50  }
0xc4: {  	[sflag:s12] =	ssyncset.done $0x0  }
0xc5: {  	[sflag:s12] =	ssyncadd.s32 $0xFFFFFFB0  }
0xc6: {  	[tilespmem:s19], [sflag:$0xA] =	stream.indirect.gather [hbm4b:s3+s9], $0x80, s16, s9, $0xb8;
	[tilespmem:$0x1E150] =	vst v63  }
0xc7: {  	s16 =	simm.s32 $0xC  }
0xc8: {  	_ =	swait.ge [sflag:s16], $0x2800  }
0xc9: {  	[sflag:s16] =	ssyncset.done $0x0  }
0xca: {  	s23 =	simm.s32 $0xF;
	[sflag:s16] =	ssyncadd.s32 $0xFFFFD800  }
0xcb: {  	[spmem:s18] =	stream.indirect.scatter.add.f32 [tilespmem:s17], [sflag:$0x10], $0x80, s29, s9, $0xb8;
	[tilespmem:$0x1E150] =	vst v63  }
0xcc: {  	_ =	swait.ge [sflag:s23], $0x2800  }
0xcd: {  	s7 =	rddreg [dreg:$0x7]  }
0xce: {  	s13 =	sadd.s32 s22, s7  }
0xcf: {  	[sflag:s23] =	ssyncset.done $0x0;
	s13 =	sshrl.u32 s13, $0x3  }
0xd0: {  	[sflag:s23] =	ssyncadd.s32 $0xFFFFD800;
	s16 =	sadd.s32 s6, s13  }
0xd1: {  	[tilespmem:s15], [sflag:$0x3] =	stream.linear.gather [hbm4b:s16+s5], $0x50, $0x38;
	[tilespmem:$0x1E150] =	vst v63  }
0xd2: {  	s13 =	sadd.s32 s4, s13;
	s16 =	simm.s32 $0x7  }
0xd3: {  	[tilespmem:s28], [sflag:$0x3] =	stream.linear.gather [hbm4b:s13+s5], $0x50, $0x38;
	[tilespmem:$0x1E150] =	vst v63  }
0xd4: {  	_ =	swait.ge [sflag:s16], $0x50  }
0xd5: {  	[sflag:s16] =	ssyncset.done $0x0  }
0xd6: {  	[sflag:s16] =	ssyncadd.s32 $0xFFFFFFB0  }
0xd7: {  	_ =	swait.ge [sflag:s16], $0x50  }
0xd8: {  	[sflag:s16] =	ssyncset.done $0x0  }
0xd9: {  	[sflag:s16] =	ssyncadd.s32 $0xFFFFFFB0  }
0xda: {  	[tilespmem:s20], [sflag:$0xB] =	stream.indirect.gather [hbm4b:s3+s9], $0x80, s2, s9, $0xb8;
	[tilespmem:$0x1E150] =	vst v63  }
0xdb: {  	_ =	swait.ge [sflag:s1], $0x2800  }
0xdc: {  	s8 =	simm.s32 $0x500;
	[sflag:s1] =	ssyncset.done $0x0  }
0xdd: {  	s28 =	simm.s32 $0x3C0;
	s2 =	simm.s32 $0x10;
	[sflag:s1] =	ssyncadd.s32 $0xFFFFD800  }
0xde: {  	[spmem:s18] =	stream.indirect.scatter.add.f32 [tilespmem:s8], [sflag:$0xD], $0x80, s28, s9, $0xb8;
	[tilespmem:$0x1E150] =	vst v63  }
0xdf: {  	_ =	swait.ge [sflag:s2], $0x2800  }
0xe0: {  	s7 =	rddreg [dreg:$0x8]  }
0xe1: {  	s13 =	sadd.s32 s22, s7  }
0xe2: {  	[sflag:s2] =	ssyncset.done $0x0;
	s13 =	sshrl.u32 s13, $0x3  }
0xe3: {  	[sflag:s2] =	ssyncadd.s32 $0xFFFFD800;
	s15 =	sadd.s32 s6, s13  }
0xe4: {  	[tilespmem:s25], [sflag:$0x4] =	stream.linear.gather [hbm4b:s15+s5], $0x50, $0x38;
	[tilespmem:$0x1E150] =	vst v63  }
0xe5: {  	s30 =	simm.s32 $0x8;
	s13 =	sadd.s32 s4, s13  }
0xe6: {  	[tilespmem:s29], [sflag:$0x4] =	stream.linear.gather [hbm4b:s13+s5], $0x50, $0x38;
	[tilespmem:$0x1E150] =	vst v63  }
0xe7: {  	_ =	swait.ge [sflag:s30], $0x50  }
0xe8: {  	[sflag:s30] =	ssyncset.done $0x0  }
0xe9: {  	[sflag:s30] =	ssyncadd.s32 $0xFFFFFFB0  }
0xea: {  	_ =	swait.ge [sflag:s30], $0x50  }
0xeb: {  	[sflag:s30] =	ssyncset.done $0x0  }
0xec: {  	s31 =	simm.s32 $0xA;
	[sflag:s30] =	ssyncadd.s32 $0xFFFFFFB0  }
0xed: {  	[tilespmem:s17], [sflag:$0xC] =	stream.indirect.gather [hbm4b:s3+s9], $0x80, s10, s9, $0xb8;
	[tilespmem:$0x1E150] =	vst v63  }
0xee: {  	_ =	swait.ge [sflag:s31], $0x2800  }
0xef: {  	[sflag:s31] =	ssyncset.done $0x0  }
0xf0: {  	s17 =	simm.s32 $0x410;
	[sflag:s31] =	ssyncadd.s32 $0xFFFFD800  }
0xf1: {  	[spmem:s18] =	stream.indirect.scatter.add.f32 [tilespmem:s19], [sflag:$0xE], $0x80, s17, s9, $0xb8;
	[tilespmem:$0x1E150] =	vst v63  }
0xf2: {  	_ =	swait.ge [sflag:s21], $0x2800  }
0xf3: {  	s23 =	rddreg [dreg:$0x9]  }
0xf4: {  	s13 =	sadd.s32 s22, s23  }
0xf5: {  	[sflag:s21] =	ssyncset.done $0x0;
	s13 =	sshrl.u32 s13, $0x3  }
0xf6: {  	s26 =	simm.s32 $0x140;
	[sflag:s21] =	ssyncadd.s32 $0xFFFFD800;
	s25 =	sadd.s32 s6, s13  }
0xf7: {  	[tilespmem:s26], [sflag:$0x5] =	stream.linear.gather [hbm4b:s25+s5], $0x50, $0x38;
	[tilespmem:$0x1E150] =	vst v63  }
0xf8: {  	s19 =	simm.s32 $0x1;
	s13 =	sadd.s32 s4, s13  }
0xf9: {  	[tilespmem:s28], [sflag:$0x5] =	stream.linear.gather [hbm4b:s13+s5], $0x50, $0x38;
	[tilespmem:$0x1E150] =	vst v63  }
0xfa: {  	_ =	swait.ge [sflag:s19], $0x50  }
0xfb: {  	[sflag:s19] =	ssyncset.done $0x0  }
0xfc: {  	[sflag:s19] =	ssyncadd.s32 $0xFFFFFFB0  }
0xfd: {  	_ =	swait.ge [sflag:s19], $0x50  }
0xfe: {  	[sflag:s19] =	ssyncset.done $0x0  }
0xff: {  	[sflag:s19] =	ssyncadd.s32 $0xFFFFFFB0  }
0x100: {  	[tilespmem:s8], [sflag:$0x9] =	stream.indirect.gather [hbm4b:s3+s9], $0x80, s5, s9, $0xb8;
	[tilespmem:$0x1E150] =	vst v63  }
0x101: {  	_ =	swait.ge [sflag:s11], $0x2800  }
0x102: {  	[sflag:s11] =	ssyncset.done $0x0  }
0x103: {  	s28 =	simm.s32 $0x460;
	[sflag:s11] =	ssyncadd.s32 $0xFFFFD800  }
0x104: {  	[spmem:s18] =	stream.indirect.scatter.add.f32 [tilespmem:s20], [sflag:$0xF], $0x80, s28, s9, $0xb8;
	[tilespmem:$0x1E150] =	vst v63  }
0x105: {  	_ =	swait.ge [sflag:s14], $0x2800  }
0x106: {  	p0 =	por $0x0, $0x0;
	s13 =	rddreg [dreg:$0xa]  }
0x107: {  	s13 =	sadd.s32 @!p0 s22, s13  }
0x108: {  	s28 =	simm.s32 @!p0 $0x0;
	[sflag:s14] =	ssyncset.done $0x0;
	s13 =	sshrl.u32 @!p0 s13, $0x3  }
0x109: {  	s22 =	simm.s32 @!p0 $0x190;
	[sflag:s14] =	ssyncadd.s32 $0xFFFFD800;
	s23 =	sadd.s32 @!p0 s6, s13  }
0x10a: {  	[tilespmem:s22], [sflag:$0x6] =	stream.linear.gather @!p0 [hbm4b:s23+s28], $0x50, $0x38;
	[tilespmem:$0x1E150] =	vst v63  }
0x10b: {  	s13 =	sadd.s32 @!p0 s4, s13;
	s22 =	simm.s32 @!p0 $0x410  }
0x10c: {  	[tilespmem:s22], [sflag:$0x6] =	stream.linear.gather @!p0 [hbm4b:s13+s28], $0x50, $0x38;
	[tilespmem:$0x1E150] =	vst v63  }
0x10d: {  	_ =	swait.ge [sflag:s24], $0x50  }
0x10e: {  	[sflag:s24] =	ssyncset.done $0x0  }
0x10f: {  	[sflag:s24] =	ssyncadd.s32 $0xFFFFFFB0  }
0x110: {  	p1 =	por $0x0, $0x0;
	_ =	swait.ge [sflag:s24], $0x50  }
0x111: {  	s29 =	simm.s32 $0x280;
	s23 =	simm.s32 $0x500;
	[sflag:s24] =	ssyncset.done $0x0  }
0x112: {  	s13 =	simm.s32 @!p1 $0x460;
	s22 =	simm.s32 @!p1 $0x4B0;
	[sflag:s24] =	ssyncadd.s32 $0xFFFFFFB0  }
.LBB2_4:
0x113: {  	s19 =	simm.s32 $0x2D00;
	s0 =	simm.s32 $0xC  }
0x114: {  	[tilespmem:s19], [sflag:$0xA] =	stream.indirect.gather [hbm4b:s3+s9], $0x80, s9, s9, $0xb8;
	[tilespmem:$0x1E150] =	vst v63  }
0x115: {  	s13 =	simm.s32 @p1 $0x1E0;
	_ =	swait.ge [sflag:s0], $0x2800  }
0x116: {  	s15 =	simm.s32 @!p1 $0xF;
	s17 =	simm.s32 $0x7D00;
	[sflag:s0] =	ssyncset.done $0x0  }
0x117: {  	s21 =	simm.s32 $0x4B0;
	s25 =	rddreg [dreg:$0xb];
	[sflag:s0] =	ssyncadd.s32 $0xFFFFD800  }
0x118: {  	[spmem:s18] =	stream.indirect.scatter.add.f32 [tilespmem:s17], [sflag:$0x10], $0x80, s21, s9, $0xb8;
	[tilespmem:$0x1E150] =	vst v63  }
0x119: {  	s13 =	sadd.s32 s25, s13;
	_ =	swait.ge @!p1 [sflag:s15], $0x2800  }
0x11a: {  	s13 =	sshrl.u32 s13, $0x3;
	[sflag:s15] =	ssyncset.done @!p1 $0x0  }
0x11b: {  	s2 =	simm.s32 $0x1E0;
	s8 =	sadd.s32 s6, s13;
	[sflag:s15] =	ssyncadd.s32 @!p1 $0xFFFFD800  }
0x11c: {  	[tilespmem:s2], [sflag:$0x7] =	stream.linear.gather [hbm4b:s8+s5], $0x50, $0x38;
	[tilespmem:$0x1E150] =	vst v63  }
0x11d: {  	s1 =	simm.s32 $0x460;
	s10 =	simm.s32 $0x3;
	s13 =	sadd.s32 s4, s13  }
0x11e: {  	[tilespmem:s1], [sflag:$0x7] =	stream.linear.gather [hbm4b:s13+s5], $0x50, $0x38;
	[tilespmem:$0x1E150] =	vst v63  }
0x11f: {  	_ =	swait.ge [sflag:s10], $0x50  }
0x120: {  	[sflag:s10] =	ssyncset.done $0x0  }
0x121: {  	[sflag:s10] =	ssyncadd.s32 $0xFFFFFFB0  }
0x122: {  	_ =	swait.ge [sflag:s10], $0x50  }
0x123: {  	s20 =	simm.s32 $0x5500;
	[sflag:s10] =	ssyncset.done $0x0  }
0x124: {  	s8 =	simm.s32 $0xA0;
	s1 =	simm.s32 $0x9;
	[sflag:s10] =	ssyncadd.s32 $0xFFFFFFB0  }
0x125: {  	[tilespmem:s20], [sflag:$0xB] =	stream.indirect.gather [hbm4b:s3+s9], $0x80, s8, s9, $0xb8;
	[tilespmem:$0x1E150] =	vst v63  }
0x126: {  	_ =	swait.ge [sflag:s1], $0x2800  }
0x127: {  	s22 =	simm.s32 @p1 $0x230;
	s7 =	simm.s32 $0x280;
	[sflag:s1] =	ssyncset.done $0x0  }
0x128: {  	s26 =	simm.s32 $0x500;
	s13 =	simm.s32 @!p1 $0x10;
	[sflag:s1] =	ssyncadd.s32 $0xFFFFD800  }
0x129: {  	[spmem:s18] =	stream.indirect.scatter.add.f32 [tilespmem:s26], [sflag:$0xD], $0x80, s7, s9, $0xb8;
	[tilespmem:$0x1E150] =	vst v63  }
0x12a: {  	s11 =	sadd.s32 s25, s22;
	_ =	swait.ge @!p1 [sflag:s13], $0x2800  }
0x12b: {  	s15 =	sshrl.u32 s11, $0x3;
	[sflag:s13] =	ssyncset.done @!p1 $0x0  }
0x12c: {  	s14 =	sadd.s32 s6, s15;
	s10 =	simm.s32 $0x230;
	[sflag:s13] =	ssyncadd.s32 @!p1 $0xFFFFD800  }
0x12d: {  	[tilespmem:s10], [sflag:$0x8] =	stream.linear.gather [hbm4b:s14+s5], $0x50, $0x38;
	[tilespmem:$0x1E150] =	vst v63  }
0x12e: {  	s24 =	simm.s32 $0x4;
	s22 =	sadd.s32 s4, s15  }
0x12f: {  	[tilespmem:s21], [sflag:$0x8] =	stream.linear.gather [hbm4b:s22+s5], $0x50, $0x38;
	[tilespmem:$0x1E150] =	vst v63  }
0x130: {  	_ =	swait.ge [sflag:s24], $0x50  }
0x131: {  	[sflag:s24] =	ssyncset.done $0x0  }
0x132: {  	[sflag:s24] =	ssyncadd.s32 $0xFFFFFFB0  }
0x133: {  	_ =	swait.ge [sflag:s24], $0x50  }
0x134: {  	[sflag:s24] =	ssyncset.done $0x0  }
0x135: {  	s21 =	simm.s32 $0xF0;
	[sflag:s24] =	ssyncadd.s32 $0xFFFFFFB0  }
0x136: {  	[tilespmem:s17], [sflag:$0xC] =	stream.indirect.gather [hbm4b:s3+s9], $0x80, s21, s9, $0xb8;
	[tilespmem:$0x1E150] =	vst v63  }
0x137: {  	_ =	swait.ge [sflag:s31], $0x2800  }
0x138: {  	[sflag:s31] =	ssyncset.done $0x0  }
0x139: {  	s24 =	simm.s32 $0xD;
	[sflag:s31] =	ssyncadd.s32 $0xFFFFD800;
	s31 =	simm.s32 $0x2D0  }
0x13a: {  	[spmem:s18] =	stream.indirect.scatter.add.f32 [tilespmem:s19], [sflag:$0xE], $0x80, s31, s9, $0xb8;
	[tilespmem:$0x1E150] =	vst v63  }
0x13b: {  	s22 =	smov.u32 s29;
	_ =	swait.ge [sflag:s24], $0x2800  }
0x13c: {  	s22 =	simm.s32 @p1 $0x0;
	s25 =	rddreg [dreg:$0x5]  }
0x13d: {  	s13 =	sadd.s32 s22, s25  }
0x13e: {  	[sflag:s24] =	ssyncset.done $0x0;
	s13 =	sshrl.u32 s13, $0x3  }
0x13f: {  	[sflag:s24] =	ssyncadd.s32 $0xFFFFD800;
	s11 =	sadd.s32 s6, s13  }
0x140: {  	[tilespmem:s5], [sflag:$0x1] =	stream.linear.gather [hbm4b:s11+s5], $0x50, $0x38;
	[tilespmem:$0x1E150] =	vst v63  }
0x141: {  	s14 =	simm.s32 $0x5;
	s13 =	sadd.s32 s4, s13  }
0x142: {  	[tilespmem:s7], [sflag:$0x1] =	stream.linear.gather [hbm4b:s13+s5], $0x50, $0x38;
	[tilespmem:$0x1E150] =	vst v63  }
0x143: {  	_ =	swait.ge [sflag:s14], $0x50  }
0x144: {  	[sflag:s14] =	ssyncset.done $0x0  }
0x145: {  	[sflag:s14] =	ssyncadd.s32 $0xFFFFFFB0  }
0x146: {  	_ =	swait.ge [sflag:s14], $0x50  }
0x147: {  	[sflag:s14] =	ssyncset.done $0x0  }
0x148: {  	s11 =	simm.s32 $0xB;
	s7 =	simm.s32 $0x140;
	[sflag:s14] =	ssyncadd.s32 $0xFFFFFFB0  }
0x149: {  	[tilespmem:s26], [sflag:$0x9] =	stream.indirect.gather [hbm4b:s3+s9], $0x80, s7, s9, $0xb8;
	[tilespmem:$0x1E150] =	vst v63  }
0x14a: {  	_ =	swait.ge [sflag:s11], $0x2800  }
0x14b: {  	[sflag:s11] =	ssyncset.done $0x0  }
0x14c: {  	s25 =	simm.s32 $0x320;
	s14 =	simm.s32 $0xE;
	[sflag:s11] =	ssyncadd.s32 $0xFFFFD800  }
0x14d: {  	[spmem:s18] =	stream.indirect.scatter.add.f32 [tilespmem:s20], [sflag:$0xF], $0x80, s25, s9, $0xb8;
	[tilespmem:$0x1E150] =	vst v63  }
0x14e: {  	_ =	swait.ge [sflag:s14], $0x2800  }
0x14f: {  	s15 =	rddreg [dreg:$0x6]  }
0x150: {  	s13 =	sadd.s32 s22, s15  }
0x151: {  	[sflag:s14] =	ssyncset.done $0x0;
	s13 =	sshrl.u32 s13, $0x3  }
0x152: {  	[sflag:s14] =	ssyncadd.s32 $0xFFFFD800;
	s15 =	sadd.s32 s6, s13  }
0x153: {  	[tilespmem:s9], [sflag:$0x2] =	stream.linear.gather [hbm4b:s15+s5], $0x50, $0x38;
	[tilespmem:$0x1E150] =	vst v63  }
0x154: {  	s13 =	sadd.s32 s4, s13  }
0x155: {  	[tilespmem:s31], [sflag:$0x2] =	stream.linear.gather [hbm4b:s13+s5], $0x50, $0x38;
	[tilespmem:$0x1E150] =	vst v63  }
0x156: {  	_ =	swait.ge [sflag:s12], $0x50  }
0x157: {  	[sflag:s12] =	ssyncset.done $0x0  }
0x158: {  	[sflag:s12] =	ssyncadd.s32 $0xFFFFFFB0  }
0x159: {  	_ =	swait.ge [sflag:s12], $0x50  }
0x15a: {  	[sflag:s12] =	ssyncset.done $0x0  }
0x15b: {  	s15 =	simm.s32 $0x190;
	[sflag:s12] =	ssyncadd.s32 $0xFFFFFFB0  }
0x15c: {  	[tilespmem:s19], [sflag:$0xA] =	stream.indirect.gather [hbm4b:s3+s9], $0x80, s15, s9, $0xb8;
	[tilespmem:$0x1E150] =	vst v63  }
0x15d: {  	_ =	swait.ge [sflag:s0], $0x2800  }
0x15e: {  	[sflag:s0] =	ssyncset.done $0x0  }
0x15f: {  	s31 =	simm.s32 $0x370;
	s15 =	simm.s32 $0xF;
	[sflag:s0] =	ssyncadd.s32 $0xFFFFD800  }
0x160: {  	[spmem:s18] =	stream.indirect.scatter.add.f32 [tilespmem:s17], [sflag:$0x10], $0x80, s31, s9, $0xb8;
	[tilespmem:$0x1E150] =	vst v63  }
0x161: {  	_ =	swait.ge [sflag:s15], $0x2800  }
0x162: {  	s0 =	rddreg [dreg:$0x7]  }
0x163: {  	s13 =	sadd.s32 s22, s0  }
0x164: {  	[sflag:s15] =	ssyncset.done $0x0;
	s13 =	sshrl.u32 s13, $0x3  }
0x165: {  	[sflag:s15] =	ssyncadd.s32 $0xFFFFD800;
	s0 =	sadd.s32 s6, s13  }
0x166: {  	[tilespmem:s8], [sflag:$0x3] =	stream.linear.gather [hbm4b:s0+s5], $0x50, $0x38;
	[tilespmem:$0x1E150] =	vst v63  }
0x167: {  	s13 =	sadd.s32 s4, s13  }
0x168: {  	[tilespmem:s25], [sflag:$0x3] =	stream.linear.gather [hbm4b:s13+s5], $0x50, $0x38;
	[tilespmem:$0x1E150] =	vst v63  }
0x169: {  	_ =	swait.ge [sflag:s16], $0x50  }
0x16a: {  	[sflag:s16] =	ssyncset.done $0x0  }
0x16b: {  	[sflag:s16] =	ssyncadd.s32 $0xFFFFFFB0  }
0x16c: {  	_ =	swait.ge [sflag:s16], $0x50  }
0x16d: {  	[sflag:s16] =	ssyncset.done $0x0  }
0x16e: {  	[sflag:s16] =	ssyncadd.s32 $0xFFFFFFB0  }
0x16f: {  	[tilespmem:s20], [sflag:$0xB] =	stream.indirect.gather [hbm4b:s3+s9], $0x80, s2, s9, $0xb8;
	[tilespmem:$0x1E150] =	vst v63  }
0x170: {  	_ =	swait.ge [sflag:s1], $0x2800  }
0x171: {  	[sflag:s1] =	ssyncset.done $0x0  }
0x172: {  	s0 =	simm.s32 $0x10;
	s25 =	simm.s32 $0x3C0;
	[sflag:s1] =	ssyncadd.s32 $0xFFFFD800  }
0x173: {  	[spmem:s18] =	stream.indirect.scatter.add.f32 [tilespmem:s26], [sflag:$0xD], $0x80, s25, s9, $0xb8;
	[tilespmem:$0x1E150] =	vst v63  }
0x174: {  	_ =	swait.ge [sflag:s0], $0x2800  }
0x175: {  	s2 =	rddreg [dreg:$0x8]  }
0x176: {  	s13 =	sadd.s32 s22, s2  }
0x177: {  	[sflag:s0] =	ssyncset.done $0x0;
	s13 =	sshrl.u32 s13, $0x3  }
0x178: {  	[sflag:s0] =	ssyncadd.s32 $0xFFFFD800;
	s8 =	sadd.s32 s6, s13  }
0x179: {  	[tilespmem:s21], [sflag:$0x4] =	stream.linear.gather [hbm4b:s8+s5], $0x50, $0x38;
	[tilespmem:$0x1E150] =	vst v63  }
0x17a: {  	s13 =	sadd.s32 s4, s13  }
0x17b: {  	[tilespmem:s31], [sflag:$0x4] =	stream.linear.gather [hbm4b:s13+s5], $0x50, $0x38;
	[tilespmem:$0x1E150] =	vst v63  }
0x17c: {  	_ =	swait.ge [sflag:s30], $0x50  }
0x17d: {  	[sflag:s30] =	ssyncset.done $0x0  }
0x17e: {  	[sflag:s30] =	ssyncadd.s32 $0xFFFFFFB0  }
0x17f: {  	_ =	swait.ge [sflag:s30], $0x50  }
0x180: {  	[sflag:s30] =	ssyncset.done $0x0  }
0x181: {  	s31 =	simm.s32 $0xA;
	[sflag:s30] =	ssyncadd.s32 $0xFFFFFFB0  }
0x182: {  	[tilespmem:s17], [sflag:$0xC] =	stream.indirect.gather [hbm4b:s3+s9], $0x80, s10, s9, $0xb8;
	[tilespmem:$0x1E150] =	vst v63  }
0x183: {  	_ =	swait.ge [sflag:s31], $0x2800  }
0x184: {  	[sflag:s31] =	ssyncset.done $0x0  }
0x185: {  	s17 =	simm.s32 $0x410;
	[sflag:s31] =	ssyncadd.s32 $0xFFFFD800  }
0x186: {  	[spmem:s18] =	stream.indirect.scatter.add.f32 [tilespmem:s19], [sflag:$0xE], $0x80, s17, s9, $0xb8;
	[tilespmem:$0x1E150] =	vst v63  }
0x187: {  	_ =	swait.ge [sflag:s24], $0x2800  }
0x188: {  	s21 =	rddreg [dreg:$0x9]  }
0x189: {  	s13 =	sadd.s32 s22, s21  }
0x18a: {  	[sflag:s24] =	ssyncset.done $0x0;
	s13 =	sshrl.u32 s13, $0x3  }
0x18b: {  	[sflag:s24] =	ssyncadd.s32 $0xFFFFD800;
	s24 =	sadd.s32 s6, s13  }
0x18c: {  	[tilespmem:s7], [sflag:$0x5] =	stream.linear.gather [hbm4b:s24+s5], $0x50, $0x38;
	[tilespmem:$0x1E150] =	vst v63  }
0x18d: {  	s19 =	simm.s32 $0x1;
	s13 =	sadd.s32 s4, s13  }
0x18e: {  	[tilespmem:s25], [sflag:$0x5] =	stream.linear.gather [hbm4b:s13+s5], $0x50, $0x38;
	[tilespmem:$0x1E150] =	vst v63  }
0x18f: {  	_ =	swait.ge [sflag:s19], $0x50  }
0x190: {  	[sflag:s19] =	ssyncset.done $0x0  }
0x191: {  	[sflag:s19] =	ssyncadd.s32 $0xFFFFFFB0  }
0x192: {  	_ =	swait.ge [sflag:s19], $0x50  }
0x193: {  	[sflag:s19] =	ssyncset.done $0x0  }
0x194: {  	[sflag:s19] =	ssyncadd.s32 $0xFFFFFFB0  }
0x195: {  	[tilespmem:s26], [sflag:$0x9] =	stream.indirect.gather [hbm4b:s3+s9], $0x80, s5, s9, $0xb8;
	[tilespmem:$0x1E150] =	vst v63  }
0x196: {  	_ =	swait.ge [sflag:s11], $0x2800  }
0x197: {  	[sflag:s11] =	ssyncset.done $0x0  }
0x198: {  	s26 =	simm.s32 $0x460;
	[sflag:s11] =	ssyncadd.s32 $0xFFFFD800  }
0x199: {  	[spmem:s18] =	stream.indirect.scatter.add.f32 [tilespmem:s20], [sflag:$0xF], $0x80, s26, s9, $0xb8;
	[tilespmem:$0x1E150] =	vst v63  }
0x19a: {  	_ =	swait.ge [sflag:s14], $0x2800  }
0x19b: {  	s28 =	smov.u32 s23;
	p1 =	seq.s32 s29, $0x2300;
	s13 =	rddreg [dreg:$0xa]  }
0x19c: {  	s29 =	smov.u32 s28;
	s13 =	sadd.s32 @!p1 s22, s13  }
0x19d: {  	s28 =	simm.s32 @!p1 $0x0;
	[sflag:s14] =	ssyncset.done $0x0;
	s13 =	sshrl.u32 @!p1 s13, $0x3  }
0x19e: {  	s15 =	simm.s32 @!p1 $0x190;
	[sflag:s14] =	ssyncadd.s32 $0xFFFFD800;
	s22 =	sadd.s32 @!p1 s6, s13  }
0x19f: {  	[tilespmem:s15], [sflag:$0x6] =	stream.linear.gather @!p1 [hbm4b:s22+s28], $0x50, $0x38;
	[tilespmem:$0x1E150] =	vst v63  }
0x1a0: {  	s13 =	sadd.s32 @!p1 s4, s13;
	s15 =	simm.s32 @!p1 $0x410  }
0x1a1: {  	[tilespmem:s15], [sflag:$0x6] =	stream.linear.gather @!p1 [hbm4b:s13+s28], $0x50, $0x38;
	[tilespmem:$0x1E150] =	vst v63  }
0x1a2: {  	s23 =	sadd.s32 $0x280, s23;
	s28 =	simm.s32 $0x2  }
0x1a3: {  	p0 =	sne.s32 s23, $0x2580;
	_ =	swait.ge [sflag:s28], $0x50  }
.Ltmp1:
0x1a4: {  	[sflag:s28] =	ssyncset.done $0x0;
	(pc) =	sbr.rel @p0 .LBB2_4-.Ltmp1, $4  }
0x1a5: {  	[sflag:s28] =	ssyncadd.s32 $0xFFFFFFB0  }
0x1a6: {  	_ =	swait.ge [sflag:s28], $0x50  }
0x1a7: {  	p1 =	seq.s32 s29, $0x0;
	[sflag:s28] =	ssyncset.done $0x0  }
0x1a8: {  	s13 =	sadd.s32 @!p1 $0x1E0, s29;
	s22 =	sadd.s32 @!p1 $0x230, s29;
	[sflag:s28] =	ssyncadd.s32 $0xFFFFFFB0  }
0x1a9: {  	s0 =	simm.s32 $0x2D00;
	s8 =	simm.s32 $0xC  }
0x1aa: {  	[tilespmem:s0], [sflag:$0xA] =	stream.indirect.gather [hbm4b:s3+s9], $0x80, s9, s9, $0xb8;
	[tilespmem:$0x1E150] =	vst v63  }
0x1ab: {  	s13 =	simm.s32 @p1 $0x1E0;
	_ =	swait.ge [sflag:s8], $0x2800  }
0x1ac: {  	s15 =	simm.s32 @!p1 $0xF;
	s21 =	simm.s32 $0x7D00;
	[sflag:s8] =	ssyncset.done $0x0  }
0x1ad: {  	s2 =	simm.s32 $0x4B0;
	s1 =	rddreg [dreg:$0xb];
	[sflag:s8] =	ssyncadd.s32 $0xFFFFD800  }
0x1ae: {  	[spmem:s18] =	stream.indirect.scatter.add.f32 [tilespmem:s21], [sflag:$0x10], $0x80, s2, s9, $0xb8;
	[tilespmem:$0x1E150] =	vst v63  }
0x1af: {  	s13 =	sadd.s32 s1, s13;
	_ =	swait.ge @!p1 [sflag:s15], $0x2800  }
0x1b0: {  	s13 =	sshrl.u32 s13, $0x3;
	[sflag:s15] =	ssyncset.done @!p1 $0x0  }
0x1b1: {  	s10 =	simm.s32 $0x1E0;
	s7 =	sadd.s32 s6, s13;
	[sflag:s15] =	ssyncadd.s32 @!p1 $0xFFFFD800  }
0x1b2: {  	[tilespmem:s10], [sflag:$0x7] =	stream.linear.gather [hbm4b:s7+s5], $0x50, $0x38;
	[tilespmem:$0x1E150] =	vst v63  }
0x1b3: {  	s11 =	simm.s32 $0x460;
	s26 =	simm.s32 $0x3;
	s13 =	sadd.s32 s4, s13  }
0x1b4: {  	[tilespmem:s11], [sflag:$0x7] =	stream.linear.gather [hbm4b:s13+s5], $0x50, $0x38;
	[tilespmem:$0x1E150] =	vst v63  }
0x1b5: {  	_ =	swait.ge [sflag:s26], $0x50  }
0x1b6: {  	[sflag:s26] =	ssyncset.done $0x0  }
0x1b7: {  	[sflag:s26] =	ssyncadd.s32 $0xFFFFFFB0  }
0x1b8: {  	_ =	swait.ge [sflag:s26], $0x50  }
0x1b9: {  	s14 =	simm.s32 $0xA0;
	[sflag:s26] =	ssyncset.done $0x0  }
0x1ba: {  	s25 =	simm.s32 $0x5500;
	s28 =	simm.s32 $0x9;
	[sflag:s26] =	ssyncadd.s32 $0xFFFFFFB0  }
0x1bb: {  	[tilespmem:s25], [sflag:$0xB] =	stream.indirect.gather [hbm4b:s3+s9], $0x80, s14, s9, $0xb8;
	[tilespmem:$0x1E150] =	vst v63  }
0x1bc: {  	s22 =	simm.s32 @p1 $0x230;
	_ =	swait.ge [sflag:s28], $0x2800  }
0x1bd: {  	s24 =	simm.s32 $0x500;
	s2 =	smov.u32 s1;
	[sflag:s28] =	ssyncset.done $0x0  }
0x1be: {  	s15 =	simm.s32 $0x280;
	s13 =	simm.s32 @!p1 $0x10;
	[sflag:s28] =	ssyncadd.s32 $0xFFFFD800  }
0x1bf: {  	[spmem:s18] =	stream.indirect.scatter.add.f32 [tilespmem:s24], [sflag:$0xD], $0x80, s15, s9, $0xb8;
	[tilespmem:$0x1E150] =	vst v63  }
0x1c0: {  	s17 =	sadd.s32 s2, s22;
	_ =	swait.ge @!p1 [sflag:s13], $0x2800  }
0x1c1: {  	s15 =	sshrl.u32 s17, $0x3;
	[sflag:s13] =	ssyncset.done @!p1 $0x0  }
0x1c2: {  	s22 =	simm.s32 $0x230;
	s20 =	sadd.s32 s6, s15;
	[sflag:s13] =	ssyncadd.s32 @!p1 $0xFFFFD800  }
0x1c3: {  	[tilespmem:s22], [sflag:$0x8] =	stream.linear.gather [hbm4b:s20+s5], $0x50, $0x38;
	[tilespmem:$0x1E150] =	vst v63  }
0x1c4: {  	s0 =	simm.s32 $0x4B0;
	s2 =	sadd.s32 s4, s15  }
0x1c5: {  	[tilespmem:s0], [sflag:$0x8] =	stream.linear.gather [hbm4b:s2+s5], $0x50, $0x38;
	[tilespmem:$0x1E150] =	vst v63  }
0x1c6: {  	s2 =	simm.s32 $0x4  }
0x1c7: {  	_ =	swait.ge [sflag:s2], $0x50  }
0x1c8: {  	[sflag:s2] =	ssyncset.done $0x0  }
0x1c9: {  	[sflag:s2] =	ssyncadd.s32 $0xFFFFFFB0  }
0x1ca: {  	_ =	swait.ge [sflag:s2], $0x50  }
0x1cb: {  	[sflag:s2] =	ssyncset.done $0x0  }
0x1cc: {  	s7 =	simm.s32 $0xF0;
	[sflag:s2] =	ssyncadd.s32 $0xFFFFFFB0  }
0x1cd: {  	[tilespmem:s21], [sflag:$0xC] =	stream.indirect.gather [hbm4b:s3+s9], $0x80, s7, s9, $0xb8;
	[tilespmem:$0x1E150] =	vst v63  }
0x1ce: {  	_ =	swait.ge [sflag:s31], $0x2800  }
0x1cf: {  	s23 =	simm.s32 $0x2D00;
	[sflag:s31] =	ssyncset.done $0x0  }
0x1d0: {  	s10 =	simm.s32 $0x2D0;
	s7 =	simm.s32 $0xD;
	[sflag:s31] =	ssyncadd.s32 $0xFFFFD800  }
0x1d1: {  	[spmem:s18] =	stream.indirect.scatter.add.f32 [tilespmem:s23], [sflag:$0xE], $0x80, s10, s9, $0xb8;
	[tilespmem:$0x1E150] =	vst v63  }
0x1d2: {  	s22 =	smov.u32 s29;
	_ =	swait.ge [sflag:s7], $0x2800  }
0x1d3: {  	s22 =	simm.s32 @p1 $0x0;
	s11 =	rddreg [dreg:$0x5]  }
0x1d4: {  	s13 =	sadd.s32 s22, s11  }
0x1d5: {  	[sflag:s7] =	ssyncset.done $0x0;
	s13 =	sshrl.u32 s13, $0x3  }
0x1d6: {  	[sflag:s7] =	ssyncadd.s32 $0xFFFFD800;
	s14 =	sadd.s32 s6, s13  }
0x1d7: {  	[tilespmem:s5], [sflag:$0x1] =	stream.linear.gather [hbm4b:s14+s5], $0x50, $0x38;
	[tilespmem:$0x1E150] =	vst v63  }
0x1d8: {  	s1 =	simm.s32 $0x280;
	s0 =	simm.s32 $0x5;
	s13 =	sadd.s32 s4, s13  }
0x1d9: {  	[tilespmem:s1], [sflag:$0x1] =	stream.linear.gather [hbm4b:s13+s5], $0x50, $0x38;
	[tilespmem:$0x1E150] =	vst v63  }
0x1da: {  	_ =	swait.ge [sflag:s0], $0x50  }
0x1db: {  	[sflag:s0] =	ssyncset.done $0x0  }
0x1dc: {  	[sflag:s0] =	ssyncadd.s32 $0xFFFFFFB0  }
0x1dd: {  	_ =	swait.ge [sflag:s0], $0x50  }
0x1de: {  	[sflag:s0] =	ssyncset.done $0x0  }
0x1df: {  	s15 =	simm.s32 $0x140;
	s11 =	simm.s32 $0xB;
	[sflag:s0] =	ssyncadd.s32 $0xFFFFFFB0  }
0x1e0: {  	[tilespmem:s24], [sflag:$0x9] =	stream.indirect.gather [hbm4b:s3+s9], $0x80, s15, s9, $0xb8;
	[tilespmem:$0x1E150] =	vst v63  }
0x1e1: {  	_ =	swait.ge [sflag:s11], $0x2800  }
0x1e2: {  	[sflag:s11] =	ssyncset.done $0x0  }
0x1e3: {  	s31 =	simm.s32 $0x320;
	s14 =	simm.s32 $0xE;
	[sflag:s11] =	ssyncadd.s32 $0xFFFFD800  }
0x1e4: {  	[spmem:s18] =	stream.indirect.scatter.add.f32 [tilespmem:s25], [sflag:$0xF], $0x80, s31, s9, $0xb8;
	[tilespmem:$0x1E150] =	vst v63  }
0x1e5: {  	_ =	swait.ge [sflag:s14], $0x2800  }
0x1e6: {  	s20 =	rddreg [dreg:$0x6]  }
0x1e7: {  	s13 =	sadd.s32 s22, s20  }
0x1e8: {  	[sflag:s14] =	ssyncset.done $0x0;
	s13 =	sshrl.u32 s13, $0x3  }
0x1e9: {  	[sflag:s14] =	ssyncadd.s32 $0xFFFFD800;
	s1 =	sadd.s32 s6, s13  }
0x1ea: {  	[tilespmem:s9], [sflag:$0x2] =	stream.linear.gather [hbm4b:s1+s5], $0x50, $0x38;
	[tilespmem:$0x1E150] =	vst v63  }
0x1eb: {  	s17 =	simm.s32 $0x2D0;
	s13 =	sadd.s32 s4, s13  }
0x1ec: {  	[tilespmem:s17], [sflag:$0x2] =	stream.linear.gather [hbm4b:s13+s5], $0x50, $0x38;
	[tilespmem:$0x1E150] =	vst v63  }
0x1ed: {  	_ =	swait.ge [sflag:s12], $0x50  }
0x1ee: {  	[sflag:s12] =	ssyncset.done $0x0  }
0x1ef: {  	[sflag:s12] =	ssyncadd.s32 $0xFFFFFFB0  }
0x1f0: {  	_ =	swait.ge [sflag:s12], $0x50  }
0x1f1: {  	[sflag:s12] =	ssyncset.done $0x0  }
0x1f2: {  	s13 =	simm.s32 $0x190;
	[sflag:s12] =	ssyncadd.s32 $0xFFFFFFB0  }
0x1f3: {  	[tilespmem:s23], [sflag:$0xA] =	stream.indirect.gather [hbm4b:s3+s9], $0x80, s13, s9, $0xb8;
	[tilespmem:$0x1E150] =	vst v63  }
0x1f4: {  	_ =	swait.ge [sflag:s8], $0x2800  }
0x1f5: {  	[sflag:s8] =	ssyncset.done $0x0  }
0x1f6: {  	s15 =	simm.s32 $0x370;
	s12 =	simm.s32 $0xF;
	[sflag:s8] =	ssyncadd.s32 $0xFFFFD800  }
0x1f7: {  	[spmem:s18] =	stream.indirect.scatter.add.f32 [tilespmem:s21], [sflag:$0x10], $0x80, s15, s9, $0xb8;
	[tilespmem:$0x1E150] =	vst v63  }
0x1f8: {  	_ =	swait.ge [sflag:s12], $0x2800  }
0x1f9: {  	s17 =	rddreg [dreg:$0x7]  }
0x1fa: {  	s13 =	sadd.s32 s22, s17  }
0x1fb: {  	[sflag:s12] =	ssyncset.done $0x0;
	s13 =	sshrl.u32 s13, $0x3  }
0x1fc: {  	[sflag:s12] =	ssyncadd.s32 $0xFFFFD800;
	s17 =	simm.s32 $0xA0;
	s1 =	sadd.s32 s6, s13  }
0x1fd: {  	[tilespmem:s17], [sflag:$0x3] =	stream.linear.gather [hbm4b:s1+s5], $0x50, $0x38;
	[tilespmem:$0x1E150] =	vst v63  }
0x1fe: {  	s13 =	sadd.s32 s4, s13  }
0x1ff: {  	[tilespmem:s31], [sflag:$0x3] =	stream.linear.gather [hbm4b:s13+s5], $0x50, $0x38;
	[tilespmem:$0x1E150] =	vst v63  }
0x200: {  	_ =	swait.ge [sflag:s16], $0x50  }
0x201: {  	[sflag:s16] =	ssyncset.done $0x0  }
0x202: {  	[sflag:s16] =	ssyncadd.s32 $0xFFFFFFB0  }
0x203: {  	_ =	swait.ge [sflag:s16], $0x50  }
0x204: {  	[sflag:s16] =	ssyncset.done $0x0  }
0x205: {  	[sflag:s16] =	ssyncadd.s32 $0xFFFFFFB0;
	s16 =	simm.s32 $0x1E0  }
0x206: {  	[tilespmem:s25], [sflag:$0xB] =	stream.indirect.gather [hbm4b:s3+s9], $0x80, s16, s9, $0xb8;
	[tilespmem:$0x1E150] =	vst v63  }
0x207: {  	_ =	swait.ge [sflag:s28], $0x2800  }
0x208: {  	[sflag:s28] =	ssyncset.done $0x0  }
0x209: {  	s1 =	simm.s32 $0x10;
	s16 =	simm.s32 $0x3C0;
	[sflag:s28] =	ssyncadd.s32 $0xFFFFD800  }
0x20a: {  	[spmem:s18] =	stream.indirect.scatter.add.f32 [tilespmem:s24], [sflag:$0xD], $0x80, s16, s9, $0xb8;
	[tilespmem:$0x1E150] =	vst v63  }
0x20b: {  	_ =	swait.ge [sflag:s1], $0x2800  }
0x20c: {  	s17 =	rddreg [dreg:$0x8]  }
0x20d: {  	s13 =	sadd.s32 s22, s17  }
0x20e: {  	[sflag:s1] =	ssyncset.done $0x0;
	s13 =	sshrl.u32 s13, $0x3  }
0x20f: {  	[sflag:s1] =	ssyncadd.s32 $0xFFFFD800;
	s17 =	simm.s32 $0xF0;
	s15 =	sadd.s32 s6, s13  }
0x210: {  	[tilespmem:s17], [sflag:$0x4] =	stream.linear.gather [hbm4b:s15+s5], $0x50, $0x38;
	[tilespmem:$0x1E150] =	vst v63  }
0x211: {  	s20 =	simm.s32 $0x370;
	s13 =	sadd.s32 s4, s13  }
0x212: {  	[tilespmem:s20], [sflag:$0x4] =	stream.linear.gather [hbm4b:s13+s5], $0x50, $0x38;
	[tilespmem:$0x1E150] =	vst v63  }
0x213: {  	_ =	swait.ge [sflag:s30], $0x50  }
0x214: {  	[sflag:s30] =	ssyncset.done $0x0  }
0x215: {  	[sflag:s30] =	ssyncadd.s32 $0xFFFFFFB0  }
0x216: {  	_ =	swait.ge [sflag:s30], $0x50  }
0x217: {  	[sflag:s30] =	ssyncset.done $0x0  }
0x218: {  	s10 =	simm.s32 $0xA;
	s15 =	simm.s32 $0x230;
	[sflag:s30] =	ssyncadd.s32 $0xFFFFFFB0  }
0x219: {  	[tilespmem:s21], [sflag:$0xC] =	stream.indirect.gather [hbm4b:s3+s9], $0x80, s15, s9, $0xb8;
	[tilespmem:$0x1E150] =	vst v63  }
0x21a: {  	_ =	swait.ge [sflag:s10], $0x2800  }
0x21b: {  	[sflag:s10] =	ssyncset.done $0x0  }
0x21c: {  	s30 =	simm.s32 $0x410;
	[sflag:s10] =	ssyncadd.s32 $0xFFFFD800  }
0x21d: {  	[spmem:s18] =	stream.indirect.scatter.add.f32 [tilespmem:s23], [sflag:$0xE], $0x80, s30, s9, $0xb8;
	[tilespmem:$0x1E150] =	vst v63  }
0x21e: {  	_ =	swait.ge [sflag:s7], $0x2800  }
0x21f: {  	s15 =	rddreg [dreg:$0x9]  }
0x220: {  	s13 =	sadd.s32 s22, s15  }
0x221: {  	[sflag:s7] =	ssyncset.done $0x0;
	s13 =	sshrl.u32 s13, $0x3  }
0x222: {  	s30 =	simm.s32 $0x140;
	[sflag:s7] =	ssyncadd.s32 $0xFFFFD800;
	s23 =	sadd.s32 s6, s13  }
0x223: {  	[tilespmem:s30], [sflag:$0x5] =	stream.linear.gather [hbm4b:s23+s5], $0x50, $0x38;
	[tilespmem:$0x1E150] =	vst v63  }
0x224: {  	s13 =	sadd.s32 s4, s13  }
0x225: {  	[tilespmem:s16], [sflag:$0x5] =	stream.linear.gather [hbm4b:s13+s5], $0x50, $0x38;
	[tilespmem:$0x1E150] =	vst v63  }
0x226: {  	_ =	swait.ge [sflag:s19], $0x50  }
0x227: {  	[sflag:s19] =	ssyncset.done $0x0  }
0x228: {  	[sflag:s19] =	ssyncadd.s32 $0xFFFFFFB0  }
0x229: {  	_ =	swait.ge [sflag:s19], $0x50  }
0x22a: {  	[sflag:s19] =	ssyncset.done $0x0  }
0x22b: {  	[sflag:s19] =	ssyncadd.s32 $0xFFFFFFB0  }
0x22c: {  	[tilespmem:s24], [sflag:$0x9] =	stream.indirect.gather [hbm4b:s3+s9], $0x80, s5, s9, $0xb8;
	[tilespmem:$0x1E150] =	vst v63  }
0x22d: {  	_ =	swait.ge [sflag:s11], $0x2800  }
0x22e: {  	[sflag:s11] =	ssyncset.done $0x0  }
0x22f: {  	s15 =	simm.s32 $0x460;
	[sflag:s11] =	ssyncadd.s32 $0xFFFFD800  }
0x230: {  	[spmem:s18] =	stream.indirect.scatter.add.f32 [tilespmem:s25], [sflag:$0xF], $0x80, s15, s9, $0xb8;
	[tilespmem:$0x1E150] =	vst v63  }
0x231: {  	_ =	swait.ge [sflag:s14], $0x2800  }
0x232: {  	p0 =	seq.s32 s29, $0x2300;
	s13 =	rddreg [dreg:$0xa]  }
0x233: {  	s13 =	sadd.s32 @!p0 s22, s13  }
0x234: {  	s23 =	simm.s32 @!p0 $0x0;
	[sflag:s14] =	ssyncset.done $0x0;
	s13 =	sshrl.u32 @!p0 s13, $0x3  }
0x235: {  	s15 =	simm.s32 @!p0 $0x190;
	[sflag:s14] =	ssyncadd.s32 $0xFFFFD800;
	s22 =	sadd.s32 @!p0 s6, s13  }
0x236: {  	[tilespmem:s15], [sflag:$0x6] =	stream.linear.gather @!p0 [hbm4b:s22+s23], $0x50, $0x38;
	[tilespmem:$0x1E150] =	vst v63  }
0x237: {  	s13 =	sadd.s32 @!p0 s4, s13;
	s15 =	simm.s32 @!p0 $0x410;
	s22 =	simm.s32 $0x2  }
0x238: {  	[tilespmem:s15], [sflag:$0x6] =	stream.linear.gather @!p0 [hbm4b:s13+s23], $0x50, $0x38;
	[tilespmem:$0x1E150] =	vst v63  }
0x239: {  	_ =	swait.ge [sflag:s22], $0x50  }
0x23a: {  	[sflag:s22] =	ssyncset.done $0x0  }
0x23b: {  	[sflag:s22] =	ssyncadd.s32 $0xFFFFFFB0  }
0x23c: {  	_ =	swait.ge [sflag:s22], $0x50  }
0x23d: {  	[sflag:s22] =	ssyncset.done $0x0  }
0x23e: {  	s15 =	simm.s32 $0x2D00;
	[sflag:s22] =	ssyncadd.s32 $0xFFFFFFB0  }
0x23f: {  	[tilespmem:s15], [sflag:$0xA] =	stream.indirect.gather [hbm4b:s3+s9], $0x80, s9, s9, $0xb8;
	[tilespmem:$0x1E150] =	vst v63  }
0x240: {  	_ =	swait.ge [sflag:s8], $0x2800  }
0x241: {  	[sflag:s8] =	ssyncset.done $0x0  }
0x242: {  	s23 =	simm.s32 $0x4B0;
	[sflag:s8] =	ssyncadd.s32 $0xFFFFD800  }
0x243: {  	[spmem:s18] =	stream.indirect.scatter.add.f32 [tilespmem:s21], [sflag:$0x10], $0x80, s23, s9, $0xb8;
	[tilespmem:$0x1E150] =	vst v63  }
0x244: {  	_ =	swait.ge [sflag:s12], $0x2800  }
0x245: {  	[sflag:s12] =	ssyncset.done $0x0  }
0x246: {  	[sflag:s12] =	ssyncadd.s32 $0xFFFFD800  }
0x247: {  	_ =	swait.ge [sflag:s26], $0x50  }
0x248: {  	[sflag:s26] =	ssyncset.done $0x0  }
0x249: {  	[sflag:s26] =	ssyncadd.s32 $0xFFFFFFB0  }
0x24a: {  	_ =	swait.ge [sflag:s26], $0x50  }
0x24b: {  	[sflag:s26] =	ssyncset.done $0x0  }
0x24c: {  	[sflag:s26] =	ssyncadd.s32 $0xFFFFFFB0;
	s26 =	simm.s32 $0xA0  }
0x24d: {  	[tilespmem:s25], [sflag:$0xB] =	stream.indirect.gather [hbm4b:s3+s9], $0x80, s26, s9, $0xb8;
	[tilespmem:$0x1E150] =	vst v63  }
0x24e: {  	_ =	swait.ge [sflag:s28], $0x2800  }
0x24f: {  	[sflag:s28] =	ssyncset.done $0x0  }
0x250: {  	s22 =	simm.s32 $0x280;
	[sflag:s28] =	ssyncadd.s32 $0xFFFFD800  }
0x251: {  	[spmem:s18] =	stream.indirect.scatter.add.f32 [tilespmem:s24], [sflag:$0xD], $0x80, s22, s9, $0xb8;
	[tilespmem:$0x1E150] =	vst v63  }
0x252: {  	_ =	swait.ge [sflag:s1], $0x2800  }
0x253: {  	[sflag:s1] =	ssyncset.done $0x0  }
0x254: {  	[sflag:s1] =	ssyncadd.s32 $0xFFFFD800  }
0x255: {  	_ =	swait.ge [sflag:s2], $0x50  }
0x256: {  	[sflag:s2] =	ssyncset.done $0x0  }
0x257: {  	[sflag:s2] =	ssyncadd.s32 $0xFFFFFFB0  }
0x258: {  	_ =	swait.ge [sflag:s2], $0x50  }
0x259: {  	[sflag:s2] =	ssyncset.done $0x0  }
0x25a: {  	s17 =	simm.s32 $0xF0;
	[sflag:s2] =	ssyncadd.s32 $0xFFFFFFB0  }
0x25b: {  	[tilespmem:s21], [sflag:$0xC] =	stream.indirect.gather [hbm4b:s3+s9], $0x80, s17, s9, $0xb8;
	[tilespmem:$0x1E150] =	vst v63  }
0x25c: {  	_ =	swait.ge [sflag:s10], $0x2800  }
0x25d: {  	[sflag:s10] =	ssyncset.done $0x0  }
0x25e: {  	s23 =	simm.s32 $0x2D0;
	[sflag:s10] =	ssyncadd.s32 $0xFFFFD800  }
0x25f: {  	[spmem:s18] =	stream.indirect.scatter.add.f32 [tilespmem:s15], [sflag:$0xE], $0x80, s23, s9, $0xb8;
	[tilespmem:$0x1E150] =	vst v63  }
0x260: {  	_ =	swait.ge [sflag:s7], $0x2800  }
0x261: {  	[sflag:s7] =	ssyncset.done $0x0  }
0x262: {  	[sflag:s7] =	ssyncadd.s32 $0xFFFFD800  }
0x263: {  	_ =	swait.ge [sflag:s0], $0x50  }
0x264: {  	[sflag:s0] =	ssyncset.done $0x0  }
0x265: {  	[sflag:s0] =	ssyncadd.s32 $0xFFFFFFB0  }
0x266: {  	_ =	swait.ge [sflag:s0], $0x50  }
0x267: {  	[sflag:s0] =	ssyncset.done $0x0  }
0x268: {  	[sflag:s0] =	ssyncadd.s32 $0xFFFFFFB0  }
0x269: {  	[tilespmem:s24], [sflag:$0x9] =	stream.indirect.gather [hbm4b:s3+s9], $0x80, s30, s9, $0xb8;
	[tilespmem:$0x1E150] =	vst v63  }
0x26a: {  	_ =	swait.ge [sflag:s11], $0x2800  }
0x26b: {  	[sflag:s11] =	ssyncset.done $0x0  }
0x26c: {  	[sflag:s11] =	ssyncadd.s32 $0xFFFFD800  }
0x26d: {  	[spmem:s18] =	stream.indirect.scatter.add.f32 [tilespmem:s25], [sflag:$0xF], $0x80, s31, s9, $0xb8;
	[tilespmem:$0x1E150] =	vst v63  }
0x26e: {  	_ =	swait.ge [sflag:s14], $0x2800  }
0x26f: {  	[sflag:s14] =	ssyncset.done $0x0  }
0x270: {  	[sflag:s14] =	ssyncadd.s32 $0xFFFFD800  }
0x271: {  	_ =	swait.ge [sflag:s8], $0x2800  }
0x272: {  	[sflag:s8] =	ssyncset.done $0x0  }
0x273: {  	s20 =	simm.s32 $0x370;
	[sflag:s8] =	ssyncadd.s32 $0xFFFFD800  }
0x274: {  	[spmem:s18] =	stream.indirect.scatter.add.f32 [tilespmem:s21], [sflag:$0x10], $0x80, s20, s9, $0xb8;
	[tilespmem:$0x1E150] =	vst v63  }
0x275: {  	_ =	swait.ge [sflag:s12], $0x2800  }
0x276: {  	[sflag:s12] =	ssyncset.done $0x0  }
0x277: {  	[sflag:s12] =	ssyncadd.s32 $0xFFFFD800  }
0x278: {  	_ =	swait.ge [sflag:s28], $0x2800  }
0x279: {  	[sflag:s28] =	ssyncset.done $0x0  }
0x27a: {  	[sflag:s28] =	ssyncadd.s32 $0xFFFFD800  }
0x27b: {  	[spmem:s18] =	stream.indirect.scatter.add.f32 [tilespmem:s24], [sflag:$0xD], $0x80, s16, s9, $0xb8;
	[tilespmem:$0x1E150] =	vst v63  }
0x27c: {  	_ =	swait.ge [sflag:s1], $0x2800  }
0x27d: {  	[sflag:s1] =	ssyncset.done $0x0  }
0x27e: {  	[sflag:s1] =	ssyncadd.s32 $0xFFFFD800  }
0x27f: {  	_ =	swait.ge [sflag:s7], $0x2800  }
0x280: {  	[sflag:s7] =	ssyncset.done $0x0  }
0x281: {  	[sflag:s7] =	ssyncadd.s32 $0xFFFFD800  }
0x282: {  	s24 =	stileid.u32;
	[bflag:$0x0] =	sbarrier.arrive $0xFFFF  }
0x283: {  	s15 =	simm.s32 $0x11;
	s13 =	sshll.u32 s24, $0x6;
	s29 =	rddreg [dreg:$0xc]  }
0x284: {  	s13 =	sor.u32 $0x1C11, s13;
	s26 =	rddreg [dreg:$0x1c];
	s25 =	sshrl.u32 s29, $0x3  }
0x285: {  	[hbm:s26], [sflag:s13] =	dma.local [spmem:s25], $0x2780  }
0x286: {  	_ =	swait.ge [sflag:s15], $0x2780  }
0x287: {  	s28 =	sld [smem:$0x7FB];
	_ =	sdelay $0x2  }
0x288: {  	s30 =	rddreg [dreg:$0x1d];
	s7 =	sadd.s32 $0x1, s28  }
0x289: {  	p0 =	sne.s32 s7, s30  }
.Ltmp2:
0x28a: {  	_ = 	snop;
	(pc) =	sbr.rel @p0 .LBB2_1-.Ltmp2, $3  }
0x28b: {  	_ =	sdelay $0x1  }
0x28c: {  	[sflag:s15] =	ssyncset.done $0x0  }
0x28d: {  	s8 =	simm.s32 $0x500;
	s31 =	rddreg [dreg:$0xb];
	[sflag:s15] =	ssyncadd.s32 $0xFFFFD880  }
0x28e: {  	_ =	sfence.sel $0x180000  }
0x28f: {  	[bflag:$0x0] =	sbarrier.arrive $0xFFFF  }
0x290: {  	_ =	strace $0x9000004A  }
0x291: {  	s0 =	stileid.u32;
	[bflag:$0x2] =	sbarrier.arrive $0xFFFF  }
0x292: {  	p0 =	sne.s32 s0, $0x0;
	s0 =	rddreg [dreg:$0x4]  }
0x293: {  	s0 =	sadd.s32 @!p0 $0x100000, s0  }
0x294: {  	[sflag:s0] =	ssyncadd.tile.s32 @!p0 $0x1;
	_ =	shalt  }
.Lfunc_end2:
_tile_overlayer_lowered:
.L_overlay_start_2:
0x295: {  	(tag) =	ssettag $0x2  }
0x296: {  	s0 =	rddreg [dreg:$0x0];
	s2 =	stileid.u32  }
0x297: {  	s1 =	rddreg [dreg:$0x1];
	p0 =	sne.s32 s2, $0x0  }
0x298: {  	s3 =	rddreg [dreg:$0x2];
	[bflag:$0x3] =	sbarrier.arrive $0xFFFF;
	s2 =	simm.s32 @!p0 $0x1C11  }
0x299: {  	[timem:s3], [sflag:s2] =	dma.local @!p0 [hbm:s0], s1  }
0x29a: {  	s0 =	simm.s32 @!p0 $0x11  }
0x29b: {  	_ =	swait.ge @!p0 [sflag:s0], s1  }
0x29c: {  	s1 =	ssub.s32 @!p0 $0x0, s1;
	[sflag:s0] =	ssyncset.done @!p0 $0x0  }
0x29d: {  	[sflag:s0] =	ssyncadd.s32 @!p0 s1  }
0x29e: {  	[bflag:$0x3] =	sbarrier.arrive $0xFFFF  }
0x29f: {  	_ =	shalt  }

</sc_bundles>
